<compile_context>
chip_gen: v7x
topology: tpu7x:2x2x1
jax: 0.10.2.dev20260603
libtpu: 0.0.44.dev20260713+nightly
codegen_flags: <defaults>
</compile_context>

<pallas_src>
import functools

import jax
import jax.numpy as jnp
from jax import lax
from jax.experimental import pallas as pl
from jax.experimental.pallas import tpu as pltpu
from jax.experimental.pallas import tpu_sc as plsc

_CH = 128
_NW = 32


def _sc_prep(node_in_fea, edge_fea_idx, nch):
    n, f = node_in_fea.shape
    idx_r = edge_fea_idx.reshape(nch, _CH)

    def body(i_ref, io_ref):
        io_ref[...] = jnp.concatenate(
            [i_ref[...], jnp.zeros((24, _CH), jnp.int32)], axis=0)

    idx2 = pl.pallas_call(
        body,
        out_shape=jax.ShapeDtypeStruct((nch + 24, _CH), jnp.int32),
    )(idx_r)
    return node_in_fea, idx2


def _sc_gather(table, idx2, s_off, nch):
    _, f = table.shape
    base = nch // _NW
    nhi = nch - base * _NW
    kmax = base + (1 if nhi else 0)
    slab = (kmax + 7) // 8 * 8 + 8
    nbuf = 4
    tmax = (kmax + nbuf - 1) // nbuf
    mesh = plsc.VectorSubcoreMesh(core_axis_name="c", subcore_axis_name="s")

    @functools.partial(
        pl.kernel,
        out_type=jax.ShapeDtypeStruct((nch * _CH, f), table.dtype),
        mesh=mesh,
        scratch_types=[
            pltpu.VMEM((slab, _CH), jnp.int32),
            [pltpu.VMEM((_CH, f), table.dtype)] * nbuf,
            [pltpu.SemaphoreType.DMA] * nbuf,
            [pltpu.SemaphoreType.DMA] * nbuf,
        ],
    )
    def gk(table_hbm, idx_hbm, out_hbm, idx_v, bufs, gsems, wsems):
        w = lax.axis_index("s") * 2 + lax.axis_index("c")
        nc = jnp.where(w < nhi, kmax, base)
        c0 = jnp.where(w < nhi, kmax * w, nhi * kmax + base * (w - nhi))
        g0 = s_off + c0
        gbase = (g0 // 8) * 8
        rel = g0 - gbase
        pltpu.sync_copy(idx_hbm.at[pl.ds(gbase, slab)], idx_v)

        def chunk(t, j, buf, gsem, wsem):
            cj = nbuf * t + j

            @pl.when(cj < nc)
            def _():
                @pl.when(t >= 1)
                def _():
                    pltpu.make_async_copy(
                        table_hbm.at[pl.ds(0, _CH)], buf, wsem).wait()

                pltpu.async_copy(
                    table_hbm.at[idx_v.at[rel + cj]], buf, gsem)

        def drain(t, j, buf, gsem, wsem):
            cj = nbuf * t + j

            @pl.when(cj < nc)
            def _():
                pltpu.make_async_copy(
                    table_hbm.at[idx_v.at[rel + cj]], buf, gsem).wait()
                pltpu.async_copy(
                    buf, out_hbm.at[pl.ds((c0 + cj) * _CH, _CH)], wsem)

        def body(t, carry):
            for j in range(nbuf):
                chunk(t, j, bufs[j], gsems[j], wsems[j])
            for j in range(nbuf):
                drain(t, j, bufs[j], gsems[j], wsems[j])
            return carry

        lax.fori_loop(0, tmax, body, 0)

        for j in range(nbuf):
            @pl.when(nc >= j + 1)
            def _(j=j):
                pltpu.make_async_copy(table_hbm.at[pl.ds(0, _CH)], bufs[j],
                                      wsems[j]).wait()

    return gk(table, idx2)


def _tc_body(nb, m, node_ref, g_ref, e_ref, wst_ref, wnt_ref,
             wet_ref, b_ref, alpha_ref, out_ref):
    node = node_ref[...]
    a = jnp.dot(node, wst_ref[...],
                preferred_element_type=jnp.float32) + b_ref[...]
    gn = jnp.dot(g_ref[...].astype(jnp.bfloat16), wnt_ref[...],
                 preferred_element_type=jnp.float32)
    eg = jnp.dot(e_ref[...], wet_ref[...],
                 preferred_element_type=jnp.float32)
    two_f = a.shape[-1]
    f = two_f // 2
    g = (gn + eg).reshape(nb, m, two_f) + a[:, None, :]
    filt = 0.5 + 0.5 * jnp.tanh(0.5 * g[:, :, :f])
    log2e = 1.4426950408889634
    core = 0.6931471805599453 * jnp.log2(1.0 + jnp.exp2(g[:, :, f:] * log2e))
    s = jnp.sum(filt * core, axis=1)
    z = alpha_ref[0, 0] * node + s
    out_ref[...] = jnp.maximum(z, 0.0) + jnp.log1p(jnp.exp(-jnp.abs(z)))


def kernel(node_in_fea, edge_fea, edge_fea_idx, W, b, alpha):
    n, f = node_in_fea.shape
    _, m, e_f = edge_fea.shape
    out_dim = W.shape[0]
    ne = n * m
    nch = ne // _CH

    wst = W[:, :f].T
    wnt = W[:, f:2 * f].T.astype(jnp.bfloat16)
    wet = W[:, 2 * f:].T.astype(jnp.bfloat16)
    b2 = b.reshape(1, out_dim)
    alpha2 = jnp.asarray(alpha, jnp.float32).reshape(1, 1)
    e2 = edge_fea.reshape(ne, e_f).astype(jnp.bfloat16)
    table, idx2 = _sc_prep(node_in_fea, edge_fea_idx, nch)

    node_slices = [2000, 2000, 2000, 2000, 2000]
    nb = 200

    outs = []
    n0 = 0
    for ns_s in node_slices:
        blocks = ns_s // nb
        b0 = n0 // nb
        nch_s = ns_s * m // _CH
        g_s = _sc_gather(table, idx2, n0 * m // _CH, nch_s)
        out_s = pl.pallas_call(
            functools.partial(_tc_body, nb, m),
            grid=(blocks,),
            in_specs=[
                pl.BlockSpec((nb, f), lambda i, b0=b0: (b0 + i, 0)),
                pl.BlockSpec((nb * m, f), lambda i: (i, 0)),
                pl.BlockSpec((nb * m, e_f), lambda i, b0=b0: (b0 + i, 0)),
                pl.BlockSpec((f, out_dim), lambda i: (0, 0)),
                pl.BlockSpec((f, out_dim), lambda i: (0, 0)),
                pl.BlockSpec((e_f, out_dim), lambda i: (0, 0)),
                pl.BlockSpec((1, out_dim), lambda i: (0, 0)),
                pl.BlockSpec((1, 1), lambda i: (0, 0)),
            ],
            out_specs=pl.BlockSpec((nb, f), lambda i: (i, 0)),
            out_shape=jax.ShapeDtypeStruct((ns_s, f), jnp.float32),
        )(node_in_fea, g_s, e2, wst, wnt, wet, b2, alpha2)
        outs.append(out_s)
        n0 += ns_s
    return jnp.concatenate(outs, axis=0)

# --- scband reference (transcript-rebuilt; emitter-appended) ---
"""Pipeline reference for scband-conv-layer-34282428956962 (READ-ONLY COPY).

The authoritative reference and input builder live on the scoring server;
editing this copy changes nothing except your own understanding.
"""

import jax, jax.numpy as jnp
import numpy as np

NODE_FEA_LEN = 128
EDGE_FEA_LEN = 16
N = 10000
M = 32


def setup_inputs(seed: int = 0) -> dict:
    key = jax.random.key(seed)
    k1, k2, k3, k4 = jax.random.split(key, 4)
    node_in_fea = jax.random.normal(k1, (N, NODE_FEA_LEN), dtype=jnp.float32)
    edge_fea = jax.random.normal(k2, (N, M, EDGE_FEA_LEN), dtype=jnp.float32)
    edge_fea_idx = jax.random.randint(k3, (N, M), 0, N, dtype=jnp.int64 if jax.config.jax_enable_x64 else jnp.int32).astype(jnp.int32)
    in_dim = 2 * NODE_FEA_LEN + EDGE_FEA_LEN
    out_dim = 2 * NODE_FEA_LEN
    # kaiming_uniform (fan_in, relu): bound = sqrt(6/fan_in)
    bound = np.sqrt(6.0 / in_dim)
    W = jax.random.uniform(k4, (out_dim, in_dim), minval=-bound, maxval=bound, dtype=jnp.float32)
    b = jnp.zeros((out_dim,), dtype=jnp.float32)
    alpha = jnp.asarray(0.7, dtype=jnp.float32)
    return {"node_in_fea": node_in_fea, "edge_fea": edge_fea, "edge_fea_idx": edge_fea_idx, "W": W, "b": b, "alpha": alpha}


def reference(node_in_fea, edge_fea, edge_fea_idx, W, b, alpha):
    n, m = edge_fea_idx.shape
    f = node_in_fea.shape[1]
    # gather neighbor node features
    node_edge_fea = jnp.take(node_in_fea, edge_fea_idx, axis=0)  # (N, M, F)
    self_fea = jnp.broadcast_to(node_in_fea[:, None, :], (n, m, f))
    total_nbr_fea = jnp.concatenate([self_fea, node_edge_fea, edge_fea], axis=2)
    total_gated_fea = jnp.einsum('nmi,oi->nmo', total_nbr_fea, W) + b
    nbr_filter, nbr_core = jnp.split(total_gated_fea, 2, axis=2)
    nbr_filter = jax.nn.sigmoid(nbr_filter)
    nbr_core = jax.nn.softplus(nbr_core)
    mask = jnp.where(edge_fea_idx < 0, 0.0, 1.0)[:, :, None]
    nbr_filter = nbr_filter * mask
    nbr_core = nbr_core * mask
    nbr_sumed = jnp.sum(nbr_filter * nbr_core, axis=1)
    out = jax.nn.softplus(alpha * node_in_fea + nbr_sumed)
    return out


if False:  # reference __main__ guard neutralized (emitter)
    inp = setup_inputs()
    out = reference(**inp)
    print(out.shape, out.dtype)

if __name__ == "__main__":
    import jax
    _d = setup_inputs()
    print(jax.jit(kernel)(*tuple(_d.values())))

</pallas_src>

<mosaic_0001>
#map = affine_map<(d0, d1) -> (0, 0)>
module attributes {stable_mosaic.version = 14 : i64} {
  func.func @gk(%arg0: i32, %arg1: i32, %arg2: memref<10000x128xf32, #tpu.memory_space<hbm>>, %arg3: memref<2524x128xi32, #tpu.memory_space<hbm>>, %arg4: memref<64000x128xf32, #tpu.memory_space<hbm>>, %arg5: memref<24x128xi32, #tpu.memory_space<vmem>>, %arg6: memref<128x128xf32, #tpu.memory_space<vmem>>, %arg7: memref<128x128xf32, #tpu.memory_space<vmem>>, %arg8: memref<128x128xf32, #tpu.memory_space<vmem>>, %arg9: memref<128x128xf32, #tpu.memory_space<vmem>>, %arg10: memref<!tpu.dma_semaphore, #tpu.memory_space<semaphore_mem>>, %arg11: memref<!tpu.dma_semaphore, #tpu.memory_space<semaphore_mem>>, %arg12: memref<!tpu.dma_semaphore, #tpu.memory_space<semaphore_mem>>, %arg13: memref<!tpu.dma_semaphore, #tpu.memory_space<semaphore_mem>>, %arg14: memref<!tpu.dma_semaphore, #tpu.memory_space<semaphore_mem>>, %arg15: memref<!tpu.dma_semaphore, #tpu.memory_space<semaphore_mem>>, %arg16: memref<!tpu.dma_semaphore, #tpu.memory_space<semaphore_mem>>, %arg17: memref<!tpu.dma_semaphore, #tpu.memory_space<semaphore_mem>>) attributes {dimension_semantics = [#tpu.dimension_semantics<core_parallel>, #tpu.dimension_semantics<subcore_parallel>], iteration_bounds = array<i64: 2, 16>, scalar_prefetch = 0 : i64, scratch_operands = 13 : i64, tpu.core_type = #tpu.core_type<sc_vector_subcore>, window_params = [{transform_indices = #map}, {transform_indices = #map}, {transform_indices = #map}]} {
    %mul3A = arith.constant 2 : i32
    %mul3A_0 = arith.muli %arg1, %mul3A : i32
    %add3A = arith.addi %mul3A_0, %arg0 : i32
    %lt3A = arith.constant 20 : i32
    %lt3A_1 = arith.cmpi slt, %add3A, %lt3A : i32
    %jit3A = arith.constant 16 : i32
    %jit3A_2 = arith.constant 15 : i32
    %select_n3A = arith.select %lt3A_1, %jit3A, %jit3A_2 : i32
    %lt3A_3 = arith.constant 20 : i32
    %lt3A_4 = arith.cmpi slt, %add3A, %lt3A_3 : i32
    %mul3A_5 = arith.constant 16 : i32
    %mul3A_6 = arith.muli %mul3A_5, %add3A : i32
    %sub3A = arith.constant 20 : i32
    %sub3A_7 = arith.subi %add3A, %sub3A : i32
    %mul3A_8 = arith.constant 15 : i32
    %mul3A_9 = arith.muli %mul3A_8, %sub3A_7 : i32
    %add3A_10 = arith.constant 320 : i32
    %add3A_11 = arith.addi %add3A_10, %mul3A_9 : i32
    %select_n3A_12 = arith.select %lt3A_4, %mul3A_6, %add3A_11 : i32
    %add3A_13 = arith.constant 0 : i32
    %add3A_14 = arith.addi %add3A_13, %select_n3A_12 : i32
    %jit3A_15 = arith.constant 8 : i32
    %div3A = arith.divsi %add3A_14, %jit3A_15 : i32
    %sign3A = arith.constant 0 : i32
    %sign3A_16 = arith.cmpi sgt, %add3A_14, %sign3A : i32
    %sign3A_17 = arith.extui %sign3A_16 : i1 to i32
    %sign3A_18 = arith.constant 0 : i32
    %sign3A_19 = arith.cmpi slt, %add3A_14, %sign3A_18 : i32
    %sign3A_20 = arith.extui %sign3A_19 : i1 to i32
    %sign3A_21 = arith.subi %sign3A_17, %sign3A_20 : i32
    %sign3A_22 = arith.constant 0 : i32
    %sign3A_23 = arith.cmpi sgt, %jit3A_15, %sign3A_22 : i32
    %sign3A_24 = arith.extui %sign3A_23 : i1 to i32
    %sign3A_25 = arith.constant 0 : i32
    %sign3A_26 = arith.cmpi slt, %jit3A_15, %sign3A_25 : i32
    %sign3A_27 = arith.extui %sign3A_26 : i1 to i32
    %sign3A_28 = arith.subi %sign3A_24, %sign3A_27 : i32
    %ne3A = arith.cmpi ne, %sign3A_21, %sign3A_28 : i32
    %rem3A = arith.remsi %add3A_14, %jit3A_15 : i32
    %ne3A_29 = arith.constant 0 : i32
    %ne3A_30 = arith.cmpi ne, %rem3A, %ne3A_29 : i32
    %and3A = arith.andi %ne3A, %ne3A_30 : i1
    %sub3A_31 = arith.constant 1 : i32
    %sub3A_32 = arith.subi %div3A, %sub3A_31 : i32
    %select_n3A_33 = arith.select %and3A, %sub3A_32, %div3A : i32
    %mul3A_34 = arith.constant 8 : i32
    %mul3A_35 = arith.muli %select_n3A_33, %mul3A_34 : i32
    %sub3A_36 = arith.subi %add3A_14, %mul3A_35 : i32
    "tpu.region"() ({
      %run_scoped3A = tpu.sem_alloc : memref<!tpu.dma_semaphore, #tpu.memory_space<semaphore_mem>>
      %dma_start3A = arith.constant 0 : i32
      %dma_start3A_59 = tpu.memref_slice %arg3[%mul3A_35, %dma_start3A] : memref<2524x128xi32, #tpu.memory_space<hbm>> -> memref<24x128xi32, #tpu.memory_space<hbm>>
      %dma_start3A_60 = arith.constant 0 : i32
      %dma_start3A_61 = tpu.memref_slice %arg3[%mul3A_35, %dma_start3A_60] : memref<2524x128xi32, #tpu.memory_space<hbm>> -> memref<24x128xi32, #tpu.memory_space<hbm>>
      tpu.enqueue_dma source(%dma_start3A_61 : memref<24x128xi32, #tpu.memory_space<hbm>>) target(%arg5 : memref<24x128xi32, #tpu.memory_space<vmem>>) target_semaphore(%run_scoped3A : memref<!tpu.dma_semaphore, #tpu.memory_space<semaphore_mem>>)
      %dma_wait3A = arith.constant 0 : i32
      %dma_wait3A_62 = tpu.memref_slice %arg3[%mul3A_35, %dma_wait3A] : memref<2524x128xi32, #tpu.memory_space<hbm>> -> memref<24x128xi32, #tpu.memory_space<hbm>>
      %dma_wait3A_63 = arith.constant 0 : i32
      %dma_wait3A_64 = tpu.memref_slice %arg3[%mul3A_35, %dma_wait3A_63] : memref<2524x128xi32, #tpu.memory_space<hbm>> -> memref<24x128xi32, #tpu.memory_space<hbm>>
      tpu.wait_dma2 semaphore(%run_scoped3A : memref<!tpu.dma_semaphore, #tpu.memory_space<semaphore_mem>>) src(%dma_wait3A_64 : memref<24x128xi32, #tpu.memory_space<hbm>>) dst(%arg5 : memref<24x128xi32, #tpu.memory_space<vmem>>)
      tpu.yield
    }) : () -> ()
    %scan3A = arith.constant 0 : i32
    %scan3A_37 = arith.constant 0 : i32
    %scan3A_38 = arith.constant 4 : i32
    %scan3A_39 = arith.addi %scan3A_37, %scan3A_38 : i32
    %scan3A_40 = arith.constant 1 : i32
    scf.for %scan3A_59 = %scan3A_37 to %scan3A_39 step %scan3A_40  : i32 {
      %mul3A_60 = arith.constant 4 : i32
      %mul3A_61 = arith.muli %mul3A_60, %scan3A_59 : i32
      %add3A_62 = arith.constant 0 : i32
      %add3A_63 = arith.addi %mul3A_61, %add3A_62 : i32
      %lt3A_64 = arith.cmpi slt, %add3A_63, %select_n3A : i32
      %convert_element_type3A_65 = arith.extui %lt3A_64 : i1 to i32
      %cond3A_66 = arith.constant 0 : i32
      %cond3A_67 = arith.cmpi ne, %convert_element_type3A_65, %cond3A_66 : i32
      scf.if %cond3A_67 {
        %ge3A_124 = arith.constant 1 : i32
        %ge3A_125 = arith.cmpi sge, %scan3A_59, %ge3A_124 : i32
        %convert_element_type3A_126 = arith.extui %ge3A_125 : i1 to i32
        %cond3A_127 = arith.constant 0 : i32
        %cond3A_128 = arith.cmpi ne, %convert_element_type3A_126, %cond3A_127 : i32
        scf.if %cond3A_128 {
          %dma_wait3A = arith.constant 0 : i32
          %dma_wait3A_135 = arith.constant 0 : i32
          %dma_wait3A_136 = tpu.memref_slice %arg2[%dma_wait3A, %dma_wait3A_135] : memref<10000x128xf32, #tpu.memory_space<hbm>> -> memref<128x128xf32, #tpu.memory_space<hbm>>
          %dma_wait3A_137 = arith.constant 0 : i32
          %dma_wait3A_138 = arith.constant 0 : i32
          %dma_wait3A_139 = tpu.memref_slice %arg2[%dma_wait3A_137, %dma_wait3A_138] : memref<10000x128xf32, #tpu.memory_space<hbm>> -> memref<128x128xf32, #tpu.memory_space<hbm>>
          tpu.wait_dma2 semaphore(%arg14 : memref<!tpu.dma_semaphore, #tpu.memory_space<semaphore_mem>>) src(%dma_wait3A_139 : memref<128x128xf32, #tpu.memory_space<hbm>>) dst(%arg6 : memref<128x128xf32, #tpu.memory_space<vmem>>)
        } else {
        }
        %add3A_129 = arith.addi %sub3A_36, %add3A_63 : i32
        %dma_start3A = arith.constant 0 : i32
        %dma_start3A_130 = tpu.memref_slice %arg5[%add3A_129, %dma_start3A] : memref<24x128xi32, #tpu.memory_space<vmem>> -> memref<1x128xi32, #tpu.memory_space<vmem>>
        %dma_start3A_131 = tpu.memref_squeeze %dma_start3A_130 : memref<1x128xi32, #tpu.memory_space<vmem>> -> memref<128xi32, #tpu.memory_space<vmem>>
        %dma_start3A_132 = arith.constant 0 : i32
        %dma_start3A_133 = arith.constant 0 : i32
        %dma_start3A_134 = tpu.memref_slice %arg2[%dma_start3A_132, %dma_start3A_133] : memref<10000x128xf32, #tpu.memory_space<hbm>> -> memref<10000x128xf32, #tpu.memory_space<hbm>>
        tpu.enqueue_indirect_dma source(%dma_start3A_134 : memref<10000x128xf32, #tpu.memory_space<hbm>>) target(%arg6 : memref<128x128xf32, #tpu.memory_space<vmem>>) offsets(%dma_start3A_131 : memref<128xi32, #tpu.memory_space<vmem>>) semaphore(%arg10 : memref<!tpu.dma_semaphore, #tpu.memory_space<semaphore_mem>>)
      } else {
      }
      %mul3A_68 = arith.constant 4 : i32
      %mul3A_69 = arith.muli %mul3A_68, %scan3A_59 : i32
      %add3A_70 = arith.constant 1 : i32
      %add3A_71 = arith.addi %mul3A_69, %add3A_70 : i32
      %lt3A_72 = arith.cmpi slt, %add3A_71, %select_n3A : i32
      %convert_element_type3A_73 = arith.extui %lt3A_72 : i1 to i32
      %cond3A_74 = arith.constant 0 : i32
      %cond3A_75 = arith.cmpi ne, %convert_element_type3A_73, %cond3A_74 : i32
      scf.if %cond3A_75 {
        %ge3A_124 = arith.constant 1 : i32
        %ge3A_125 = arith.cmpi sge, %scan3A_59, %ge3A_124 : i32
        %convert_element_type3A_126 = arith.extui %ge3A_125 : i1 to i32
        %cond3A_127 = arith.constant 0 : i32
        %cond3A_128 = arith.cmpi ne, %convert_element_type3A_126, %cond3A_127 : i32
        scf.if %cond3A_128 {
          %dma_wait3A = arith.constant 0 : i32
          %dma_wait3A_135 = arith.constant 0 : i32
          %dma_wait3A_136 = tpu.memref_slice %arg2[%dma_wait3A, %dma_wait3A_135] : memref<10000x128xf32, #tpu.memory_space<hbm>> -> memref<128x128xf32, #tpu.memory_space<hbm>>
          %dma_wait3A_137 = arith.constant 0 : i32
          %dma_wait3A_138 = arith.constant 0 : i32
          %dma_wait3A_139 = tpu.memref_slice %arg2[%dma_wait3A_137, %dma_wait3A_138] : memref<10000x128xf32, #tpu.memory_space<hbm>> -> memref<128x128xf32, #tpu.memory_space<hbm>>
          tpu.wait_dma2 semaphore(%arg15 : memref<!tpu.dma_semaphore, #tpu.memory_space<semaphore_mem>>) src(%dma_wait3A_139 : memref<128x128xf32, #tpu.memory_space<hbm>>) dst(%arg7 : memref<128x128xf32, #tpu.memory_space<vmem>>)
        } else {
        }
        %add3A_129 = arith.addi %sub3A_36, %add3A_71 : i32
        %dma_start3A = arith.constant 0 : i32
        %dma_start3A_130 = tpu.memref_slice %arg5[%add3A_129, %dma_start3A] : memref<24x128xi32, #tpu.memory_space<vmem>> -> memref<1x128xi32, #tpu.memory_space<vmem>>
        %dma_start3A_131 = tpu.memref_squeeze %dma_start3A_130 : memref<1x128xi32, #tpu.memory_space<vmem>> -> memref<128xi32, #tpu.memory_space<vmem>>
        %dma_start3A_132 = arith.constant 0 : i32
        %dma_start3A_133 = arith.constant 0 : i32
        %dma_start3A_134 = tpu.memref_slice %arg2[%dma_start3A_132, %dma_start3A_133] : memref<10000x128xf32, #tpu.memory_space<hbm>> -> memref<10000x128xf32, #tpu.memory_space<hbm>>
        tpu.enqueue_indirect_dma source(%dma_start3A_134 : memref<10000x128xf32, #tpu.memory_space<hbm>>) target(%arg7 : memref<128x128xf32, #tpu.memory_space<vmem>>) offsets(%dma_start3A_131 : memref<128xi32, #tpu.memory_space<vmem>>) semaphore(%arg11 : memref<!tpu.dma_semaphore, #tpu.memory_space<semaphore_mem>>)
      } else {
      }
      %mul3A_76 = arith.constant 4 : i32
      %mul3A_77 = arith.muli %mul3A_76, %scan3A_59 : i32
      %add3A_78 = arith.constant 2 : i32
      %add3A_79 = arith.addi %mul3A_77, %add3A_78 : i32
      %lt3A_80 = arith.cmpi slt, %add3A_79, %select_n3A : i32
      %convert_element_type3A_81 = arith.extui %lt3A_80 : i1 to i32
      %cond3A_82 = arith.constant 0 : i32
      %cond3A_83 = arith.cmpi ne, %convert_element_type3A_81, %cond3A_82 : i32
      scf.if %cond3A_83 {
        %ge3A_124 = arith.constant 1 : i32
        %ge3A_125 = arith.cmpi sge, %scan3A_59, %ge3A_124 : i32
        %convert_element_type3A_126 = arith.extui %ge3A_125 : i1 to i32
        %cond3A_127 = arith.constant 0 : i32
        %cond3A_128 = arith.cmpi ne, %convert_element_type3A_126, %cond3A_127 : i32
        scf.if %cond3A_128 {
          %dma_wait3A = arith.constant 0 : i32
          %dma_wait3A_135 = arith.constant 0 : i32
          %dma_wait3A_136 = tpu.memref_slice %arg2[%dma_wait3A, %dma_wait3A_135] : memref<10000x128xf32, #tpu.memory_space<hbm>> -> memref<128x128xf32, #tpu.memory_space<hbm>>
          %dma_wait3A_137 = arith.constant 0 : i32
          %dma_wait3A_138 = arith.constant 0 : i32
          %dma_wait3A_139 = tpu.memref_slice %arg2[%dma_wait3A_137, %dma_wait3A_138] : memref<10000x128xf32, #tpu.memory_space<hbm>> -> memref<128x128xf32, #tpu.memory_space<hbm>>
          tpu.wait_dma2 semaphore(%arg16 : memref<!tpu.dma_semaphore, #tpu.memory_space<semaphore_mem>>) src(%dma_wait3A_139 : memref<128x128xf32, #tpu.memory_space<hbm>>) dst(%arg8 : memref<128x128xf32, #tpu.memory_space<vmem>>)
        } else {
        }
        %add3A_129 = arith.addi %sub3A_36, %add3A_79 : i32
        %dma_start3A = arith.constant 0 : i32
        %dma_start3A_130 = tpu.memref_slice %arg5[%add3A_129, %dma_start3A] : memref<24x128xi32, #tpu.memory_space<vmem>> -> memref<1x128xi32, #tpu.memory_space<vmem>>
        %dma_start3A_131 = tpu.memref_squeeze %dma_start3A_130 : memref<1x128xi32, #tpu.memory_space<vmem>> -> memref<128xi32, #tpu.memory_space<vmem>>
        %dma_start3A_132 = arith.constant 0 : i32
        %dma_start3A_133 = arith.constant 0 : i32
        %dma_start3A_134 = tpu.memref_slice %arg2[%dma_start3A_132, %dma_start3A_133] : memref<10000x128xf32, #tpu.memory_space<hbm>> -> memref<10000x128xf32, #tpu.memory_space<hbm>>
        tpu.enqueue_indirect_dma source(%dma_start3A_134 : memref<10000x128xf32, #tpu.memory_space<hbm>>) target(%arg8 : memref<128x128xf32, #tpu.memory_space<vmem>>) offsets(%dma_start3A_131 : memref<128xi32, #tpu.memory_space<vmem>>) semaphore(%arg12 : memref<!tpu.dma_semaphore, #tpu.memory_space<semaphore_mem>>)
      } else {
      }
      %mul3A_84 = arith.constant 4 : i32
      %mul3A_85 = arith.muli %mul3A_84, %scan3A_59 : i32
      %add3A_86 = arith.constant 3 : i32
      %add3A_87 = arith.addi %mul3A_85, %add3A_86 : i32
      %lt3A_88 = arith.cmpi slt, %add3A_87, %select_n3A : i32
      %convert_element_type3A_89 = arith.extui %lt3A_88 : i1 to i32
      %cond3A_90 = arith.constant 0 : i32
      %cond3A_91 = arith.cmpi ne, %convert_element_type3A_89, %cond3A_90 : i32
      scf.if %cond3A_91 {
        %ge3A_124 = arith.constant 1 : i32
        %ge3A_125 = arith.cmpi sge, %scan3A_59, %ge3A_124 : i32
        %convert_element_type3A_126 = arith.extui %ge3A_125 : i1 to i32
        %cond3A_127 = arith.constant 0 : i32
        %cond3A_128 = arith.cmpi ne, %convert_element_type3A_126, %cond3A_127 : i32
        scf.if %cond3A_128 {
          %dma_wait3A = arith.constant 0 : i32
          %dma_wait3A_135 = arith.constant 0 : i32
          %dma_wait3A_136 = tpu.memref_slice %arg2[%dma_wait3A, %dma_wait3A_135] : memref<10000x128xf32, #tpu.memory_space<hbm>> -> memref<128x128xf32, #tpu.memory_space<hbm>>
          %dma_wait3A_137 = arith.constant 0 : i32
          %dma_wait3A_138 = arith.constant 0 : i32
          %dma_wait3A_139 = tpu.memref_slice %arg2[%dma_wait3A_137, %dma_wait3A_138] : memref<10000x128xf32, #tpu.memory_space<hbm>> -> memref<128x128xf32, #tpu.memory_space<hbm>>
          tpu.wait_dma2 semaphore(%arg17 : memref<!tpu.dma_semaphore, #tpu.memory_space<semaphore_mem>>) src(%dma_wait3A_139 : memref<128x128xf32, #tpu.memory_space<hbm>>) dst(%arg9 : memref<128x128xf32, #tpu.memory_space<vmem>>)
        } else {
        }
        %add3A_129 = arith.addi %sub3A_36, %add3A_87 : i32
        %dma_start3A = arith.constant 0 : i32
        %dma_start3A_130 = tpu.memref_slice %arg5[%add3A_129, %dma_start3A] : memref<24x128xi32, #tpu.memory_space<vmem>> -> memref<1x128xi32, #tpu.memory_space<vmem>>
        %dma_start3A_131 = tpu.memref_squeeze %dma_start3A_130 : memref<1x128xi32, #tpu.memory_space<vmem>> -> memref<128xi32, #tpu.memory_space<vmem>>
        %dma_start3A_132 = arith.constant 0 : i32
        %dma_start3A_133 = arith.constant 0 : i32
        %dma_start3A_134 = tpu.memref_slice %arg2[%dma_start3A_132, %dma_start3A_133] : memref<10000x128xf32, #tpu.memory_space<hbm>> -> memref<10000x128xf32, #tpu.memory_space<hbm>>
        tpu.enqueue_indirect_dma source(%dma_start3A_134 : memref<10000x128xf32, #tpu.memory_space<hbm>>) target(%arg9 : memref<128x128xf32, #tpu.memory_space<vmem>>) offsets(%dma_start3A_131 : memref<128xi32, #tpu.memory_space<vmem>>) semaphore(%arg13 : memref<!tpu.dma_semaphore, #tpu.memory_space<semaphore_mem>>)
      } else {
      }
      %mul3A_92 = arith.constant 4 : i32
      %mul3A_93 = arith.muli %mul3A_92, %scan3A_59 : i32
      %add3A_94 = arith.constant 0 : i32
      %add3A_95 = arith.addi %mul3A_93, %add3A_94 : i32
      %lt3A_96 = arith.cmpi slt, %add3A_95, %select_n3A : i32
      %convert_element_type3A_97 = arith.extui %lt3A_96 : i1 to i32
      %cond3A_98 = arith.constant 0 : i32
      %cond3A_99 = arith.cmpi ne, %convert_element_type3A_97, %cond3A_98 : i32
      scf.if %cond3A_99 {
        %add3A_124 = arith.addi %sub3A_36, %add3A_95 : i32
        %dma_wait3A = arith.constant 0 : i32
        %dma_wait3A_125 = tpu.memref_slice %arg5[%add3A_124, %dma_wait3A] : memref<24x128xi32, #tpu.memory_space<vmem>> -> memref<1x128xi32, #tpu.memory_space<vmem>>
        %dma_wait3A_126 = tpu.memref_squeeze %dma_wait3A_125 : memref<1x128xi32, #tpu.memory_space<vmem>> -> memref<128xi32, #tpu.memory_space<vmem>>
        %dma_wait3A_127 = arith.constant 0 : i32
        %dma_wait3A_128 = arith.constant 0 : i32
        %dma_wait3A_129 = tpu.memref_slice %arg2[%dma_wait3A_127, %dma_wait3A_128] : memref<10000x128xf32, #tpu.memory_space<hbm>> -> memref<10000x128xf32, #tpu.memory_space<hbm>>
        tpu.wait_indirect_dma semaphore(%arg10 : memref<!tpu.dma_semaphore, #tpu.memory_space<semaphore_mem>>) src(%dma_wait3A_129 : memref<10000x128xf32, #tpu.memory_space<hbm>>) dst(%arg6 : memref<128x128xf32, #tpu.memory_space<vmem>>)
        %add3A_130 = arith.addi %select_n3A_12, %add3A_95 : i32
        %mul3A_131 = arith.constant 128 : i32
        %mul3A_132 = arith.muli %add3A_130, %mul3A_131 : i32
        %dma_start3A = arith.constant 0 : i32
        %dma_start3A_133 = tpu.memref_slice %arg4[%mul3A_132, %dma_start3A] : memref<64000x128xf32, #tpu.memory_space<hbm>> -> memref<128x128xf32, #tpu.memory_space<hbm>>
        %dma_start3A_134 = arith.constant 0 : i32
        %dma_start3A_135 = tpu.memref_slice %arg4[%mul3A_132, %dma_start3A_134] : memref<64000x128xf32, #tpu.memory_space<hbm>> -> memref<128x128xf32, #tpu.memory_space<hbm>>
        tpu.enqueue_dma source(%arg6 : memref<128x128xf32, #tpu.memory_space<vmem>>) target(%dma_start3A_135 : memref<128x128xf32, #tpu.memory_space<hbm>>) target_semaphore(%arg14 : memref<!tpu.dma_semaphore, #tpu.memory_space<semaphore_mem>>)
      } else {
      }
      %mul3A_100 = arith.constant 4 : i32
      %mul3A_101 = arith.muli %mul3A_100, %scan3A_59 : i32
      %add3A_102 = arith.constant 1 : i32
      %add3A_103 = arith.addi %mul3A_101, %add3A_102 : i32
      %lt3A_104 = arith.cmpi slt, %add3A_103, %select_n3A : i32
      %convert_element_type3A_105 = arith.extui %lt3A_104 : i1 to i32
      %cond3A_106 = arith.constant 0 : i32
      %cond3A_107 = arith.cmpi ne, %convert_element_type3A_105, %cond3A_106 : i32
      scf.if %cond3A_107 {
        %add3A_124 = arith.addi %sub3A_36, %add3A_103 : i32
        %dma_wait3A = arith.constant 0 : i32
        %dma_wait3A_125 = tpu.memref_slice %arg5[%add3A_124, %dma_wait3A] : memref<24x128xi32, #tpu.memory_space<vmem>> -> memref<1x128xi32, #tpu.memory_space<vmem>>
        %dma_wait3A_126 = tpu.memref_squeeze %dma_wait3A_125 : memref<1x128xi32, #tpu.memory_space<vmem>> -> memref<128xi32, #tpu.memory_space<vmem>>
        %dma_wait3A_127 = arith.constant 0 : i32
        %dma_wait3A_128 = arith.constant 0 : i32
        %dma_wait3A_129 = tpu.memref_slice %arg2[%dma_wait3A_127, %dma_wait3A_128] : memref<10000x128xf32, #tpu.memory_space<hbm>> -> memref<10000x128xf32, #tpu.memory_space<hbm>>
        tpu.wait_indirect_dma semaphore(%arg11 : memref<!tpu.dma_semaphore, #tpu.memory_space<semaphore_mem>>) src(%dma_wait3A_129 : memref<10000x128xf32, #tpu.memory_space<hbm>>) dst(%arg7 : memref<128x128xf32, #tpu.memory_space<vmem>>)
        %add3A_130 = arith.addi %select_n3A_12, %add3A_103 : i32
        %mul3A_131 = arith.constant 128 : i32
        %mul3A_132 = arith.muli %add3A_130, %mul3A_131 : i32
        %dma_start3A = arith.constant 0 : i32
        %dma_start3A_133 = tpu.memref_slice %arg4[%mul3A_132, %dma_start3A] : memref<64000x128xf32, #tpu.memory_space<hbm>> -> memref<128x128xf32, #tpu.memory_space<hbm>>
        %dma_start3A_134 = arith.constant 0 : i32
        %dma_start3A_135 = tpu.memref_slice %arg4[%mul3A_132, %dma_start3A_134] : memref<64000x128xf32, #tpu.memory_space<hbm>> -> memref<128x128xf32, #tpu.memory_space<hbm>>
        tpu.enqueue_dma source(%arg7 : memref<128x128xf32, #tpu.memory_space<vmem>>) target(%dma_start3A_135 : memref<128x128xf32, #tpu.memory_space<hbm>>) target_semaphore(%arg15 : memref<!tpu.dma_semaphore, #tpu.memory_space<semaphore_mem>>)
      } else {
      }
      %mul3A_108 = arith.constant 4 : i32
      %mul3A_109 = arith.muli %mul3A_108, %scan3A_59 : i32
      %add3A_110 = arith.constant 2 : i32
      %add3A_111 = arith.addi %mul3A_109, %add3A_110 : i32
      %lt3A_112 = arith.cmpi slt, %add3A_111, %select_n3A : i32
      %convert_element_type3A_113 = arith.extui %lt3A_112 : i1 to i32
      %cond3A_114 = arith.constant 0 : i32
      %cond3A_115 = arith.cmpi ne, %convert_element_type3A_113, %cond3A_114 : i32
      scf.if %cond3A_115 {
        %add3A_124 = arith.addi %sub3A_36, %add3A_111 : i32
        %dma_wait3A = arith.constant 0 : i32
        %dma_wait3A_125 = tpu.memref_slice %arg5[%add3A_124, %dma_wait3A] : memref<24x128xi32, #tpu.memory_space<vmem>> -> memref<1x128xi32, #tpu.memory_space<vmem>>
        %dma_wait3A_126 = tpu.memref_squeeze %dma_wait3A_125 : memref<1x128xi32, #tpu.memory_space<vmem>> -> memref<128xi32, #tpu.memory_space<vmem>>
        %dma_wait3A_127 = arith.constant 0 : i32
        %dma_wait3A_128 = arith.constant 0 : i32
        %dma_wait3A_129 = tpu.memref_slice %arg2[%dma_wait3A_127, %dma_wait3A_128] : memref<10000x128xf32, #tpu.memory_space<hbm>> -> memref<10000x128xf32, #tpu.memory_space<hbm>>
        tpu.wait_indirect_dma semaphore(%arg12 : memref<!tpu.dma_semaphore, #tpu.memory_space<semaphore_mem>>) src(%dma_wait3A_129 : memref<10000x128xf32, #tpu.memory_space<hbm>>) dst(%arg8 : memref<128x128xf32, #tpu.memory_space<vmem>>)
        %add3A_130 = arith.addi %select_n3A_12, %add3A_111 : i32
        %mul3A_131 = arith.constant 128 : i32
        %mul3A_132 = arith.muli %add3A_130, %mul3A_131 : i32
        %dma_start3A = arith.constant 0 : i32
        %dma_start3A_133 = tpu.memref_slice %arg4[%mul3A_132, %dma_start3A] : memref<64000x128xf32, #tpu.memory_space<hbm>> -> memref<128x128xf32, #tpu.memory_space<hbm>>
        %dma_start3A_134 = arith.constant 0 : i32
        %dma_start3A_135 = tpu.memref_slice %arg4[%mul3A_132, %dma_start3A_134] : memref<64000x128xf32, #tpu.memory_space<hbm>> -> memref<128x128xf32, #tpu.memory_space<hbm>>
        tpu.enqueue_dma source(%arg8 : memref<128x128xf32, #tpu.memory_space<vmem>>) target(%dma_start3A_135 : memref<128x128xf32, #tpu.memory_space<hbm>>) target_semaphore(%arg16 : memref<!tpu.dma_semaphore, #tpu.memory_space<semaphore_mem>>)
      } else {
      }
      %mul3A_116 = arith.constant 4 : i32
      %mul3A_117 = arith.muli %mul3A_116, %scan3A_59 : i32
      %add3A_118 = arith.constant 3 : i32
      %add3A_119 = arith.addi %mul3A_117, %add3A_118 : i32
      %lt3A_120 = arith.cmpi slt, %add3A_119, %select_n3A : i32
      %convert_element_type3A_121 = arith.extui %lt3A_120 : i1 to i32
      %cond3A_122 = arith.constant 0 : i32
      %cond3A_123 = arith.cmpi ne, %convert_element_type3A_121, %cond3A_122 : i32
      scf.if %cond3A_123 {
        %add3A_124 = arith.addi %sub3A_36, %add3A_119 : i32
        %dma_wait3A = arith.constant 0 : i32
        %dma_wait3A_125 = tpu.memref_slice %arg5[%add3A_124, %dma_wait3A] : memref<24x128xi32, #tpu.memory_space<vmem>> -> memref<1x128xi32, #tpu.memory_space<vmem>>
        %dma_wait3A_126 = tpu.memref_squeeze %dma_wait3A_125 : memref<1x128xi32, #tpu.memory_space<vmem>> -> memref<128xi32, #tpu.memory_space<vmem>>
        %dma_wait3A_127 = arith.constant 0 : i32
        %dma_wait3A_128 = arith.constant 0 : i32
        %dma_wait3A_129 = tpu.memref_slice %arg2[%dma_wait3A_127, %dma_wait3A_128] : memref<10000x128xf32, #tpu.memory_space<hbm>> -> memref<10000x128xf32, #tpu.memory_space<hbm>>
        tpu.wait_indirect_dma semaphore(%arg13 : memref<!tpu.dma_semaphore, #tpu.memory_space<semaphore_mem>>) src(%dma_wait3A_129 : memref<10000x128xf32, #tpu.memory_space<hbm>>) dst(%arg9 : memref<128x128xf32, #tpu.memory_space<vmem>>)
        %add3A_130 = arith.addi %select_n3A_12, %add3A_119 : i32
        %mul3A_131 = arith.constant 128 : i32
        %mul3A_132 = arith.muli %add3A_130, %mul3A_131 : i32
        %dma_start3A = arith.constant 0 : i32
        %dma_start3A_133 = tpu.memref_slice %arg4[%mul3A_132, %dma_start3A] : memref<64000x128xf32, #tpu.memory_space<hbm>> -> memref<128x128xf32, #tpu.memory_space<hbm>>
        %dma_start3A_134 = arith.constant 0 : i32
        %dma_start3A_135 = tpu.memref_slice %arg4[%mul3A_132, %dma_start3A_134] : memref<64000x128xf32, #tpu.memory_space<hbm>> -> memref<128x128xf32, #tpu.memory_space<hbm>>
        tpu.enqueue_dma source(%arg9 : memref<128x128xf32, #tpu.memory_space<vmem>>) target(%dma_start3A_135 : memref<128x128xf32, #tpu.memory_space<hbm>>) target_semaphore(%arg17 : memref<!tpu.dma_semaphore, #tpu.memory_space<semaphore_mem>>)
      } else {
      }
    }
    %scan3A_41 = arith.constant 4 : i32
    %ge3A = arith.constant 1 : i32
    %ge3A_42 = arith.cmpi sge, %select_n3A, %ge3A : i32
    %convert_element_type3A = arith.extui %ge3A_42 : i1 to i32
    %cond3A = arith.constant 0 : i32
    %cond3A_43 = arith.cmpi ne, %convert_element_type3A, %cond3A : i32
    scf.if %cond3A_43 {
      %dma_wait3A = arith.constant 0 : i32
      %dma_wait3A_59 = arith.constant 0 : i32
      %dma_wait3A_60 = tpu.memref_slice %arg2[%dma_wait3A, %dma_wait3A_59] : memref<10000x128xf32, #tpu.memory_space<hbm>> -> memref<128x128xf32, #tpu.memory_space<hbm>>
      %dma_wait3A_61 = arith.constant 0 : i32
      %dma_wait3A_62 = arith.constant 0 : i32
      %dma_wait3A_63 = tpu.memref_slice %arg2[%dma_wait3A_61, %dma_wait3A_62] : memref<10000x128xf32, #tpu.memory_space<hbm>> -> memref<128x128xf32, #tpu.memory_space<hbm>>
      tpu.wait_dma2 semaphore(%arg14 : memref<!tpu.dma_semaphore, #tpu.memory_space<semaphore_mem>>) src(%dma_wait3A_63 : memref<128x128xf32, #tpu.memory_space<hbm>>) dst(%arg6 : memref<128x128xf32, #tpu.memory_space<vmem>>)
    } else {
    }
    %ge3A_44 = arith.constant 2 : i32
    %ge3A_45 = arith.cmpi sge, %select_n3A, %ge3A_44 : i32
    %convert_element_type3A_46 = arith.extui %ge3A_45 : i1 to i32
    %cond3A_47 = arith.constant 0 : i32
    %cond3A_48 = arith.cmpi ne, %convert_element_type3A_46, %cond3A_47 : i32
    scf.if %cond3A_48 {
      %dma_wait3A = arith.constant 0 : i32
      %dma_wait3A_59 = arith.constant 0 : i32
      %dma_wait3A_60 = tpu.memref_slice %arg2[%dma_wait3A, %dma_wait3A_59] : memref<10000x128xf32, #tpu.memory_space<hbm>> -> memref<128x128xf32, #tpu.memory_space<hbm>>
      %dma_wait3A_61 = arith.constant 0 : i32
      %dma_wait3A_62 = arith.constant 0 : i32
      %dma_wait3A_63 = tpu.memref_slice %arg2[%dma_wait3A_61, %dma_wait3A_62] : memref<10000x128xf32, #tpu.memory_space<hbm>> -> memref<128x128xf32, #tpu.memory_space<hbm>>
      tpu.wait_dma2 semaphore(%arg15 : memref<!tpu.dma_semaphore, #tpu.memory_space<semaphore_mem>>) src(%dma_wait3A_63 : memref<128x128xf32, #tpu.memory_space<hbm>>) dst(%arg7 : memref<128x128xf32, #tpu.memory_space<vmem>>)
    } else {
    }
    %ge3A_49 = arith.constant 3 : i32
    %ge3A_50 = arith.cmpi sge, %select_n3A, %ge3A_49 : i32
    %convert_element_type3A_51 = arith.extui %ge3A_50 : i1 to i32
    %cond3A_52 = arith.constant 0 : i32
    %cond3A_53 = arith.cmpi ne, %convert_element_type3A_51, %cond3A_52 : i32
    scf.if %cond3A_53 {
      %dma_wait3A = arith.constant 0 : i32
      %dma_wait3A_59 = arith.constant 0 : i32
      %dma_wait3A_60 = tpu.memref_slice %arg2[%dma_wait3A, %dma_wait3A_59] : memref<10000x128xf32, #tpu.memory_space<hbm>> -> memref<128x128xf32, #tpu.memory_space<hbm>>
      %dma_wait3A_61 = arith.constant 0 : i32
      %dma_wait3A_62 = arith.constant 0 : i32
      %dma_wait3A_63 = tpu.memref_slice %arg2[%dma_wait3A_61, %dma_wait3A_62] : memref<10000x128xf32, #tpu.memory_space<hbm>> -> memref<128x128xf32, #tpu.memory_space<hbm>>
      tpu.wait_dma2 semaphore(%arg16 : memref<!tpu.dma_semaphore, #tpu.memory_space<semaphore_mem>>) src(%dma_wait3A_63 : memref<128x128xf32, #tpu.memory_space<hbm>>) dst(%arg8 : memref<128x128xf32, #tpu.memory_space<vmem>>)
    } else {
    }
    %ge3A_54 = arith.constant 4 : i32
    %ge3A_55 = arith.cmpi sge, %select_n3A, %ge3A_54 : i32
    %convert_element_type3A_56 = arith.extui %ge3A_55 : i1 to i32
    %cond3A_57 = arith.constant 0 : i32
    %cond3A_58 = arith.cmpi ne, %convert_element_type3A_56, %cond3A_57 : i32
    scf.if %cond3A_58 {
      %dma_wait3A = arith.constant 0 : i32
      %dma_wait3A_59 = arith.constant 0 : i32
      %dma_wait3A_60 = tpu.memref_slice %arg2[%dma_wait3A, %dma_wait3A_59] : memref<10000x128xf32, #tpu.memory_space<hbm>> -> memref<128x128xf32, #tpu.memory_space<hbm>>
      %dma_wait3A_61 = arith.constant 0 : i32
      %dma_wait3A_62 = arith.constant 0 : i32
      %dma_wait3A_63 = tpu.memref_slice %arg2[%dma_wait3A_61, %dma_wait3A_62] : memref<10000x128xf32, #tpu.memory_space<hbm>> -> memref<128x128xf32, #tpu.memory_space<hbm>>
      tpu.wait_dma2 semaphore(%arg17 : memref<!tpu.dma_semaphore, #tpu.memory_space<semaphore_mem>>) src(%dma_wait3A_63 : memref<128x128xf32, #tpu.memory_space<hbm>>) dst(%arg9 : memref<128x128xf32, #tpu.memory_space<vmem>>)
    } else {
    }
    return
  }
}

#map = affine_map<(d0, d1) -> (0, 0)>
module attributes {stable_mosaic.version = 14 : i64} {
  func.func @gk(%arg0: i32, %arg1: i32, %arg2: memref<10000x128xf32, #tpu.memory_space<hbm>>, %arg3: memref<2524x128xi32, #tpu.memory_space<hbm>>, %arg4: memref<64000x128xf32, #tpu.memory_space<hbm>>, %arg5: memref<24x128xi32, #tpu.memory_space<vmem>>, %arg6: memref<128x128xf32, #tpu.memory_space<vmem>>, %arg7: memref<128x128xf32, #tpu.memory_space<vmem>>, %arg8: memref<128x128xf32, #tpu.memory_space<vmem>>, %arg9: memref<128x128xf32, #tpu.memory_space<vmem>>, %arg10: memref<!tpu.dma_semaphore, #tpu.memory_space<semaphore_mem>>, %arg11: memref<!tpu.dma_semaphore, #tpu.memory_space<semaphore_mem>>, %arg12: memref<!tpu.dma_semaphore, #tpu.memory_space<semaphore_mem>>, %arg13: memref<!tpu.dma_semaphore, #tpu.memory_space<semaphore_mem>>, %arg14: memref<!tpu.dma_semaphore, #tpu.memory_space<semaphore_mem>>, %arg15: memref<!tpu.dma_semaphore, #tpu.memory_space<semaphore_mem>>, %arg16: memref<!tpu.dma_semaphore, #tpu.memory_space<semaphore_mem>>, %arg17: memref<!tpu.dma_semaphore, #tpu.memory_space<semaphore_mem>>) attributes {dimension_semantics = [#tpu.dimension_semantics<core_parallel>, #tpu.dimension_semantics<subcore_parallel>], iteration_bounds = array<i64: 2, 16>, scalar_prefetch = 0 : i64, scratch_operands = 13 : i64, tpu.core_type = #tpu.core_type<sc_vector_subcore>, window_params = [{transform_indices = #map}, {transform_indices = #map}, {transform_indices = #map}]} {
    %mul3A = arith.constant 2 : i32
    %mul3A_0 = arith.muli %arg1, %mul3A : i32
    %add3A = arith.addi %mul3A_0, %arg0 : i32
    %lt3A = arith.constant 20 : i32
    %lt3A_1 = arith.cmpi slt, %add3A, %lt3A : i32
    %jit3A = arith.constant 16 : i32
    %jit3A_2 = arith.constant 15 : i32
    %select_n3A = arith.select %lt3A_1, %jit3A, %jit3A_2 : i32
    %lt3A_3 = arith.constant 20 : i32
    %lt3A_4 = arith.cmpi slt, %add3A, %lt3A_3 : i32
    %mul3A_5 = arith.constant 16 : i32
    %mul3A_6 = arith.muli %mul3A_5, %add3A : i32
    %sub3A = arith.constant 20 : i32
    %sub3A_7 = arith.subi %add3A, %sub3A : i32
    %mul3A_8 = arith.constant 15 : i32
    %mul3A_9 = arith.muli %mul3A_8, %sub3A_7 : i32
    %add3A_10 = arith.constant 320 : i32
    %add3A_11 = arith.addi %add3A_10, %mul3A_9 : i32
    %select_n3A_12 = arith.select %lt3A_4, %mul3A_6, %add3A_11 : i32
    %add3A_13 = arith.constant 1500 : i32
    %add3A_14 = arith.addi %add3A_13, %select_n3A_12 : i32
    %jit3A_15 = arith.constant 8 : i32
    %div3A = arith.divsi %add3A_14, %jit3A_15 : i32
    %sign3A = arith.constant 0 : i32
    %sign3A_16 = arith.cmpi sgt, %add3A_14, %sign3A : i32
    %sign3A_17 = arith.extui %sign3A_16 : i1 to i32
    %sign3A_18 = arith.constant 0 : i32
    %sign3A_19 = arith.cmpi slt, %add3A_14, %sign3A_18 : i32
    %sign3A_20 = arith.extui %sign3A_19 : i1 to i32
    %sign3A_21 = arith.subi %sign3A_17, %sign3A_20 : i32
    %sign3A_22 = arith.constant 0 : i32
    %sign3A_23 = arith.cmpi sgt, %jit3A_15, %sign3A_22 : i32
    %sign3A_24 = arith.extui %sign3A_23 : i1 to i32
    %sign3A_25 = arith.constant 0 : i32
    %sign3A_26 = arith.cmpi slt, %jit3A_15, %sign3A_25 : i32
    %sign3A_27 = arith.extui %sign3A_26 : i1 to i32
    %sign3A_28 = arith.subi %sign3A_24, %sign3A_27 : i32
    %ne3A = arith.cmpi ne, %sign3A_21, %sign3A_28 : i32
    %rem3A = arith.remsi %add3A_14, %jit3A_15 : i32
    %ne3A_29 = arith.constant 0 : i32
    %ne3A_30 = arith.cmpi ne, %rem3A, %ne3A_29 : i32
    %and3A = arith.andi %ne3A, %ne3A_30 : i1
    %sub3A_31 = arith.constant 1 : i32
    %sub3A_32 = arith.subi %div3A, %sub3A_31 : i32
    %select_n3A_33 = arith.select %and3A, %sub3A_32, %div3A : i32
    %mul3A_34 = arith.constant 8 : i32
    %mul3A_35 = arith.muli %select_n3A_33, %mul3A_34 : i32
    %sub3A_36 = arith.subi %add3A_14, %mul3A_35 : i32
    "tpu.region"() ({
      %run_scoped3A = tpu.sem_alloc : memref<!tpu.dma_semaphore, #tpu.memory_space<semaphore_mem>>
      %dma_start3A = arith.constant 0 : i32
      %dma_start3A_59 = tpu.memref_slice %arg3[%mul3A_35, %dma_start3A] : memref<2524x128xi32, #tpu.memory_space<hbm>> -> memref<24x128xi32, #tpu.memory_space<hbm>>
      %dma_start3A_60 = arith.constant 0 : i32
      %dma_start3A_61 = tpu.memref_slice %arg3[%mul3A_35, %dma_start3A_60] : memref<2524x128xi32, #tpu.memory_space<hbm>> -> memref<24x128xi32, #tpu.memory_space<hbm>>
      tpu.enqueue_dma source(%dma_start3A_61 : memref<24x128xi32, #tpu.memory_space<hbm>>) target(%arg5 : memref<24x128xi32, #tpu.memory_space<vmem>>) target_semaphore(%run_scoped3A : memref<!tpu.dma_semaphore, #tpu.memory_space<semaphore_mem>>)
      %dma_wait3A = arith.constant 0 : i32
      %dma_wait3A_62 = tpu.memref_slice %arg3[%mul3A_35, %dma_wait3A] : memref<2524x128xi32, #tpu.memory_space<hbm>> -> memref<24x128xi32, #tpu.memory_space<hbm>>
      %dma_wait3A_63 = arith.constant 0 : i32
      %dma_wait3A_64 = tpu.memref_slice %arg3[%mul3A_35, %dma_wait3A_63] : memref<2524x128xi32, #tpu.memory_space<hbm>> -> memref<24x128xi32, #tpu.memory_space<hbm>>
      tpu.wait_dma2 semaphore(%run_scoped3A : memref<!tpu.dma_semaphore, #tpu.memory_space<semaphore_mem>>) src(%dma_wait3A_64 : memref<24x128xi32, #tpu.memory_space<hbm>>) dst(%arg5 : memref<24x128xi32, #tpu.memory_space<vmem>>)
      tpu.yield
    }) : () -> ()
    %scan3A = arith.constant 0 : i32
    %scan3A_37 = arith.constant 0 : i32
    %scan3A_38 = arith.constant 4 : i32
    %scan3A_39 = arith.addi %scan3A_37, %scan3A_38 : i32
    %scan3A_40 = arith.constant 1 : i32
    scf.for %scan3A_59 = %scan3A_37 to %scan3A_39 step %scan3A_40  : i32 {
      %mul3A_60 = arith.constant 4 : i32
      %mul3A_61 = arith.muli %mul3A_60, %scan3A_59 : i32
      %add3A_62 = arith.constant 0 : i32
      %add3A_63 = arith.addi %mul3A_61, %add3A_62 : i32
      %lt3A_64 = arith.cmpi slt, %add3A_63, %select_n3A : i32
      %convert_element_type3A_65 = arith.extui %lt3A_64 : i1 to i32
      %cond3A_66 = arith.constant 0 : i32
      %cond3A_67 = arith.cmpi ne, %convert_element_type3A_65, %cond3A_66 : i32
      scf.if %cond3A_67 {
        %ge3A_124 = arith.constant 1 : i32
        %ge3A_125 = arith.cmpi sge, %scan3A_59, %ge3A_124 : i32
        %convert_element_type3A_126 = arith.extui %ge3A_125 : i1 to i32
        %cond3A_127 = arith.constant 0 : i32
        %cond3A_128 = arith.cmpi ne, %convert_element_type3A_126, %cond3A_127 : i32
        scf.if %cond3A_128 {
          %dma_wait3A = arith.constant 0 : i32
          %dma_wait3A_135 = arith.constant 0 : i32
          %dma_wait3A_136 = tpu.memref_slice %arg2[%dma_wait3A, %dma_wait3A_135] : memref<10000x128xf32, #tpu.memory_space<hbm>> -> memref<128x128xf32, #tpu.memory_space<hbm>>
          %dma_wait3A_137 = arith.constant 0 : i32
          %dma_wait3A_138 = arith.constant 0 : i32
          %dma_wait3A_139 = tpu.memref_slice %arg2[%dma_wait3A_137, %dma_wait3A_138] : memref<10000x128xf32, #tpu.memory_space<hbm>> -> memref<128x128xf32, #tpu.memory_space<hbm>>
          tpu.wait_dma2 semaphore(%arg14 : memref<!tpu.dma_semaphore, #tpu.memory_space<semaphore_mem>>) src(%dma_wait3A_139 : memref<128x128xf32, #tpu.memory_space<hbm>>) dst(%arg6 : memref<128x128xf32, #tpu.memory_space<vmem>>)
        } else {
        }
        %add3A_129 = arith.addi %sub3A_36, %add3A_63 : i32
        %dma_start3A = arith.constant 0 : i32
        %dma_start3A_130 = tpu.memref_slice %arg5[%add3A_129, %dma_start3A] : memref<24x128xi32, #tpu.memory_space<vmem>> -> memref<1x128xi32, #tpu.memory_space<vmem>>
        %dma_start3A_131 = tpu.memref_squeeze %dma_start3A_130 : memref<1x128xi32, #tpu.memory_space<vmem>> -> memref<128xi32, #tpu.memory_space<vmem>>
        %dma_start3A_132 = arith.constant 0 : i32
        %dma_start3A_133 = arith.constant 0 : i32
        %dma_start3A_134 = tpu.memref_slice %arg2[%dma_start3A_132, %dma_start3A_133] : memref<10000x128xf32, #tpu.memory_space<hbm>> -> memref<10000x128xf32, #tpu.memory_space<hbm>>
        tpu.enqueue_indirect_dma source(%dma_start3A_134 : memref<10000x128xf32, #tpu.memory_space<hbm>>) target(%arg6 : memref<128x128xf32, #tpu.memory_space<vmem>>) offsets(%dma_start3A_131 : memref<128xi32, #tpu.memory_space<vmem>>) semaphore(%arg10 : memref<!tpu.dma_semaphore, #tpu.memory_space<semaphore_mem>>)
      } else {
      }
      %mul3A_68 = arith.constant 4 : i32
      %mul3A_69 = arith.muli %mul3A_68, %scan3A_59 : i32
      %add3A_70 = arith.constant 1 : i32
      %add3A_71 = arith.addi %mul3A_69, %add3A_70 : i32
      %lt3A_72 = arith.cmpi slt, %add3A_71, %select_n3A : i32
      %convert_element_type3A_73 = arith.extui %lt3A_72 : i1 to i32
      %cond3A_74 = arith.constant 0 : i32
      %cond3A_75 = arith.cmpi ne, %convert_element_type3A_73, %cond3A_74 : i32
      scf.if %cond3A_75 {
        %ge3A_124 = arith.constant 1 : i32
        %ge3A_125 = arith.cmpi sge, %scan3A_59, %ge3A_124 : i32
        %convert_element_type3A_126 = arith.extui %ge3A_125 : i1 to i32
        %cond3A_127 = arith.constant 0 : i32
        %cond3A_128 = arith.cmpi ne, %convert_element_type3A_126, %cond3A_127 : i32
        scf.if %cond3A_128 {
          %dma_wait3A = arith.constant 0 : i32
          %dma_wait3A_135 = arith.constant 0 : i32
          %dma_wait3A_136 = tpu.memref_slice %arg2[%dma_wait3A, %dma_wait3A_135] : memref<10000x128xf32, #tpu.memory_space<hbm>> -> memref<128x128xf32, #tpu.memory_space<hbm>>
          %dma_wait3A_137 = arith.constant 0 : i32
          %dma_wait3A_138 = arith.constant 0 : i32
          %dma_wait3A_139 = tpu.memref_slice %arg2[%dma_wait3A_137, %dma_wait3A_138] : memref<10000x128xf32, #tpu.memory_space<hbm>> -> memref<128x128xf32, #tpu.memory_space<hbm>>
          tpu.wait_dma2 semaphore(%arg15 : memref<!tpu.dma_semaphore, #tpu.memory_space<semaphore_mem>>) src(%dma_wait3A_139 : memref<128x128xf32, #tpu.memory_space<hbm>>) dst(%arg7 : memref<128x128xf32, #tpu.memory_space<vmem>>)
        } else {
        }
        %add3A_129 = arith.addi %sub3A_36, %add3A_71 : i32
        %dma_start3A = arith.constant 0 : i32
        %dma_start3A_130 = tpu.memref_slice %arg5[%add3A_129, %dma_start3A] : memref<24x128xi32, #tpu.memory_space<vmem>> -> memref<1x128xi32, #tpu.memory_space<vmem>>
        %dma_start3A_131 = tpu.memref_squeeze %dma_start3A_130 : memref<1x128xi32, #tpu.memory_space<vmem>> -> memref<128xi32, #tpu.memory_space<vmem>>
        %dma_start3A_132 = arith.constant 0 : i32
        %dma_start3A_133 = arith.constant 0 : i32
        %dma_start3A_134 = tpu.memref_slice %arg2[%dma_start3A_132, %dma_start3A_133] : memref<10000x128xf32, #tpu.memory_space<hbm>> -> memref<10000x128xf32, #tpu.memory_space<hbm>>
        tpu.enqueue_indirect_dma source(%dma_start3A_134 : memref<10000x128xf32, #tpu.memory_space<hbm>>) target(%arg7 : memref<128x128xf32, #tpu.memory_space<vmem>>) offsets(%dma_start3A_131 : memref<128xi32, #tpu.memory_space<vmem>>) semaphore(%arg11 : memref<!tpu.dma_semaphore, #tpu.memory_space<semaphore_mem>>)
      } else {
      }
      %mul3A_76 = arith.constant 4 : i32
      %mul3A_77 = arith.muli %mul3A_76, %scan3A_59 : i32
      %add3A_78 = arith.constant 2 : i32
      %add3A_79 = arith.addi %mul3A_77, %add3A_78 : i32
      %lt3A_80 = arith.cmpi slt, %add3A_79, %select_n3A : i32
      %convert_element_type3A_81 = arith.extui %lt3A_80 : i1 to i32
      %cond3A_82 = arith.constant 0 : i32
      %cond3A_83 = arith.cmpi ne, %convert_element_type3A_81, %cond3A_82 : i32
      scf.if %cond3A_83 {
        %ge3A_124 = arith.constant 1 : i32
        %ge3A_125 = arith.cmpi sge, %scan3A_59, %ge3A_124 : i32
        %convert_element_type3A_126 = arith.extui %ge3A_125 : i1 to i32
        %cond3A_127 = arith.constant 0 : i32
        %cond3A_128 = arith.cmpi ne, %convert_element_type3A_126, %cond3A_127 : i32
        scf.if %cond3A_128 {
          %dma_wait3A = arith.constant 0 : i32
          %dma_wait3A_135 = arith.constant 0 : i32
          %dma_wait3A_136 = tpu.memref_slice %arg2[%dma_wait3A, %dma_wait3A_135] : memref<10000x128xf32, #tpu.memory_space<hbm>> -> memref<128x128xf32, #tpu.memory_space<hbm>>
          %dma_wait3A_137 = arith.constant 0 : i32
          %dma_wait3A_138 = arith.constant 0 : i32
          %dma_wait3A_139 = tpu.memref_slice %arg2[%dma_wait3A_137, %dma_wait3A_138] : memref<10000x128xf32, #tpu.memory_space<hbm>> -> memref<128x128xf32, #tpu.memory_space<hbm>>
          tpu.wait_dma2 semaphore(%arg16 : memref<!tpu.dma_semaphore, #tpu.memory_space<semaphore_mem>>) src(%dma_wait3A_139 : memref<128x128xf32, #tpu.memory_space<hbm>>) dst(%arg8 : memref<128x128xf32, #tpu.memory_space<vmem>>)
        } else {
        }
        %add3A_129 = arith.addi %sub3A_36, %add3A_79 : i32
        %dma_start3A = arith.constant 0 : i32
        %dma_start3A_130 = tpu.memref_slice %arg5[%add3A_129, %dma_start3A] : memref<24x128xi32, #tpu.memory_space<vmem>> -> memref<1x128xi32, #tpu.memory_space<vmem>>
        %dma_start3A_131 = tpu.memref_squeeze %dma_start3A_130 : memref<1x128xi32, #tpu.memory_space<vmem>> -> memref<128xi32, #tpu.memory_space<vmem>>
        %dma_start3A_132 = arith.constant 0 : i32
        %dma_start3A_133 = arith.constant 0 : i32
        %dma_start3A_134 = tpu.memref_slice %arg2[%dma_start3A_132, %dma_start3A_133] : memref<10000x128xf32, #tpu.memory_space<hbm>> -> memref<10000x128xf32, #tpu.memory_space<hbm>>
        tpu.enqueue_indirect_dma source(%dma_start3A_134 : memref<10000x128xf32, #tpu.memory_space<hbm>>) target(%arg8 : memref<128x128xf32, #tpu.memory_space<vmem>>) offsets(%dma_start3A_131 : memref<128xi32, #tpu.memory_space<vmem>>) semaphore(%arg12 : memref<!tpu.dma_semaphore, #tpu.memory_space<semaphore_mem>>)
      } else {
      }
      %mul3A_84 = arith.constant 4 : i32
      %mul3A_85 = arith.muli %mul3A_84, %scan3A_59 : i32
      %add3A_86 = arith.constant 3 : i32
      %add3A_87 = arith.addi %mul3A_85, %add3A_86 : i32
      %lt3A_88 = arith.cmpi slt, %add3A_87, %select_n3A : i32
      %convert_element_type3A_89 = arith.extui %lt3A_88 : i1 to i32
      %cond3A_90 = arith.constant 0 : i32
      %cond3A_91 = arith.cmpi ne, %convert_element_type3A_89, %cond3A_90 : i32
      scf.if %cond3A_91 {
        %ge3A_124 = arith.constant 1 : i32
        %ge3A_125 = arith.cmpi sge, %scan3A_59, %ge3A_124 : i32
        %convert_element_type3A_126 = arith.extui %ge3A_125 : i1 to i32
        %cond3A_127 = arith.constant 0 : i32
        %cond3A_128 = arith.cmpi ne, %convert_element_type3A_126, %cond3A_127 : i32
        scf.if %cond3A_128 {
          %dma_wait3A = arith.constant 0 : i32
          %dma_wait3A_135 = arith.constant 0 : i32
          %dma_wait3A_136 = tpu.memref_slice %arg2[%dma_wait3A, %dma_wait3A_135] : memref<10000x128xf32, #tpu.memory_space<hbm>> -> memref<128x128xf32, #tpu.memory_space<hbm>>
          %dma_wait3A_137 = arith.constant 0 : i32
          %dma_wait3A_138 = arith.constant 0 : i32
          %dma_wait3A_139 = tpu.memref_slice %arg2[%dma_wait3A_137, %dma_wait3A_138] : memref<10000x128xf32, #tpu.memory_space<hbm>> -> memref<128x128xf32, #tpu.memory_space<hbm>>
          tpu.wait_dma2 semaphore(%arg17 : memref<!tpu.dma_semaphore, #tpu.memory_space<semaphore_mem>>) src(%dma_wait3A_139 : memref<128x128xf32, #tpu.memory_space<hbm>>) dst(%arg9 : memref<128x128xf32, #tpu.memory_space<vmem>>)
        } else {
        }
        %add3A_129 = arith.addi %sub3A_36, %add3A_87 : i32
        %dma_start3A = arith.constant 0 : i32
        %dma_start3A_130 = tpu.memref_slice %arg5[%add3A_129, %dma_start3A] : memref<24x128xi32, #tpu.memory_space<vmem>> -> memref<1x128xi32, #tpu.memory_space<vmem>>
        %dma_start3A_131 = tpu.memref_squeeze %dma_start3A_130 : memref<1x128xi32, #tpu.memory_space<vmem>> -> memref<128xi32, #tpu.memory_space<vmem>>
        %dma_start3A_132 = arith.constant 0 : i32
        %dma_start3A_133 = arith.constant 0 : i32
        %dma_start3A_134 = tpu.memref_slice %arg2[%dma_start3A_132, %dma_start3A_133] : memref<10000x128xf32, #tpu.memory_space<hbm>> -> memref<10000x128xf32, #tpu.memory_space<hbm>>
        tpu.enqueue_indirect_dma source(%dma_start3A_134 : memref<10000x128xf32, #tpu.memory_space<hbm>>) target(%arg9 : memref<128x128xf32, #tpu.memory_space<vmem>>) offsets(%dma_start3A_131 : memref<128xi32, #tpu.memory_space<vmem>>) semaphore(%arg13 : memref<!tpu.dma_semaphore, #tpu.memory_space<semaphore_mem>>)
      } else {
      }
      %mul3A_92 = arith.constant 4 : i32
      %mul3A_93 = arith.muli %mul3A_92, %scan3A_59 : i32
      %add3A_94 = arith.constant 0 : i32
      %add3A_95 = arith.addi %mul3A_93, %add3A_94 : i32
      %lt3A_96 = arith.cmpi slt, %add3A_95, %select_n3A : i32
      %convert_element_type3A_97 = arith.extui %lt3A_96 : i1 to i32
      %cond3A_98 = arith.constant 0 : i32
      %cond3A_99 = arith.cmpi ne, %convert_element_type3A_97, %cond3A_98 : i32
      scf.if %cond3A_99 {
        %add3A_124 = arith.addi %sub3A_36, %add3A_95 : i32
        %dma_wait3A = arith.constant 0 : i32
        %dma_wait3A_125 = tpu.memref_slice %arg5[%add3A_124, %dma_wait3A] : memref<24x128xi32, #tpu.memory_space<vmem>> -> memref<1x128xi32, #tpu.memory_space<vmem>>
        %dma_wait3A_126 = tpu.memref_squeeze %dma_wait3A_125 : memref<1x128xi32, #tpu.memory_space<vmem>> -> memref<128xi32, #tpu.memory_space<vmem>>
        %dma_wait3A_127 = arith.constant 0 : i32
        %dma_wait3A_128 = arith.constant 0 : i32
        %dma_wait3A_129 = tpu.memref_slice %arg2[%dma_wait3A_127, %dma_wait3A_128] : memref<10000x128xf32, #tpu.memory_space<hbm>> -> memref<10000x128xf32, #tpu.memory_space<hbm>>
        tpu.wait_indirect_dma semaphore(%arg10 : memref<!tpu.dma_semaphore, #tpu.memory_space<semaphore_mem>>) src(%dma_wait3A_129 : memref<10000x128xf32, #tpu.memory_space<hbm>>) dst(%arg6 : memref<128x128xf32, #tpu.memory_space<vmem>>)
        %add3A_130 = arith.addi %select_n3A_12, %add3A_95 : i32
        %mul3A_131 = arith.constant 128 : i32
        %mul3A_132 = arith.muli %add3A_130, %mul3A_131 : i32
        %dma_start3A = arith.constant 0 : i32
        %dma_start3A_133 = tpu.memref_slice %arg4[%mul3A_132, %dma_start3A] : memref<64000x128xf32, #tpu.memory_space<hbm>> -> memref<128x128xf32, #tpu.memory_space<hbm>>
        %dma_start3A_134 = arith.constant 0 : i32
        %dma_start3A_135 = tpu.memref_slice %arg4[%mul3A_132, %dma_start3A_134] : memref<64000x128xf32, #tpu.memory_space<hbm>> -> memref<128x128xf32, #tpu.memory_space<hbm>>
        tpu.enqueue_dma source(%arg6 : memref<128x128xf32, #tpu.memory_space<vmem>>) target(%dma_start3A_135 : memref<128x128xf32, #tpu.memory_space<hbm>>) target_semaphore(%arg14 : memref<!tpu.dma_semaphore, #tpu.memory_space<semaphore_mem>>)
      } else {
      }
      %mul3A_100 = arith.constant 4 : i32
      %mul3A_101 = arith.muli %mul3A_100, %scan3A_59 : i32
      %add3A_102 = arith.constant 1 : i32
      %add3A_103 = arith.addi %mul3A_101, %add3A_102 : i32
      %lt3A_104 = arith.cmpi slt, %add3A_103, %select_n3A : i32
      %convert_element_type3A_105 = arith.extui %lt3A_104 : i1 to i32
      %cond3A_106 = arith.constant 0 : i32
      %cond3A_107 = arith.cmpi ne, %convert_element_type3A_105, %cond3A_106 : i32
      scf.if %cond3A_107 {
        %add3A_124 = arith.addi %sub3A_36, %add3A_103 : i32
        %dma_wait3A = arith.constant 0 : i32
        %dma_wait3A_125 = tpu.memref_slice %arg5[%add3A_124, %dma_wait3A] : memref<24x128xi32, #tpu.memory_space<vmem>> -> memref<1x128xi32, #tpu.memory_space<vmem>>
        %dma_wait3A_126 = tpu.memref_squeeze %dma_wait3A_125 : memref<1x128xi32, #tpu.memory_space<vmem>> -> memref<128xi32, #tpu.memory_space<vmem>>
        %dma_wait3A_127 = arith.constant 0 : i32
        %dma_wait3A_128 = arith.constant 0 : i32
        %dma_wait3A_129 = tpu.memref_slice %arg2[%dma_wait3A_127, %dma_wait3A_128] : memref<10000x128xf32, #tpu.memory_space<hbm>> -> memref<10000x128xf32, #tpu.memory_space<hbm>>
        tpu.wait_indirect_dma semaphore(%arg11 : memref<!tpu.dma_semaphore, #tpu.memory_space<semaphore_mem>>) src(%dma_wait3A_129 : memref<10000x128xf32, #tpu.memory_space<hbm>>) dst(%arg7 : memref<128x128xf32, #tpu.memory_space<vmem>>)
        %add3A_130 = arith.addi %select_n3A_12, %add3A_103 : i32
        %mul3A_131 = arith.constant 128 : i32
        %mul3A_132 = arith.muli %add3A_130, %mul3A_131 : i32
        %dma_start3A = arith.constant 0 : i32
        %dma_start3A_133 = tpu.memref_slice %arg4[%mul3A_132, %dma_start3A] : memref<64000x128xf32, #tpu.memory_space<hbm>> -> memref<128x128xf32, #tpu.memory_space<hbm>>
        %dma_start3A_134 = arith.constant 0 : i32
        %dma_start3A_135 = tpu.memref_slice %arg4[%mul3A_132, %dma_start3A_134] : memref<64000x128xf32, #tpu.memory_space<hbm>> -> memref<128x128xf32, #tpu.memory_space<hbm>>
        tpu.enqueue_dma source(%arg7 : memref<128x128xf32, #tpu.memory_space<vmem>>) target(%dma_start3A_135 : memref<128x128xf32, #tpu.memory_space<hbm>>) target_semaphore(%arg15 : memref<!tpu.dma_semaphore, #tpu.memory_space<semaphore_mem>>)
      } else {
      }
      %mul3A_108 = arith.constant 4 : i32
      %mul3A_109 = arith.muli %mul3A_108, %scan3A_59 : i32
      %add3A_110 = arith.constant 2 : i32
      %add3A_111 = arith.addi %mul3A_109, %add3A_110 : i32
      %lt3A_112 = arith.cmpi slt, %add3A_111, %select_n3A : i32
      %convert_element_type3A_113 = arith.extui %lt3A_112 : i1 to i32
      %cond3A_114 = arith.constant 0 : i32
      %cond3A_115 = arith.cmpi ne, %convert_element_type3A_113, %cond3A_114 : i32
      scf.if %cond3A_115 {
        %add3A_124 = arith.addi %sub3A_36, %add3A_111 : i32
        %dma_wait3A = arith.constant 0 : i32
        %dma_wait3A_125 = tpu.memref_slice %arg5[%add3A_124, %dma_wait3A] : memref<24x128xi32, #tpu.memory_space<vmem>> -> memref<1x128xi32, #tpu.memory_space<vmem>>
        %dma_wait3A_126 = tpu.memref_squeeze %dma_wait3A_125 : memref<1x128xi32, #tpu.memory_space<vmem>> -> memref<128xi32, #tpu.memory_space<vmem>>
        %dma_wait3A_127 = arith.constant 0 : i32
        %dma_wait3A_128 = arith.constant 0 : i32
        %dma_wait3A_129 = tpu.memref_slice %arg2[%dma_wait3A_127, %dma_wait3A_128] : memref<10000x128xf32, #tpu.memory_space<hbm>> -> memref<10000x128xf32, #tpu.memory_space<hbm>>
        tpu.wait_indirect_dma semaphore(%arg12 : memref<!tpu.dma_semaphore, #tpu.memory_space<semaphore_mem>>) src(%dma_wait3A_129 : memref<10000x128xf32, #tpu.memory_space<hbm>>) dst(%arg8 : memref<128x128xf32, #tpu.memory_space<vmem>>)
        %add3A_130 = arith.addi %select_n3A_12, %add3A_111 : i32
        %mul3A_131 = arith.constant 128 : i32
        %mul3A_132 = arith.muli %add3A_130, %mul3A_131 : i32
        %dma_start3A = arith.constant 0 : i32
        %dma_start3A_133 = tpu.memref_slice %arg4[%mul3A_132, %dma_start3A] : memref<64000x128xf32, #tpu.memory_space<hbm>> -> memref<128x128xf32, #tpu.memory_space<hbm>>
        %dma_start3A_134 = arith.constant 0 : i32
        %dma_start3A_135 = tpu.memref_slice %arg4[%mul3A_132, %dma_start3A_134] : memref<64000x128xf32, #tpu.memory_space<hbm>> -> memref<128x128xf32, #tpu.memory_space<hbm>>
        tpu.enqueue_dma source(%arg8 : memref<128x128xf32, #tpu.memory_space<vmem>>) target(%dma_start3A_135 : memref<128x128xf32, #tpu.memory_space<hbm>>) target_semaphore(%arg16 : memref<!tpu.dma_semaphore, #tpu.memory_space<semaphore_mem>>)
      } else {
      }
      %mul3A_116 = arith.constant 4 : i32
      %mul3A_117 = arith.muli %mul3A_116, %scan3A_59 : i32
      %add3A_118 = arith.constant 3 : i32
      %add3A_119 = arith.addi %mul3A_117, %add3A_118 : i32
      %lt3A_120 = arith.cmpi slt, %add3A_119, %select_n3A : i32
      %convert_element_type3A_121 = arith.extui %lt3A_120 : i1 to i32
      %cond3A_122 = arith.constant 0 : i32
      %cond3A_123 = arith.cmpi ne, %convert_element_type3A_121, %cond3A_122 : i32
      scf.if %cond3A_123 {
        %add3A_124 = arith.addi %sub3A_36, %add3A_119 : i32
        %dma_wait3A = arith.constant 0 : i32
        %dma_wait3A_125 = tpu.memref_slice %arg5[%add3A_124, %dma_wait3A] : memref<24x128xi32, #tpu.memory_space<vmem>> -> memref<1x128xi32, #tpu.memory_space<vmem>>
        %dma_wait3A_126 = tpu.memref_squeeze %dma_wait3A_125 : memref<1x128xi32, #tpu.memory_space<vmem>> -> memref<128xi32, #tpu.memory_space<vmem>>
        %dma_wait3A_127 = arith.constant 0 : i32
        %dma_wait3A_128 = arith.constant 0 : i32
        %dma_wait3A_129 = tpu.memref_slice %arg2[%dma_wait3A_127, %dma_wait3A_128] : memref<10000x128xf32, #tpu.memory_space<hbm>> -> memref<10000x128xf32, #tpu.memory_space<hbm>>
        tpu.wait_indirect_dma semaphore(%arg13 : memref<!tpu.dma_semaphore, #tpu.memory_space<semaphore_mem>>) src(%dma_wait3A_129 : memref<10000x128xf32, #tpu.memory_space<hbm>>) dst(%arg9 : memref<128x128xf32, #tpu.memory_space<vmem>>)
        %add3A_130 = arith.addi %select_n3A_12, %add3A_119 : i32
        %mul3A_131 = arith.constant 128 : i32
        %mul3A_132 = arith.muli %add3A_130, %mul3A_131 : i32
        %dma_start3A = arith.constant 0 : i32
        %dma_start3A_133 = tpu.memref_slice %arg4[%mul3A_132, %dma_start3A] : memref<64000x128xf32, #tpu.memory_space<hbm>> -> memref<128x128xf32, #tpu.memory_space<hbm>>
        %dma_start3A_134 = arith.constant 0 : i32
        %dma_start3A_135 = tpu.memref_slice %arg4[%mul3A_132, %dma_start3A_134] : memref<64000x128xf32, #tpu.memory_space<hbm>> -> memref<128x128xf32, #tpu.memory_space<hbm>>
        tpu.enqueue_dma source(%arg9 : memref<128x128xf32, #tpu.memory_space<vmem>>) target(%dma_start3A_135 : memref<128x128xf32, #tpu.memory_space<hbm>>) target_semaphore(%arg17 : memref<!tpu.dma_semaphore, #tpu.memory_space<semaphore_mem>>)
      } else {
      }
    }
    %scan3A_41 = arith.constant 4 : i32
    %ge3A = arith.constant 1 : i32
    %ge3A_42 = arith.cmpi sge, %select_n3A, %ge3A : i32
    %convert_element_type3A = arith.extui %ge3A_42 : i1 to i32
    %cond3A = arith.constant 0 : i32
    %cond3A_43 = arith.cmpi ne, %convert_element_type3A, %cond3A : i32
    scf.if %cond3A_43 {
      %dma_wait3A = arith.constant 0 : i32
      %dma_wait3A_59 = arith.constant 0 : i32
      %dma_wait3A_60 = tpu.memref_slice %arg2[%dma_wait3A, %dma_wait3A_59] : memref<10000x128xf32, #tpu.memory_space<hbm>> -> memref<128x128xf32, #tpu.memory_space<hbm>>
      %dma_wait3A_61 = arith.constant 0 : i32
      %dma_wait3A_62 = arith.constant 0 : i32
      %dma_wait3A_63 = tpu.memref_slice %arg2[%dma_wait3A_61, %dma_wait3A_62] : memref<10000x128xf32, #tpu.memory_space<hbm>> -> memref<128x128xf32, #tpu.memory_space<hbm>>
      tpu.wait_dma2 semaphore(%arg14 : memref<!tpu.dma_semaphore, #tpu.memory_space<semaphore_mem>>) src(%dma_wait3A_63 : memref<128x128xf32, #tpu.memory_space<hbm>>) dst(%arg6 : memref<128x128xf32, #tpu.memory_space<vmem>>)
    } else {
    }
    %ge3A_44 = arith.constant 2 : i32
    %ge3A_45 = arith.cmpi sge, %select_n3A, %ge3A_44 : i32
    %convert_element_type3A_46 = arith.extui %ge3A_45 : i1 to i32
    %cond3A_47 = arith.constant 0 : i32
    %cond3A_48 = arith.cmpi ne, %convert_element_type3A_46, %cond3A_47 : i32
    scf.if %cond3A_48 {
      %dma_wait3A = arith.constant 0 : i32
      %dma_wait3A_59 = arith.constant 0 : i32
      %dma_wait3A_60 = tpu.memref_slice %arg2[%dma_wait3A, %dma_wait3A_59] : memref<10000x128xf32, #tpu.memory_space<hbm>> -> memref<128x128xf32, #tpu.memory_space<hbm>>
      %dma_wait3A_61 = arith.constant 0 : i32
      %dma_wait3A_62 = arith.constant 0 : i32
      %dma_wait3A_63 = tpu.memref_slice %arg2[%dma_wait3A_61, %dma_wait3A_62] : memref<10000x128xf32, #tpu.memory_space<hbm>> -> memref<128x128xf32, #tpu.memory_space<hbm>>
      tpu.wait_dma2 semaphore(%arg15 : memref<!tpu.dma_semaphore, #tpu.memory_space<semaphore_mem>>) src(%dma_wait3A_63 : memref<128x128xf32, #tpu.memory_space<hbm>>) dst(%arg7 : memref<128x128xf32, #tpu.memory_space<vmem>>)
    } else {
    }
    %ge3A_49 = arith.constant 3 : i32
    %ge3A_50 = arith.cmpi sge, %select_n3A, %ge3A_49 : i32
    %convert_element_type3A_51 = arith.extui %ge3A_50 : i1 to i32
    %cond3A_52 = arith.constant 0 : i32
    %cond3A_53 = arith.cmpi ne, %convert_element_type3A_51, %cond3A_52 : i32
    scf.if %cond3A_53 {
      %dma_wait3A = arith.constant 0 : i32
      %dma_wait3A_59 = arith.constant 0 : i32
      %dma_wait3A_60 = tpu.memref_slice %arg2[%dma_wait3A, %dma_wait3A_59] : memref<10000x128xf32, #tpu.memory_space<hbm>> -> memref<128x128xf32, #tpu.memory_space<hbm>>
      %dma_wait3A_61 = arith.constant 0 : i32
      %dma_wait3A_62 = arith.constant 0 : i32
      %dma_wait3A_63 = tpu.memref_slice %arg2[%dma_wait3A_61, %dma_wait3A_62] : memref<10000x128xf32, #tpu.memory_space<hbm>> -> memref<128x128xf32, #tpu.memory_space<hbm>>
      tpu.wait_dma2 semaphore(%arg16 : memref<!tpu.dma_semaphore, #tpu.memory_space<semaphore_mem>>) src(%dma_wait3A_63 : memref<128x128xf32, #tpu.memory_space<hbm>>) dst(%arg8 : memref<128x128xf32, #tpu.memory_space<vmem>>)
    } else {
    }
    %ge3A_54 = arith.constant 4 : i32
    %ge3A_55 = arith.cmpi sge, %select_n3A, %ge3A_54 : i32
    %convert_element_type3A_56 = arith.extui %ge3A_55 : i1 to i32
    %cond3A_57 = arith.constant 0 : i32
    %cond3A_58 = arith.cmpi ne, %convert_element_type3A_56, %cond3A_57 : i32
    scf.if %cond3A_58 {
      %dma_wait3A = arith.constant 0 : i32
      %dma_wait3A_59 = arith.constant 0 : i32
      %dma_wait3A_60 = tpu.memref_slice %arg2[%dma_wait3A, %dma_wait3A_59] : memref<10000x128xf32, #tpu.memory_space<hbm>> -> memref<128x128xf32, #tpu.memory_space<hbm>>
      %dma_wait3A_61 = arith.constant 0 : i32
      %dma_wait3A_62 = arith.constant 0 : i32
      %dma_wait3A_63 = tpu.memref_slice %arg2[%dma_wait3A_61, %dma_wait3A_62] : memref<10000x128xf32, #tpu.memory_space<hbm>> -> memref<128x128xf32, #tpu.memory_space<hbm>>
      tpu.wait_dma2 semaphore(%arg17 : memref<!tpu.dma_semaphore, #tpu.memory_space<semaphore_mem>>) src(%dma_wait3A_63 : memref<128x128xf32, #tpu.memory_space<hbm>>) dst(%arg9 : memref<128x128xf32, #tpu.memory_space<vmem>>)
    } else {
    }
    return
  }
}

#map = affine_map<(d0, d1) -> (0, 0)>
module attributes {stable_mosaic.version = 14 : i64} {
  func.func @gk(%arg0: i32, %arg1: i32, %arg2: memref<10000x128xf32, #tpu.memory_space<hbm>>, %arg3: memref<2524x128xi32, #tpu.memory_space<hbm>>, %arg4: memref<64000x128xf32, #tpu.memory_space<hbm>>, %arg5: memref<24x128xi32, #tpu.memory_space<vmem>>, %arg6: memref<128x128xf32, #tpu.memory_space<vmem>>, %arg7: memref<128x128xf32, #tpu.memory_space<vmem>>, %arg8: memref<128x128xf32, #tpu.memory_space<vmem>>, %arg9: memref<128x128xf32, #tpu.memory_space<vmem>>, %arg10: memref<!tpu.dma_semaphore, #tpu.memory_space<semaphore_mem>>, %arg11: memref<!tpu.dma_semaphore, #tpu.memory_space<semaphore_mem>>, %arg12: memref<!tpu.dma_semaphore, #tpu.memory_space<semaphore_mem>>, %arg13: memref<!tpu.dma_semaphore, #tpu.memory_space<semaphore_mem>>, %arg14: memref<!tpu.dma_semaphore, #tpu.memory_space<semaphore_mem>>, %arg15: memref<!tpu.dma_semaphore, #tpu.memory_space<semaphore_mem>>, %arg16: memref<!tpu.dma_semaphore, #tpu.memory_space<semaphore_mem>>, %arg17: memref<!tpu.dma_semaphore, #tpu.memory_space<semaphore_mem>>) attributes {dimension_semantics = [#tpu.dimension_semantics<core_parallel>, #tpu.dimension_semantics<subcore_parallel>], iteration_bounds = array<i64: 2, 16>, scalar_prefetch = 0 : i64, scratch_operands = 13 : i64, tpu.core_type = #tpu.core_type<sc_vector_subcore>, window_params = [{transform_indices = #map}, {transform_indices = #map}, {transform_indices = #map}]} {
    %mul3A = arith.constant 2 : i32
    %mul3A_0 = arith.muli %arg1, %mul3A : i32
    %add3A = arith.addi %mul3A_0, %arg0 : i32
    %lt3A = arith.constant 20 : i32
    %lt3A_1 = arith.cmpi slt, %add3A, %lt3A : i32
    %jit3A = arith.constant 16 : i32
    %jit3A_2 = arith.constant 15 : i32
    %select_n3A = arith.select %lt3A_1, %jit3A, %jit3A_2 : i32
    %lt3A_3 = arith.constant 20 : i32
    %lt3A_4 = arith.cmpi slt, %add3A, %lt3A_3 : i32
    %mul3A_5 = arith.constant 16 : i32
    %mul3A_6 = arith.muli %mul3A_5, %add3A : i32
    %sub3A = arith.constant 20 : i32
    %sub3A_7 = arith.subi %add3A, %sub3A : i32
    %mul3A_8 = arith.constant 15 : i32
    %mul3A_9 = arith.muli %mul3A_8, %sub3A_7 : i32
    %add3A_10 = arith.constant 320 : i32
    %add3A_11 = arith.addi %add3A_10, %mul3A_9 : i32
    %select_n3A_12 = arith.select %lt3A_4, %mul3A_6, %add3A_11 : i32
    %add3A_13 = arith.constant 1000 : i32
    %add3A_14 = arith.addi %add3A_13, %select_n3A_12 : i32
    %jit3A_15 = arith.constant 8 : i32
    %div3A = arith.divsi %add3A_14, %jit3A_15 : i32
    %sign3A = arith.constant 0 : i32
    %sign3A_16 = arith.cmpi sgt, %add3A_14, %sign3A : i32
    %sign3A_17 = arith.extui %sign3A_16 : i1 to i32
    %sign3A_18 = arith.constant 0 : i32
    %sign3A_19 = arith.cmpi slt, %add3A_14, %sign3A_18 : i32
    %sign3A_20 = arith.extui %sign3A_19 : i1 to i32
    %sign3A_21 = arith.subi %sign3A_17, %sign3A_20 : i32
    %sign3A_22 = arith.constant 0 : i32
    %sign3A_23 = arith.cmpi sgt, %jit3A_15, %sign3A_22 : i32
    %sign3A_24 = arith.extui %sign3A_23 : i1 to i32
    %sign3A_25 = arith.constant 0 : i32
    %sign3A_26 = arith.cmpi slt, %jit3A_15, %sign3A_25 : i32
    %sign3A_27 = arith.extui %sign3A_26 : i1 to i32
    %sign3A_28 = arith.subi %sign3A_24, %sign3A_27 : i32
    %ne3A = arith.cmpi ne, %sign3A_21, %sign3A_28 : i32
    %rem3A = arith.remsi %add3A_14, %jit3A_15 : i32
    %ne3A_29 = arith.constant 0 : i32
    %ne3A_30 = arith.cmpi ne, %rem3A, %ne3A_29 : i32
    %and3A = arith.andi %ne3A, %ne3A_30 : i1
    %sub3A_31 = arith.constant 1 : i32
    %sub3A_32 = arith.subi %div3A, %sub3A_31 : i32
    %select_n3A_33 = arith.select %and3A, %sub3A_32, %div3A : i32
    %mul3A_34 = arith.constant 8 : i32
    %mul3A_35 = arith.muli %select_n3A_33, %mul3A_34 : i32
    %sub3A_36 = arith.subi %add3A_14, %mul3A_35 : i32
    "tpu.region"() ({
      %run_scoped3A = tpu.sem_alloc : memref<!tpu.dma_semaphore, #tpu.memory_space<semaphore_mem>>
      %dma_start3A = arith.constant 0 : i32
      %dma_start3A_59 = tpu.memref_slice %arg3[%mul3A_35, %dma_start3A] : memref<2524x128xi32, #tpu.memory_space<hbm>> -> memref<24x128xi32, #tpu.memory_space<hbm>>
      %dma_start3A_60 = arith.constant 0 : i32
      %dma_start3A_61 = tpu.memref_slice %arg3[%mul3A_35, %dma_start3A_60] : memref<2524x128xi32, #tpu.memory_space<hbm>> -> memref<24x128xi32, #tpu.memory_space<hbm>>
      tpu.enqueue_dma source(%dma_start3A_61 : memref<24x128xi32, #tpu.memory_space<hbm>>) target(%arg5 : memref<24x128xi32, #tpu.memory_space<vmem>>) target_semaphore(%run_scoped3A : memref<!tpu.dma_semaphore, #tpu.memory_space<semaphore_mem>>)
      %dma_wait3A = arith.constant 0 : i32
      %dma_wait3A_62 = tpu.memref_slice %arg3[%mul3A_35, %dma_wait3A] : memref<2524x128xi32, #tpu.memory_space<hbm>> -> memref<24x128xi32, #tpu.memory_space<hbm>>
      %dma_wait3A_63 = arith.constant 0 : i32
      %dma_wait3A_64 = tpu.memref_slice %arg3[%mul3A_35, %dma_wait3A_63] : memref<2524x128xi32, #tpu.memory_space<hbm>> -> memref<24x128xi32, #tpu.memory_space<hbm>>
      tpu.wait_dma2 semaphore(%run_scoped3A : memref<!tpu.dma_semaphore, #tpu.memory_space<semaphore_mem>>) src(%dma_wait3A_64 : memref<24x128xi32, #tpu.memory_space<hbm>>) dst(%arg5 : memref<24x128xi32, #tpu.memory_space<vmem>>)
      tpu.yield
    }) : () -> ()
    %scan3A = arith.constant 0 : i32
    %scan3A_37 = arith.constant 0 : i32
    %scan3A_38 = arith.constant 4 : i32
    %scan3A_39 = arith.addi %scan3A_37, %scan3A_38 : i32
    %scan3A_40 = arith.constant 1 : i32
    scf.for %scan3A_59 = %scan3A_37 to %scan3A_39 step %scan3A_40  : i32 {
      %mul3A_60 = arith.constant 4 : i32
      %mul3A_61 = arith.muli %mul3A_60, %scan3A_59 : i32
      %add3A_62 = arith.constant 0 : i32
      %add3A_63 = arith.addi %mul3A_61, %add3A_62 : i32
      %lt3A_64 = arith.cmpi slt, %add3A_63, %select_n3A : i32
      %convert_element_type3A_65 = arith.extui %lt3A_64 : i1 to i32
      %cond3A_66 = arith.constant 0 : i32
      %cond3A_67 = arith.cmpi ne, %convert_element_type3A_65, %cond3A_66 : i32
      scf.if %cond3A_67 {
        %ge3A_124 = arith.constant 1 : i32
        %ge3A_125 = arith.cmpi sge, %scan3A_59, %ge3A_124 : i32
        %convert_element_type3A_126 = arith.extui %ge3A_125 : i1 to i32
        %cond3A_127 = arith.constant 0 : i32
        %cond3A_128 = arith.cmpi ne, %convert_element_type3A_126, %cond3A_127 : i32
        scf.if %cond3A_128 {
          %dma_wait3A = arith.constant 0 : i32
          %dma_wait3A_135 = arith.constant 0 : i32
          %dma_wait3A_136 = tpu.memref_slice %arg2[%dma_wait3A, %dma_wait3A_135] : memref<10000x128xf32, #tpu.memory_space<hbm>> -> memref<128x128xf32, #tpu.memory_space<hbm>>
          %dma_wait3A_137 = arith.constant 0 : i32
          %dma_wait3A_138 = arith.constant 0 : i32
          %dma_wait3A_139 = tpu.memref_slice %arg2[%dma_wait3A_137, %dma_wait3A_138] : memref<10000x128xf32, #tpu.memory_space<hbm>> -> memref<128x128xf32, #tpu.memory_space<hbm>>
          tpu.wait_dma2 semaphore(%arg14 : memref<!tpu.dma_semaphore, #tpu.memory_space<semaphore_mem>>) src(%dma_wait3A_139 : memref<128x128xf32, #tpu.memory_space<hbm>>) dst(%arg6 : memref<128x128xf32, #tpu.memory_space<vmem>>)
        } else {
        }
        %add3A_129 = arith.addi %sub3A_36, %add3A_63 : i32
        %dma_start3A = arith.constant 0 : i32
        %dma_start3A_130 = tpu.memref_slice %arg5[%add3A_129, %dma_start3A] : memref<24x128xi32, #tpu.memory_space<vmem>> -> memref<1x128xi32, #tpu.memory_space<vmem>>
        %dma_start3A_131 = tpu.memref_squeeze %dma_start3A_130 : memref<1x128xi32, #tpu.memory_space<vmem>> -> memref<128xi32, #tpu.memory_space<vmem>>
        %dma_start3A_132 = arith.constant 0 : i32
        %dma_start3A_133 = arith.constant 0 : i32
        %dma_start3A_134 = tpu.memref_slice %arg2[%dma_start3A_132, %dma_start3A_133] : memref<10000x128xf32, #tpu.memory_space<hbm>> -> memref<10000x128xf32, #tpu.memory_space<hbm>>
        tpu.enqueue_indirect_dma source(%dma_start3A_134 : memref<10000x128xf32, #tpu.memory_space<hbm>>) target(%arg6 : memref<128x128xf32, #tpu.memory_space<vmem>>) offsets(%dma_start3A_131 : memref<128xi32, #tpu.memory_space<vmem>>) semaphore(%arg10 : memref<!tpu.dma_semaphore, #tpu.memory_space<semaphore_mem>>)
      } else {
      }
      %mul3A_68 = arith.constant 4 : i32
      %mul3A_69 = arith.muli %mul3A_68, %scan3A_59 : i32
      %add3A_70 = arith.constant 1 : i32
      %add3A_71 = arith.addi %mul3A_69, %add3A_70 : i32
      %lt3A_72 = arith.cmpi slt, %add3A_71, %select_n3A : i32
      %convert_element_type3A_73 = arith.extui %lt3A_72 : i1 to i32
      %cond3A_74 = arith.constant 0 : i32
      %cond3A_75 = arith.cmpi ne, %convert_element_type3A_73, %cond3A_74 : i32
      scf.if %cond3A_75 {
        %ge3A_124 = arith.constant 1 : i32
        %ge3A_125 = arith.cmpi sge, %scan3A_59, %ge3A_124 : i32
        %convert_element_type3A_126 = arith.extui %ge3A_125 : i1 to i32
        %cond3A_127 = arith.constant 0 : i32
        %cond3A_128 = arith.cmpi ne, %convert_element_type3A_126, %cond3A_127 : i32
        scf.if %cond3A_128 {
          %dma_wait3A = arith.constant 0 : i32
          %dma_wait3A_135 = arith.constant 0 : i32
          %dma_wait3A_136 = tpu.memref_slice %arg2[%dma_wait3A, %dma_wait3A_135] : memref<10000x128xf32, #tpu.memory_space<hbm>> -> memref<128x128xf32, #tpu.memory_space<hbm>>
          %dma_wait3A_137 = arith.constant 0 : i32
          %dma_wait3A_138 = arith.constant 0 : i32
          %dma_wait3A_139 = tpu.memref_slice %arg2[%dma_wait3A_137, %dma_wait3A_138] : memref<10000x128xf32, #tpu.memory_space<hbm>> -> memref<128x128xf32, #tpu.memory_space<hbm>>
          tpu.wait_dma2 semaphore(%arg15 : memref<!tpu.dma_semaphore, #tpu.memory_space<semaphore_mem>>) src(%dma_wait3A_139 : memref<128x128xf32, #tpu.memory_space<hbm>>) dst(%arg7 : memref<128x128xf32, #tpu.memory_space<vmem>>)
        } else {
        }
        %add3A_129 = arith.addi %sub3A_36, %add3A_71 : i32
        %dma_start3A = arith.constant 0 : i32
        %dma_start3A_130 = tpu.memref_slice %arg5[%add3A_129, %dma_start3A] : memref<24x128xi32, #tpu.memory_space<vmem>> -> memref<1x128xi32, #tpu.memory_space<vmem>>
        %dma_start3A_131 = tpu.memref_squeeze %dma_start3A_130 : memref<1x128xi32, #tpu.memory_space<vmem>> -> memref<128xi32, #tpu.memory_space<vmem>>
        %dma_start3A_132 = arith.constant 0 : i32
        %dma_start3A_133 = arith.constant 0 : i32
        %dma_start3A_134 = tpu.memref_slice %arg2[%dma_start3A_132, %dma_start3A_133] : memref<10000x128xf32, #tpu.memory_space<hbm>> -> memref<10000x128xf32, #tpu.memory_space<hbm>>
        tpu.enqueue_indirect_dma source(%dma_start3A_134 : memref<10000x128xf32, #tpu.memory_space<hbm>>) target(%arg7 : memref<128x128xf32, #tpu.memory_space<vmem>>) offsets(%dma_start3A_131 : memref<128xi32, #tpu.memory_space<vmem>>) semaphore(%arg11 : memref<!tpu.dma_semaphore, #tpu.memory_space<semaphore_mem>>)
      } else {
      }
      %mul3A_76 = arith.constant 4 : i32
      %mul3A_77 = arith.muli %mul3A_76, %scan3A_59 : i32
      %add3A_78 = arith.constant 2 : i32
      %add3A_79 = arith.addi %mul3A_77, %add3A_78 : i32
      %lt3A_80 = arith.cmpi slt, %add3A_79, %select_n3A : i32
      %convert_element_type3A_81 = arith.extui %lt3A_80 : i1 to i32
      %cond3A_82 = arith.constant 0 : i32
      %cond3A_83 = arith.cmpi ne, %convert_element_type3A_81, %cond3A_82 : i32
      scf.if %cond3A_83 {
        %ge3A_124 = arith.constant 1 : i32
        %ge3A_125 = arith.cmpi sge, %scan3A_59, %ge3A_124 : i32
        %convert_element_type3A_126 = arith.extui %ge3A_125 : i1 to i32
        %cond3A_127 = arith.constant 0 : i32
        %cond3A_128 = arith.cmpi ne, %convert_element_type3A_126, %cond3A_127 : i32
        scf.if %cond3A_128 {
          %dma_wait3A = arith.constant 0 : i32
          %dma_wait3A_135 = arith.constant 0 : i32
          %dma_wait3A_136 = tpu.memref_slice %arg2[%dma_wait3A, %dma_wait3A_135] : memref<10000x128xf32, #tpu.memory_space<hbm>> -> memref<128x128xf32, #tpu.memory_space<hbm>>
          %dma_wait3A_137 = arith.constant 0 : i32
          %dma_wait3A_138 = arith.constant 0 : i32
          %dma_wait3A_139 = tpu.memref_slice %arg2[%dma_wait3A_137, %dma_wait3A_138] : memref<10000x128xf32, #tpu.memory_space<hbm>> -> memref<128x128xf32, #tpu.memory_space<hbm>>
          tpu.wait_dma2 semaphore(%arg16 : memref<!tpu.dma_semaphore, #tpu.memory_space<semaphore_mem>>) src(%dma_wait3A_139 : memref<128x128xf32, #tpu.memory_space<hbm>>) dst(%arg8 : memref<128x128xf32, #tpu.memory_space<vmem>>)
        } else {
        }
        %add3A_129 = arith.addi %sub3A_36, %add3A_79 : i32
        %dma_start3A = arith.constant 0 : i32
        %dma_start3A_130 = tpu.memref_slice %arg5[%add3A_129, %dma_start3A] : memref<24x128xi32, #tpu.memory_space<vmem>> -> memref<1x128xi32, #tpu.memory_space<vmem>>
        %dma_start3A_131 = tpu.memref_squeeze %dma_start3A_130 : memref<1x128xi32, #tpu.memory_space<vmem>> -> memref<128xi32, #tpu.memory_space<vmem>>
        %dma_start3A_132 = arith.constant 0 : i32
        %dma_start3A_133 = arith.constant 0 : i32
        %dma_start3A_134 = tpu.memref_slice %arg2[%dma_start3A_132, %dma_start3A_133] : memref<10000x128xf32, #tpu.memory_space<hbm>> -> memref<10000x128xf32, #tpu.memory_space<hbm>>
        tpu.enqueue_indirect_dma source(%dma_start3A_134 : memref<10000x128xf32, #tpu.memory_space<hbm>>) target(%arg8 : memref<128x128xf32, #tpu.memory_space<vmem>>) offsets(%dma_start3A_131 : memref<128xi32, #tpu.memory_space<vmem>>) semaphore(%arg12 : memref<!tpu.dma_semaphore, #tpu.memory_space<semaphore_mem>>)
      } else {
      }
      %mul3A_84 = arith.constant 4 : i32
      %mul3A_85 = arith.muli %mul3A_84, %scan3A_59 : i32
      %add3A_86 = arith.constant 3 : i32
      %add3A_87 = arith.addi %mul3A_85, %add3A_86 : i32
      %lt3A_88 = arith.cmpi slt, %add3A_87, %select_n3A : i32
      %convert_element_type3A_89 = arith.extui %lt3A_88 : i1 to i32
      %cond3A_90 = arith.constant 0 : i32
      %cond3A_91 = arith.cmpi ne, %convert_element_type3A_89, %cond3A_90 : i32
      scf.if %cond3A_91 {
        %ge3A_124 = arith.constant 1 : i32
        %ge3A_125 = arith.cmpi sge, %scan3A_59, %ge3A_124 : i32
        %convert_element_type3A_126 = arith.extui %ge3A_125 : i1 to i32
        %cond3A_127 = arith.constant 0 : i32
        %cond3A_128 = arith.cmpi ne, %convert_element_type3A_126, %cond3A_127 : i32
        scf.if %cond3A_128 {
          %dma_wait3A = arith.constant 0 : i32
          %dma_wait3A_135 = arith.constant 0 : i32
          %dma_wait3A_136 = tpu.memref_slice %arg2[%dma_wait3A, %dma_wait3A_135] : memref<10000x128xf32, #tpu.memory_space<hbm>> -> memref<128x128xf32, #tpu.memory_space<hbm>>
          %dma_wait3A_137 = arith.constant 0 : i32
          %dma_wait3A_138 = arith.constant 0 : i32
          %dma_wait3A_139 = tpu.memref_slice %arg2[%dma_wait3A_137, %dma_wait3A_138] : memref<10000x128xf32, #tpu.memory_space<hbm>> -> memref<128x128xf32, #tpu.memory_space<hbm>>
          tpu.wait_dma2 semaphore(%arg17 : memref<!tpu.dma_semaphore, #tpu.memory_space<semaphore_mem>>) src(%dma_wait3A_139 : memref<128x128xf32, #tpu.memory_space<hbm>>) dst(%arg9 : memref<128x128xf32, #tpu.memory_space<vmem>>)
        } else {
        }
        %add3A_129 = arith.addi %sub3A_36, %add3A_87 : i32
        %dma_start3A = arith.constant 0 : i32
        %dma_start3A_130 = tpu.memref_slice %arg5[%add3A_129, %dma_start3A] : memref<24x128xi32, #tpu.memory_space<vmem>> -> memref<1x128xi32, #tpu.memory_space<vmem>>
        %dma_start3A_131 = tpu.memref_squeeze %dma_start3A_130 : memref<1x128xi32, #tpu.memory_space<vmem>> -> memref<128xi32, #tpu.memory_space<vmem>>
        %dma_start3A_132 = arith.constant 0 : i32
        %dma_start3A_133 = arith.constant 0 : i32
        %dma_start3A_134 = tpu.memref_slice %arg2[%dma_start3A_132, %dma_start3A_133] : memref<10000x128xf32, #tpu.memory_space<hbm>> -> memref<10000x128xf32, #tpu.memory_space<hbm>>
        tpu.enqueue_indirect_dma source(%dma_start3A_134 : memref<10000x128xf32, #tpu.memory_space<hbm>>) target(%arg9 : memref<128x128xf32, #tpu.memory_space<vmem>>) offsets(%dma_start3A_131 : memref<128xi32, #tpu.memory_space<vmem>>) semaphore(%arg13 : memref<!tpu.dma_semaphore, #tpu.memory_space<semaphore_mem>>)
      } else {
      }
      %mul3A_92 = arith.constant 4 : i32
      %mul3A_93 = arith.muli %mul3A_92, %scan3A_59 : i32
      %add3A_94 = arith.constant 0 : i32
      %add3A_95 = arith.addi %mul3A_93, %add3A_94 : i32
      %lt3A_96 = arith.cmpi slt, %add3A_95, %select_n3A : i32
      %convert_element_type3A_97 = arith.extui %lt3A_96 : i1 to i32
      %cond3A_98 = arith.constant 0 : i32
      %cond3A_99 = arith.cmpi ne, %convert_element_type3A_97, %cond3A_98 : i32
      scf.if %cond3A_99 {
        %add3A_124 = arith.addi %sub3A_36, %add3A_95 : i32
        %dma_wait3A = arith.constant 0 : i32
        %dma_wait3A_125 = tpu.memref_slice %arg5[%add3A_124, %dma_wait3A] : memref<24x128xi32, #tpu.memory_space<vmem>> -> memref<1x128xi32, #tpu.memory_space<vmem>>
        %dma_wait3A_126 = tpu.memref_squeeze %dma_wait3A_125 : memref<1x128xi32, #tpu.memory_space<vmem>> -> memref<128xi32, #tpu.memory_space<vmem>>
        %dma_wait3A_127 = arith.constant 0 : i32
        %dma_wait3A_128 = arith.constant 0 : i32
        %dma_wait3A_129 = tpu.memref_slice %arg2[%dma_wait3A_127, %dma_wait3A_128] : memref<10000x128xf32, #tpu.memory_space<hbm>> -> memref<10000x128xf32, #tpu.memory_space<hbm>>
        tpu.wait_indirect_dma semaphore(%arg10 : memref<!tpu.dma_semaphore, #tpu.memory_space<semaphore_mem>>) src(%dma_wait3A_129 : memref<10000x128xf32, #tpu.memory_space<hbm>>) dst(%arg6 : memref<128x128xf32, #tpu.memory_space<vmem>>)
        %add3A_130 = arith.addi %select_n3A_12, %add3A_95 : i32
        %mul3A_131 = arith.constant 128 : i32
        %mul3A_132 = arith.muli %add3A_130, %mul3A_131 : i32
        %dma_start3A = arith.constant 0 : i32
        %dma_start3A_133 = tpu.memref_slice %arg4[%mul3A_132, %dma_start3A] : memref<64000x128xf32, #tpu.memory_space<hbm>> -> memref<128x128xf32, #tpu.memory_space<hbm>>
        %dma_start3A_134 = arith.constant 0 : i32
        %dma_start3A_135 = tpu.memref_slice %arg4[%mul3A_132, %dma_start3A_134] : memref<64000x128xf32, #tpu.memory_space<hbm>> -> memref<128x128xf32, #tpu.memory_space<hbm>>
        tpu.enqueue_dma source(%arg6 : memref<128x128xf32, #tpu.memory_space<vmem>>) target(%dma_start3A_135 : memref<128x128xf32, #tpu.memory_space<hbm>>) target_semaphore(%arg14 : memref<!tpu.dma_semaphore, #tpu.memory_space<semaphore_mem>>)
      } else {
      }
      %mul3A_100 = arith.constant 4 : i32
      %mul3A_101 = arith.muli %mul3A_100, %scan3A_59 : i32
      %add3A_102 = arith.constant 1 : i32
      %add3A_103 = arith.addi %mul3A_101, %add3A_102 : i32
      %lt3A_104 = arith.cmpi slt, %add3A_103, %select_n3A : i32
      %convert_element_type3A_105 = arith.extui %lt3A_104 : i1 to i32
      %cond3A_106 = arith.constant 0 : i32
      %cond3A_107 = arith.cmpi ne, %convert_element_type3A_105, %cond3A_106 : i32
      scf.if %cond3A_107 {
        %add3A_124 = arith.addi %sub3A_36, %add3A_103 : i32
        %dma_wait3A = arith.constant 0 : i32
        %dma_wait3A_125 = tpu.memref_slice %arg5[%add3A_124, %dma_wait3A] : memref<24x128xi32, #tpu.memory_space<vmem>> -> memref<1x128xi32, #tpu.memory_space<vmem>>
        %dma_wait3A_126 = tpu.memref_squeeze %dma_wait3A_125 : memref<1x128xi32, #tpu.memory_space<vmem>> -> memref<128xi32, #tpu.memory_space<vmem>>
        %dma_wait3A_127 = arith.constant 0 : i32
        %dma_wait3A_128 = arith.constant 0 : i32
        %dma_wait3A_129 = tpu.memref_slice %arg2[%dma_wait3A_127, %dma_wait3A_128] : memref<10000x128xf32, #tpu.memory_space<hbm>> -> memref<10000x128xf32, #tpu.memory_space<hbm>>
        tpu.wait_indirect_dma semaphore(%arg11 : memref<!tpu.dma_semaphore, #tpu.memory_space<semaphore_mem>>) src(%dma_wait3A_129 : memref<10000x128xf32, #tpu.memory_space<hbm>>) dst(%arg7 : memref<128x128xf32, #tpu.memory_space<vmem>>)
        %add3A_130 = arith.addi %select_n3A_12, %add3A_103 : i32
        %mul3A_131 = arith.constant 128 : i32
        %mul3A_132 = arith.muli %add3A_130, %mul3A_131 : i32
        %dma_start3A = arith.constant 0 : i32
        %dma_start3A_133 = tpu.memref_slice %arg4[%mul3A_132, %dma_start3A] : memref<64000x128xf32, #tpu.memory_space<hbm>> -> memref<128x128xf32, #tpu.memory_space<hbm>>
        %dma_start3A_134 = arith.constant 0 : i32
        %dma_start3A_135 = tpu.memref_slice %arg4[%mul3A_132, %dma_start3A_134] : memref<64000x128xf32, #tpu.memory_space<hbm>> -> memref<128x128xf32, #tpu.memory_space<hbm>>
        tpu.enqueue_dma source(%arg7 : memref<128x128xf32, #tpu.memory_space<vmem>>) target(%dma_start3A_135 : memref<128x128xf32, #tpu.memory_space<hbm>>) target_semaphore(%arg15 : memref<!tpu.dma_semaphore, #tpu.memory_space<semaphore_mem>>)
      } else {
      }
      %mul3A_108 = arith.constant 4 : i32
      %mul3A_109 = arith.muli %mul3A_108, %scan3A_59 : i32
      %add3A_110 = arith.constant 2 : i32
      %add3A_111 = arith.addi %mul3A_109, %add3A_110 : i32
      %lt3A_112 = arith.cmpi slt, %add3A_111, %select_n3A : i32
      %convert_element_type3A_113 = arith.extui %lt3A_112 : i1 to i32
      %cond3A_114 = arith.constant 0 : i32
      %cond3A_115 = arith.cmpi ne, %convert_element_type3A_113, %cond3A_114 : i32
      scf.if %cond3A_115 {
        %add3A_124 = arith.addi %sub3A_36, %add3A_111 : i32
        %dma_wait3A = arith.constant 0 : i32
        %dma_wait3A_125 = tpu.memref_slice %arg5[%add3A_124, %dma_wait3A] : memref<24x128xi32, #tpu.memory_space<vmem>> -> memref<1x128xi32, #tpu.memory_space<vmem>>
        %dma_wait3A_126 = tpu.memref_squeeze %dma_wait3A_125 : memref<1x128xi32, #tpu.memory_space<vmem>> -> memref<128xi32, #tpu.memory_space<vmem>>
        %dma_wait3A_127 = arith.constant 0 : i32
        %dma_wait3A_128 = arith.constant 0 : i32
        %dma_wait3A_129 = tpu.memref_slice %arg2[%dma_wait3A_127, %dma_wait3A_128] : memref<10000x128xf32, #tpu.memory_space<hbm>> -> memref<10000x128xf32, #tpu.memory_space<hbm>>
        tpu.wait_indirect_dma semaphore(%arg12 : memref<!tpu.dma_semaphore, #tpu.memory_space<semaphore_mem>>) src(%dma_wait3A_129 : memref<10000x128xf32, #tpu.memory_space<hbm>>) dst(%arg8 : memref<128x128xf32, #tpu.memory_space<vmem>>)
        %add3A_130 = arith.addi %select_n3A_12, %add3A_111 : i32
        %mul3A_131 = arith.constant 128 : i32
        %mul3A_132 = arith.muli %add3A_130, %mul3A_131 : i32
        %dma_start3A = arith.constant 0 : i32
        %dma_start3A_133 = tpu.memref_slice %arg4[%mul3A_132, %dma_start3A] : memref<64000x128xf32, #tpu.memory_space<hbm>> -> memref<128x128xf32, #tpu.memory_space<hbm>>
        %dma_start3A_134 = arith.constant 0 : i32
        %dma_start3A_135 = tpu.memref_slice %arg4[%mul3A_132, %dma_start3A_134] : memref<64000x128xf32, #tpu.memory_space<hbm>> -> memref<128x128xf32, #tpu.memory_space<hbm>>
        tpu.enqueue_dma source(%arg8 : memref<128x128xf32, #tpu.memory_space<vmem>>) target(%dma_start3A_135 : memref<128x128xf32, #tpu.memory_space<hbm>>) target_semaphore(%arg16 : memref<!tpu.dma_semaphore, #tpu.memory_space<semaphore_mem>>)
      } else {
      }
      %mul3A_116 = arith.constant 4 : i32
      %mul3A_117 = arith.muli %mul3A_116, %scan3A_59 : i32
      %add3A_118 = arith.constant 3 : i32
      %add3A_119 = arith.addi %mul3A_117, %add3A_118 : i32
      %lt3A_120 = arith.cmpi slt, %add3A_119, %select_n3A : i32
      %convert_element_type3A_121 = arith.extui %lt3A_120 : i1 to i32
      %cond3A_122 = arith.constant 0 : i32
      %cond3A_123 = arith.cmpi ne, %convert_element_type3A_121, %cond3A_122 : i32
      scf.if %cond3A_123 {
        %add3A_124 = arith.addi %sub3A_36, %add3A_119 : i32
        %dma_wait3A = arith.constant 0 : i32
        %dma_wait3A_125 = tpu.memref_slice %arg5[%add3A_124, %dma_wait3A] : memref<24x128xi32, #tpu.memory_space<vmem>> -> memref<1x128xi32, #tpu.memory_space<vmem>>
        %dma_wait3A_126 = tpu.memref_squeeze %dma_wait3A_125 : memref<1x128xi32, #tpu.memory_space<vmem>> -> memref<128xi32, #tpu.memory_space<vmem>>
        %dma_wait3A_127 = arith.constant 0 : i32
        %dma_wait3A_128 = arith.constant 0 : i32
        %dma_wait3A_129 = tpu.memref_slice %arg2[%dma_wait3A_127, %dma_wait3A_128] : memref<10000x128xf32, #tpu.memory_space<hbm>> -> memref<10000x128xf32, #tpu.memory_space<hbm>>
        tpu.wait_indirect_dma semaphore(%arg13 : memref<!tpu.dma_semaphore, #tpu.memory_space<semaphore_mem>>) src(%dma_wait3A_129 : memref<10000x128xf32, #tpu.memory_space<hbm>>) dst(%arg9 : memref<128x128xf32, #tpu.memory_space<vmem>>)
        %add3A_130 = arith.addi %select_n3A_12, %add3A_119 : i32
        %mul3A_131 = arith.constant 128 : i32
        %mul3A_132 = arith.muli %add3A_130, %mul3A_131 : i32
        %dma_start3A = arith.constant 0 : i32
        %dma_start3A_133 = tpu.memref_slice %arg4[%mul3A_132, %dma_start3A] : memref<64000x128xf32, #tpu.memory_space<hbm>> -> memref<128x128xf32, #tpu.memory_space<hbm>>
        %dma_start3A_134 = arith.constant 0 : i32
        %dma_start3A_135 = tpu.memref_slice %arg4[%mul3A_132, %dma_start3A_134] : memref<64000x128xf32, #tpu.memory_space<hbm>> -> memref<128x128xf32, #tpu.memory_space<hbm>>
        tpu.enqueue_dma source(%arg9 : memref<128x128xf32, #tpu.memory_space<vmem>>) target(%dma_start3A_135 : memref<128x128xf32, #tpu.memory_space<hbm>>) target_semaphore(%arg17 : memref<!tpu.dma_semaphore, #tpu.memory_space<semaphore_mem>>)
      } else {
      }
    }
    %scan3A_41 = arith.constant 4 : i32
    %ge3A = arith.constant 1 : i32
    %ge3A_42 = arith.cmpi sge, %select_n3A, %ge3A : i32
    %convert_element_type3A = arith.extui %ge3A_42 : i1 to i32
    %cond3A = arith.constant 0 : i32
    %cond3A_43 = arith.cmpi ne, %convert_element_type3A, %cond3A : i32
    scf.if %cond3A_43 {
      %dma_wait3A = arith.constant 0 : i32
      %dma_wait3A_59 = arith.constant 0 : i32
      %dma_wait3A_60 = tpu.memref_slice %arg2[%dma_wait3A, %dma_wait3A_59] : memref<10000x128xf32, #tpu.memory_space<hbm>> -> memref<128x128xf32, #tpu.memory_space<hbm>>
      %dma_wait3A_61 = arith.constant 0 : i32
      %dma_wait3A_62 = arith.constant 0 : i32
      %dma_wait3A_63 = tpu.memref_slice %arg2[%dma_wait3A_61, %dma_wait3A_62] : memref<10000x128xf32, #tpu.memory_space<hbm>> -> memref<128x128xf32, #tpu.memory_space<hbm>>
      tpu.wait_dma2 semaphore(%arg14 : memref<!tpu.dma_semaphore, #tpu.memory_space<semaphore_mem>>) src(%dma_wait3A_63 : memref<128x128xf32, #tpu.memory_space<hbm>>) dst(%arg6 : memref<128x128xf32, #tpu.memory_space<vmem>>)
    } else {
    }
    %ge3A_44 = arith.constant 2 : i32
    %ge3A_45 = arith.cmpi sge, %select_n3A, %ge3A_44 : i32
    %convert_element_type3A_46 = arith.extui %ge3A_45 : i1 to i32
    %cond3A_47 = arith.constant 0 : i32
    %cond3A_48 = arith.cmpi ne, %convert_element_type3A_46, %cond3A_47 : i32
    scf.if %cond3A_48 {
      %dma_wait3A = arith.constant 0 : i32
      %dma_wait3A_59 = arith.constant 0 : i32
      %dma_wait3A_60 = tpu.memref_slice %arg2[%dma_wait3A, %dma_wait3A_59] : memref<10000x128xf32, #tpu.memory_space<hbm>> -> memref<128x128xf32, #tpu.memory_space<hbm>>
      %dma_wait3A_61 = arith.constant 0 : i32
      %dma_wait3A_62 = arith.constant 0 : i32
      %dma_wait3A_63 = tpu.memref_slice %arg2[%dma_wait3A_61, %dma_wait3A_62] : memref<10000x128xf32, #tpu.memory_space<hbm>> -> memref<128x128xf32, #tpu.memory_space<hbm>>
      tpu.wait_dma2 semaphore(%arg15 : memref<!tpu.dma_semaphore, #tpu.memory_space<semaphore_mem>>) src(%dma_wait3A_63 : memref<128x128xf32, #tpu.memory_space<hbm>>) dst(%arg7 : memref<128x128xf32, #tpu.memory_space<vmem>>)
    } else {
    }
    %ge3A_49 = arith.constant 3 : i32
    %ge3A_50 = arith.cmpi sge, %select_n3A, %ge3A_49 : i32
    %convert_element_type3A_51 = arith.extui %ge3A_50 : i1 to i32
    %cond3A_52 = arith.constant 0 : i32
    %cond3A_53 = arith.cmpi ne, %convert_element_type3A_51, %cond3A_52 : i32
    scf.if %cond3A_53 {
      %dma_wait3A = arith.constant 0 : i32
      %dma_wait3A_59 = arith.constant 0 : i32
      %dma_wait3A_60 = tpu.memref_slice %arg2[%dma_wait3A, %dma_wait3A_59] : memref<10000x128xf32, #tpu.memory_space<hbm>> -> memref<128x128xf32, #tpu.memory_space<hbm>>
      %dma_wait3A_61 = arith.constant 0 : i32
      %dma_wait3A_62 = arith.constant 0 : i32
      %dma_wait3A_63 = tpu.memref_slice %arg2[%dma_wait3A_61, %dma_wait3A_62] : memref<10000x128xf32, #tpu.memory_space<hbm>> -> memref<128x128xf32, #tpu.memory_space<hbm>>
      tpu.wait_dma2 semaphore(%arg16 : memref<!tpu.dma_semaphore, #tpu.memory_space<semaphore_mem>>) src(%dma_wait3A_63 : memref<128x128xf32, #tpu.memory_space<hbm>>) dst(%arg8 : memref<128x128xf32, #tpu.memory_space<vmem>>)
    } else {
    }
    %ge3A_54 = arith.constant 4 : i32
    %ge3A_55 = arith.cmpi sge, %select_n3A, %ge3A_54 : i32
    %convert_element_type3A_56 = arith.extui %ge3A_55 : i1 to i32
    %cond3A_57 = arith.constant 0 : i32
    %cond3A_58 = arith.cmpi ne, %convert_element_type3A_56, %cond3A_57 : i32
    scf.if %cond3A_58 {
      %dma_wait3A = arith.constant 0 : i32
      %dma_wait3A_59 = arith.constant 0 : i32
      %dma_wait3A_60 = tpu.memref_slice %arg2[%dma_wait3A, %dma_wait3A_59] : memref<10000x128xf32, #tpu.memory_space<hbm>> -> memref<128x128xf32, #tpu.memory_space<hbm>>
      %dma_wait3A_61 = arith.constant 0 : i32
      %dma_wait3A_62 = arith.constant 0 : i32
      %dma_wait3A_63 = tpu.memref_slice %arg2[%dma_wait3A_61, %dma_wait3A_62] : memref<10000x128xf32, #tpu.memory_space<hbm>> -> memref<128x128xf32, #tpu.memory_space<hbm>>
      tpu.wait_dma2 semaphore(%arg17 : memref<!tpu.dma_semaphore, #tpu.memory_space<semaphore_mem>>) src(%dma_wait3A_63 : memref<128x128xf32, #tpu.memory_space<hbm>>) dst(%arg9 : memref<128x128xf32, #tpu.memory_space<vmem>>)
    } else {
    }
    return
  }
}

#map = affine_map<(d0, d1) -> (0, 0)>
module attributes {stable_mosaic.version = 14 : i64} {
  func.func @gk(%arg0: i32, %arg1: i32, %arg2: memref<10000x128xf32, #tpu.memory_space<hbm>>, %arg3: memref<2524x128xi32, #tpu.memory_space<hbm>>, %arg4: memref<64000x128xf32, #tpu.memory_space<hbm>>, %arg5: memref<24x128xi32, #tpu.memory_space<vmem>>, %arg6: memref<128x128xf32, #tpu.memory_space<vmem>>, %arg7: memref<128x128xf32, #tpu.memory_space<vmem>>, %arg8: memref<128x128xf32, #tpu.memory_space<vmem>>, %arg9: memref<128x128xf32, #tpu.memory_space<vmem>>, %arg10: memref<!tpu.dma_semaphore, #tpu.memory_space<semaphore_mem>>, %arg11: memref<!tpu.dma_semaphore, #tpu.memory_space<semaphore_mem>>, %arg12: memref<!tpu.dma_semaphore, #tpu.memory_space<semaphore_mem>>, %arg13: memref<!tpu.dma_semaphore, #tpu.memory_space<semaphore_mem>>, %arg14: memref<!tpu.dma_semaphore, #tpu.memory_space<semaphore_mem>>, %arg15: memref<!tpu.dma_semaphore, #tpu.memory_space<semaphore_mem>>, %arg16: memref<!tpu.dma_semaphore, #tpu.memory_space<semaphore_mem>>, %arg17: memref<!tpu.dma_semaphore, #tpu.memory_space<semaphore_mem>>) attributes {dimension_semantics = [#tpu.dimension_semantics<core_parallel>, #tpu.dimension_semantics<subcore_parallel>], iteration_bounds = array<i64: 2, 16>, scalar_prefetch = 0 : i64, scratch_operands = 13 : i64, tpu.core_type = #tpu.core_type<sc_vector_subcore>, window_params = [{transform_indices = #map}, {transform_indices = #map}, {transform_indices = #map}]} {
    %mul3A = arith.constant 2 : i32
    %mul3A_0 = arith.muli %arg1, %mul3A : i32
    %add3A = arith.addi %mul3A_0, %arg0 : i32
    %lt3A = arith.constant 20 : i32
    %lt3A_1 = arith.cmpi slt, %add3A, %lt3A : i32
    %jit3A = arith.constant 16 : i32
    %jit3A_2 = arith.constant 15 : i32
    %select_n3A = arith.select %lt3A_1, %jit3A, %jit3A_2 : i32
    %lt3A_3 = arith.constant 20 : i32
    %lt3A_4 = arith.cmpi slt, %add3A, %lt3A_3 : i32
    %mul3A_5 = arith.constant 16 : i32
    %mul3A_6 = arith.muli %mul3A_5, %add3A : i32
    %sub3A = arith.constant 20 : i32
    %sub3A_7 = arith.subi %add3A, %sub3A : i32
    %mul3A_8 = arith.constant 15 : i32
    %mul3A_9 = arith.muli %mul3A_8, %sub3A_7 : i32
    %add3A_10 = arith.constant 320 : i32
    %add3A_11 = arith.addi %add3A_10, %mul3A_9 : i32
    %select_n3A_12 = arith.select %lt3A_4, %mul3A_6, %add3A_11 : i32
    %add3A_13 = arith.constant 500 : i32
    %add3A_14 = arith.addi %add3A_13, %select_n3A_12 : i32
    %jit3A_15 = arith.constant 8 : i32
    %div3A = arith.divsi %add3A_14, %jit3A_15 : i32
    %sign3A = arith.constant 0 : i32
    %sign3A_16 = arith.cmpi sgt, %add3A_14, %sign3A : i32
    %sign3A_17 = arith.extui %sign3A_16 : i1 to i32
    %sign3A_18 = arith.constant 0 : i32
    %sign3A_19 = arith.cmpi slt, %add3A_14, %sign3A_18 : i32
    %sign3A_20 = arith.extui %sign3A_19 : i1 to i32
    %sign3A_21 = arith.subi %sign3A_17, %sign3A_20 : i32
    %sign3A_22 = arith.constant 0 : i32
    %sign3A_23 = arith.cmpi sgt, %jit3A_15, %sign3A_22 : i32
    %sign3A_24 = arith.extui %sign3A_23 : i1 to i32
    %sign3A_25 = arith.constant 0 : i32
    %sign3A_26 = arith.cmpi slt, %jit3A_15, %sign3A_25 : i32
    %sign3A_27 = arith.extui %sign3A_26 : i1 to i32
    %sign3A_28 = arith.subi %sign3A_24, %sign3A_27 : i32
    %ne3A = arith.cmpi ne, %sign3A_21, %sign3A_28 : i32
    %rem3A = arith.remsi %add3A_14, %jit3A_15 : i32
    %ne3A_29 = arith.constant 0 : i32
    %ne3A_30 = arith.cmpi ne, %rem3A, %ne3A_29 : i32
    %and3A = arith.andi %ne3A, %ne3A_30 : i1
    %sub3A_31 = arith.constant 1 : i32
    %sub3A_32 = arith.subi %div3A, %sub3A_31 : i32
    %select_n3A_33 = arith.select %and3A, %sub3A_32, %div3A : i32
    %mul3A_34 = arith.constant 8 : i32
    %mul3A_35 = arith.muli %select_n3A_33, %mul3A_34 : i32
    %sub3A_36 = arith.subi %add3A_14, %mul3A_35 : i32
    "tpu.region"() ({
      %run_scoped3A = tpu.sem_alloc : memref<!tpu.dma_semaphore, #tpu.memory_space<semaphore_mem>>
      %dma_start3A = arith.constant 0 : i32
      %dma_start3A_59 = tpu.memref_slice %arg3[%mul3A_35, %dma_start3A] : memref<2524x128xi32, #tpu.memory_space<hbm>> -> memref<24x128xi32, #tpu.memory_space<hbm>>
      %dma_start3A_60 = arith.constant 0 : i32
      %dma_start3A_61 = tpu.memref_slice %arg3[%mul3A_35, %dma_start3A_60] : memref<2524x128xi32, #tpu.memory_space<hbm>> -> memref<24x128xi32, #tpu.memory_space<hbm>>
      tpu.enqueue_dma source(%dma_start3A_61 : memref<24x128xi32, #tpu.memory_space<hbm>>) target(%arg5 : memref<24x128xi32, #tpu.memory_space<vmem>>) target_semaphore(%run_scoped3A : memref<!tpu.dma_semaphore, #tpu.memory_space<semaphore_mem>>)
      %dma_wait3A = arith.constant 0 : i32
      %dma_wait3A_62 = tpu.memref_slice %arg3[%mul3A_35, %dma_wait3A] : memref<2524x128xi32, #tpu.memory_space<hbm>> -> memref<24x128xi32, #tpu.memory_space<hbm>>
      %dma_wait3A_63 = arith.constant 0 : i32
      %dma_wait3A_64 = tpu.memref_slice %arg3[%mul3A_35, %dma_wait3A_63] : memref<2524x128xi32, #tpu.memory_space<hbm>> -> memref<24x128xi32, #tpu.memory_space<hbm>>
      tpu.wait_dma2 semaphore(%run_scoped3A : memref<!tpu.dma_semaphore, #tpu.memory_space<semaphore_mem>>) src(%dma_wait3A_64 : memref<24x128xi32, #tpu.memory_space<hbm>>) dst(%arg5 : memref<24x128xi32, #tpu.memory_space<vmem>>)
      tpu.yield
    }) : () -> ()
    %scan3A = arith.constant 0 : i32
    %scan3A_37 = arith.constant 0 : i32
    %scan3A_38 = arith.constant 4 : i32
    %scan3A_39 = arith.addi %scan3A_37, %scan3A_38 : i32
    %scan3A_40 = arith.constant 1 : i32
    scf.for %scan3A_59 = %scan3A_37 to %scan3A_39 step %scan3A_40  : i32 {
      %mul3A_60 = arith.constant 4 : i32
      %mul3A_61 = arith.muli %mul3A_60, %scan3A_59 : i32
      %add3A_62 = arith.constant 0 : i32
      %add3A_63 = arith.addi %mul3A_61, %add3A_62 : i32
      %lt3A_64 = arith.cmpi slt, %add3A_63, %select_n3A : i32
      %convert_element_type3A_65 = arith.extui %lt3A_64 : i1 to i32
      %cond3A_66 = arith.constant 0 : i32
      %cond3A_67 = arith.cmpi ne, %convert_element_type3A_65, %cond3A_66 : i32
      scf.if %cond3A_67 {
        %ge3A_124 = arith.constant 1 : i32
        %ge3A_125 = arith.cmpi sge, %scan3A_59, %ge3A_124 : i32
        %convert_element_type3A_126 = arith.extui %ge3A_125 : i1 to i32
        %cond3A_127 = arith.constant 0 : i32
        %cond3A_128 = arith.cmpi ne, %convert_element_type3A_126, %cond3A_127 : i32
        scf.if %cond3A_128 {
          %dma_wait3A = arith.constant 0 : i32
          %dma_wait3A_135 = arith.constant 0 : i32
          %dma_wait3A_136 = tpu.memref_slice %arg2[%dma_wait3A, %dma_wait3A_135] : memref<10000x128xf32, #tpu.memory_space<hbm>> -> memref<128x128xf32, #tpu.memory_space<hbm>>
          %dma_wait3A_137 = arith.constant 0 : i32
          %dma_wait3A_138 = arith.constant 0 : i32
          %dma_wait3A_139 = tpu.memref_slice %arg2[%dma_wait3A_137, %dma_wait3A_138] : memref<10000x128xf32, #tpu.memory_space<hbm>> -> memref<128x128xf32, #tpu.memory_space<hbm>>
          tpu.wait_dma2 semaphore(%arg14 : memref<!tpu.dma_semaphore, #tpu.memory_space<semaphore_mem>>) src(%dma_wait3A_139 : memref<128x128xf32, #tpu.memory_space<hbm>>) dst(%arg6 : memref<128x128xf32, #tpu.memory_space<vmem>>)
        } else {
        }
        %add3A_129 = arith.addi %sub3A_36, %add3A_63 : i32
        %dma_start3A = arith.constant 0 : i32
        %dma_start3A_130 = tpu.memref_slice %arg5[%add3A_129, %dma_start3A] : memref<24x128xi32, #tpu.memory_space<vmem>> -> memref<1x128xi32, #tpu.memory_space<vmem>>
        %dma_start3A_131 = tpu.memref_squeeze %dma_start3A_130 : memref<1x128xi32, #tpu.memory_space<vmem>> -> memref<128xi32, #tpu.memory_space<vmem>>
        %dma_start3A_132 = arith.constant 0 : i32
        %dma_start3A_133 = arith.constant 0 : i32
        %dma_start3A_134 = tpu.memref_slice %arg2[%dma_start3A_132, %dma_start3A_133] : memref<10000x128xf32, #tpu.memory_space<hbm>> -> memref<10000x128xf32, #tpu.memory_space<hbm>>
        tpu.enqueue_indirect_dma source(%dma_start3A_134 : memref<10000x128xf32, #tpu.memory_space<hbm>>) target(%arg6 : memref<128x128xf32, #tpu.memory_space<vmem>>) offsets(%dma_start3A_131 : memref<128xi32, #tpu.memory_space<vmem>>) semaphore(%arg10 : memref<!tpu.dma_semaphore, #tpu.memory_space<semaphore_mem>>)
      } else {
      }
      %mul3A_68 = arith.constant 4 : i32
      %mul3A_69 = arith.muli %mul3A_68, %scan3A_59 : i32
      %add3A_70 = arith.constant 1 : i32
      %add3A_71 = arith.addi %mul3A_69, %add3A_70 : i32
      %lt3A_72 = arith.cmpi slt, %add3A_71, %select_n3A : i32
      %convert_element_type3A_73 = arith.extui %lt3A_72 : i1 to i32
      %cond3A_74 = arith.constant 0 : i32
      %cond3A_75 = arith.cmpi ne, %convert_element_type3A_73, %cond3A_74 : i32
      scf.if %cond3A_75 {
        %ge3A_124 = arith.constant 1 : i32
        %ge3A_125 = arith.cmpi sge, %scan3A_59, %ge3A_124 : i32
        %convert_element_type3A_126 = arith.extui %ge3A_125 : i1 to i32
        %cond3A_127 = arith.constant 0 : i32
        %cond3A_128 = arith.cmpi ne, %convert_element_type3A_126, %cond3A_127 : i32
        scf.if %cond3A_128 {
          %dma_wait3A = arith.constant 0 : i32
          %dma_wait3A_135 = arith.constant 0 : i32
          %dma_wait3A_136 = tpu.memref_slice %arg2[%dma_wait3A, %dma_wait3A_135] : memref<10000x128xf32, #tpu.memory_space<hbm>> -> memref<128x128xf32, #tpu.memory_space<hbm>>
          %dma_wait3A_137 = arith.constant 0 : i32
          %dma_wait3A_138 = arith.constant 0 : i32
          %dma_wait3A_139 = tpu.memref_slice %arg2[%dma_wait3A_137, %dma_wait3A_138] : memref<10000x128xf32, #tpu.memory_space<hbm>> -> memref<128x128xf32, #tpu.memory_space<hbm>>
          tpu.wait_dma2 semaphore(%arg15 : memref<!tpu.dma_semaphore, #tpu.memory_space<semaphore_mem>>) src(%dma_wait3A_139 : memref<128x128xf32, #tpu.memory_space<hbm>>) dst(%arg7 : memref<128x128xf32, #tpu.memory_space<vmem>>)
        } else {
        }
        %add3A_129 = arith.addi %sub3A_36, %add3A_71 : i32
        %dma_start3A = arith.constant 0 : i32
        %dma_start3A_130 = tpu.memref_slice %arg5[%add3A_129, %dma_start3A] : memref<24x128xi32, #tpu.memory_space<vmem>> -> memref<1x128xi32, #tpu.memory_space<vmem>>
        %dma_start3A_131 = tpu.memref_squeeze %dma_start3A_130 : memref<1x128xi32, #tpu.memory_space<vmem>> -> memref<128xi32, #tpu.memory_space<vmem>>
        %dma_start3A_132 = arith.constant 0 : i32
        %dma_start3A_133 = arith.constant 0 : i32
        %dma_start3A_134 = tpu.memref_slice %arg2[%dma_start3A_132, %dma_start3A_133] : memref<10000x128xf32, #tpu.memory_space<hbm>> -> memref<10000x128xf32, #tpu.memory_space<hbm>>
        tpu.enqueue_indirect_dma source(%dma_start3A_134 : memref<10000x128xf32, #tpu.memory_space<hbm>>) target(%arg7 : memref<128x128xf32, #tpu.memory_space<vmem>>) offsets(%dma_start3A_131 : memref<128xi32, #tpu.memory_space<vmem>>) semaphore(%arg11 : memref<!tpu.dma_semaphore, #tpu.memory_space<semaphore_mem>>)
      } else {
      }
      %mul3A_76 = arith.constant 4 : i32
      %mul3A_77 = arith.muli %mul3A_76, %scan3A_59 : i32
      %add3A_78 = arith.constant 2 : i32
      %add3A_79 = arith.addi %mul3A_77, %add3A_78 : i32
      %lt3A_80 = arith.cmpi slt, %add3A_79, %select_n3A : i32
      %convert_element_type3A_81 = arith.extui %lt3A_80 : i1 to i32
      %cond3A_82 = arith.constant 0 : i32
      %cond3A_83 = arith.cmpi ne, %convert_element_type3A_81, %cond3A_82 : i32
      scf.if %cond3A_83 {
        %ge3A_124 = arith.constant 1 : i32
        %ge3A_125 = arith.cmpi sge, %scan3A_59, %ge3A_124 : i32
        %convert_element_type3A_126 = arith.extui %ge3A_125 : i1 to i32
        %cond3A_127 = arith.constant 0 : i32
        %cond3A_128 = arith.cmpi ne, %convert_element_type3A_126, %cond3A_127 : i32
        scf.if %cond3A_128 {
          %dma_wait3A = arith.constant 0 : i32
          %dma_wait3A_135 = arith.constant 0 : i32
          %dma_wait3A_136 = tpu.memref_slice %arg2[%dma_wait3A, %dma_wait3A_135] : memref<10000x128xf32, #tpu.memory_space<hbm>> -> memref<128x128xf32, #tpu.memory_space<hbm>>
          %dma_wait3A_137 = arith.constant 0 : i32
          %dma_wait3A_138 = arith.constant 0 : i32
          %dma_wait3A_139 = tpu.memref_slice %arg2[%dma_wait3A_137, %dma_wait3A_138] : memref<10000x128xf32, #tpu.memory_space<hbm>> -> memref<128x128xf32, #tpu.memory_space<hbm>>
          tpu.wait_dma2 semaphore(%arg16 : memref<!tpu.dma_semaphore, #tpu.memory_space<semaphore_mem>>) src(%dma_wait3A_139 : memref<128x128xf32, #tpu.memory_space<hbm>>) dst(%arg8 : memref<128x128xf32, #tpu.memory_space<vmem>>)
        } else {
        }
        %add3A_129 = arith.addi %sub3A_36, %add3A_79 : i32
        %dma_start3A = arith.constant 0 : i32
        %dma_start3A_130 = tpu.memref_slice %arg5[%add3A_129, %dma_start3A] : memref<24x128xi32, #tpu.memory_space<vmem>> -> memref<1x128xi32, #tpu.memory_space<vmem>>
        %dma_start3A_131 = tpu.memref_squeeze %dma_start3A_130 : memref<1x128xi32, #tpu.memory_space<vmem>> -> memref<128xi32, #tpu.memory_space<vmem>>
        %dma_start3A_132 = arith.constant 0 : i32
        %dma_start3A_133 = arith.constant 0 : i32
        %dma_start3A_134 = tpu.memref_slice %arg2[%dma_start3A_132, %dma_start3A_133] : memref<10000x128xf32, #tpu.memory_space<hbm>> -> memref<10000x128xf32, #tpu.memory_space<hbm>>
        tpu.enqueue_indirect_dma source(%dma_start3A_134 : memref<10000x128xf32, #tpu.memory_space<hbm>>) target(%arg8 : memref<128x128xf32, #tpu.memory_space<vmem>>) offsets(%dma_start3A_131 : memref<128xi32, #tpu.memory_space<vmem>>) semaphore(%arg12 : memref<!tpu.dma_semaphore, #tpu.memory_space<semaphore_mem>>)
      } else {
      }
      %mul3A_84 = arith.constant 4 : i32
      %mul3A_85 = arith.muli %mul3A_84, %scan3A_59 : i32
      %add3A_86 = arith.constant 3 : i32
      %add3A_87 = arith.addi %mul3A_85, %add3A_86 : i32
      %lt3A_88 = arith.cmpi slt, %add3A_87, %select_n3A : i32
      %convert_element_type3A_89 = arith.extui %lt3A_88 : i1 to i32
      %cond3A_90 = arith.constant 0 : i32
      %cond3A_91 = arith.cmpi ne, %convert_element_type3A_89, %cond3A_90 : i32
      scf.if %cond3A_91 {
        %ge3A_124 = arith.constant 1 : i32
        %ge3A_125 = arith.cmpi sge, %scan3A_59, %ge3A_124 : i32
        %convert_element_type3A_126 = arith.extui %ge3A_125 : i1 to i32
        %cond3A_127 = arith.constant 0 : i32
        %cond3A_128 = arith.cmpi ne, %convert_element_type3A_126, %cond3A_127 : i32
        scf.if %cond3A_128 {
          %dma_wait3A = arith.constant 0 : i32
          %dma_wait3A_135 = arith.constant 0 : i32
          %dma_wait3A_136 = tpu.memref_slice %arg2[%dma_wait3A, %dma_wait3A_135] : memref<10000x128xf32, #tpu.memory_space<hbm>> -> memref<128x128xf32, #tpu.memory_space<hbm>>
          %dma_wait3A_137 = arith.constant 0 : i32
          %dma_wait3A_138 = arith.constant 0 : i32
          %dma_wait3A_139 = tpu.memref_slice %arg2[%dma_wait3A_137, %dma_wait3A_138] : memref<10000x128xf32, #tpu.memory_space<hbm>> -> memref<128x128xf32, #tpu.memory_space<hbm>>
          tpu.wait_dma2 semaphore(%arg17 : memref<!tpu.dma_semaphore, #tpu.memory_space<semaphore_mem>>) src(%dma_wait3A_139 : memref<128x128xf32, #tpu.memory_space<hbm>>) dst(%arg9 : memref<128x128xf32, #tpu.memory_space<vmem>>)
        } else {
        }
        %add3A_129 = arith.addi %sub3A_36, %add3A_87 : i32
        %dma_start3A = arith.constant 0 : i32
        %dma_start3A_130 = tpu.memref_slice %arg5[%add3A_129, %dma_start3A] : memref<24x128xi32, #tpu.memory_space<vmem>> -> memref<1x128xi32, #tpu.memory_space<vmem>>
        %dma_start3A_131 = tpu.memref_squeeze %dma_start3A_130 : memref<1x128xi32, #tpu.memory_space<vmem>> -> memref<128xi32, #tpu.memory_space<vmem>>
        %dma_start3A_132 = arith.constant 0 : i32
        %dma_start3A_133 = arith.constant 0 : i32
        %dma_start3A_134 = tpu.memref_slice %arg2[%dma_start3A_132, %dma_start3A_133] : memref<10000x128xf32, #tpu.memory_space<hbm>> -> memref<10000x128xf32, #tpu.memory_space<hbm>>
        tpu.enqueue_indirect_dma source(%dma_start3A_134 : memref<10000x128xf32, #tpu.memory_space<hbm>>) target(%arg9 : memref<128x128xf32, #tpu.memory_space<vmem>>) offsets(%dma_start3A_131 : memref<128xi32, #tpu.memory_space<vmem>>) semaphore(%arg13 : memref<!tpu.dma_semaphore, #tpu.memory_space<semaphore_mem>>)
      } else {
      }
      %mul3A_92 = arith.constant 4 : i32
      %mul3A_93 = arith.muli %mul3A_92, %scan3A_59 : i32
      %add3A_94 = arith.constant 0 : i32
      %add3A_95 = arith.addi %mul3A_93, %add3A_94 : i32
      %lt3A_96 = arith.cmpi slt, %add3A_95, %select_n3A : i32
      %convert_element_type3A_97 = arith.extui %lt3A_96 : i1 to i32
      %cond3A_98 = arith.constant 0 : i32
      %cond3A_99 = arith.cmpi ne, %convert_element_type3A_97, %cond3A_98 : i32
      scf.if %cond3A_99 {
        %add3A_124 = arith.addi %sub3A_36, %add3A_95 : i32
        %dma_wait3A = arith.constant 0 : i32
        %dma_wait3A_125 = tpu.memref_slice %arg5[%add3A_124, %dma_wait3A] : memref<24x128xi32, #tpu.memory_space<vmem>> -> memref<1x128xi32, #tpu.memory_space<vmem>>
        %dma_wait3A_126 = tpu.memref_squeeze %dma_wait3A_125 : memref<1x128xi32, #tpu.memory_space<vmem>> -> memref<128xi32, #tpu.memory_space<vmem>>
        %dma_wait3A_127 = arith.constant 0 : i32
        %dma_wait3A_128 = arith.constant 0 : i32
        %dma_wait3A_129 = tpu.memref_slice %arg2[%dma_wait3A_127, %dma_wait3A_128] : memref<10000x128xf32, #tpu.memory_space<hbm>> -> memref<10000x128xf32, #tpu.memory_space<hbm>>
        tpu.wait_indirect_dma semaphore(%arg10 : memref<!tpu.dma_semaphore, #tpu.memory_space<semaphore_mem>>) src(%dma_wait3A_129 : memref<10000x128xf32, #tpu.memory_space<hbm>>) dst(%arg6 : memref<128x128xf32, #tpu.memory_space<vmem>>)
        %add3A_130 = arith.addi %select_n3A_12, %add3A_95 : i32
        %mul3A_131 = arith.constant 128 : i32
        %mul3A_132 = arith.muli %add3A_130, %mul3A_131 : i32
        %dma_start3A = arith.constant 0 : i32
        %dma_start3A_133 = tpu.memref_slice %arg4[%mul3A_132, %dma_start3A] : memref<64000x128xf32, #tpu.memory_space<hbm>> -> memref<128x128xf32, #tpu.memory_space<hbm>>
        %dma_start3A_134 = arith.constant 0 : i32
        %dma_start3A_135 = tpu.memref_slice %arg4[%mul3A_132, %dma_start3A_134] : memref<64000x128xf32, #tpu.memory_space<hbm>> -> memref<128x128xf32, #tpu.memory_space<hbm>>
        tpu.enqueue_dma source(%arg6 : memref<128x128xf32, #tpu.memory_space<vmem>>) target(%dma_start3A_135 : memref<128x128xf32, #tpu.memory_space<hbm>>) target_semaphore(%arg14 : memref<!tpu.dma_semaphore, #tpu.memory_space<semaphore_mem>>)
      } else {
      }
      %mul3A_100 = arith.constant 4 : i32
      %mul3A_101 = arith.muli %mul3A_100, %scan3A_59 : i32
      %add3A_102 = arith.constant 1 : i32
      %add3A_103 = arith.addi %mul3A_101, %add3A_102 : i32
      %lt3A_104 = arith.cmpi slt, %add3A_103, %select_n3A : i32
      %convert_element_type3A_105 = arith.extui %lt3A_104 : i1 to i32
      %cond3A_106 = arith.constant 0 : i32
      %cond3A_107 = arith.cmpi ne, %convert_element_type3A_105, %cond3A_106 : i32
      scf.if %cond3A_107 {
        %add3A_124 = arith.addi %sub3A_36, %add3A_103 : i32
        %dma_wait3A = arith.constant 0 : i32
        %dma_wait3A_125 = tpu.memref_slice %arg5[%add3A_124, %dma_wait3A] : memref<24x128xi32, #tpu.memory_space<vmem>> -> memref<1x128xi32, #tpu.memory_space<vmem>>
        %dma_wait3A_126 = tpu.memref_squeeze %dma_wait3A_125 : memref<1x128xi32, #tpu.memory_space<vmem>> -> memref<128xi32, #tpu.memory_space<vmem>>
        %dma_wait3A_127 = arith.constant 0 : i32
        %dma_wait3A_128 = arith.constant 0 : i32
        %dma_wait3A_129 = tpu.memref_slice %arg2[%dma_wait3A_127, %dma_wait3A_128] : memref<10000x128xf32, #tpu.memory_space<hbm>> -> memref<10000x128xf32, #tpu.memory_space<hbm>>
        tpu.wait_indirect_dma semaphore(%arg11 : memref<!tpu.dma_semaphore, #tpu.memory_space<semaphore_mem>>) src(%dma_wait3A_129 : memref<10000x128xf32, #tpu.memory_space<hbm>>) dst(%arg7 : memref<128x128xf32, #tpu.memory_space<vmem>>)
        %add3A_130 = arith.addi %select_n3A_12, %add3A_103 : i32
        %mul3A_131 = arith.constant 128 : i32
        %mul3A_132 = arith.muli %add3A_130, %mul3A_131 : i32
        %dma_start3A = arith.constant 0 : i32
        %dma_start3A_133 = tpu.memref_slice %arg4[%mul3A_132, %dma_start3A] : memref<64000x128xf32, #tpu.memory_space<hbm>> -> memref<128x128xf32, #tpu.memory_space<hbm>>
        %dma_start3A_134 = arith.constant 0 : i32
        %dma_start3A_135 = tpu.memref_slice %arg4[%mul3A_132, %dma_start3A_134] : memref<64000x128xf32, #tpu.memory_space<hbm>> -> memref<128x128xf32, #tpu.memory_space<hbm>>
        tpu.enqueue_dma source(%arg7 : memref<128x128xf32, #tpu.memory_space<vmem>>) target(%dma_start3A_135 : memref<128x128xf32, #tpu.memory_space<hbm>>) target_semaphore(%arg15 : memref<!tpu.dma_semaphore, #tpu.memory_space<semaphore_mem>>)
      } else {
      }
      %mul3A_108 = arith.constant 4 : i32
      %mul3A_109 = arith.muli %mul3A_108, %scan3A_59 : i32
      %add3A_110 = arith.constant 2 : i32
      %add3A_111 = arith.addi %mul3A_109, %add3A_110 : i32
      %lt3A_112 = arith.cmpi slt, %add3A_111, %select_n3A : i32
      %convert_element_type3A_113 = arith.extui %lt3A_112 : i1 to i32
      %cond3A_114 = arith.constant 0 : i32
      %cond3A_115 = arith.cmpi ne, %convert_element_type3A_113, %cond3A_114 : i32
      scf.if %cond3A_115 {
        %add3A_124 = arith.addi %sub3A_36, %add3A_111 : i32
        %dma_wait3A = arith.constant 0 : i32
        %dma_wait3A_125 = tpu.memref_slice %arg5[%add3A_124, %dma_wait3A] : memref<24x128xi32, #tpu.memory_space<vmem>> -> memref<1x128xi32, #tpu.memory_space<vmem>>
        %dma_wait3A_126 = tpu.memref_squeeze %dma_wait3A_125 : memref<1x128xi32, #tpu.memory_space<vmem>> -> memref<128xi32, #tpu.memory_space<vmem>>
        %dma_wait3A_127 = arith.constant 0 : i32
        %dma_wait3A_128 = arith.constant 0 : i32
        %dma_wait3A_129 = tpu.memref_slice %arg2[%dma_wait3A_127, %dma_wait3A_128] : memref<10000x128xf32, #tpu.memory_space<hbm>> -> memref<10000x128xf32, #tpu.memory_space<hbm>>
        tpu.wait_indirect_dma semaphore(%arg12 : memref<!tpu.dma_semaphore, #tpu.memory_space<semaphore_mem>>) src(%dma_wait3A_129 : memref<10000x128xf32, #tpu.memory_space<hbm>>) dst(%arg8 : memref<128x128xf32, #tpu.memory_space<vmem>>)
        %add3A_130 = arith.addi %select_n3A_12, %add3A_111 : i32
        %mul3A_131 = arith.constant 128 : i32
        %mul3A_132 = arith.muli %add3A_130, %mul3A_131 : i32
        %dma_start3A = arith.constant 0 : i32
        %dma_start3A_133 = tpu.memref_slice %arg4[%mul3A_132, %dma_start3A] : memref<64000x128xf32, #tpu.memory_space<hbm>> -> memref<128x128xf32, #tpu.memory_space<hbm>>
        %dma_start3A_134 = arith.constant 0 : i32
        %dma_start3A_135 = tpu.memref_slice %arg4[%mul3A_132, %dma_start3A_134] : memref<64000x128xf32, #tpu.memory_space<hbm>> -> memref<128x128xf32, #tpu.memory_space<hbm>>
        tpu.enqueue_dma source(%arg8 : memref<128x128xf32, #tpu.memory_space<vmem>>) target(%dma_start3A_135 : memref<128x128xf32, #tpu.memory_space<hbm>>) target_semaphore(%arg16 : memref<!tpu.dma_semaphore, #tpu.memory_space<semaphore_mem>>)
      } else {
      }
      %mul3A_116 = arith.constant 4 : i32
      %mul3A_117 = arith.muli %mul3A_116, %scan3A_59 : i32
      %add3A_118 = arith.constant 3 : i32
      %add3A_119 = arith.addi %mul3A_117, %add3A_118 : i32
      %lt3A_120 = arith.cmpi slt, %add3A_119, %select_n3A : i32
      %convert_element_type3A_121 = arith.extui %lt3A_120 : i1 to i32
      %cond3A_122 = arith.constant 0 : i32
      %cond3A_123 = arith.cmpi ne, %convert_element_type3A_121, %cond3A_122 : i32
      scf.if %cond3A_123 {
        %add3A_124 = arith.addi %sub3A_36, %add3A_119 : i32
        %dma_wait3A = arith.constant 0 : i32
        %dma_wait3A_125 = tpu.memref_slice %arg5[%add3A_124, %dma_wait3A] : memref<24x128xi32, #tpu.memory_space<vmem>> -> memref<1x128xi32, #tpu.memory_space<vmem>>
        %dma_wait3A_126 = tpu.memref_squeeze %dma_wait3A_125 : memref<1x128xi32, #tpu.memory_space<vmem>> -> memref<128xi32, #tpu.memory_space<vmem>>
        %dma_wait3A_127 = arith.constant 0 : i32
        %dma_wait3A_128 = arith.constant 0 : i32
        %dma_wait3A_129 = tpu.memref_slice %arg2[%dma_wait3A_127, %dma_wait3A_128] : memref<10000x128xf32, #tpu.memory_space<hbm>> -> memref<10000x128xf32, #tpu.memory_space<hbm>>
        tpu.wait_indirect_dma semaphore(%arg13 : memref<!tpu.dma_semaphore, #tpu.memory_space<semaphore_mem>>) src(%dma_wait3A_129 : memref<10000x128xf32, #tpu.memory_space<hbm>>) dst(%arg9 : memref<128x128xf32, #tpu.memory_space<vmem>>)
        %add3A_130 = arith.addi %select_n3A_12, %add3A_119 : i32
        %mul3A_131 = arith.constant 128 : i32
        %mul3A_132 = arith.muli %add3A_130, %mul3A_131 : i32
        %dma_start3A = arith.constant 0 : i32
        %dma_start3A_133 = tpu.memref_slice %arg4[%mul3A_132, %dma_start3A] : memref<64000x128xf32, #tpu.memory_space<hbm>> -> memref<128x128xf32, #tpu.memory_space<hbm>>
        %dma_start3A_134 = arith.constant 0 : i32
        %dma_start3A_135 = tpu.memref_slice %arg4[%mul3A_132, %dma_start3A_134] : memref<64000x128xf32, #tpu.memory_space<hbm>> -> memref<128x128xf32, #tpu.memory_space<hbm>>
        tpu.enqueue_dma source(%arg9 : memref<128x128xf32, #tpu.memory_space<vmem>>) target(%dma_start3A_135 : memref<128x128xf32, #tpu.memory_space<hbm>>) target_semaphore(%arg17 : memref<!tpu.dma_semaphore, #tpu.memory_space<semaphore_mem>>)
      } else {
      }
    }
    %scan3A_41 = arith.constant 4 : i32
    %ge3A = arith.constant 1 : i32
    %ge3A_42 = arith.cmpi sge, %select_n3A, %ge3A : i32
    %convert_element_type3A = arith.extui %ge3A_42 : i1 to i32
    %cond3A = arith.constant 0 : i32
    %cond3A_43 = arith.cmpi ne, %convert_element_type3A, %cond3A : i32
    scf.if %cond3A_43 {
      %dma_wait3A = arith.constant 0 : i32
      %dma_wait3A_59 = arith.constant 0 : i32
      %dma_wait3A_60 = tpu.memref_slice %arg2[%dma_wait3A, %dma_wait3A_59] : memref<10000x128xf32, #tpu.memory_space<hbm>> -> memref<128x128xf32, #tpu.memory_space<hbm>>
      %dma_wait3A_61 = arith.constant 0 : i32
      %dma_wait3A_62 = arith.constant 0 : i32
      %dma_wait3A_63 = tpu.memref_slice %arg2[%dma_wait3A_61, %dma_wait3A_62] : memref<10000x128xf32, #tpu.memory_space<hbm>> -> memref<128x128xf32, #tpu.memory_space<hbm>>
      tpu.wait_dma2 semaphore(%arg14 : memref<!tpu.dma_semaphore, #tpu.memory_space<semaphore_mem>>) src(%dma_wait3A_63 : memref<128x128xf32, #tpu.memory_space<hbm>>) dst(%arg6 : memref<128x128xf32, #tpu.memory_space<vmem>>)
    } else {
    }
    %ge3A_44 = arith.constant 2 : i32
    %ge3A_45 = arith.cmpi sge, %select_n3A, %ge3A_44 : i32
    %convert_element_type3A_46 = arith.extui %ge3A_45 : i1 to i32
    %cond3A_47 = arith.constant 0 : i32
    %cond3A_48 = arith.cmpi ne, %convert_element_type3A_46, %cond3A_47 : i32
    scf.if %cond3A_48 {
      %dma_wait3A = arith.constant 0 : i32
      %dma_wait3A_59 = arith.constant 0 : i32
      %dma_wait3A_60 = tpu.memref_slice %arg2[%dma_wait3A, %dma_wait3A_59] : memref<10000x128xf32, #tpu.memory_space<hbm>> -> memref<128x128xf32, #tpu.memory_space<hbm>>
      %dma_wait3A_61 = arith.constant 0 : i32
      %dma_wait3A_62 = arith.constant 0 : i32
      %dma_wait3A_63 = tpu.memref_slice %arg2[%dma_wait3A_61, %dma_wait3A_62] : memref<10000x128xf32, #tpu.memory_space<hbm>> -> memref<128x128xf32, #tpu.memory_space<hbm>>
      tpu.wait_dma2 semaphore(%arg15 : memref<!tpu.dma_semaphore, #tpu.memory_space<semaphore_mem>>) src(%dma_wait3A_63 : memref<128x128xf32, #tpu.memory_space<hbm>>) dst(%arg7 : memref<128x128xf32, #tpu.memory_space<vmem>>)
    } else {
    }
    %ge3A_49 = arith.constant 3 : i32
    %ge3A_50 = arith.cmpi sge, %select_n3A, %ge3A_49 : i32
    %convert_element_type3A_51 = arith.extui %ge3A_50 : i1 to i32
    %cond3A_52 = arith.constant 0 : i32
    %cond3A_53 = arith.cmpi ne, %convert_element_type3A_51, %cond3A_52 : i32
    scf.if %cond3A_53 {
      %dma_wait3A = arith.constant 0 : i32
      %dma_wait3A_59 = arith.constant 0 : i32
      %dma_wait3A_60 = tpu.memref_slice %arg2[%dma_wait3A, %dma_wait3A_59] : memref<10000x128xf32, #tpu.memory_space<hbm>> -> memref<128x128xf32, #tpu.memory_space<hbm>>
      %dma_wait3A_61 = arith.constant 0 : i32
      %dma_wait3A_62 = arith.constant 0 : i32
      %dma_wait3A_63 = tpu.memref_slice %arg2[%dma_wait3A_61, %dma_wait3A_62] : memref<10000x128xf32, #tpu.memory_space<hbm>> -> memref<128x128xf32, #tpu.memory_space<hbm>>
      tpu.wait_dma2 semaphore(%arg16 : memref<!tpu.dma_semaphore, #tpu.memory_space<semaphore_mem>>) src(%dma_wait3A_63 : memref<128x128xf32, #tpu.memory_space<hbm>>) dst(%arg8 : memref<128x128xf32, #tpu.memory_space<vmem>>)
    } else {
    }
    %ge3A_54 = arith.constant 4 : i32
    %ge3A_55 = arith.cmpi sge, %select_n3A, %ge3A_54 : i32
    %convert_element_type3A_56 = arith.extui %ge3A_55 : i1 to i32
    %cond3A_57 = arith.constant 0 : i32
    %cond3A_58 = arith.cmpi ne, %convert_element_type3A_56, %cond3A_57 : i32
    scf.if %cond3A_58 {
      %dma_wait3A = arith.constant 0 : i32
      %dma_wait3A_59 = arith.constant 0 : i32
      %dma_wait3A_60 = tpu.memref_slice %arg2[%dma_wait3A, %dma_wait3A_59] : memref<10000x128xf32, #tpu.memory_space<hbm>> -> memref<128x128xf32, #tpu.memory_space<hbm>>
      %dma_wait3A_61 = arith.constant 0 : i32
      %dma_wait3A_62 = arith.constant 0 : i32
      %dma_wait3A_63 = tpu.memref_slice %arg2[%dma_wait3A_61, %dma_wait3A_62] : memref<10000x128xf32, #tpu.memory_space<hbm>> -> memref<128x128xf32, #tpu.memory_space<hbm>>
      tpu.wait_dma2 semaphore(%arg17 : memref<!tpu.dma_semaphore, #tpu.memory_space<semaphore_mem>>) src(%dma_wait3A_63 : memref<128x128xf32, #tpu.memory_space<hbm>>) dst(%arg9 : memref<128x128xf32, #tpu.memory_space<vmem>>)
    } else {
    }
    return
  }
}

#map = affine_map<(d0, d1) -> (0, 0)>
module attributes {stable_mosaic.version = 14 : i64} {
  func.func @gk(%arg0: i32, %arg1: i32, %arg2: memref<10000x128xf32, #tpu.memory_space<hbm>>, %arg3: memref<2524x128xi32, #tpu.memory_space<hbm>>, %arg4: memref<64000x128xf32, #tpu.memory_space<hbm>>, %arg5: memref<24x128xi32, #tpu.memory_space<vmem>>, %arg6: memref<128x128xf32, #tpu.memory_space<vmem>>, %arg7: memref<128x128xf32, #tpu.memory_space<vmem>>, %arg8: memref<128x128xf32, #tpu.memory_space<vmem>>, %arg9: memref<128x128xf32, #tpu.memory_space<vmem>>, %arg10: memref<!tpu.dma_semaphore, #tpu.memory_space<semaphore_mem>>, %arg11: memref<!tpu.dma_semaphore, #tpu.memory_space<semaphore_mem>>, %arg12: memref<!tpu.dma_semaphore, #tpu.memory_space<semaphore_mem>>, %arg13: memref<!tpu.dma_semaphore, #tpu.memory_space<semaphore_mem>>, %arg14: memref<!tpu.dma_semaphore, #tpu.memory_space<semaphore_mem>>, %arg15: memref<!tpu.dma_semaphore, #tpu.memory_space<semaphore_mem>>, %arg16: memref<!tpu.dma_semaphore, #tpu.memory_space<semaphore_mem>>, %arg17: memref<!tpu.dma_semaphore, #tpu.memory_space<semaphore_mem>>) attributes {dimension_semantics = [#tpu.dimension_semantics<core_parallel>, #tpu.dimension_semantics<subcore_parallel>], iteration_bounds = array<i64: 2, 16>, scalar_prefetch = 0 : i64, scratch_operands = 13 : i64, tpu.core_type = #tpu.core_type<sc_vector_subcore>, window_params = [{transform_indices = #map}, {transform_indices = #map}, {transform_indices = #map}]} {
    %mul3A = arith.constant 2 : i32
    %mul3A_0 = arith.muli %arg1, %mul3A : i32
    %add3A = arith.addi %mul3A_0, %arg0 : i32
    %lt3A = arith.constant 20 : i32
    %lt3A_1 = arith.cmpi slt, %add3A, %lt3A : i32
    %jit3A = arith.constant 16 : i32
    %jit3A_2 = arith.constant 15 : i32
    %select_n3A = arith.select %lt3A_1, %jit3A, %jit3A_2 : i32
    %lt3A_3 = arith.constant 20 : i32
    %lt3A_4 = arith.cmpi slt, %add3A, %lt3A_3 : i32
    %mul3A_5 = arith.constant 16 : i32
    %mul3A_6 = arith.muli %mul3A_5, %add3A : i32
    %sub3A = arith.constant 20 : i32
    %sub3A_7 = arith.subi %add3A, %sub3A : i32
    %mul3A_8 = arith.constant 15 : i32
    %mul3A_9 = arith.muli %mul3A_8, %sub3A_7 : i32
    %add3A_10 = arith.constant 320 : i32
    %add3A_11 = arith.addi %add3A_10, %mul3A_9 : i32
    %select_n3A_12 = arith.select %lt3A_4, %mul3A_6, %add3A_11 : i32
    %add3A_13 = arith.constant 2000 : i32
    %add3A_14 = arith.addi %add3A_13, %select_n3A_12 : i32
    %jit3A_15 = arith.constant 8 : i32
    %div3A = arith.divsi %add3A_14, %jit3A_15 : i32
    %sign3A = arith.constant 0 : i32
    %sign3A_16 = arith.cmpi sgt, %add3A_14, %sign3A : i32
    %sign3A_17 = arith.extui %sign3A_16 : i1 to i32
    %sign3A_18 = arith.constant 0 : i32
    %sign3A_19 = arith.cmpi slt, %add3A_14, %sign3A_18 : i32
    %sign3A_20 = arith.extui %sign3A_19 : i1 to i32
    %sign3A_21 = arith.subi %sign3A_17, %sign3A_20 : i32
    %sign3A_22 = arith.constant 0 : i32
    %sign3A_23 = arith.cmpi sgt, %jit3A_15, %sign3A_22 : i32
    %sign3A_24 = arith.extui %sign3A_23 : i1 to i32
    %sign3A_25 = arith.constant 0 : i32
    %sign3A_26 = arith.cmpi slt, %jit3A_15, %sign3A_25 : i32
    %sign3A_27 = arith.extui %sign3A_26 : i1 to i32
    %sign3A_28 = arith.subi %sign3A_24, %sign3A_27 : i32
    %ne3A = arith.cmpi ne, %sign3A_21, %sign3A_28 : i32
    %rem3A = arith.remsi %add3A_14, %jit3A_15 : i32
    %ne3A_29 = arith.constant 0 : i32
    %ne3A_30 = arith.cmpi ne, %rem3A, %ne3A_29 : i32
    %and3A = arith.andi %ne3A, %ne3A_30 : i1
    %sub3A_31 = arith.constant 1 : i32
    %sub3A_32 = arith.subi %div3A, %sub3A_31 : i32
    %select_n3A_33 = arith.select %and3A, %sub3A_32, %div3A : i32
    %mul3A_34 = arith.constant 8 : i32
    %mul3A_35 = arith.muli %select_n3A_33, %mul3A_34 : i32
    %sub3A_36 = arith.subi %add3A_14, %mul3A_35 : i32
    "tpu.region"() ({
      %run_scoped3A = tpu.sem_alloc : memref<!tpu.dma_semaphore, #tpu.memory_space<semaphore_mem>>
      %dma_start3A = arith.constant 0 : i32
      %dma_start3A_59 = tpu.memref_slice %arg3[%mul3A_35, %dma_start3A] : memref<2524x128xi32, #tpu.memory_space<hbm>> -> memref<24x128xi32, #tpu.memory_space<hbm>>
      %dma_start3A_60 = arith.constant 0 : i32
      %dma_start3A_61 = tpu.memref_slice %arg3[%mul3A_35, %dma_start3A_60] : memref<2524x128xi32, #tpu.memory_space<hbm>> -> memref<24x128xi32, #tpu.memory_space<hbm>>
      tpu.enqueue_dma source(%dma_start3A_61 : memref<24x128xi32, #tpu.memory_space<hbm>>) target(%arg5 : memref<24x128xi32, #tpu.memory_space<vmem>>) target_semaphore(%run_scoped3A : memref<!tpu.dma_semaphore, #tpu.memory_space<semaphore_mem>>)
      %dma_wait3A = arith.constant 0 : i32
      %dma_wait3A_62 = tpu.memref_slice %arg3[%mul3A_35, %dma_wait3A] : memref<2524x128xi32, #tpu.memory_space<hbm>> -> memref<24x128xi32, #tpu.memory_space<hbm>>
      %dma_wait3A_63 = arith.constant 0 : i32
      %dma_wait3A_64 = tpu.memref_slice %arg3[%mul3A_35, %dma_wait3A_63] : memref<2524x128xi32, #tpu.memory_space<hbm>> -> memref<24x128xi32, #tpu.memory_space<hbm>>
      tpu.wait_dma2 semaphore(%run_scoped3A : memref<!tpu.dma_semaphore, #tpu.memory_space<semaphore_mem>>) src(%dma_wait3A_64 : memref<24x128xi32, #tpu.memory_space<hbm>>) dst(%arg5 : memref<24x128xi32, #tpu.memory_space<vmem>>)
      tpu.yield
    }) : () -> ()
    %scan3A = arith.constant 0 : i32
    %scan3A_37 = arith.constant 0 : i32
    %scan3A_38 = arith.constant 4 : i32
    %scan3A_39 = arith.addi %scan3A_37, %scan3A_38 : i32
    %scan3A_40 = arith.constant 1 : i32
    scf.for %scan3A_59 = %scan3A_37 to %scan3A_39 step %scan3A_40  : i32 {
      %mul3A_60 = arith.constant 4 : i32
      %mul3A_61 = arith.muli %mul3A_60, %scan3A_59 : i32
      %add3A_62 = arith.constant 0 : i32
      %add3A_63 = arith.addi %mul3A_61, %add3A_62 : i32
      %lt3A_64 = arith.cmpi slt, %add3A_63, %select_n3A : i32
      %convert_element_type3A_65 = arith.extui %lt3A_64 : i1 to i32
      %cond3A_66 = arith.constant 0 : i32
      %cond3A_67 = arith.cmpi ne, %convert_element_type3A_65, %cond3A_66 : i32
      scf.if %cond3A_67 {
        %ge3A_124 = arith.constant 1 : i32
        %ge3A_125 = arith.cmpi sge, %scan3A_59, %ge3A_124 : i32
        %convert_element_type3A_126 = arith.extui %ge3A_125 : i1 to i32
        %cond3A_127 = arith.constant 0 : i32
        %cond3A_128 = arith.cmpi ne, %convert_element_type3A_126, %cond3A_127 : i32
        scf.if %cond3A_128 {
          %dma_wait3A = arith.constant 0 : i32
          %dma_wait3A_135 = arith.constant 0 : i32
          %dma_wait3A_136 = tpu.memref_slice %arg2[%dma_wait3A, %dma_wait3A_135] : memref<10000x128xf32, #tpu.memory_space<hbm>> -> memref<128x128xf32, #tpu.memory_space<hbm>>
          %dma_wait3A_137 = arith.constant 0 : i32
          %dma_wait3A_138 = arith.constant 0 : i32
          %dma_wait3A_139 = tpu.memref_slice %arg2[%dma_wait3A_137, %dma_wait3A_138] : memref<10000x128xf32, #tpu.memory_space<hbm>> -> memref<128x128xf32, #tpu.memory_space<hbm>>
          tpu.wait_dma2 semaphore(%arg14 : memref<!tpu.dma_semaphore, #tpu.memory_space<semaphore_mem>>) src(%dma_wait3A_139 : memref<128x128xf32, #tpu.memory_space<hbm>>) dst(%arg6 : memref<128x128xf32, #tpu.memory_space<vmem>>)
        } else {
        }
        %add3A_129 = arith.addi %sub3A_36, %add3A_63 : i32
        %dma_start3A = arith.constant 0 : i32
        %dma_start3A_130 = tpu.memref_slice %arg5[%add3A_129, %dma_start3A] : memref<24x128xi32, #tpu.memory_space<vmem>> -> memref<1x128xi32, #tpu.memory_space<vmem>>
        %dma_start3A_131 = tpu.memref_squeeze %dma_start3A_130 : memref<1x128xi32, #tpu.memory_space<vmem>> -> memref<128xi32, #tpu.memory_space<vmem>>
        %dma_start3A_132 = arith.constant 0 : i32
        %dma_start3A_133 = arith.constant 0 : i32
        %dma_start3A_134 = tpu.memref_slice %arg2[%dma_start3A_132, %dma_start3A_133] : memref<10000x128xf32, #tpu.memory_space<hbm>> -> memref<10000x128xf32, #tpu.memory_space<hbm>>
        tpu.enqueue_indirect_dma source(%dma_start3A_134 : memref<10000x128xf32, #tpu.memory_space<hbm>>) target(%arg6 : memref<128x128xf32, #tpu.memory_space<vmem>>) offsets(%dma_start3A_131 : memref<128xi32, #tpu.memory_space<vmem>>) semaphore(%arg10 : memref<!tpu.dma_semaphore, #tpu.memory_space<semaphore_mem>>)
      } else {
      }
      %mul3A_68 = arith.constant 4 : i32
      %mul3A_69 = arith.muli %mul3A_68, %scan3A_59 : i32
      %add3A_70 = arith.constant 1 : i32
      %add3A_71 = arith.addi %mul3A_69, %add3A_70 : i32
      %lt3A_72 = arith.cmpi slt, %add3A_71, %select_n3A : i32
      %convert_element_type3A_73 = arith.extui %lt3A_72 : i1 to i32
      %cond3A_74 = arith.constant 0 : i32
      %cond3A_75 = arith.cmpi ne, %convert_element_type3A_73, %cond3A_74 : i32
      scf.if %cond3A_75 {
        %ge3A_124 = arith.constant 1 : i32
        %ge3A_125 = arith.cmpi sge, %scan3A_59, %ge3A_124 : i32
        %convert_element_type3A_126 = arith.extui %ge3A_125 : i1 to i32
        %cond3A_127 = arith.constant 0 : i32
        %cond3A_128 = arith.cmpi ne, %convert_element_type3A_126, %cond3A_127 : i32
        scf.if %cond3A_128 {
          %dma_wait3A = arith.constant 0 : i32
          %dma_wait3A_135 = arith.constant 0 : i32
          %dma_wait3A_136 = tpu.memref_slice %arg2[%dma_wait3A, %dma_wait3A_135] : memref<10000x128xf32, #tpu.memory_space<hbm>> -> memref<128x128xf32, #tpu.memory_space<hbm>>
          %dma_wait3A_137 = arith.constant 0 : i32
          %dma_wait3A_138 = arith.constant 0 : i32
          %dma_wait3A_139 = tpu.memref_slice %arg2[%dma_wait3A_137, %dma_wait3A_138] : memref<10000x128xf32, #tpu.memory_space<hbm>> -> memref<128x128xf32, #tpu.memory_space<hbm>>
          tpu.wait_dma2 semaphore(%arg15 : memref<!tpu.dma_semaphore, #tpu.memory_space<semaphore_mem>>) src(%dma_wait3A_139 : memref<128x128xf32, #tpu.memory_space<hbm>>) dst(%arg7 : memref<128x128xf32, #tpu.memory_space<vmem>>)
        } else {
        }
        %add3A_129 = arith.addi %sub3A_36, %add3A_71 : i32
        %dma_start3A = arith.constant 0 : i32
        %dma_start3A_130 = tpu.memref_slice %arg5[%add3A_129, %dma_start3A] : memref<24x128xi32, #tpu.memory_space<vmem>> -> memref<1x128xi32, #tpu.memory_space<vmem>>
        %dma_start3A_131 = tpu.memref_squeeze %dma_start3A_130 : memref<1x128xi32, #tpu.memory_space<vmem>> -> memref<128xi32, #tpu.memory_space<vmem>>
        %dma_start3A_132 = arith.constant 0 : i32
        %dma_start3A_133 = arith.constant 0 : i32
        %dma_start3A_134 = tpu.memref_slice %arg2[%dma_start3A_132, %dma_start3A_133] : memref<10000x128xf32, #tpu.memory_space<hbm>> -> memref<10000x128xf32, #tpu.memory_space<hbm>>
        tpu.enqueue_indirect_dma source(%dma_start3A_134 : memref<10000x128xf32, #tpu.memory_space<hbm>>) target(%arg7 : memref<128x128xf32, #tpu.memory_space<vmem>>) offsets(%dma_start3A_131 : memref<128xi32, #tpu.memory_space<vmem>>) semaphore(%arg11 : memref<!tpu.dma_semaphore, #tpu.memory_space<semaphore_mem>>)
      } else {
      }
      %mul3A_76 = arith.constant 4 : i32
      %mul3A_77 = arith.muli %mul3A_76, %scan3A_59 : i32
      %add3A_78 = arith.constant 2 : i32
      %add3A_79 = arith.addi %mul3A_77, %add3A_78 : i32
      %lt3A_80 = arith.cmpi slt, %add3A_79, %select_n3A : i32
      %convert_element_type3A_81 = arith.extui %lt3A_80 : i1 to i32
      %cond3A_82 = arith.constant 0 : i32
      %cond3A_83 = arith.cmpi ne, %convert_element_type3A_81, %cond3A_82 : i32
      scf.if %cond3A_83 {
        %ge3A_124 = arith.constant 1 : i32
        %ge3A_125 = arith.cmpi sge, %scan3A_59, %ge3A_124 : i32
        %convert_element_type3A_126 = arith.extui %ge3A_125 : i1 to i32
        %cond3A_127 = arith.constant 0 : i32
        %cond3A_128 = arith.cmpi ne, %convert_element_type3A_126, %cond3A_127 : i32
        scf.if %cond3A_128 {
          %dma_wait3A = arith.constant 0 : i32
          %dma_wait3A_135 = arith.constant 0 : i32
          %dma_wait3A_136 = tpu.memref_slice %arg2[%dma_wait3A, %dma_wait3A_135] : memref<10000x128xf32, #tpu.memory_space<hbm>> -> memref<128x128xf32, #tpu.memory_space<hbm>>
          %dma_wait3A_137 = arith.constant 0 : i32
          %dma_wait3A_138 = arith.constant 0 : i32
          %dma_wait3A_139 = tpu.memref_slice %arg2[%dma_wait3A_137, %dma_wait3A_138] : memref<10000x128xf32, #tpu.memory_space<hbm>> -> memref<128x128xf32, #tpu.memory_space<hbm>>
          tpu.wait_dma2 semaphore(%arg16 : memref<!tpu.dma_semaphore, #tpu.memory_space<semaphore_mem>>) src(%dma_wait3A_139 : memref<128x128xf32, #tpu.memory_space<hbm>>) dst(%arg8 : memref<128x128xf32, #tpu.memory_space<vmem>>)
        } else {
        }
        %add3A_129 = arith.addi %sub3A_36, %add3A_79 : i32
        %dma_start3A = arith.constant 0 : i32
        %dma_start3A_130 = tpu.memref_slice %arg5[%add3A_129, %dma_start3A] : memref<24x128xi32, #tpu.memory_space<vmem>> -> memref<1x128xi32, #tpu.memory_space<vmem>>
        %dma_start3A_131 = tpu.memref_squeeze %dma_start3A_130 : memref<1x128xi32, #tpu.memory_space<vmem>> -> memref<128xi32, #tpu.memory_space<vmem>>
        %dma_start3A_132 = arith.constant 0 : i32
        %dma_start3A_133 = arith.constant 0 : i32
        %dma_start3A_134 = tpu.memref_slice %arg2[%dma_start3A_132, %dma_start3A_133] : memref<10000x128xf32, #tpu.memory_space<hbm>> -> memref<10000x128xf32, #tpu.memory_space<hbm>>
        tpu.enqueue_indirect_dma source(%dma_start3A_134 : memref<10000x128xf32, #tpu.memory_space<hbm>>) target(%arg8 : memref<128x128xf32, #tpu.memory_space<vmem>>) offsets(%dma_start3A_131 : memref<128xi32, #tpu.memory_space<vmem>>) semaphore(%arg12 : memref<!tpu.dma_semaphore, #tpu.memory_space<semaphore_mem>>)
      } else {
      }
      %mul3A_84 = arith.constant 4 : i32
      %mul3A_85 = arith.muli %mul3A_84, %scan3A_59 : i32
      %add3A_86 = arith.constant 3 : i32
      %add3A_87 = arith.addi %mul3A_85, %add3A_86 : i32
      %lt3A_88 = arith.cmpi slt, %add3A_87, %select_n3A : i32
      %convert_element_type3A_89 = arith.extui %lt3A_88 : i1 to i32
      %cond3A_90 = arith.constant 0 : i32
      %cond3A_91 = arith.cmpi ne, %convert_element_type3A_89, %cond3A_90 : i32
      scf.if %cond3A_91 {
        %ge3A_124 = arith.constant 1 : i32
        %ge3A_125 = arith.cmpi sge, %scan3A_59, %ge3A_124 : i32
        %convert_element_type3A_126 = arith.extui %ge3A_125 : i1 to i32
        %cond3A_127 = arith.constant 0 : i32
        %cond3A_128 = arith.cmpi ne, %convert_element_type3A_126, %cond3A_127 : i32
        scf.if %cond3A_128 {
          %dma_wait3A = arith.constant 0 : i32
          %dma_wait3A_135 = arith.constant 0 : i32
          %dma_wait3A_136 = tpu.memref_slice %arg2[%dma_wait3A, %dma_wait3A_135] : memref<10000x128xf32, #tpu.memory_space<hbm>> -> memref<128x128xf32, #tpu.memory_space<hbm>>
          %dma_wait3A_137 = arith.constant 0 : i32
          %dma_wait3A_138 = arith.constant 0 : i32
          %dma_wait3A_139 = tpu.memref_slice %arg2[%dma_wait3A_137, %dma_wait3A_138] : memref<10000x128xf32, #tpu.memory_space<hbm>> -> memref<128x128xf32, #tpu.memory_space<hbm>>
          tpu.wait_dma2 semaphore(%arg17 : memref<!tpu.dma_semaphore, #tpu.memory_space<semaphore_mem>>) src(%dma_wait3A_139 : memref<128x128xf32, #tpu.memory_space<hbm>>) dst(%arg9 : memref<128x128xf32, #tpu.memory_space<vmem>>)
        } else {
        }
        %add3A_129 = arith.addi %sub3A_36, %add3A_87 : i32
        %dma_start3A = arith.constant 0 : i32
        %dma_start3A_130 = tpu.memref_slice %arg5[%add3A_129, %dma_start3A] : memref<24x128xi32, #tpu.memory_space<vmem>> -> memref<1x128xi32, #tpu.memory_space<vmem>>
        %dma_start3A_131 = tpu.memref_squeeze %dma_start3A_130 : memref<1x128xi32, #tpu.memory_space<vmem>> -> memref<128xi32, #tpu.memory_space<vmem>>
        %dma_start3A_132 = arith.constant 0 : i32
        %dma_start3A_133 = arith.constant 0 : i32
        %dma_start3A_134 = tpu.memref_slice %arg2[%dma_start3A_132, %dma_start3A_133] : memref<10000x128xf32, #tpu.memory_space<hbm>> -> memref<10000x128xf32, #tpu.memory_space<hbm>>
        tpu.enqueue_indirect_dma source(%dma_start3A_134 : memref<10000x128xf32, #tpu.memory_space<hbm>>) target(%arg9 : memref<128x128xf32, #tpu.memory_space<vmem>>) offsets(%dma_start3A_131 : memref<128xi32, #tpu.memory_space<vmem>>) semaphore(%arg13 : memref<!tpu.dma_semaphore, #tpu.memory_space<semaphore_mem>>)
      } else {
      }
      %mul3A_92 = arith.constant 4 : i32
      %mul3A_93 = arith.muli %mul3A_92, %scan3A_59 : i32
      %add3A_94 = arith.constant 0 : i32
      %add3A_95 = arith.addi %mul3A_93, %add3A_94 : i32
      %lt3A_96 = arith.cmpi slt, %add3A_95, %select_n3A : i32
      %convert_element_type3A_97 = arith.extui %lt3A_96 : i1 to i32
      %cond3A_98 = arith.constant 0 : i32
      %cond3A_99 = arith.cmpi ne, %convert_element_type3A_97, %cond3A_98 : i32
      scf.if %cond3A_99 {
        %add3A_124 = arith.addi %sub3A_36, %add3A_95 : i32
        %dma_wait3A = arith.constant 0 : i32
        %dma_wait3A_125 = tpu.memref_slice %arg5[%add3A_124, %dma_wait3A] : memref<24x128xi32, #tpu.memory_space<vmem>> -> memref<1x128xi32, #tpu.memory_space<vmem>>
        %dma_wait3A_126 = tpu.memref_squeeze %dma_wait3A_125 : memref<1x128xi32, #tpu.memory_space<vmem>> -> memref<128xi32, #tpu.memory_space<vmem>>
        %dma_wait3A_127 = arith.constant 0 : i32
        %dma_wait3A_128 = arith.constant 0 : i32
        %dma_wait3A_129 = tpu.memref_slice %arg2[%dma_wait3A_127, %dma_wait3A_128] : memref<10000x128xf32, #tpu.memory_space<hbm>> -> memref<10000x128xf32, #tpu.memory_space<hbm>>
        tpu.wait_indirect_dma semaphore(%arg10 : memref<!tpu.dma_semaphore, #tpu.memory_space<semaphore_mem>>) src(%dma_wait3A_129 : memref<10000x128xf32, #tpu.memory_space<hbm>>) dst(%arg6 : memref<128x128xf32, #tpu.memory_space<vmem>>)
        %add3A_130 = arith.addi %select_n3A_12, %add3A_95 : i32
        %mul3A_131 = arith.constant 128 : i32
        %mul3A_132 = arith.muli %add3A_130, %mul3A_131 : i32
        %dma_start3A = arith.constant 0 : i32
        %dma_start3A_133 = tpu.memref_slice %arg4[%mul3A_132, %dma_start3A] : memref<64000x128xf32, #tpu.memory_space<hbm>> -> memref<128x128xf32, #tpu.memory_space<hbm>>
        %dma_start3A_134 = arith.constant 0 : i32
        %dma_start3A_135 = tpu.memref_slice %arg4[%mul3A_132, %dma_start3A_134] : memref<64000x128xf32, #tpu.memory_space<hbm>> -> memref<128x128xf32, #tpu.memory_space<hbm>>
        tpu.enqueue_dma source(%arg6 : memref<128x128xf32, #tpu.memory_space<vmem>>) target(%dma_start3A_135 : memref<128x128xf32, #tpu.memory_space<hbm>>) target_semaphore(%arg14 : memref<!tpu.dma_semaphore, #tpu.memory_space<semaphore_mem>>)
      } else {
      }
      %mul3A_100 = arith.constant 4 : i32
      %mul3A_101 = arith.muli %mul3A_100, %scan3A_59 : i32
      %add3A_102 = arith.constant 1 : i32
      %add3A_103 = arith.addi %mul3A_101, %add3A_102 : i32
      %lt3A_104 = arith.cmpi slt, %add3A_103, %select_n3A : i32
      %convert_element_type3A_105 = arith.extui %lt3A_104 : i1 to i32
      %cond3A_106 = arith.constant 0 : i32
      %cond3A_107 = arith.cmpi ne, %convert_element_type3A_105, %cond3A_106 : i32
      scf.if %cond3A_107 {
        %add3A_124 = arith.addi %sub3A_36, %add3A_103 : i32
        %dma_wait3A = arith.constant 0 : i32
        %dma_wait3A_125 = tpu.memref_slice %arg5[%add3A_124, %dma_wait3A] : memref<24x128xi32, #tpu.memory_space<vmem>> -> memref<1x128xi32, #tpu.memory_space<vmem>>
        %dma_wait3A_126 = tpu.memref_squeeze %dma_wait3A_125 : memref<1x128xi32, #tpu.memory_space<vmem>> -> memref<128xi32, #tpu.memory_space<vmem>>
        %dma_wait3A_127 = arith.constant 0 : i32
        %dma_wait3A_128 = arith.constant 0 : i32
        %dma_wait3A_129 = tpu.memref_slice %arg2[%dma_wait3A_127, %dma_wait3A_128] : memref<10000x128xf32, #tpu.memory_space<hbm>> -> memref<10000x128xf32, #tpu.memory_space<hbm>>
        tpu.wait_indirect_dma semaphore(%arg11 : memref<!tpu.dma_semaphore, #tpu.memory_space<semaphore_mem>>) src(%dma_wait3A_129 : memref<10000x128xf32, #tpu.memory_space<hbm>>) dst(%arg7 : memref<128x128xf32, #tpu.memory_space<vmem>>)
        %add3A_130 = arith.addi %select_n3A_12, %add3A_103 : i32
        %mul3A_131 = arith.constant 128 : i32
        %mul3A_132 = arith.muli %add3A_130, %mul3A_131 : i32
        %dma_start3A = arith.constant 0 : i32
        %dma_start3A_133 = tpu.memref_slice %arg4[%mul3A_132, %dma_start3A] : memref<64000x128xf32, #tpu.memory_space<hbm>> -> memref<128x128xf32, #tpu.memory_space<hbm>>
        %dma_start3A_134 = arith.constant 0 : i32
        %dma_start3A_135 = tpu.memref_slice %arg4[%mul3A_132, %dma_start3A_134] : memref<64000x128xf32, #tpu.memory_space<hbm>> -> memref<128x128xf32, #tpu.memory_space<hbm>>
        tpu.enqueue_dma source(%arg7 : memref<128x128xf32, #tpu.memory_space<vmem>>) target(%dma_start3A_135 : memref<128x128xf32, #tpu.memory_space<hbm>>) target_semaphore(%arg15 : memref<!tpu.dma_semaphore, #tpu.memory_space<semaphore_mem>>)
      } else {
      }
      %mul3A_108 = arith.constant 4 : i32
      %mul3A_109 = arith.muli %mul3A_108, %scan3A_59 : i32
      %add3A_110 = arith.constant 2 : i32
      %add3A_111 = arith.addi %mul3A_109, %add3A_110 : i32
      %lt3A_112 = arith.cmpi slt, %add3A_111, %select_n3A : i32
      %convert_element_type3A_113 = arith.extui %lt3A_112 : i1 to i32
      %cond3A_114 = arith.constant 0 : i32
      %cond3A_115 = arith.cmpi ne, %convert_element_type3A_113, %cond3A_114 : i32
      scf.if %cond3A_115 {
        %add3A_124 = arith.addi %sub3A_36, %add3A_111 : i32
        %dma_wait3A = arith.constant 0 : i32
        %dma_wait3A_125 = tpu.memref_slice %arg5[%add3A_124, %dma_wait3A] : memref<24x128xi32, #tpu.memory_space<vmem>> -> memref<1x128xi32, #tpu.memory_space<vmem>>
        %dma_wait3A_126 = tpu.memref_squeeze %dma_wait3A_125 : memref<1x128xi32, #tpu.memory_space<vmem>> -> memref<128xi32, #tpu.memory_space<vmem>>
        %dma_wait3A_127 = arith.constant 0 : i32
        %dma_wait3A_128 = arith.constant 0 : i32
        %dma_wait3A_129 = tpu.memref_slice %arg2[%dma_wait3A_127, %dma_wait3A_128] : memref<10000x128xf32, #tpu.memory_space<hbm>> -> memref<10000x128xf32, #tpu.memory_space<hbm>>
        tpu.wait_indirect_dma semaphore(%arg12 : memref<!tpu.dma_semaphore, #tpu.memory_space<semaphore_mem>>) src(%dma_wait3A_129 : memref<10000x128xf32, #tpu.memory_space<hbm>>) dst(%arg8 : memref<128x128xf32, #tpu.memory_space<vmem>>)
        %add3A_130 = arith.addi %select_n3A_12, %add3A_111 : i32
        %mul3A_131 = arith.constant 128 : i32
        %mul3A_132 = arith.muli %add3A_130, %mul3A_131 : i32
        %dma_start3A = arith.constant 0 : i32
        %dma_start3A_133 = tpu.memref_slice %arg4[%mul3A_132, %dma_start3A] : memref<64000x128xf32, #tpu.memory_space<hbm>> -> memref<128x128xf32, #tpu.memory_space<hbm>>
        %dma_start3A_134 = arith.constant 0 : i32
        %dma_start3A_135 = tpu.memref_slice %arg4[%mul3A_132, %dma_start3A_134] : memref<64000x128xf32, #tpu.memory_space<hbm>> -> memref<128x128xf32, #tpu.memory_space<hbm>>
        tpu.enqueue_dma source(%arg8 : memref<128x128xf32, #tpu.memory_space<vmem>>) target(%dma_start3A_135 : memref<128x128xf32, #tpu.memory_space<hbm>>) target_semaphore(%arg16 : memref<!tpu.dma_semaphore, #tpu.memory_space<semaphore_mem>>)
      } else {
      }
      %mul3A_116 = arith.constant 4 : i32
      %mul3A_117 = arith.muli %mul3A_116, %scan3A_59 : i32
      %add3A_118 = arith.constant 3 : i32
      %add3A_119 = arith.addi %mul3A_117, %add3A_118 : i32
      %lt3A_120 = arith.cmpi slt, %add3A_119, %select_n3A : i32
      %convert_element_type3A_121 = arith.extui %lt3A_120 : i1 to i32
      %cond3A_122 = arith.constant 0 : i32
      %cond3A_123 = arith.cmpi ne, %convert_element_type3A_121, %cond3A_122 : i32
      scf.if %cond3A_123 {
        %add3A_124 = arith.addi %sub3A_36, %add3A_119 : i32
        %dma_wait3A = arith.constant 0 : i32
        %dma_wait3A_125 = tpu.memref_slice %arg5[%add3A_124, %dma_wait3A] : memref<24x128xi32, #tpu.memory_space<vmem>> -> memref<1x128xi32, #tpu.memory_space<vmem>>
        %dma_wait3A_126 = tpu.memref_squeeze %dma_wait3A_125 : memref<1x128xi32, #tpu.memory_space<vmem>> -> memref<128xi32, #tpu.memory_space<vmem>>
        %dma_wait3A_127 = arith.constant 0 : i32
        %dma_wait3A_128 = arith.constant 0 : i32
        %dma_wait3A_129 = tpu.memref_slice %arg2[%dma_wait3A_127, %dma_wait3A_128] : memref<10000x128xf32, #tpu.memory_space<hbm>> -> memref<10000x128xf32, #tpu.memory_space<hbm>>
        tpu.wait_indirect_dma semaphore(%arg13 : memref<!tpu.dma_semaphore, #tpu.memory_space<semaphore_mem>>) src(%dma_wait3A_129 : memref<10000x128xf32, #tpu.memory_space<hbm>>) dst(%arg9 : memref<128x128xf32, #tpu.memory_space<vmem>>)
        %add3A_130 = arith.addi %select_n3A_12, %add3A_119 : i32
        %mul3A_131 = arith.constant 128 : i32
        %mul3A_132 = arith.muli %add3A_130, %mul3A_131 : i32
        %dma_start3A = arith.constant 0 : i32
        %dma_start3A_133 = tpu.memref_slice %arg4[%mul3A_132, %dma_start3A] : memref<64000x128xf32, #tpu.memory_space<hbm>> -> memref<128x128xf32, #tpu.memory_space<hbm>>
        %dma_start3A_134 = arith.constant 0 : i32
        %dma_start3A_135 = tpu.memref_slice %arg4[%mul3A_132, %dma_start3A_134] : memref<64000x128xf32, #tpu.memory_space<hbm>> -> memref<128x128xf32, #tpu.memory_space<hbm>>
        tpu.enqueue_dma source(%arg9 : memref<128x128xf32, #tpu.memory_space<vmem>>) target(%dma_start3A_135 : memref<128x128xf32, #tpu.memory_space<hbm>>) target_semaphore(%arg17 : memref<!tpu.dma_semaphore, #tpu.memory_space<semaphore_mem>>)
      } else {
      }
    }
    %scan3A_41 = arith.constant 4 : i32
    %ge3A = arith.constant 1 : i32
    %ge3A_42 = arith.cmpi sge, %select_n3A, %ge3A : i32
    %convert_element_type3A = arith.extui %ge3A_42 : i1 to i32
    %cond3A = arith.constant 0 : i32
    %cond3A_43 = arith.cmpi ne, %convert_element_type3A, %cond3A : i32
    scf.if %cond3A_43 {
      %dma_wait3A = arith.constant 0 : i32
      %dma_wait3A_59 = arith.constant 0 : i32
      %dma_wait3A_60 = tpu.memref_slice %arg2[%dma_wait3A, %dma_wait3A_59] : memref<10000x128xf32, #tpu.memory_space<hbm>> -> memref<128x128xf32, #tpu.memory_space<hbm>>
      %dma_wait3A_61 = arith.constant 0 : i32
      %dma_wait3A_62 = arith.constant 0 : i32
      %dma_wait3A_63 = tpu.memref_slice %arg2[%dma_wait3A_61, %dma_wait3A_62] : memref<10000x128xf32, #tpu.memory_space<hbm>> -> memref<128x128xf32, #tpu.memory_space<hbm>>
      tpu.wait_dma2 semaphore(%arg14 : memref<!tpu.dma_semaphore, #tpu.memory_space<semaphore_mem>>) src(%dma_wait3A_63 : memref<128x128xf32, #tpu.memory_space<hbm>>) dst(%arg6 : memref<128x128xf32, #tpu.memory_space<vmem>>)
    } else {
    }
    %ge3A_44 = arith.constant 2 : i32
    %ge3A_45 = arith.cmpi sge, %select_n3A, %ge3A_44 : i32
    %convert_element_type3A_46 = arith.extui %ge3A_45 : i1 to i32
    %cond3A_47 = arith.constant 0 : i32
    %cond3A_48 = arith.cmpi ne, %convert_element_type3A_46, %cond3A_47 : i32
    scf.if %cond3A_48 {
      %dma_wait3A = arith.constant 0 : i32
      %dma_wait3A_59 = arith.constant 0 : i32
      %dma_wait3A_60 = tpu.memref_slice %arg2[%dma_wait3A, %dma_wait3A_59] : memref<10000x128xf32, #tpu.memory_space<hbm>> -> memref<128x128xf32, #tpu.memory_space<hbm>>
      %dma_wait3A_61 = arith.constant 0 : i32
      %dma_wait3A_62 = arith.constant 0 : i32
      %dma_wait3A_63 = tpu.memref_slice %arg2[%dma_wait3A_61, %dma_wait3A_62] : memref<10000x128xf32, #tpu.memory_space<hbm>> -> memref<128x128xf32, #tpu.memory_space<hbm>>
      tpu.wait_dma2 semaphore(%arg15 : memref<!tpu.dma_semaphore, #tpu.memory_space<semaphore_mem>>) src(%dma_wait3A_63 : memref<128x128xf32, #tpu.memory_space<hbm>>) dst(%arg7 : memref<128x128xf32, #tpu.memory_space<vmem>>)
    } else {
    }
    %ge3A_49 = arith.constant 3 : i32
    %ge3A_50 = arith.cmpi sge, %select_n3A, %ge3A_49 : i32
    %convert_element_type3A_51 = arith.extui %ge3A_50 : i1 to i32
    %cond3A_52 = arith.constant 0 : i32
    %cond3A_53 = arith.cmpi ne, %convert_element_type3A_51, %cond3A_52 : i32
    scf.if %cond3A_53 {
      %dma_wait3A = arith.constant 0 : i32
      %dma_wait3A_59 = arith.constant 0 : i32
      %dma_wait3A_60 = tpu.memref_slice %arg2[%dma_wait3A, %dma_wait3A_59] : memref<10000x128xf32, #tpu.memory_space<hbm>> -> memref<128x128xf32, #tpu.memory_space<hbm>>
      %dma_wait3A_61 = arith.constant 0 : i32
      %dma_wait3A_62 = arith.constant 0 : i32
      %dma_wait3A_63 = tpu.memref_slice %arg2[%dma_wait3A_61, %dma_wait3A_62] : memref<10000x128xf32, #tpu.memory_space<hbm>> -> memref<128x128xf32, #tpu.memory_space<hbm>>
      tpu.wait_dma2 semaphore(%arg16 : memref<!tpu.dma_semaphore, #tpu.memory_space<semaphore_mem>>) src(%dma_wait3A_63 : memref<128x128xf32, #tpu.memory_space<hbm>>) dst(%arg8 : memref<128x128xf32, #tpu.memory_space<vmem>>)
    } else {
    }
    %ge3A_54 = arith.constant 4 : i32
    %ge3A_55 = arith.cmpi sge, %select_n3A, %ge3A_54 : i32
    %convert_element_type3A_56 = arith.extui %ge3A_55 : i1 to i32
    %cond3A_57 = arith.constant 0 : i32
    %cond3A_58 = arith.cmpi ne, %convert_element_type3A_56, %cond3A_57 : i32
    scf.if %cond3A_58 {
      %dma_wait3A = arith.constant 0 : i32
      %dma_wait3A_59 = arith.constant 0 : i32
      %dma_wait3A_60 = tpu.memref_slice %arg2[%dma_wait3A, %dma_wait3A_59] : memref<10000x128xf32, #tpu.memory_space<hbm>> -> memref<128x128xf32, #tpu.memory_space<hbm>>
      %dma_wait3A_61 = arith.constant 0 : i32
      %dma_wait3A_62 = arith.constant 0 : i32
      %dma_wait3A_63 = tpu.memref_slice %arg2[%dma_wait3A_61, %dma_wait3A_62] : memref<10000x128xf32, #tpu.memory_space<hbm>> -> memref<128x128xf32, #tpu.memory_space<hbm>>
      tpu.wait_dma2 semaphore(%arg17 : memref<!tpu.dma_semaphore, #tpu.memory_space<semaphore_mem>>) src(%dma_wait3A_63 : memref<128x128xf32, #tpu.memory_space<hbm>>) dst(%arg9 : memref<128x128xf32, #tpu.memory_space<vmem>>)
    } else {
    }
    return
  }
}

module attributes {stable_mosaic.version = 14 : i64} {
  func.func @body(%arg0: memref<2500x128xi32, #tpu.memory_space<vmem>>, %arg1: memref<2524x128xi32, #tpu.memory_space<vmem>>) attributes {dimension_semantics = [], scalar_prefetch = 0 : i64, scratch_operands = 0 : i64, tpu.core_type = #tpu.core_type<tc>} {
    %get3A = arith.constant 0 : index
    %get3A_0 = arith.constant 0 : index
    %get3A_1 = vector.load %arg0[%get3A, %get3A_0] : memref<2500x128xi32, #tpu.memory_space<vmem>>, vector<2500x128xi32>
    %broadcast_in_dim3A = arith.constant 0 : i32
    %broadcast_in_dim3A_2 = vector.broadcast %broadcast_in_dim3A : i32 to vector<24x128xi32>
    %concatenate3A = tpu.concatenate %get3A_1, %broadcast_in_dim3A_2 in 0 : vector<2500x128xi32>, vector<24x128xi32> -> vector<2524x128xi32>
    %swap3A = arith.constant 0 : index
    %swap3A_3 = arith.constant 0 : index
    %swap3A_4 = vector.load %arg1[%swap3A, %swap3A_3] : memref<2524x128xi32, #tpu.memory_space<vmem>>, vector<2524x128xi32>
    tpu.vector_store %arg1[%swap3A, %swap3A_3], %concatenate3A {strides = array<i32>} : memref<2524x128xi32, #tpu.memory_space<vmem>>, vector<2524x128xi32>,
    return
  }
}

module attributes {stable_mosaic.version = 14 : i64} {
  func.func @_tc_body(%arg0: i32, %arg1: memref<200x128xf32, #tpu.memory_space<vmem>>, %arg2: memref<6400x128xf32, #tpu.memory_space<vmem>>, %arg3: memref<6400x16xbf16, #tpu.memory_space<vmem>>, %arg4: memref<128x256xf32, #tpu.memory_space<vmem>>, %arg5: memref<128x256xbf16, #tpu.memory_space<vmem>>, %arg6: memref<16x256xbf16, #tpu.memory_space<vmem>>, %arg7: memref<1x256xf32, #tpu.memory_space<vmem>>, %arg8: memref<1x1xf32, #tpu.memory_space<vmem>>, %arg9: memref<200x128xf32, #tpu.memory_space<vmem>>) attributes {dimension_semantics = [#tpu.dimension_semantics<arbitrary>], iteration_bounds = array<i64: 10>, scalar_prefetch = 0 : i64, scratch_operands = 0 : i64, tpu.core_type = #tpu.core_type<tc>, window_params = [{transform_indices = @transform_0, window_bounds = array<i64: 200, 128>}, {transform_indices = @transform_1, window_bounds = array<i64: 6400, 128>}, {transform_indices = @transform_2, window_bounds = array<i64: 6400, 16>}, {pipeline_mode = #tpu.pipeline_mode<synchronous>, transform_indices = @transform_3, window_bounds = array<i64: 128, 256>}, {pipeline_mode = #tpu.pipeline_mode<synchronous>, transform_indices = @transform_4, window_bounds = array<i64: 128, 256>}, {pipeline_mode = #tpu.pipeline_mode<synchronous>, transform_indices = @transform_5, window_bounds = array<i64: 16, 256>}, {pipeline_mode = #tpu.pipeline_mode<synchronous>, transform_indices = @transform_6, window_bounds = array<i64: 1, 256>}, {pipeline_mode = #tpu.pipeline_mode<synchronous>, transform_indices = @transform_7, window_bounds = array<i64: 1, 1>}, {transform_indices = @transform_8, window_bounds = array<i64: 200, 128>}]} {
    %get3A = arith.constant 0 : index
    %get3A_0 = arith.constant 0 : index
    %get3A_1 = vector.load %arg1[%get3A, %get3A_0] : memref<200x128xf32, #tpu.memory_space<vmem>>, vector<200x128xf32>
    %get3A_2 = arith.constant 0 : index
    %get3A_3 = arith.constant 0 : index
    %get3A_4 = vector.load %arg4[%get3A_2, %get3A_3] : memref<128x256xf32, #tpu.memory_space<vmem>>, vector<128x256xf32>
    %dot_general3A = arith.constant dense<0.000000e+00> : vector<200x256xf32>
    %dot_general3A_5 = tpu.matmul %get3A_1, %get3A_4, %dot_general3A {dimension_numbers = #tpu.dot_dimension_numbers<[1], [0], [0], [1], [0, 0, 1, 1], [], []>, transpose_lhs_hint = false} : vector<200x128xf32>, vector<128x256xf32>, vector<200x256xf32> -> vector<200x256xf32>
    %get3A_6 = arith.constant 0 : index
    %get3A_7 = arith.constant 0 : index
    %get3A_8 = vector.load %arg7[%get3A_6, %get3A_7] : memref<1x256xf32, #tpu.memory_space<vmem>>, vector<1x256xf32>
    %add3A = vector.broadcast %get3A_8 : vector<1x256xf32> to vector<200x256xf32>
    %add3A_9 = arith.addf %dot_general3A_5, %add3A : vector<200x256xf32>
    %get3A_10 = arith.constant 0 : index
    %get3A_11 = arith.constant 0 : index
    %get3A_12 = vector.load %arg2[%get3A_10, %get3A_11] : memref<6400x128xf32, #tpu.memory_space<vmem>>, vector<6400x128xf32>
    %convert_element_type3A = arith.truncf %get3A_12 : vector<6400x128xf32> to vector<6400x128xbf16>
    %get3A_13 = arith.constant 0 : index
    %get3A_14 = arith.constant 0 : index
    %get3A_15 = vector.load %arg5[%get3A_13, %get3A_14] : memref<128x256xbf16, #tpu.memory_space<vmem>>, vector<128x256xbf16>
    %dot_general3A_16 = arith.constant dense<0.000000e+00> : vector<6400x256xf32>
    %dot_general3A_17 = tpu.matmul %convert_element_type3A, %get3A_15, %dot_general3A_16 {dimension_numbers = #tpu.dot_dimension_numbers<[1], [0], [0], [1], [0, 0, 1, 1], [], []>, transpose_lhs_hint = false} : vector<6400x128xbf16>, vector<128x256xbf16>, vector<6400x256xf32> -> vector<6400x256xf32>
    %get3A_18 = arith.constant 0 : index
    %get3A_19 = arith.constant 0 : index
    %get3A_20 = vector.load %arg3[%get3A_18, %get3A_19] : memref<6400x16xbf16, #tpu.memory_space<vmem>>, vector<6400x16xbf16>
    %get3A_21 = arith.constant 0 : index
    %get3A_22 = arith.constant 0 : index
    %get3A_23 = vector.load %arg6[%get3A_21, %get3A_22] : memref<16x256xbf16, #tpu.memory_space<vmem>>, vector<16x256xbf16>
    %dot_general3A_24 = arith.constant dense<0.000000e+00> : vector<6400x256xf32>
    %dot_general3A_25 = tpu.matmul %get3A_20, %get3A_23, %dot_general3A_24 {dimension_numbers = #tpu.dot_dimension_numbers<[1], [0], [0], [1], [0, 0, 1, 1], [], []>, transpose_lhs_hint = false} : vector<6400x16xbf16>, vector<16x256xbf16>, vector<6400x256xf32> -> vector<6400x256xf32>
    %add3A_26 = arith.addf %dot_general3A_17, %dot_general3A_25 : vector<6400x256xf32>
    %reshape3A = vector.shape_cast %add3A_26 : vector<6400x256xf32> to vector<200x32x256xf32>
    %broadcast_in_dim3A = vector.shape_cast %add3A_9 : vector<200x256xf32> to vector<200x1x256xf32>
    %add3A_27 = vector.broadcast %broadcast_in_dim3A : vector<200x1x256xf32> to vector<200x32x256xf32>
    %add3A_28 = arith.addf %reshape3A, %add3A_27 : vector<200x32x256xf32>
    %slice3A = vector.extract_strided_slice %add3A_28 {offsets = [0, 0, 0], sizes = [200, 32, 128], strides = [1, 1, 1]} : vector<200x32x256xf32> to vector<200x32x128xf32>
    %mul3A = arith.constant 5.000000e-01 : f32
    %mul3A_29 = vector.broadcast %mul3A : f32 to vector<200x32x128xf32>
    %mul3A_30 = arith.mulf %mul3A_29, %slice3A : vector<200x32x128xf32>
    %tanh3A = math.tanh %mul3A_30 : vector<200x32x128xf32>
    %mul3A_31 = arith.constant 5.000000e-01 : f32
    %mul3A_32 = vector.broadcast %mul3A_31 : f32 to vector<200x32x128xf32>
    %mul3A_33 = arith.mulf %mul3A_32, %tanh3A : vector<200x32x128xf32>
    %add3A_34 = arith.constant 5.000000e-01 : f32
    %add3A_35 = vector.broadcast %add3A_34 : f32 to vector<200x32x128xf32>
    %add3A_36 = arith.addf %add3A_35, %mul3A_33 : vector<200x32x128xf32>
    %slice3A_37 = vector.extract_strided_slice %add3A_28 {offsets = [0, 0, 128], sizes = [200, 32, 128], strides = [1, 1, 1]} : vector<200x32x256xf32> to vector<200x32x128xf32>
    %mul3A_38 = arith.constant 1.44269502 : f32
    %mul3A_39 = vector.broadcast %mul3A_38 : f32 to vector<200x32x128xf32>
    %mul3A_40 = arith.mulf %slice3A_37, %mul3A_39 : vector<200x32x128xf32>
    %exp23A = math.exp2 %mul3A_40 : vector<200x32x128xf32>
    %add3A_41 = arith.constant 1.000000e+00 : f32
    %add3A_42 = vector.broadcast %add3A_41 : f32 to vector<200x32x128xf32>
    %add3A_43 = arith.addf %add3A_42, %exp23A : vector<200x32x128xf32>
    %log3A = math.log %add3A_43 : vector<200x32x128xf32>
    %log3A_44 = arith.constant 2.000000e+00 : f32
    %log3A_45 = math.log %log3A_44 : f32
    %div3A = vector.broadcast %log3A_45 : f32 to vector<200x32x128xf32>
    %div3A_46 = arith.divf %log3A, %div3A : vector<200x32x128xf32>
    %mul3A_47 = arith.constant 0.693147182 : f32
    %mul3A_48 = vector.broadcast %mul3A_47 : f32 to vector<200x32x128xf32>
    %mul3A_49 = arith.mulf %mul3A_48, %div3A_46 : vector<200x32x128xf32>
    %mul3A_50 = arith.mulf %add3A_36, %mul3A_49 : vector<200x32x128xf32>
    %reduce_sum3A = arith.constant dense<0.000000e+00> : vector<200x128xf32>
    %reduce_sum3A_51 = vector.multi_reduction <add>, %mul3A_50, %reduce_sum3A [1] : vector<200x32x128xf32> to vector<200x128xf32>
    %get3A_52 = arith.constant 0 : index
    %get3A_53 = arith.constant 0 : index
    %get3A_54 = vector.load %arg8[%get3A_52, %get3A_53] : memref<1x1xf32, #tpu.memory_space<vmem>>, vector<1x1xf32>
    %get3A_55 = vector.extract %get3A_54[0, 0] : f32 from vector<1x1xf32>
    %mul3A_56 = vector.broadcast %get3A_55 : f32 to vector<200x128xf32>
    %mul3A_57 = arith.mulf %mul3A_56, %get3A_1 : vector<200x128xf32>
    %add3A_58 = arith.addf %mul3A_57, %reduce_sum3A_51 : vector<200x128xf32>
    %max3A = arith.constant 0.000000e+00 : f32
    %max3A_59 = vector.broadcast %max3A : f32 to vector<200x128xf32>
    %max3A_60 = arith.maximumf %add3A_58, %max3A_59 : vector<200x128xf32>
    %abs3A = math.absf %add3A_58 : vector<200x128xf32>
    %neg3A = arith.constant 0.000000e+00 : f32
    %neg3A_61 = vector.broadcast %neg3A : f32 to vector<200x128xf32>
    %neg3A_62 = arith.subf %neg3A_61, %abs3A : vector<200x128xf32>
    %exp3A = math.exp %neg3A_62 : vector<200x128xf32>
    %log1p3A = math.log1p %exp3A : vector<200x128xf32>
    %add3A_63 = arith.addf %max3A_60, %log1p3A : vector<200x128xf32>
    %swap3A = arith.constant 0 : index
    %swap3A_64 = arith.constant 0 : index
    %swap3A_65 = vector.load %arg9[%swap3A, %swap3A_64] : memref<200x128xf32, #tpu.memory_space<vmem>>, vector<200x128xf32>
    tpu.vector_store %arg9[%swap3A, %swap3A_64], %add3A_63 {strides = array<i32>} : memref<200x128xf32, #tpu.memory_space<vmem>>, vector<200x128xf32>,
    return
  }
  func.func @transform_0(%arg0: i32) -> (i32, i32) {
    %add3A = arith.constant 0 : i32
    %add3A_0 = arith.addi %add3A, %arg0 : i32
    %c0_i32 = arith.constant 0 : i32
    %c0_i32_1 = arith.constant 0 : i32
    return %add3A_0, %c0_i32 : i32, i32
  }
  func.func @transform_1(%arg0: i32) -> (i32, i32) {
    %c0_i32 = arith.constant 0 : i32
    %c0_i32_0 = arith.constant 0 : i32
    return %arg0, %c0_i32 : i32, i32
  }
  func.func @transform_2(%arg0: i32) -> (i32, i32) {
    %add3A = arith.constant 0 : i32
    %add3A_0 = arith.addi %add3A, %arg0 : i32
    %c0_i32 = arith.constant 0 : i32
    %c0_i32_1 = arith.constant 0 : i32
    return %add3A_0, %c0_i32 : i32, i32
  }
  func.func @transform_3(%arg0: i32) -> (i32, i32) {
    %c0_i32 = arith.constant 0 : i32
    %c0_i32_0 = arith.constant 0 : i32
    %c0_i32_1 = arith.constant 0 : i32
    return %c0_i32, %c0_i32_0 : i32, i32
  }
  func.func @transform_4(%arg0: i32) -> (i32, i32) {
    %c0_i32 = arith.constant 0 : i32
    %c0_i32_0 = arith.constant 0 : i32
    %c0_i32_1 = arith.constant 0 : i32
    return %c0_i32, %c0_i32_0 : i32, i32
  }
  func.func @transform_5(%arg0: i32) -> (i32, i32) {
    %c0_i32 = arith.constant 0 : i32
    %c0_i32_0 = arith.constant 0 : i32
    %c0_i32_1 = arith.constant 0 : i32
    return %c0_i32, %c0_i32_0 : i32, i32
  }
  func.func @transform_6(%arg0: i32) -> (i32, i32) {
    %c0_i32 = arith.constant 0 : i32
    %c0_i32_0 = arith.constant 0 : i32
    %c0_i32_1 = arith.constant 0 : i32
    return %c0_i32, %c0_i32_0 : i32, i32
  }
  func.func @transform_7(%arg0: i32) -> (i32, i32) {
    %c0_i32 = arith.constant 0 : i32
    %c0_i32_0 = arith.constant 0 : i32
    %c0_i32_1 = arith.constant 0 : i32
    return %c0_i32, %c0_i32_0 : i32, i32
  }
  func.func @transform_8(%arg0: i32) -> (i32, i32) {
    %c0_i32 = arith.constant 0 : i32
    %c0_i32_0 = arith.constant 0 : i32
    return %arg0, %c0_i32 : i32, i32
  }
}

module attributes {stable_mosaic.version = 14 : i64} {
  func.func @_tc_body(%arg0: i32, %arg1: memref<200x128xf32, #tpu.memory_space<vmem>>, %arg2: memref<6400x128xf32, #tpu.memory_space<vmem>>, %arg3: memref<6400x16xbf16, #tpu.memory_space<vmem>>, %arg4: memref<128x256xf32, #tpu.memory_space<vmem>>, %arg5: memref<128x256xbf16, #tpu.memory_space<vmem>>, %arg6: memref<16x256xbf16, #tpu.memory_space<vmem>>, %arg7: memref<1x256xf32, #tpu.memory_space<vmem>>, %arg8: memref<1x1xf32, #tpu.memory_space<vmem>>, %arg9: memref<200x128xf32, #tpu.memory_space<vmem>>) attributes {dimension_semantics = [#tpu.dimension_semantics<arbitrary>], iteration_bounds = array<i64: 10>, scalar_prefetch = 0 : i64, scratch_operands = 0 : i64, tpu.core_type = #tpu.core_type<tc>, window_params = [{transform_indices = @transform_0, window_bounds = array<i64: 200, 128>}, {transform_indices = @transform_1, window_bounds = array<i64: 6400, 128>}, {transform_indices = @transform_2, window_bounds = array<i64: 6400, 16>}, {pipeline_mode = #tpu.pipeline_mode<synchronous>, transform_indices = @transform_3, window_bounds = array<i64: 128, 256>}, {pipeline_mode = #tpu.pipeline_mode<synchronous>, transform_indices = @transform_4, window_bounds = array<i64: 128, 256>}, {pipeline_mode = #tpu.pipeline_mode<synchronous>, transform_indices = @transform_5, window_bounds = array<i64: 16, 256>}, {pipeline_mode = #tpu.pipeline_mode<synchronous>, transform_indices = @transform_6, window_bounds = array<i64: 1, 256>}, {pipeline_mode = #tpu.pipeline_mode<synchronous>, transform_indices = @transform_7, window_bounds = array<i64: 1, 1>}, {transform_indices = @transform_8, window_bounds = array<i64: 200, 128>}]} {
    %get3A = arith.constant 0 : index
    %get3A_0 = arith.constant 0 : index
    %get3A_1 = vector.load %arg1[%get3A, %get3A_0] : memref<200x128xf32, #tpu.memory_space<vmem>>, vector<200x128xf32>
    %get3A_2 = arith.constant 0 : index
    %get3A_3 = arith.constant 0 : index
    %get3A_4 = vector.load %arg4[%get3A_2, %get3A_3] : memref<128x256xf32, #tpu.memory_space<vmem>>, vector<128x256xf32>
    %dot_general3A = arith.constant dense<0.000000e+00> : vector<200x256xf32>
    %dot_general3A_5 = tpu.matmul %get3A_1, %get3A_4, %dot_general3A {dimension_numbers = #tpu.dot_dimension_numbers<[1], [0], [0], [1], [0, 0, 1, 1], [], []>, transpose_lhs_hint = false} : vector<200x128xf32>, vector<128x256xf32>, vector<200x256xf32> -> vector<200x256xf32>
    %get3A_6 = arith.constant 0 : index
    %get3A_7 = arith.constant 0 : index
    %get3A_8 = vector.load %arg7[%get3A_6, %get3A_7] : memref<1x256xf32, #tpu.memory_space<vmem>>, vector<1x256xf32>
    %add3A = vector.broadcast %get3A_8 : vector<1x256xf32> to vector<200x256xf32>
    %add3A_9 = arith.addf %dot_general3A_5, %add3A : vector<200x256xf32>
    %get3A_10 = arith.constant 0 : index
    %get3A_11 = arith.constant 0 : index
    %get3A_12 = vector.load %arg2[%get3A_10, %get3A_11] : memref<6400x128xf32, #tpu.memory_space<vmem>>, vector<6400x128xf32>
    %convert_element_type3A = arith.truncf %get3A_12 : vector<6400x128xf32> to vector<6400x128xbf16>
    %get3A_13 = arith.constant 0 : index
    %get3A_14 = arith.constant 0 : index
    %get3A_15 = vector.load %arg5[%get3A_13, %get3A_14] : memref<128x256xbf16, #tpu.memory_space<vmem>>, vector<128x256xbf16>
    %dot_general3A_16 = arith.constant dense<0.000000e+00> : vector<6400x256xf32>
    %dot_general3A_17 = tpu.matmul %convert_element_type3A, %get3A_15, %dot_general3A_16 {dimension_numbers = #tpu.dot_dimension_numbers<[1], [0], [0], [1], [0, 0, 1, 1], [], []>, transpose_lhs_hint = false} : vector<6400x128xbf16>, vector<128x256xbf16>, vector<6400x256xf32> -> vector<6400x256xf32>
    %get3A_18 = arith.constant 0 : index
    %get3A_19 = arith.constant 0 : index
    %get3A_20 = vector.load %arg3[%get3A_18, %get3A_19] : memref<6400x16xbf16, #tpu.memory_space<vmem>>, vector<6400x16xbf16>
    %get3A_21 = arith.constant 0 : index
    %get3A_22 = arith.constant 0 : index
    %get3A_23 = vector.load %arg6[%get3A_21, %get3A_22] : memref<16x256xbf16, #tpu.memory_space<vmem>>, vector<16x256xbf16>
    %dot_general3A_24 = arith.constant dense<0.000000e+00> : vector<6400x256xf32>
    %dot_general3A_25 = tpu.matmul %get3A_20, %get3A_23, %dot_general3A_24 {dimension_numbers = #tpu.dot_dimension_numbers<[1], [0], [0], [1], [0, 0, 1, 1], [], []>, transpose_lhs_hint = false} : vector<6400x16xbf16>, vector<16x256xbf16>, vector<6400x256xf32> -> vector<6400x256xf32>
    %add3A_26 = arith.addf %dot_general3A_17, %dot_general3A_25 : vector<6400x256xf32>
    %reshape3A = vector.shape_cast %add3A_26 : vector<6400x256xf32> to vector<200x32x256xf32>
    %broadcast_in_dim3A = vector.shape_cast %add3A_9 : vector<200x256xf32> to vector<200x1x256xf32>
    %add3A_27 = vector.broadcast %broadcast_in_dim3A : vector<200x1x256xf32> to vector<200x32x256xf32>
    %add3A_28 = arith.addf %reshape3A, %add3A_27 : vector<200x32x256xf32>
    %slice3A = vector.extract_strided_slice %add3A_28 {offsets = [0, 0, 0], sizes = [200, 32, 128], strides = [1, 1, 1]} : vector<200x32x256xf32> to vector<200x32x128xf32>
    %mul3A = arith.constant 5.000000e-01 : f32
    %mul3A_29 = vector.broadcast %mul3A : f32 to vector<200x32x128xf32>
    %mul3A_30 = arith.mulf %mul3A_29, %slice3A : vector<200x32x128xf32>
    %tanh3A = math.tanh %mul3A_30 : vector<200x32x128xf32>
    %mul3A_31 = arith.constant 5.000000e-01 : f32
    %mul3A_32 = vector.broadcast %mul3A_31 : f32 to vector<200x32x128xf32>
    %mul3A_33 = arith.mulf %mul3A_32, %tanh3A : vector<200x32x128xf32>
    %add3A_34 = arith.constant 5.000000e-01 : f32
    %add3A_35 = vector.broadcast %add3A_34 : f32 to vector<200x32x128xf32>
    %add3A_36 = arith.addf %add3A_35, %mul3A_33 : vector<200x32x128xf32>
    %slice3A_37 = vector.extract_strided_slice %add3A_28 {offsets = [0, 0, 128], sizes = [200, 32, 128], strides = [1, 1, 1]} : vector<200x32x256xf32> to vector<200x32x128xf32>
    %mul3A_38 = arith.constant 1.44269502 : f32
    %mul3A_39 = vector.broadcast %mul3A_38 : f32 to vector<200x32x128xf32>
    %mul3A_40 = arith.mulf %slice3A_37, %mul3A_39 : vector<200x32x128xf32>
    %exp23A = math.exp2 %mul3A_40 : vector<200x32x128xf32>
    %add3A_41 = arith.constant 1.000000e+00 : f32
    %add3A_42 = vector.broadcast %add3A_41 : f32 to vector<200x32x128xf32>
    %add3A_43 = arith.addf %add3A_42, %exp23A : vector<200x32x128xf32>
    %log3A = math.log %add3A_43 : vector<200x32x128xf32>
    %log3A_44 = arith.constant 2.000000e+00 : f32
    %log3A_45 = math.log %log3A_44 : f32
    %div3A = vector.broadcast %log3A_45 : f32 to vector<200x32x128xf32>
    %div3A_46 = arith.divf %log3A, %div3A : vector<200x32x128xf32>
    %mul3A_47 = arith.constant 0.693147182 : f32
    %mul3A_48 = vector.broadcast %mul3A_47 : f32 to vector<200x32x128xf32>
    %mul3A_49 = arith.mulf %mul3A_48, %div3A_46 : vector<200x32x128xf32>
    %mul3A_50 = arith.mulf %add3A_36, %mul3A_49 : vector<200x32x128xf32>
    %reduce_sum3A = arith.constant dense<0.000000e+00> : vector<200x128xf32>
    %reduce_sum3A_51 = vector.multi_reduction <add>, %mul3A_50, %reduce_sum3A [1] : vector<200x32x128xf32> to vector<200x128xf32>
    %get3A_52 = arith.constant 0 : index
    %get3A_53 = arith.constant 0 : index
    %get3A_54 = vector.load %arg8[%get3A_52, %get3A_53] : memref<1x1xf32, #tpu.memory_space<vmem>>, vector<1x1xf32>
    %get3A_55 = vector.extract %get3A_54[0, 0] : f32 from vector<1x1xf32>
    %mul3A_56 = vector.broadcast %get3A_55 : f32 to vector<200x128xf32>
    %mul3A_57 = arith.mulf %mul3A_56, %get3A_1 : vector<200x128xf32>
    %add3A_58 = arith.addf %mul3A_57, %reduce_sum3A_51 : vector<200x128xf32>
    %max3A = arith.constant 0.000000e+00 : f32
    %max3A_59 = vector.broadcast %max3A : f32 to vector<200x128xf32>
    %max3A_60 = arith.maximumf %add3A_58, %max3A_59 : vector<200x128xf32>
    %abs3A = math.absf %add3A_58 : vector<200x128xf32>
    %neg3A = arith.constant 0.000000e+00 : f32
    %neg3A_61 = vector.broadcast %neg3A : f32 to vector<200x128xf32>
    %neg3A_62 = arith.subf %neg3A_61, %abs3A : vector<200x128xf32>
    %exp3A = math.exp %neg3A_62 : vector<200x128xf32>
    %log1p3A = math.log1p %exp3A : vector<200x128xf32>
    %add3A_63 = arith.addf %max3A_60, %log1p3A : vector<200x128xf32>
    %swap3A = arith.constant 0 : index
    %swap3A_64 = arith.constant 0 : index
    %swap3A_65 = vector.load %arg9[%swap3A, %swap3A_64] : memref<200x128xf32, #tpu.memory_space<vmem>>, vector<200x128xf32>
    tpu.vector_store %arg9[%swap3A, %swap3A_64], %add3A_63 {strides = array<i32>} : memref<200x128xf32, #tpu.memory_space<vmem>>, vector<200x128xf32>,
    return
  }
  func.func @transform_0(%arg0: i32) -> (i32, i32) {
    %add3A = arith.constant 10 : i32
    %add3A_0 = arith.addi %add3A, %arg0 : i32
    %c0_i32 = arith.constant 0 : i32
    %c0_i32_1 = arith.constant 0 : i32
    return %add3A_0, %c0_i32 : i32, i32
  }
  func.func @transform_1(%arg0: i32) -> (i32, i32) {
    %c0_i32 = arith.constant 0 : i32
    %c0_i32_0 = arith.constant 0 : i32
    return %arg0, %c0_i32 : i32, i32
  }
  func.func @transform_2(%arg0: i32) -> (i32, i32) {
    %add3A = arith.constant 10 : i32
    %add3A_0 = arith.addi %add3A, %arg0 : i32
    %c0_i32 = arith.constant 0 : i32
    %c0_i32_1 = arith.constant 0 : i32
    return %add3A_0, %c0_i32 : i32, i32
  }
  func.func @transform_3(%arg0: i32) -> (i32, i32) {
    %c0_i32 = arith.constant 0 : i32
    %c0_i32_0 = arith.constant 0 : i32
    %c0_i32_1 = arith.constant 0 : i32
    return %c0_i32, %c0_i32_0 : i32, i32
  }
  func.func @transform_4(%arg0: i32) -> (i32, i32) {
    %c0_i32 = arith.constant 0 : i32
    %c0_i32_0 = arith.constant 0 : i32
    %c0_i32_1 = arith.constant 0 : i32
    return %c0_i32, %c0_i32_0 : i32, i32
  }
  func.func @transform_5(%arg0: i32) -> (i32, i32) {
    %c0_i32 = arith.constant 0 : i32
    %c0_i32_0 = arith.constant 0 : i32
    %c0_i32_1 = arith.constant 0 : i32
    return %c0_i32, %c0_i32_0 : i32, i32
  }
  func.func @transform_6(%arg0: i32) -> (i32, i32) {
    %c0_i32 = arith.constant 0 : i32
    %c0_i32_0 = arith.constant 0 : i32
    %c0_i32_1 = arith.constant 0 : i32
    return %c0_i32, %c0_i32_0 : i32, i32
  }
  func.func @transform_7(%arg0: i32) -> (i32, i32) {
    %c0_i32 = arith.constant 0 : i32
    %c0_i32_0 = arith.constant 0 : i32
    %c0_i32_1 = arith.constant 0 : i32
    return %c0_i32, %c0_i32_0 : i32, i32
  }
  func.func @transform_8(%arg0: i32) -> (i32, i32) {
    %c0_i32 = arith.constant 0 : i32
    %c0_i32_0 = arith.constant 0 : i32
    return %arg0, %c0_i32 : i32, i32
  }
}

module attributes {stable_mosaic.version = 14 : i64} {
  func.func @_tc_body(%arg0: i32, %arg1: memref<200x128xf32, #tpu.memory_space<vmem>>, %arg2: memref<6400x128xf32, #tpu.memory_space<vmem>>, %arg3: memref<6400x16xbf16, #tpu.memory_space<vmem>>, %arg4: memref<128x256xf32, #tpu.memory_space<vmem>>, %arg5: memref<128x256xbf16, #tpu.memory_space<vmem>>, %arg6: memref<16x256xbf16, #tpu.memory_space<vmem>>, %arg7: memref<1x256xf32, #tpu.memory_space<vmem>>, %arg8: memref<1x1xf32, #tpu.memory_space<vmem>>, %arg9: memref<200x128xf32, #tpu.memory_space<vmem>>) attributes {dimension_semantics = [#tpu.dimension_semantics<arbitrary>], iteration_bounds = array<i64: 10>, scalar_prefetch = 0 : i64, scratch_operands = 0 : i64, tpu.core_type = #tpu.core_type<tc>, window_params = [{transform_indices = @transform_0, window_bounds = array<i64: 200, 128>}, {transform_indices = @transform_1, window_bounds = array<i64: 6400, 128>}, {transform_indices = @transform_2, window_bounds = array<i64: 6400, 16>}, {pipeline_mode = #tpu.pipeline_mode<synchronous>, transform_indices = @transform_3, window_bounds = array<i64: 128, 256>}, {pipeline_mode = #tpu.pipeline_mode<synchronous>, transform_indices = @transform_4, window_bounds = array<i64: 128, 256>}, {pipeline_mode = #tpu.pipeline_mode<synchronous>, transform_indices = @transform_5, window_bounds = array<i64: 16, 256>}, {pipeline_mode = #tpu.pipeline_mode<synchronous>, transform_indices = @transform_6, window_bounds = array<i64: 1, 256>}, {pipeline_mode = #tpu.pipeline_mode<synchronous>, transform_indices = @transform_7, window_bounds = array<i64: 1, 1>}, {transform_indices = @transform_8, window_bounds = array<i64: 200, 128>}]} {
    %get3A = arith.constant 0 : index
    %get3A_0 = arith.constant 0 : index
    %get3A_1 = vector.load %arg1[%get3A, %get3A_0] : memref<200x128xf32, #tpu.memory_space<vmem>>, vector<200x128xf32>
    %get3A_2 = arith.constant 0 : index
    %get3A_3 = arith.constant 0 : index
    %get3A_4 = vector.load %arg4[%get3A_2, %get3A_3] : memref<128x256xf32, #tpu.memory_space<vmem>>, vector<128x256xf32>
    %dot_general3A = arith.constant dense<0.000000e+00> : vector<200x256xf32>
    %dot_general3A_5 = tpu.matmul %get3A_1, %get3A_4, %dot_general3A {dimension_numbers = #tpu.dot_dimension_numbers<[1], [0], [0], [1], [0, 0, 1, 1], [], []>, transpose_lhs_hint = false} : vector<200x128xf32>, vector<128x256xf32>, vector<200x256xf32> -> vector<200x256xf32>
    %get3A_6 = arith.constant 0 : index
    %get3A_7 = arith.constant 0 : index
    %get3A_8 = vector.load %arg7[%get3A_6, %get3A_7] : memref<1x256xf32, #tpu.memory_space<vmem>>, vector<1x256xf32>
    %add3A = vector.broadcast %get3A_8 : vector<1x256xf32> to vector<200x256xf32>
    %add3A_9 = arith.addf %dot_general3A_5, %add3A : vector<200x256xf32>
    %get3A_10 = arith.constant 0 : index
    %get3A_11 = arith.constant 0 : index
    %get3A_12 = vector.load %arg2[%get3A_10, %get3A_11] : memref<6400x128xf32, #tpu.memory_space<vmem>>, vector<6400x128xf32>
    %convert_element_type3A = arith.truncf %get3A_12 : vector<6400x128xf32> to vector<6400x128xbf16>
    %get3A_13 = arith.constant 0 : index
    %get3A_14 = arith.constant 0 : index
    %get3A_15 = vector.load %arg5[%get3A_13, %get3A_14] : memref<128x256xbf16, #tpu.memory_space<vmem>>, vector<128x256xbf16>
    %dot_general3A_16 = arith.constant dense<0.000000e+00> : vector<6400x256xf32>
    %dot_general3A_17 = tpu.matmul %convert_element_type3A, %get3A_15, %dot_general3A_16 {dimension_numbers = #tpu.dot_dimension_numbers<[1], [0], [0], [1], [0, 0, 1, 1], [], []>, transpose_lhs_hint = false} : vector<6400x128xbf16>, vector<128x256xbf16>, vector<6400x256xf32> -> vector<6400x256xf32>
    %get3A_18 = arith.constant 0 : index
    %get3A_19 = arith.constant 0 : index
    %get3A_20 = vector.load %arg3[%get3A_18, %get3A_19] : memref<6400x16xbf16, #tpu.memory_space<vmem>>, vector<6400x16xbf16>
    %get3A_21 = arith.constant 0 : index
    %get3A_22 = arith.constant 0 : index
    %get3A_23 = vector.load %arg6[%get3A_21, %get3A_22] : memref<16x256xbf16, #tpu.memory_space<vmem>>, vector<16x256xbf16>
    %dot_general3A_24 = arith.constant dense<0.000000e+00> : vector<6400x256xf32>
    %dot_general3A_25 = tpu.matmul %get3A_20, %get3A_23, %dot_general3A_24 {dimension_numbers = #tpu.dot_dimension_numbers<[1], [0], [0], [1], [0, 0, 1, 1], [], []>, transpose_lhs_hint = false} : vector<6400x16xbf16>, vector<16x256xbf16>, vector<6400x256xf32> -> vector<6400x256xf32>
    %add3A_26 = arith.addf %dot_general3A_17, %dot_general3A_25 : vector<6400x256xf32>
    %reshape3A = vector.shape_cast %add3A_26 : vector<6400x256xf32> to vector<200x32x256xf32>
    %broadcast_in_dim3A = vector.shape_cast %add3A_9 : vector<200x256xf32> to vector<200x1x256xf32>
    %add3A_27 = vector.broadcast %broadcast_in_dim3A : vector<200x1x256xf32> to vector<200x32x256xf32>
    %add3A_28 = arith.addf %reshape3A, %add3A_27 : vector<200x32x256xf32>
    %slice3A = vector.extract_strided_slice %add3A_28 {offsets = [0, 0, 0], sizes = [200, 32, 128], strides = [1, 1, 1]} : vector<200x32x256xf32> to vector<200x32x128xf32>
    %mul3A = arith.constant 5.000000e-01 : f32
    %mul3A_29 = vector.broadcast %mul3A : f32 to vector<200x32x128xf32>
    %mul3A_30 = arith.mulf %mul3A_29, %slice3A : vector<200x32x128xf32>
    %tanh3A = math.tanh %mul3A_30 : vector<200x32x128xf32>
    %mul3A_31 = arith.constant 5.000000e-01 : f32
    %mul3A_32 = vector.broadcast %mul3A_31 : f32 to vector<200x32x128xf32>
    %mul3A_33 = arith.mulf %mul3A_32, %tanh3A : vector<200x32x128xf32>
    %add3A_34 = arith.constant 5.000000e-01 : f32
    %add3A_35 = vector.broadcast %add3A_34 : f32 to vector<200x32x128xf32>
    %add3A_36 = arith.addf %add3A_35, %mul3A_33 : vector<200x32x128xf32>
    %slice3A_37 = vector.extract_strided_slice %add3A_28 {offsets = [0, 0, 128], sizes = [200, 32, 128], strides = [1, 1, 1]} : vector<200x32x256xf32> to vector<200x32x128xf32>
    %mul3A_38 = arith.constant 1.44269502 : f32
    %mul3A_39 = vector.broadcast %mul3A_38 : f32 to vector<200x32x128xf32>
    %mul3A_40 = arith.mulf %slice3A_37, %mul3A_39 : vector<200x32x128xf32>
    %exp23A = math.exp2 %mul3A_40 : vector<200x32x128xf32>
    %add3A_41 = arith.constant 1.000000e+00 : f32
    %add3A_42 = vector.broadcast %add3A_41 : f32 to vector<200x32x128xf32>
    %add3A_43 = arith.addf %add3A_42, %exp23A : vector<200x32x128xf32>
    %log3A = math.log %add3A_43 : vector<200x32x128xf32>
    %log3A_44 = arith.constant 2.000000e+00 : f32
    %log3A_45 = math.log %log3A_44 : f32
    %div3A = vector.broadcast %log3A_45 : f32 to vector<200x32x128xf32>
    %div3A_46 = arith.divf %log3A, %div3A : vector<200x32x128xf32>
    %mul3A_47 = arith.constant 0.693147182 : f32
    %mul3A_48 = vector.broadcast %mul3A_47 : f32 to vector<200x32x128xf32>
    %mul3A_49 = arith.mulf %mul3A_48, %div3A_46 : vector<200x32x128xf32>
    %mul3A_50 = arith.mulf %add3A_36, %mul3A_49 : vector<200x32x128xf32>
    %reduce_sum3A = arith.constant dense<0.000000e+00> : vector<200x128xf32>
    %reduce_sum3A_51 = vector.multi_reduction <add>, %mul3A_50, %reduce_sum3A [1] : vector<200x32x128xf32> to vector<200x128xf32>
    %get3A_52 = arith.constant 0 : index
    %get3A_53 = arith.constant 0 : index
    %get3A_54 = vector.load %arg8[%get3A_52, %get3A_53] : memref<1x1xf32, #tpu.memory_space<vmem>>, vector<1x1xf32>
    %get3A_55 = vector.extract %get3A_54[0, 0] : f32 from vector<1x1xf32>
    %mul3A_56 = vector.broadcast %get3A_55 : f32 to vector<200x128xf32>
    %mul3A_57 = arith.mulf %mul3A_56, %get3A_1 : vector<200x128xf32>
    %add3A_58 = arith.addf %mul3A_57, %reduce_sum3A_51 : vector<200x128xf32>
    %max3A = arith.constant 0.000000e+00 : f32
    %max3A_59 = vector.broadcast %max3A : f32 to vector<200x128xf32>
    %max3A_60 = arith.maximumf %add3A_58, %max3A_59 : vector<200x128xf32>
    %abs3A = math.absf %add3A_58 : vector<200x128xf32>
    %neg3A = arith.constant 0.000000e+00 : f32
    %neg3A_61 = vector.broadcast %neg3A : f32 to vector<200x128xf32>
    %neg3A_62 = arith.subf %neg3A_61, %abs3A : vector<200x128xf32>
    %exp3A = math.exp %neg3A_62 : vector<200x128xf32>
    %log1p3A = math.log1p %exp3A : vector<200x128xf32>
    %add3A_63 = arith.addf %max3A_60, %log1p3A : vector<200x128xf32>
    %swap3A = arith.constant 0 : index
    %swap3A_64 = arith.constant 0 : index
    %swap3A_65 = vector.load %arg9[%swap3A, %swap3A_64] : memref<200x128xf32, #tpu.memory_space<vmem>>, vector<200x128xf32>
    tpu.vector_store %arg9[%swap3A, %swap3A_64], %add3A_63 {strides = array<i32>} : memref<200x128xf32, #tpu.memory_space<vmem>>, vector<200x128xf32>,
    return
  }
  func.func @transform_0(%arg0: i32) -> (i32, i32) {
    %add3A = arith.constant 20 : i32
    %add3A_0 = arith.addi %add3A, %arg0 : i32
    %c0_i32 = arith.constant 0 : i32
    %c0_i32_1 = arith.constant 0 : i32
    return %add3A_0, %c0_i32 : i32, i32
  }
  func.func @transform_1(%arg0: i32) -> (i32, i32) {
    %c0_i32 = arith.constant 0 : i32
    %c0_i32_0 = arith.constant 0 : i32
    return %arg0, %c0_i32 : i32, i32
  }
  func.func @transform_2(%arg0: i32) -> (i32, i32) {
    %add3A = arith.constant 20 : i32
    %add3A_0 = arith.addi %add3A, %arg0 : i32
    %c0_i32 = arith.constant 0 : i32
    %c0_i32_1 = arith.constant 0 : i32
    return %add3A_0, %c0_i32 : i32, i32
  }
  func.func @transform_3(%arg0: i32) -> (i32, i32) {
    %c0_i32 = arith.constant 0 : i32
    %c0_i32_0 = arith.constant 0 : i32
    %c0_i32_1 = arith.constant 0 : i32
    return %c0_i32, %c0_i32_0 : i32, i32
  }
  func.func @transform_4(%arg0: i32) -> (i32, i32) {
    %c0_i32 = arith.constant 0 : i32
    %c0_i32_0 = arith.constant 0 : i32
    %c0_i32_1 = arith.constant 0 : i32
    return %c0_i32, %c0_i32_0 : i32, i32
  }
  func.func @transform_5(%arg0: i32) -> (i32, i32) {
    %c0_i32 = arith.constant 0 : i32
    %c0_i32_0 = arith.constant 0 : i32
    %c0_i32_1 = arith.constant 0 : i32
    return %c0_i32, %c0_i32_0 : i32, i32
  }
  func.func @transform_6(%arg0: i32) -> (i32, i32) {
    %c0_i32 = arith.constant 0 : i32
    %c0_i32_0 = arith.constant 0 : i32
    %c0_i32_1 = arith.constant 0 : i32
    return %c0_i32, %c0_i32_0 : i32, i32
  }
  func.func @transform_7(%arg0: i32) -> (i32, i32) {
    %c0_i32 = arith.constant 0 : i32
    %c0_i32_0 = arith.constant 0 : i32
    %c0_i32_1 = arith.constant 0 : i32
    return %c0_i32, %c0_i32_0 : i32, i32
  }
  func.func @transform_8(%arg0: i32) -> (i32, i32) {
    %c0_i32 = arith.constant 0 : i32
    %c0_i32_0 = arith.constant 0 : i32
    return %arg0, %c0_i32 : i32, i32
  }
}

module attributes {stable_mosaic.version = 14 : i64} {
  func.func @_tc_body(%arg0: i32, %arg1: memref<200x128xf32, #tpu.memory_space<vmem>>, %arg2: memref<6400x128xf32, #tpu.memory_space<vmem>>, %arg3: memref<6400x16xbf16, #tpu.memory_space<vmem>>, %arg4: memref<128x256xf32, #tpu.memory_space<vmem>>, %arg5: memref<128x256xbf16, #tpu.memory_space<vmem>>, %arg6: memref<16x256xbf16, #tpu.memory_space<vmem>>, %arg7: memref<1x256xf32, #tpu.memory_space<vmem>>, %arg8: memref<1x1xf32, #tpu.memory_space<vmem>>, %arg9: memref<200x128xf32, #tpu.memory_space<vmem>>) attributes {dimension_semantics = [#tpu.dimension_semantics<arbitrary>], iteration_bounds = array<i64: 10>, scalar_prefetch = 0 : i64, scratch_operands = 0 : i64, tpu.core_type = #tpu.core_type<tc>, window_params = [{transform_indices = @transform_0, window_bounds = array<i64: 200, 128>}, {transform_indices = @transform_1, window_bounds = array<i64: 6400, 128>}, {transform_indices = @transform_2, window_bounds = array<i64: 6400, 16>}, {pipeline_mode = #tpu.pipeline_mode<synchronous>, transform_indices = @transform_3, window_bounds = array<i64: 128, 256>}, {pipeline_mode = #tpu.pipeline_mode<synchronous>, transform_indices = @transform_4, window_bounds = array<i64: 128, 256>}, {pipeline_mode = #tpu.pipeline_mode<synchronous>, transform_indices = @transform_5, window_bounds = array<i64: 16, 256>}, {pipeline_mode = #tpu.pipeline_mode<synchronous>, transform_indices = @transform_6, window_bounds = array<i64: 1, 256>}, {pipeline_mode = #tpu.pipeline_mode<synchronous>, transform_indices = @transform_7, window_bounds = array<i64: 1, 1>}, {transform_indices = @transform_8, window_bounds = array<i64: 200, 128>}]} {
    %get3A = arith.constant 0 : index
    %get3A_0 = arith.constant 0 : index
    %get3A_1 = vector.load %arg1[%get3A, %get3A_0] : memref<200x128xf32, #tpu.memory_space<vmem>>, vector<200x128xf32>
    %get3A_2 = arith.constant 0 : index
    %get3A_3 = arith.constant 0 : index
    %get3A_4 = vector.load %arg4[%get3A_2, %get3A_3] : memref<128x256xf32, #tpu.memory_space<vmem>>, vector<128x256xf32>
    %dot_general3A = arith.constant dense<0.000000e+00> : vector<200x256xf32>
    %dot_general3A_5 = tpu.matmul %get3A_1, %get3A_4, %dot_general3A {dimension_numbers = #tpu.dot_dimension_numbers<[1], [0], [0], [1], [0, 0, 1, 1], [], []>, transpose_lhs_hint = false} : vector<200x128xf32>, vector<128x256xf32>, vector<200x256xf32> -> vector<200x256xf32>
    %get3A_6 = arith.constant 0 : index
    %get3A_7 = arith.constant 0 : index
    %get3A_8 = vector.load %arg7[%get3A_6, %get3A_7] : memref<1x256xf32, #tpu.memory_space<vmem>>, vector<1x256xf32>
    %add3A = vector.broadcast %get3A_8 : vector<1x256xf32> to vector<200x256xf32>
    %add3A_9 = arith.addf %dot_general3A_5, %add3A : vector<200x256xf32>
    %get3A_10 = arith.constant 0 : index
    %get3A_11 = arith.constant 0 : index
    %get3A_12 = vector.load %arg2[%get3A_10, %get3A_11] : memref<6400x128xf32, #tpu.memory_space<vmem>>, vector<6400x128xf32>
    %convert_element_type3A = arith.truncf %get3A_12 : vector<6400x128xf32> to vector<6400x128xbf16>
    %get3A_13 = arith.constant 0 : index
    %get3A_14 = arith.constant 0 : index
    %get3A_15 = vector.load %arg5[%get3A_13, %get3A_14] : memref<128x256xbf16, #tpu.memory_space<vmem>>, vector<128x256xbf16>
    %dot_general3A_16 = arith.constant dense<0.000000e+00> : vector<6400x256xf32>
    %dot_general3A_17 = tpu.matmul %convert_element_type3A, %get3A_15, %dot_general3A_16 {dimension_numbers = #tpu.dot_dimension_numbers<[1], [0], [0], [1], [0, 0, 1, 1], [], []>, transpose_lhs_hint = false} : vector<6400x128xbf16>, vector<128x256xbf16>, vector<6400x256xf32> -> vector<6400x256xf32>
    %get3A_18 = arith.constant 0 : index
    %get3A_19 = arith.constant 0 : index
    %get3A_20 = vector.load %arg3[%get3A_18, %get3A_19] : memref<6400x16xbf16, #tpu.memory_space<vmem>>, vector<6400x16xbf16>
    %get3A_21 = arith.constant 0 : index
    %get3A_22 = arith.constant 0 : index
    %get3A_23 = vector.load %arg6[%get3A_21, %get3A_22] : memref<16x256xbf16, #tpu.memory_space<vmem>>, vector<16x256xbf16>
    %dot_general3A_24 = arith.constant dense<0.000000e+00> : vector<6400x256xf32>
    %dot_general3A_25 = tpu.matmul %get3A_20, %get3A_23, %dot_general3A_24 {dimension_numbers = #tpu.dot_dimension_numbers<[1], [0], [0], [1], [0, 0, 1, 1], [], []>, transpose_lhs_hint = false} : vector<6400x16xbf16>, vector<16x256xbf16>, vector<6400x256xf32> -> vector<6400x256xf32>
    %add3A_26 = arith.addf %dot_general3A_17, %dot_general3A_25 : vector<6400x256xf32>
    %reshape3A = vector.shape_cast %add3A_26 : vector<6400x256xf32> to vector<200x32x256xf32>
    %broadcast_in_dim3A = vector.shape_cast %add3A_9 : vector<200x256xf32> to vector<200x1x256xf32>
    %add3A_27 = vector.broadcast %broadcast_in_dim3A : vector<200x1x256xf32> to vector<200x32x256xf32>
    %add3A_28 = arith.addf %reshape3A, %add3A_27 : vector<200x32x256xf32>
    %slice3A = vector.extract_strided_slice %add3A_28 {offsets = [0, 0, 0], sizes = [200, 32, 128], strides = [1, 1, 1]} : vector<200x32x256xf32> to vector<200x32x128xf32>
    %mul3A = arith.constant 5.000000e-01 : f32
    %mul3A_29 = vector.broadcast %mul3A : f32 to vector<200x32x128xf32>
    %mul3A_30 = arith.mulf %mul3A_29, %slice3A : vector<200x32x128xf32>
    %tanh3A = math.tanh %mul3A_30 : vector<200x32x128xf32>
    %mul3A_31 = arith.constant 5.000000e-01 : f32
    %mul3A_32 = vector.broadcast %mul3A_31 : f32 to vector<200x32x128xf32>
    %mul3A_33 = arith.mulf %mul3A_32, %tanh3A : vector<200x32x128xf32>
    %add3A_34 = arith.constant 5.000000e-01 : f32
    %add3A_35 = vector.broadcast %add3A_34 : f32 to vector<200x32x128xf32>
    %add3A_36 = arith.addf %add3A_35, %mul3A_33 : vector<200x32x128xf32>
    %slice3A_37 = vector.extract_strided_slice %add3A_28 {offsets = [0, 0, 128], sizes = [200, 32, 128], strides = [1, 1, 1]} : vector<200x32x256xf32> to vector<200x32x128xf32>
    %mul3A_38 = arith.constant 1.44269502 : f32
    %mul3A_39 = vector.broadcast %mul3A_38 : f32 to vector<200x32x128xf32>
    %mul3A_40 = arith.mulf %slice3A_37, %mul3A_39 : vector<200x32x128xf32>
    %exp23A = math.exp2 %mul3A_40 : vector<200x32x128xf32>
    %add3A_41 = arith.constant 1.000000e+00 : f32
    %add3A_42 = vector.broadcast %add3A_41 : f32 to vector<200x32x128xf32>
    %add3A_43 = arith.addf %add3A_42, %exp23A : vector<200x32x128xf32>
    %log3A = math.log %add3A_43 : vector<200x32x128xf32>
    %log3A_44 = arith.constant 2.000000e+00 : f32
    %log3A_45 = math.log %log3A_44 : f32
    %div3A = vector.broadcast %log3A_45 : f32 to vector<200x32x128xf32>
    %div3A_46 = arith.divf %log3A, %div3A : vector<200x32x128xf32>
    %mul3A_47 = arith.constant 0.693147182 : f32
    %mul3A_48 = vector.broadcast %mul3A_47 : f32 to vector<200x32x128xf32>
    %mul3A_49 = arith.mulf %mul3A_48, %div3A_46 : vector<200x32x128xf32>
    %mul3A_50 = arith.mulf %add3A_36, %mul3A_49 : vector<200x32x128xf32>
    %reduce_sum3A = arith.constant dense<0.000000e+00> : vector<200x128xf32>
    %reduce_sum3A_51 = vector.multi_reduction <add>, %mul3A_50, %reduce_sum3A [1] : vector<200x32x128xf32> to vector<200x128xf32>
    %get3A_52 = arith.constant 0 : index
    %get3A_53 = arith.constant 0 : index
    %get3A_54 = vector.load %arg8[%get3A_52, %get3A_53] : memref<1x1xf32, #tpu.memory_space<vmem>>, vector<1x1xf32>
    %get3A_55 = vector.extract %get3A_54[0, 0] : f32 from vector<1x1xf32>
    %mul3A_56 = vector.broadcast %get3A_55 : f32 to vector<200x128xf32>
    %mul3A_57 = arith.mulf %mul3A_56, %get3A_1 : vector<200x128xf32>
    %add3A_58 = arith.addf %mul3A_57, %reduce_sum3A_51 : vector<200x128xf32>
    %max3A = arith.constant 0.000000e+00 : f32
    %max3A_59 = vector.broadcast %max3A : f32 to vector<200x128xf32>
    %max3A_60 = arith.maximumf %add3A_58, %max3A_59 : vector<200x128xf32>
    %abs3A = math.absf %add3A_58 : vector<200x128xf32>
    %neg3A = arith.constant 0.000000e+00 : f32
    %neg3A_61 = vector.broadcast %neg3A : f32 to vector<200x128xf32>
    %neg3A_62 = arith.subf %neg3A_61, %abs3A : vector<200x128xf32>
    %exp3A = math.exp %neg3A_62 : vector<200x128xf32>
    %log1p3A = math.log1p %exp3A : vector<200x128xf32>
    %add3A_63 = arith.addf %max3A_60, %log1p3A : vector<200x128xf32>
    %swap3A = arith.constant 0 : index
    %swap3A_64 = arith.constant 0 : index
    %swap3A_65 = vector.load %arg9[%swap3A, %swap3A_64] : memref<200x128xf32, #tpu.memory_space<vmem>>, vector<200x128xf32>
    tpu.vector_store %arg9[%swap3A, %swap3A_64], %add3A_63 {strides = array<i32>} : memref<200x128xf32, #tpu.memory_space<vmem>>, vector<200x128xf32>,
    return
  }
  func.func @transform_0(%arg0: i32) -> (i32, i32) {
    %add3A = arith.constant 30 : i32
    %add3A_0 = arith.addi %add3A, %arg0 : i32
    %c0_i32 = arith.constant 0 : i32
    %c0_i32_1 = arith.constant 0 : i32
    return %add3A_0, %c0_i32 : i32, i32
  }
  func.func @transform_1(%arg0: i32) -> (i32, i32) {
    %c0_i32 = arith.constant 0 : i32
    %c0_i32_0 = arith.constant 0 : i32
    return %arg0, %c0_i32 : i32, i32
  }
  func.func @transform_2(%arg0: i32) -> (i32, i32) {
    %add3A = arith.constant 30 : i32
    %add3A_0 = arith.addi %add3A, %arg0 : i32
    %c0_i32 = arith.constant 0 : i32
    %c0_i32_1 = arith.constant 0 : i32
    return %add3A_0, %c0_i32 : i32, i32
  }
  func.func @transform_3(%arg0: i32) -> (i32, i32) {
    %c0_i32 = arith.constant 0 : i32
    %c0_i32_0 = arith.constant 0 : i32
    %c0_i32_1 = arith.constant 0 : i32
    return %c0_i32, %c0_i32_0 : i32, i32
  }
  func.func @transform_4(%arg0: i32) -> (i32, i32) {
    %c0_i32 = arith.constant 0 : i32
    %c0_i32_0 = arith.constant 0 : i32
    %c0_i32_1 = arith.constant 0 : i32
    return %c0_i32, %c0_i32_0 : i32, i32
  }
  func.func @transform_5(%arg0: i32) -> (i32, i32) {
    %c0_i32 = arith.constant 0 : i32
    %c0_i32_0 = arith.constant 0 : i32
    %c0_i32_1 = arith.constant 0 : i32
    return %c0_i32, %c0_i32_0 : i32, i32
  }
  func.func @transform_6(%arg0: i32) -> (i32, i32) {
    %c0_i32 = arith.constant 0 : i32
    %c0_i32_0 = arith.constant 0 : i32
    %c0_i32_1 = arith.constant 0 : i32
    return %c0_i32, %c0_i32_0 : i32, i32
  }
  func.func @transform_7(%arg0: i32) -> (i32, i32) {
    %c0_i32 = arith.constant 0 : i32
    %c0_i32_0 = arith.constant 0 : i32
    %c0_i32_1 = arith.constant 0 : i32
    return %c0_i32, %c0_i32_0 : i32, i32
  }
  func.func @transform_8(%arg0: i32) -> (i32, i32) {
    %c0_i32 = arith.constant 0 : i32
    %c0_i32_0 = arith.constant 0 : i32
    return %arg0, %c0_i32 : i32, i32
  }
}

module attributes {stable_mosaic.version = 14 : i64} {
  func.func @_tc_body(%arg0: i32, %arg1: memref<200x128xf32, #tpu.memory_space<vmem>>, %arg2: memref<6400x128xf32, #tpu.memory_space<vmem>>, %arg3: memref<6400x16xbf16, #tpu.memory_space<vmem>>, %arg4: memref<128x256xf32, #tpu.memory_space<vmem>>, %arg5: memref<128x256xbf16, #tpu.memory_space<vmem>>, %arg6: memref<16x256xbf16, #tpu.memory_space<vmem>>, %arg7: memref<1x256xf32, #tpu.memory_space<vmem>>, %arg8: memref<1x1xf32, #tpu.memory_space<vmem>>, %arg9: memref<200x128xf32, #tpu.memory_space<vmem>>) attributes {dimension_semantics = [#tpu.dimension_semantics<arbitrary>], iteration_bounds = array<i64: 10>, scalar_prefetch = 0 : i64, scratch_operands = 0 : i64, tpu.core_type = #tpu.core_type<tc>, window_params = [{transform_indices = @transform_0, window_bounds = array<i64: 200, 128>}, {transform_indices = @transform_1, window_bounds = array<i64: 6400, 128>}, {transform_indices = @transform_2, window_bounds = array<i64: 6400, 16>}, {pipeline_mode = #tpu.pipeline_mode<synchronous>, transform_indices = @transform_3, window_bounds = array<i64: 128, 256>}, {pipeline_mode = #tpu.pipeline_mode<synchronous>, transform_indices = @transform_4, window_bounds = array<i64: 128, 256>}, {pipeline_mode = #tpu.pipeline_mode<synchronous>, transform_indices = @transform_5, window_bounds = array<i64: 16, 256>}, {pipeline_mode = #tpu.pipeline_mode<synchronous>, transform_indices = @transform_6, window_bounds = array<i64: 1, 256>}, {pipeline_mode = #tpu.pipeline_mode<synchronous>, transform_indices = @transform_7, window_bounds = array<i64: 1, 1>}, {transform_indices = @transform_8, window_bounds = array<i64: 200, 128>}]} {
    %get3A = arith.constant 0 : index
    %get3A_0 = arith.constant 0 : index
    %get3A_1 = vector.load %arg1[%get3A, %get3A_0] : memref<200x128xf32, #tpu.memory_space<vmem>>, vector<200x128xf32>
    %get3A_2 = arith.constant 0 : index
    %get3A_3 = arith.constant 0 : index
    %get3A_4 = vector.load %arg4[%get3A_2, %get3A_3] : memref<128x256xf32, #tpu.memory_space<vmem>>, vector<128x256xf32>
    %dot_general3A = arith.constant dense<0.000000e+00> : vector<200x256xf32>
    %dot_general3A_5 = tpu.matmul %get3A_1, %get3A_4, %dot_general3A {dimension_numbers = #tpu.dot_dimension_numbers<[1], [0], [0], [1], [0, 0, 1, 1], [], []>, transpose_lhs_hint = false} : vector<200x128xf32>, vector<128x256xf32>, vector<200x256xf32> -> vector<200x256xf32>
    %get3A_6 = arith.constant 0 : index
    %get3A_7 = arith.constant 0 : index
    %get3A_8 = vector.load %arg7[%get3A_6, %get3A_7] : memref<1x256xf32, #tpu.memory_space<vmem>>, vector<1x256xf32>
    %add3A = vector.broadcast %get3A_8 : vector<1x256xf32> to vector<200x256xf32>
    %add3A_9 = arith.addf %dot_general3A_5, %add3A : vector<200x256xf32>
    %get3A_10 = arith.constant 0 : index
    %get3A_11 = arith.constant 0 : index
    %get3A_12 = vector.load %arg2[%get3A_10, %get3A_11] : memref<6400x128xf32, #tpu.memory_space<vmem>>, vector<6400x128xf32>
    %convert_element_type3A = arith.truncf %get3A_12 : vector<6400x128xf32> to vector<6400x128xbf16>
    %get3A_13 = arith.constant 0 : index
    %get3A_14 = arith.constant 0 : index
    %get3A_15 = vector.load %arg5[%get3A_13, %get3A_14] : memref<128x256xbf16, #tpu.memory_space<vmem>>, vector<128x256xbf16>
    %dot_general3A_16 = arith.constant dense<0.000000e+00> : vector<6400x256xf32>
    %dot_general3A_17 = tpu.matmul %convert_element_type3A, %get3A_15, %dot_general3A_16 {dimension_numbers = #tpu.dot_dimension_numbers<[1], [0], [0], [1], [0, 0, 1, 1], [], []>, transpose_lhs_hint = false} : vector<6400x128xbf16>, vector<128x256xbf16>, vector<6400x256xf32> -> vector<6400x256xf32>
    %get3A_18 = arith.constant 0 : index
    %get3A_19 = arith.constant 0 : index
    %get3A_20 = vector.load %arg3[%get3A_18, %get3A_19] : memref<6400x16xbf16, #tpu.memory_space<vmem>>, vector<6400x16xbf16>
    %get3A_21 = arith.constant 0 : index
    %get3A_22 = arith.constant 0 : index
    %get3A_23 = vector.load %arg6[%get3A_21, %get3A_22] : memref<16x256xbf16, #tpu.memory_space<vmem>>, vector<16x256xbf16>
    %dot_general3A_24 = arith.constant dense<0.000000e+00> : vector<6400x256xf32>
    %dot_general3A_25 = tpu.matmul %get3A_20, %get3A_23, %dot_general3A_24 {dimension_numbers = #tpu.dot_dimension_numbers<[1], [0], [0], [1], [0, 0, 1, 1], [], []>, transpose_lhs_hint = false} : vector<6400x16xbf16>, vector<16x256xbf16>, vector<6400x256xf32> -> vector<6400x256xf32>
    %add3A_26 = arith.addf %dot_general3A_17, %dot_general3A_25 : vector<6400x256xf32>
    %reshape3A = vector.shape_cast %add3A_26 : vector<6400x256xf32> to vector<200x32x256xf32>
    %broadcast_in_dim3A = vector.shape_cast %add3A_9 : vector<200x256xf32> to vector<200x1x256xf32>
    %add3A_27 = vector.broadcast %broadcast_in_dim3A : vector<200x1x256xf32> to vector<200x32x256xf32>
    %add3A_28 = arith.addf %reshape3A, %add3A_27 : vector<200x32x256xf32>
    %slice3A = vector.extract_strided_slice %add3A_28 {offsets = [0, 0, 0], sizes = [200, 32, 128], strides = [1, 1, 1]} : vector<200x32x256xf32> to vector<200x32x128xf32>
    %mul3A = arith.constant 5.000000e-01 : f32
    %mul3A_29 = vector.broadcast %mul3A : f32 to vector<200x32x128xf32>
    %mul3A_30 = arith.mulf %mul3A_29, %slice3A : vector<200x32x128xf32>
    %tanh3A = math.tanh %mul3A_30 : vector<200x32x128xf32>
    %mul3A_31 = arith.constant 5.000000e-01 : f32
    %mul3A_32 = vector.broadcast %mul3A_31 : f32 to vector<200x32x128xf32>
    %mul3A_33 = arith.mulf %mul3A_32, %tanh3A : vector<200x32x128xf32>
    %add3A_34 = arith.constant 5.000000e-01 : f32
    %add3A_35 = vector.broadcast %add3A_34 : f32 to vector<200x32x128xf32>
    %add3A_36 = arith.addf %add3A_35, %mul3A_33 : vector<200x32x128xf32>
    %slice3A_37 = vector.extract_strided_slice %add3A_28 {offsets = [0, 0, 128], sizes = [200, 32, 128], strides = [1, 1, 1]} : vector<200x32x256xf32> to vector<200x32x128xf32>
    %mul3A_38 = arith.constant 1.44269502 : f32
    %mul3A_39 = vector.broadcast %mul3A_38 : f32 to vector<200x32x128xf32>
    %mul3A_40 = arith.mulf %slice3A_37, %mul3A_39 : vector<200x32x128xf32>
    %exp23A = math.exp2 %mul3A_40 : vector<200x32x128xf32>
    %add3A_41 = arith.constant 1.000000e+00 : f32
    %add3A_42 = vector.broadcast %add3A_41 : f32 to vector<200x32x128xf32>
    %add3A_43 = arith.addf %add3A_42, %exp23A : vector<200x32x128xf32>
    %log3A = math.log %add3A_43 : vector<200x32x128xf32>
    %log3A_44 = arith.constant 2.000000e+00 : f32
    %log3A_45 = math.log %log3A_44 : f32
    %div3A = vector.broadcast %log3A_45 : f32 to vector<200x32x128xf32>
    %div3A_46 = arith.divf %log3A, %div3A : vector<200x32x128xf32>
    %mul3A_47 = arith.constant 0.693147182 : f32
    %mul3A_48 = vector.broadcast %mul3A_47 : f32 to vector<200x32x128xf32>
    %mul3A_49 = arith.mulf %mul3A_48, %div3A_46 : vector<200x32x128xf32>
    %mul3A_50 = arith.mulf %add3A_36, %mul3A_49 : vector<200x32x128xf32>
    %reduce_sum3A = arith.constant dense<0.000000e+00> : vector<200x128xf32>
    %reduce_sum3A_51 = vector.multi_reduction <add>, %mul3A_50, %reduce_sum3A [1] : vector<200x32x128xf32> to vector<200x128xf32>
    %get3A_52 = arith.constant 0 : index
    %get3A_53 = arith.constant 0 : index
    %get3A_54 = vector.load %arg8[%get3A_52, %get3A_53] : memref<1x1xf32, #tpu.memory_space<vmem>>, vector<1x1xf32>
    %get3A_55 = vector.extract %get3A_54[0, 0] : f32 from vector<1x1xf32>
    %mul3A_56 = vector.broadcast %get3A_55 : f32 to vector<200x128xf32>
    %mul3A_57 = arith.mulf %mul3A_56, %get3A_1 : vector<200x128xf32>
    %add3A_58 = arith.addf %mul3A_57, %reduce_sum3A_51 : vector<200x128xf32>
    %max3A = arith.constant 0.000000e+00 : f32
    %max3A_59 = vector.broadcast %max3A : f32 to vector<200x128xf32>
    %max3A_60 = arith.maximumf %add3A_58, %max3A_59 : vector<200x128xf32>
    %abs3A = math.absf %add3A_58 : vector<200x128xf32>
    %neg3A = arith.constant 0.000000e+00 : f32
    %neg3A_61 = vector.broadcast %neg3A : f32 to vector<200x128xf32>
    %neg3A_62 = arith.subf %neg3A_61, %abs3A : vector<200x128xf32>
    %exp3A = math.exp %neg3A_62 : vector<200x128xf32>
    %log1p3A = math.log1p %exp3A : vector<200x128xf32>
    %add3A_63 = arith.addf %max3A_60, %log1p3A : vector<200x128xf32>
    %swap3A = arith.constant 0 : index
    %swap3A_64 = arith.constant 0 : index
    %swap3A_65 = vector.load %arg9[%swap3A, %swap3A_64] : memref<200x128xf32, #tpu.memory_space<vmem>>, vector<200x128xf32>
    tpu.vector_store %arg9[%swap3A, %swap3A_64], %add3A_63 {strides = array<i32>} : memref<200x128xf32, #tpu.memory_space<vmem>>, vector<200x128xf32>,
    return
  }
  func.func @transform_0(%arg0: i32) -> (i32, i32) {
    %add3A = arith.constant 40 : i32
    %add3A_0 = arith.addi %add3A, %arg0 : i32
    %c0_i32 = arith.constant 0 : i32
    %c0_i32_1 = arith.constant 0 : i32
    return %add3A_0, %c0_i32 : i32, i32
  }
  func.func @transform_1(%arg0: i32) -> (i32, i32) {
    %c0_i32 = arith.constant 0 : i32
    %c0_i32_0 = arith.constant 0 : i32
    return %arg0, %c0_i32 : i32, i32
  }
  func.func @transform_2(%arg0: i32) -> (i32, i32) {
    %add3A = arith.constant 40 : i32
    %add3A_0 = arith.addi %add3A, %arg0 : i32
    %c0_i32 = arith.constant 0 : i32
    %c0_i32_1 = arith.constant 0 : i32
    return %add3A_0, %c0_i32 : i32, i32
  }
  func.func @transform_3(%arg0: i32) -> (i32, i32) {
    %c0_i32 = arith.constant 0 : i32
    %c0_i32_0 = arith.constant 0 : i32
    %c0_i32_1 = arith.constant 0 : i32
    return %c0_i32, %c0_i32_0 : i32, i32
  }
  func.func @transform_4(%arg0: i32) -> (i32, i32) {
    %c0_i32 = arith.constant 0 : i32
    %c0_i32_0 = arith.constant 0 : i32
    %c0_i32_1 = arith.constant 0 : i32
    return %c0_i32, %c0_i32_0 : i32, i32
  }
  func.func @transform_5(%arg0: i32) -> (i32, i32) {
    %c0_i32 = arith.constant 0 : i32
    %c0_i32_0 = arith.constant 0 : i32
    %c0_i32_1 = arith.constant 0 : i32
    return %c0_i32, %c0_i32_0 : i32, i32
  }
  func.func @transform_6(%arg0: i32) -> (i32, i32) {
    %c0_i32 = arith.constant 0 : i32
    %c0_i32_0 = arith.constant 0 : i32
    %c0_i32_1 = arith.constant 0 : i32
    return %c0_i32, %c0_i32_0 : i32, i32
  }
  func.func @transform_7(%arg0: i32) -> (i32, i32) {
    %c0_i32 = arith.constant 0 : i32
    %c0_i32_0 = arith.constant 0 : i32
    %c0_i32_1 = arith.constant 0 : i32
    return %c0_i32, %c0_i32_0 : i32, i32
  }
  func.func @transform_8(%arg0: i32) -> (i32, i32) {
    %c0_i32 = arith.constant 0 : i32
    %c0_i32_0 = arith.constant 0 : i32
    return %arg0, %c0_i32 : i32, i32
  }
}

</mosaic_0001>

<sc_bundles>
// kernel: kernel.13.cloned.1.call-start
scs
__scs_entry_jumppad:
0x0: {  	(pc) =	sbr.rel $0x88, $3  }
0x1: {  	(tag) =	ssettag $0x0;
	lr =	simm.s32 $0x1  }
0x2: {  	[smem:$0x3F9B] =	sst lr;
	_ =	strace $0xD0000000  }
0x3: {  	_ = 	snop  }
0x4: {  	_ = 	snop  }
0x5: {  	_ = 	snop  }
0x6: {  	_ = 	snop  }
0x7: {  	_ = 	snop  }
__scs_overlays_trampoline_lowered:
0x8: {  	[smem:$0x3FAA] =	sst s0  }
0x9: {  	[smem:$0x3FAB] =	sst s1  }
0xa: {  	[smem:$0x3FAC] =	sst s2  }
0xb: {  	[smem:$0x3FAD] =	sst s3  }
0xc: {  	[smem:$0x3FAE] =	sst s4  }
0xd: {  	[smem:$0x3FAF] =	sst s5  }
0xe: {  	[smem:$0x3FB0] =	sst s6  }
0xf: {  	[smem:$0x3FB1] =	sst s7  }
0x10: {  	[smem:$0x3FB2] =	sst s8  }
0x11: {  	[smem:$0x3FB3] =	sst s9;
	s0 =	simm.s32 @!p0 $0x0  }
0x12: {  	s1 =	sld [smem:$0x3F99];
	s0 =	simm.s32 @p0 $0x1  }
0x13: {  	[smem:$0x3FB4] =	sst s0;
	s0 =	simm.s32 @!p1 $0x0  }
0x14: {  	s2 =	sld [smem:$0x3F98];
	s0 =	simm.s32 @p1 $0x1  }
0x15: {  	[smem:$0x3FB5] =	sst s0;
	s0 =	simm.s32 @!p2 $0x0  }
0x16: {  	s3 =	sld [smem:$0x3FDB];
	s0 =	simm.s32 @p2 $0x1  }
0x17: {  	s4 =	simm.s32 $0x1BF5;
	[smem:$0x3FB7] =	sst s0  }
0x18: {  	s0 =	sld [smem:$0x3F9A];
	_ =	swait.ge [sflag:s4], $0x0  }
0x19: {  	s7 =	sld [smem:$0x3F9B]  }
0x1a: {  	s8 =	sadd.s32 $0xFFFFE003, lr  }
0x1b: {  	s9 =	sadd.s32 $0xFFFFFEF7, lr;
	s5 =	simm.s32 $0xFFFFFFFF;
	p2 =	slt.u32 s8, $0xFFFFF086  }
0x1c: {  	p1 =	slt.u32 s9, $0xF7A;
	s5 =	simm.s32 @!p2 $0x0  }
0x1d: {  	s5 =	simm.s32 @p1 $0x1;
	p0 =	seq.s32 s7, s2  }
0x1e: {  	s7 =	smul.u32 @!p0 $0xF7A, s2;
	p2 =	seq.s32 @!p0 s5, $0x0  }
0x1f: {  	s9 =	smul.u32 $0xF7A, s1;
	s8 =	simm.s32 @!p0 $0x1BF5;
	p2 =	por !p2, p0  }
0x20: {  	[sflag:s8] =	ssyncset.s32 @!p0 $0xFFFFF086;
	s6 =	sadd.s32 @!p0 s3, s7;
	s7 =	simm.s32 @!p0 $0x108  }
0x21: {  	s3 =	sadd.s32 s3, s9;
	s6 =	sadd.s32 @!p0 $0x88, s6;
	s7 =	simm.s32 @p2 $0x1082  }
0x22: {  	[simem:s7], [sflag:s8] =	dma.local @!p0 [hbm:s6], $0xF7A  }
0x23: {  	s9 =	sor.u32 $0xD0000000, s2;
	s6 =	simm.s32 $0x108;
	_ =	swait.ge @!p0 [sflag:s8], $0x0  }
0x24: {  	s3 =	sadd.s32 $0x88, s3;
	s6 =	simm.s32 @!p1 $0x1082;
	[sflag:s4] =	ssyncset.s32 $0xFFFFF086  }
0x25: {  	[simem:s6], [sflag:s4] =	dma.local [hbm:s3], $0xF7A  }
0x26: {  	[smem:$0x3F9B] =	sst s1;
	(tag) =	ssettag s2;
	_ =	strace s9  }
0x27: {  	s1 =	sld [smem:$0x3FAB]  }
0x28: {  	s2 =	sld [smem:$0x3FAC]  }
0x29: {  	s4 =	sld [smem:$0x3FAE]  }
0x2a: {  	p0 =	seq.s32 s5, $0x0;
	s5 =	sld [smem:$0x3FAF]  }
0x2b: {  	s6 =	sld [smem:$0x3FB0]  }
0x2c: {  	s7 =	sld [smem:$0x3FB1]  }
0x2d: {  	s3 =	simm.s32 $0x108;
	s8 =	sld [smem:$0x3FB2]  }
0x2e: {  	s3 =	simm.s32 @!p0 $0x1082;
	s9 =	sld [smem:$0x3FB3]  }
0x2f: {  	lr =	sadd.s32 s0, s3;
	s0 =	sld [smem:$0x3FAA]  }
0x30: {  	s3 =	sld [smem:$0x3FAD]  }
0x31: {  	[smem:$0x3FB6] =	sst s10  }
0x32: {  	s10 =	sld [smem:$0x3FB4];
	_ =	sdelay $0x3  }
0x33: {  	p0 =	seq.s32 s10, $0x1;
	s10 =	sld [smem:$0x3FB6];
	_ =	sdelay $0x3  }
0x34: {  	[smem:$0x3FB6] =	sst s10  }
0x35: {  	s10 =	sld [smem:$0x3FB5];
	_ =	sdelay $0x3  }
0x36: {  	p1 =	seq.s32 s10, $0x1;
	s10 =	sld [smem:$0x3FB6];
	_ =	sdelay $0x3  }
0x37: {  	[smem:$0x3FB6] =	sst s10  }
0x38: {  	s10 =	sld [smem:$0x3FB7]  }
0x39: {  	_ = 	snop;
	(pc) =	sbr.ind lr, $3  }
0x3a: {  	_ = 	snop  }
0x3b: {  	_ = 	snop  }
0x3c: {  	p2 =	seq.s32 s10, $0x1;
	s10 =	sld [smem:$0x3FB6]  }
0x3d: {  	_ =	shalt  }
0x3e: {  	_ =	shalt  }
0x3f: {  	_ =	shalt  }
0x40: {  	_ =	shalt  }
0x41: {  	_ =	shalt  }
0x42: {  	_ =	shalt  }
0x43: {  	_ =	shalt  }
0x44: {  	_ =	shalt  }
0x45: {  	_ =	shalt  }
0x46: {  	_ =	shalt  }
0x47: {  	_ =	shalt  }
0x48: {  	_ =	shalt  }
0x49: {  	_ =	shalt  }
0x4a: {  	_ =	shalt  }
0x4b: {  	_ =	shalt  }
0x4c: {  	_ =	shalt  }
0x4d: {  	_ =	shalt  }
0x4e: {  	_ =	shalt  }
0x4f: {  	_ =	shalt  }
0x50: {  	_ =	shalt  }
0x51: {  	_ =	shalt  }
0x52: {  	_ =	shalt  }
0x53: {  	_ =	shalt  }
0x54: {  	_ =	shalt  }
0x55: {  	_ =	shalt  }
0x56: {  	_ =	shalt  }
0x57: {  	_ =	shalt  }
0x58: {  	_ =	shalt  }
0x59: {  	_ =	shalt  }
0x5a: {  	_ =	shalt  }
0x5b: {  	_ =	shalt  }
0x5c: {  	_ =	shalt  }
0x5d: {  	_ =	shalt  }
0x5e: {  	_ =	shalt  }
0x5f: {  	_ =	shalt  }
0x60: {  	_ =	shalt  }
0x61: {  	_ =	shalt  }
0x62: {  	_ =	shalt  }
0x63: {  	_ =	shalt  }
0x64: {  	_ =	shalt  }
0x65: {  	_ =	shalt  }
0x66: {  	_ =	shalt  }
0x67: {  	_ =	shalt  }
0x68: {  	_ =	shalt  }
0x69: {  	_ =	shalt  }
0x6a: {  	_ =	shalt  }
0x6b: {  	_ =	shalt  }
0x6c: {  	_ =	shalt  }
0x6d: {  	_ =	shalt  }
0x6e: {  	_ =	shalt  }
0x6f: {  	_ =	shalt  }
0x70: {  	_ =	shalt  }
0x71: {  	_ =	shalt  }
0x72: {  	_ =	shalt  }
0x73: {  	_ =	shalt  }
0x74: {  	_ =	shalt  }
0x75: {  	_ =	shalt  }
0x76: {  	_ =	shalt  }
0x77: {  	_ =	shalt  }
0x78: {  	_ =	shalt  }
0x79: {  	_ =	shalt  }
0x7a: {  	_ =	shalt  }
0x7b: {  	_ =	shalt  }
0x7c: {  	_ =	shalt  }
0x7d: {  	_ =	shalt  }
0x7e: {  	_ =	shalt  }
0x7f: {  	_ =	shalt  }
0x80: {  	_ =	shalt  }
0x81: {  	_ =	shalt  }
0x82: {  	_ =	shalt  }
0x83: {  	_ =	shalt  }
0x84: {  	_ =	shalt  }
0x85: {  	_ =	shalt  }
0x86: {  	_ =	shalt  }
0x87: {  	_ =	shalt  }
.Lfunc_end0:
.L_simem_size_0:
called_computation_lowered:
.L_overlay_start_0:
0x88: {  	s2 =	sld [smem:$0x3FD9]  }
0x89: {  	s3 =	sld [smem:$0x3FFE];
	_ =	sdelay $0x1  }
0x8a: {  	s1 =	srdreg.scid  }
0x8b: {  	s0 =	sand.u32 $0x1, s1  }
0x8c: {  	s17 =	sshll.u32 s0, $0xA;
	s2 =	sadd.s32 s3, s2  }
0x8d: {  	s2 =	sadd.s32 s2, s17  }
0x8e: {  	[smem:$0x3FC2] =	sst s2  }
0x8f: {  	_ = 	snop  }
0x90: {  	s2 =	sld [smem:$0x3FC9];
	(tm) =	ssettm $0x1  }
0x91: {  	s18 =	sld [smem:$0x3FFB];
	_ =	sdelay $0x3  }
0x92: {  	_ =	strace s18  }
0x93: {  	s3 =	sld [smem:$0x3FFC];
	_ =	sdelay $0x3  }
0x94: {  	_ =	strace s3  }
0x95: {  	s3 =	sld [smem:$0x3FFD];
	_ =	sdelay $0x3  }
0x96: {  	_ =	strace s3  }
0x97: {  	_ =	strace $0x8FFFFFFF  }
0x98: {  	s19 =	sld [smem:$0x3FDB];
	_ =	sdelay $0x1  }
0x99: {  	s4 =	simm.s32 $_scs_section_size  }
0x9a: {  	s5 =	simm.s32 $_size__tile_overlayer_lowered;
	s6 =	simm.s32 $_tile_overlayer_lowered  }
0x9b: {  	s22 =	simm.s32 $0x1BFF;
	s21 =	sshll.u32 s6, $0x1;
	s3 =	sadd.s32 s4, s19  }
0x9c: {  	s7 =	simm.s32 $0x0;
	s20 =	sshll.u32 s5, $0x1;
	s5 =	sadd.s32 s21, s3  }
0x9d: {  	[timem:s7], [sflag:s22] =	dma.local [hbm:s5], s20  }
0x9e: {  	_ =	swait.ge [sflag:s22], s20  }
0x9f: {  	s4 =	ssub.s32 $0x0, s20;
	[sflag:s22] =	ssyncset.done $0x0  }
0xa0: {  	[sflag:s22] =	ssyncadd.s32 s4;
	_ =	sdelay $0x1  }
0xa1: {  	s23 =	simm.s32 $0x1B8B  }
0xa2: {  	_ =	swait.ge [sflag:s23], $0x1  }
0xa3: {  	[sflag:s23] =	ssyncset.done $0x0  }
0xa4: {  	s25 =	simm.s32 $0x1B8E;
	s24 =	sld [smem:$0x3FFE];
	[sflag:s23] =	ssyncadd.s32 $0xFFFFFFFF  }
0xa5: {  	s26 =	simm.s32 $execute0_lowered;
	[smem:$0x3FD2] =	sst s25  }
0xa6: {  	s5 =	sshll.u32 s26, $0x1;
	_ =	strace $0x80000046;
	[dreg:$0x1] =	wrdreg $0xFFFFFFFF  }
0xa7: {  	s28 =	simm.s32 $_size_execute0_lowered;
	s3 =	sadd.s32 s3, s5;
	[dreg:$0x0] =	wrdreg $0x0  }
0xa8: {  	s5 =	sshll.u32 s28, $0x1;
	[dreg:$0x2] =	wrdreg s3  }
0xa9: {  	[dreg:$0x3] =	wrdreg s5  }
0xaa: {  	[dreg:$0x4] =	wrdreg $0xC0  }
0xab: {  	_ =	task [dreg:s7], $0x5FFFF  }
0xac: {  	[dreg:$0x1] =	wrdreg $0xFFFFFFFF  }
0xad: {  	[dreg:$0x0] =	wrdreg $0x60  }
0xae: {  	[dreg:$0x2] =	wrdreg s2  }
0xaf: {  	[dreg:$0x3] =	wrdreg s24  }
0xb0: {  	[dreg:$0x4] =	wrdreg $0x9  }
0xb1: {  	_ =	task.clear_ibuf [dreg:s7], $0x5FFFF;
	_ =	strace $0x90000046  }
0xb2: {  	s29 =	simm.s32 $0x9;
	_ =	strace $0x80000048  }
0xb3: {  	_ =	swait.ge [sflag:s29], $0x1  }
0xb4: {  	[sflag:s29] =	ssyncadd.s32 $0xFFFFFFFF  }
0xb5: {  	_ =	strace $0x90000048  }
0xb6: {  	_ =	sfence  }
0xb7: {  	s30 =	sld [smem:$0x0];
	_ =	sdelay $0x2  }
0xb8: {  	s31 =	sshll.u32 s1, $0xD;
	s1 =	sshrl.u32 s1, $0x2  }
0xb9: {  	s3 =	sand.u32 $0x4000, s31;
	s1 =	sadd.s32 s1, s30  }
0xba: {  	s0 =	sor.u32 s3, s0;
	s1 =	sshll.u32 s1, $0x11  }
0xbb: {  	s0 =	sor.u32 s1, s0  }
0xbc: {  	s0 =	sadd.s32 $0x8F2B, s0  }
0xbd: {  	[sflag:s0] =	ssyncadd.remote.s32 $0x1  }
0xbe: {  	_ =	sfence.sel $0xFFFF  }
0xbf: {  	[dreg:$0x0] =	wrdreg $0xFFFFFFFF;
	(pc) =	sbr.abs _section_cstart, $3  }
0xc0: {  	[dreg:$0x1] =	wrdreg $0xFFFFFFFF  }
0xc1: {  	_ =	task.clear_ibuf [dreg:s7], $0x2FFFF;
	_ =	strace $0x9FFFFFFF  }
0xc2: {  	(tm) =	ssettm $0x7FFFFFFF  }
0xc3: {  	_ =	shalt  }
tec
execute0_lowered:
.L_overlay_start_1:
0x0: {  	(tag) =	ssettag $0x1  }
0x1: {  	s1 =	srdreg.scid;
	s2 =	rddreg [dreg:$0x0]  }
0x2: {  	s0 =	stileid.u32;
	s5 =	rddreg [dreg:$0x1]  }
0x3: {  	s11 =	simm.s32 $0x6;
	s4 =	sand.u32 $0x1, s1;
	s31 =	sshll.u32 s0, $0x1  }
0x4: {  	s12 =	simm.s32 $0x7;
	s13 =	simm.s32 $0x8;
	s1 =	sor.u32 s4, s31  }
0x5: {  	s14 =	simm.s32 $0x0;
	p0 =	slt.u32 s0, $0xA;
	s3 =	smul.u32 $0xF, s1  }
0x6: {  	s4 =	ssub.s32 $0x2, s4;
	s6 =	sshll.u32 s1, $0x4;
	s1 =	rddreg [dreg:$0x2]  }
0x7: {  	s9 =	sshrl.u32 s4, $0x1;
	s7 =	sadd.s32 $0x14, s3;
	s3 =	simm.s32 $0x0  }
0x8: {  	s9 =	ssub.s32 s4, s9;
	s7 =	smov.u32 @p0 s6;
	[smem:$0x7FF] =	sst s3  }
0x9: {  	s4 =	simm.s32 $0x10;
	s6 =	sshll.u32 s7, $0x4;
	_ =	strace $0x80000047  }
0xa: {  	s4 =	simm.s32 @!p0 $0xF;
	s8 =	sshll.u32 s7, $0xB;
	s6 =	sand.u32 $0x1FFFFF80, s6  }
0xb: {  	s10 =	sand.u32 $0x7, s7;
	s8 =	sadd.s32 s8, s5;
	s6 =	sadd.s32 s6, s5  }
0xc: {  	s7 =	sadd.s32 $0xC200, s8;
	s8 =	sshll.u32 s10, $0x7;
	s10 =	simm.s32 $0x5  }
0xd: {  	s5 =	sadd.s32 $0x2400, s6;
	s6 =	smax.u32 s9, $0x1;
	s9 =	simm.s32 $0x9  }
.LBB2_1:
0xe: {  	[tilespmem:s3], [sflag:$0x9] =	stream.linear.gather [hbm4b:s5+s3], $0xC00, $0x38;
	[tilespmem:$0x10C00] =	vst v63  }
0xf: {  	p0 =	sle.u32 s4, $0x0  }
0x10: {  	_ =	swait.ge [sflag:s9], $0xC00;
	p1 =	por @!p0 $0x1, $0x1  }
0x11: {  	[sflag:s9] =	ssyncset.done $0x0;
	p1 =	por p1, p0  }
0x12: {  	p2 =	sle.u32 s4, $0x1;
	[sflag:s9] =	ssyncadd.s32 $0xFFFFF400;
	s15 =	simm.s32 @!p1 $0x5  }
0x13: {  	p3 =	por @!p2 $0x1, $0x1;
	_ =	swait.ge @!p1 [sflag:s15], $0x4000  }
0x14: {  	s16 =	simm.s32 @!p0 $0xC00;
	p4 =	por p3, p2;
	[sflag:s15] =	ssyncset.done @!p1 $0x0  }
0x15: {  	s17 =	simm.s32 @!p0 $0x80;
	[sflag:s15] =	ssyncadd.s32 @!p1 $0xFFFFC000;
	s15 =	simm.s32 @!p4 $0x6  }
0x16: {  	[tilespmem:s16], [sflag:$0x1] =	stream.indirect.gather @!p0 [hbm4b:s2+s17], $0x80, s8, s17, $0xb8;
	[tilespmem:$0x10C00] =	vst v63  }
0x17: {  	s18 =	simm.s32 @!p2 $0x4C00;
	p3 =	sle.u32 s4, $0x2;
	_ =	swait.ge @!p4 [sflag:s15], $0x4000  }
0x18: {  	p1 =	por @!p3 $0x1, $0x1;
	s17 =	simm.s32 @!p2 $0x80;
	[sflag:s15] =	ssyncset.done @!p4 $0x0  }
0x19: {  	[sflag:s15] =	ssyncadd.s32 @!p4 $0xFFFFC000;
	s15 =	sadd.s32 @!p2 $0x80, s8;
	p4 =	por p1, p3  }
0x1a: {  	[tilespmem:s18], [sflag:$0x2] =	stream.indirect.gather @!p2 [hbm4b:s2+s17], $0x80, s15, s17, $0xb8;
	[tilespmem:$0x10C00] =	vst v63  }
0x1b: {  	p1 =	sle.u32 s4, $0x3;
	s15 =	simm.s32 @!p4 $0x7  }
0x1c: {  	s19 =	simm.s32 @!p3 $0x8C00;
	p5 =	por @!p1 $0x1, $0x1;
	_ =	swait.ge @!p4 [sflag:s15], $0x4000  }
0x1d: {  	s17 =	sadd.s32 @!p3 $0x100, s8;
	p5 =	por p5, p1;
	[sflag:s15] =	ssyncset.done @!p4 $0x0  }
0x1e: {  	s21 =	simm.s32 @!p5 $0x8;
	[sflag:s15] =	ssyncadd.s32 @!p4 $0xFFFFC000;
	s15 =	simm.s32 @!p3 $0x80  }
0x1f: {  	[tilespmem:s19], [sflag:$0x3] =	stream.indirect.gather @!p3 [hbm4b:s2+s15], $0x80, s17, s15, $0xb8;
	[tilespmem:$0x10C00] =	vst v63  }
0x20: {  	_ =	swait.ge @!p5 [sflag:s21], $0x4000  }
0x21: {  	s20 =	simm.s32 @!p1 $0xCC00;
	s22 =	simm.s32 @!p1 $0x80;
	[sflag:s21] =	ssyncset.done @!p5 $0x0  }
0x22: {  	s15 =	simm.s32 @!p0 $0x1;
	s17 =	sadd.s32 @!p1 $0x180, s8;
	[sflag:s21] =	ssyncadd.s32 @!p5 $0xFFFFC000  }
0x23: {  	[tilespmem:s20], [sflag:$0x4] =	stream.indirect.gather @!p1 [hbm4b:s2+s22], $0x80, s17, s22, $0xb8;
	[tilespmem:$0x10C00] =	vst v63  }
0x24: {  	_ =	swait.ge @!p0 [sflag:s15], $0x4000  }
0x25: {  	[sflag:s15] =	ssyncset.done @!p0 $0x0  }
0x26: {  	s21 =	simm.s32 @!p2 $0x2;
	s17 =	simm.s32 @!p0 $0x0;
	[sflag:s15] =	ssyncadd.s32 @!p0 $0xFFFFC000  }
0x27: {  	[hbm4b:s7+s17] =	stream.linear.scatter @!p0 [tilespmem:s16], [sflag:$0x5], $0x4000, $0x38;
	[tilespmem:$0x10C00] =	vst v63  }
0x28: {  	s23 =	simm.s32 @!p1 $0x4;
	_ =	swait.ge @!p2 [sflag:s21], $0x4000  }
0x29: {  	s22 =	simm.s32 @!p1 $0x0;
	s15 =	sadd.s32 @!p2 $0x800, s7;
	[sflag:s21] =	ssyncset.done @!p2 $0x0  }
0x2a: {  	s16 =	simm.s32 @!p2 $0x0;
	[sflag:s21] =	ssyncadd.s32 @!p2 $0xFFFFC000;
	s21 =	simm.s32 @!p3 $0x3  }
0x2b: {  	[hbm4b:s15+s16] =	stream.linear.scatter @!p2 [tilespmem:s18], [sflag:$0x6], $0x4000, $0x38;
	[tilespmem:$0x10C00] =	vst v63  }
0x2c: {  	s17 =	simm.s32 $0x7;
	p0 =	sle.u32 s4, $0x4;
	_ =	swait.ge @!p3 [sflag:s21], $0x4000  }
0x2d: {  	s18 =	simm.s32 $0xB;
	s15 =	simm.s32 @!p3 $0x0;
	[sflag:s21] =	ssyncset.done @!p3 $0x0  }
0x2e: {  	s16 =	sadd.s32 @!p3 $0x1000, s7;
	p2 =	por @!p0 $0x0, $0x0;
	[sflag:s21] =	ssyncadd.s32 @!p3 $0xFFFFC000  }
0x2f: {  	[hbm4b:s16+s15] =	stream.linear.scatter @!p3 [tilespmem:s19], [sflag:$0x7], $0x4000, $0x38;
	[tilespmem:$0x10C00] =	vst v63  }
0x30: {  	s15 =	sadd.s32 $0x2000, s7;
	s16 =	sadd.s32 $0x200, s8;
	s19 =	smov.u32 s7  }
.LBB2_2:
0x31: {  	p3 =	por p2, p0;
	_ =	swait.ge @!p1 [sflag:s23], $0x4000  }
0x32: {  	s24 =	sadd.s32 @!p1 $0x1800, s19;
	s21 =	smov.u32 s18;
	s19 =	smov.u32 s15  }
0x33: {  	s26 =	sadd.s32 $0xFFFFFFFE, s17;
	s25 =	simm.s32 @!p3 $0x5;
	[sflag:s23] =	ssyncset.done @!p1 $0x0  }
0x34: {  	s18 =	sadd.s32 $0x4, s18;
	p2 =	sge.u32 s26, s4;
	[sflag:s23] =	ssyncadd.s32 @!p1 $0xFFFFC000  }
0x35: {  	[hbm4b:s24+s22] =	stream.linear.scatter @!p1 [tilespmem:s20], [sflag:$0x8], $0x4000, $0x38;
	[tilespmem:$0x10C00] =	vst v63  }
0x36: {  	s22 =	simm.s32 @!p0 $0xC00;
	p1 =	seq.s32 @!p2 s17, $0x3;
	_ =	swait.ge @!p3 [sflag:s25], $0x4000  }
0x37: {  	s20 =	simm.s32 @!p0 $0x80;
	p1 =	por p1, p2;
	[sflag:s25] =	ssyncset.done @!p3 $0x0  }
0x38: {  	s24 =	sadd.s32 $0xFFFFFFFF, s17;
	s23 =	simm.s32 @!p1 $0x6;
	[sflag:s25] =	ssyncadd.s32 @!p3 $0xFFFFC000  }
0x39: {  	[tilespmem:s22], [sflag:$0x1] =	stream.indirect.gather @!p0 [hbm4b:s2+s20], $0x80, s16, s20, $0xb8;
	[tilespmem:$0x10C00] =	vst v63  }
0x3a: {  	p3 =	sge.u32 s24, s4;
	s20 =	simm.s32 @!p2 $0x80;
	_ =	swait.ge @!p1 [sflag:s23], $0x4000  }
0x3b: {  	s24 =	simm.s32 @!p2 $0x4C00;
	p4 =	seq.s32 @!p3 s17, $0x3;
	[sflag:s23] =	ssyncset.done @!p1 $0x0  }
0x3c: {  	p6 =	por p4, p3;
	[sflag:s23] =	ssyncadd.s32 @!p1 $0xFFFFC000;
	s23 =	sadd.s32 @!p2 $0x80, s16  }
0x3d: {  	[tilespmem:s24], [sflag:$0x2] =	stream.indirect.gather @!p2 [hbm4b:s2+s20], $0x80, s23, s20, $0xb8;
	[tilespmem:$0x10C00] =	vst v63  }
0x3e: {  	p4 =	sne.s32 s18, $0x13;
	p1 =	sge.u32 s17, s4;
	s20 =	simm.s32 @!p6 $0x7  }
0x3f: {  	s25 =	simm.s32 @!p3 $0x8C00;
	p5 =	seq.s32 @!p1 s17, $0x3;
	_ =	swait.ge @!p6 [sflag:s20], $0x4000  }
0x40: {  	s17 =	sadd.s32 @!p3 $0x100, s16;
	p5 =	por p5, p1;
	[sflag:s20] =	ssyncset.done @!p6 $0x0  }
0x41: {  	s23 =	simm.s32 @!p5 $0x8;
	[sflag:s20] =	ssyncadd.s32 @!p6 $0xFFFFC000;
	s20 =	simm.s32 @!p3 $0x80  }
0x42: {  	[tilespmem:s25], [sflag:$0x3] =	stream.indirect.gather @!p3 [hbm4b:s2+s20], $0x80, s17, s20, $0xb8;
	[tilespmem:$0x10C00] =	vst v63  }
0x43: {  	s26 =	simm.s32 @!p0 $0x1;
	s20 =	simm.s32 @!p1 $0xCC00;
	_ =	swait.ge @!p5 [sflag:s23], $0x4000  }
0x44: {  	s28 =	sadd.s32 @!p1 $0x180, s16;
	s29 =	simm.s32 @!p1 $0x80;
	[sflag:s23] =	ssyncset.done @!p5 $0x0  }
0x45: {  	s17 =	smov.u32 s21;
	[sflag:s23] =	ssyncadd.s32 @!p5 $0xFFFFC000  }
0x46: {  	[tilespmem:s20], [sflag:$0x4] =	stream.indirect.gather @!p1 [hbm4b:s2+s29], $0x80, s28, s29, $0xb8;
	[tilespmem:$0x10C00] =	vst v63  }
0x47: {  	s21 =	simm.s32 @!p0 $0x0;
	_ =	swait.ge @!p0 [sflag:s26], $0x4000  }
0x48: {  	s23 =	simm.s32 @!p2 $0x2;
	[sflag:s26] =	ssyncset.done @!p0 $0x0  }
0x49: {  	[sflag:s26] =	ssyncadd.s32 @!p0 $0xFFFFC000  }
0x4a: {  	[hbm4b:s15+s21] =	stream.linear.scatter @!p0 [tilespmem:s22], [sflag:$0x5], $0x4000, $0x38;
	[tilespmem:$0x10C00] =	vst v63  }
0x4b: {  	s16 =	sadd.s32 $0x200, s16;
	s15 =	sadd.s32 $0x2000, s15;
	_ =	swait.ge @!p2 [sflag:s23], $0x4000  }
0x4c: {  	s26 =	simm.s32 @!p2 $0x0;
	s21 =	sadd.s32 @!p2 $0x800, s19;
	[sflag:s23] =	ssyncset.done @!p2 $0x0  }
0x4d: {  	s22 =	simm.s32 @!p1 $0x0;
	[sflag:s23] =	ssyncadd.s32 @!p2 $0xFFFFC000;
	s23 =	simm.s32 @!p3 $0x3  }
0x4e: {  	[hbm4b:s21+s26] =	stream.linear.scatter @!p2 [tilespmem:s24], [sflag:$0x6], $0x4000, $0x38;
	[tilespmem:$0x10C00] =	vst v63  }
.Ltmp0:
0x4f: {  	_ = 	snop;
	(pc) =	sbr.rel @p4 .LBB2_2-.Ltmp0, $4  }
0x50: {  	s21 =	sadd.s32 $0xFFFFFFFD, s17;
	s24 =	simm.s32 @!p3 $0x0;
	_ =	swait.ge @!p3 [sflag:s23], $0x4000  }
0x51: {  	p0 =	sge.u32 s21, s4;
	s21 =	sadd.s32 @!p3 $0x1000, s19;
	[sflag:s23] =	ssyncset.done @!p3 $0x0  }
0x52: {  	p2 =	seq.s32 @!p0 s17, $0x3;
	[sflag:s23] =	ssyncadd.s32 @!p3 $0xFFFFC000;
	s23 =	simm.s32 @!p1 $0x4  }
0x53: {  	[hbm4b:s21+s24] =	stream.linear.scatter @!p3 [tilespmem:s25], [sflag:$0x7], $0x4000, $0x38;
	[tilespmem:$0x10C00] =	vst v63  }
0x54: {  	p3 =	por p2, p0;
	_ =	swait.ge @!p1 [sflag:s23], $0x4000  }
0x55: {  	s18 =	sadd.s32 @!p1 $0x1800, s19;
	s30 =	sadd.s32 $0xFFFFFFFE, s17;
	[sflag:s23] =	ssyncset.done @!p1 $0x0  }
0x56: {  	s21 =	simm.s32 @!p3 $0x5;
	p2 =	sge.u32 s30, s4;
	[sflag:s23] =	ssyncadd.s32 @!p1 $0xFFFFC000  }
0x57: {  	[hbm4b:s18+s22] =	stream.linear.scatter @!p1 [tilespmem:s20], [sflag:$0x8], $0x4000, $0x38;
	[tilespmem:$0x10C00] =	vst v63  }
0x58: {  	s19 =	simm.s32 @!p0 $0x80;
	p1 =	seq.s32 @!p2 s17, $0x3;
	_ =	swait.ge @!p3 [sflag:s21], $0x4000  }
0x59: {  	s31 =	sadd.s32 $0xFFFFFFFF, s17;
	p4 =	por p1, p2;
	[sflag:s21] =	ssyncset.done @!p3 $0x0  }
0x5a: {  	s18 =	simm.s32 @!p0 $0xC00;
	s20 =	simm.s32 @!p4 $0x6;
	[sflag:s21] =	ssyncadd.s32 @!p3 $0xFFFFC000  }
0x5b: {  	[tilespmem:s18], [sflag:$0x1] =	stream.indirect.gather @!p0 [hbm4b:s2+s19], $0x80, s16, s19, $0xb8;
	[tilespmem:$0x10C00] =	vst v63  }
0x5c: {  	p1 =	sge.u32 s31, s4;
	s21 =	simm.s32 @!p2 $0x4C00;
	_ =	swait.ge @!p4 [sflag:s20], $0x4000  }
0x5d: {  	p3 =	seq.s32 @!p1 s17, $0x3;
	s19 =	simm.s32 @!p2 $0x80;
	[sflag:s20] =	ssyncset.done @!p4 $0x0  }
0x5e: {  	[sflag:s20] =	ssyncadd.s32 @!p4 $0xFFFFC000;
	s20 =	sadd.s32 @!p2 $0x80, s16;
	p4 =	por p3, p1  }
0x5f: {  	[tilespmem:s21], [sflag:$0x2] =	stream.indirect.gather @!p2 [hbm4b:s2+s19], $0x80, s20, s19, $0xb8;
	[tilespmem:$0x10C00] =	vst v63  }
0x60: {  	p3 =	sge.u32 s17, s4;
	s19 =	simm.s32 @!p4 $0x7  }
0x61: {  	s20 =	simm.s32 @!p1 $0x8C00;
	p5 =	seq.s32 @!p3 s17, $0x3;
	_ =	swait.ge @!p4 [sflag:s19], $0x4000  }
0x62: {  	s17 =	sadd.s32 @!p1 $0x100, s16;
	p5 =	por p5, p3;
	[sflag:s19] =	ssyncset.done @!p4 $0x0  }
0x63: {  	s22 =	simm.s32 @!p5 $0x8;
	[sflag:s19] =	ssyncadd.s32 @!p4 $0xFFFFC000;
	s19 =	simm.s32 @!p1 $0x80  }
0x64: {  	[tilespmem:s20], [sflag:$0x3] =	stream.indirect.gather @!p1 [hbm4b:s2+s19], $0x80, s17, s19, $0xb8;
	[tilespmem:$0x10C00] =	vst v63  }
0x65: {  	_ =	swait.ge @!p5 [sflag:s22], $0x4000  }
0x66: {  	s16 =	sadd.s32 @!p3 $0x180, s16;
	s23 =	simm.s32 @!p3 $0x80;
	[sflag:s22] =	ssyncset.done @!p5 $0x0  }
0x67: {  	s17 =	simm.s32 @!p3 $0xCC00;
	s19 =	simm.s32 @!p0 $0x1;
	[sflag:s22] =	ssyncadd.s32 @!p5 $0xFFFFC000  }
0x68: {  	[tilespmem:s17], [sflag:$0x4] =	stream.indirect.gather @!p3 [hbm4b:s2+s23], $0x80, s16, s23, $0xb8;
	[tilespmem:$0x10C00] =	vst v63  }
0x69: {  	_ =	swait.ge @!p0 [sflag:s19], $0x4000  }
0x6a: {  	[sflag:s19] =	ssyncset.done @!p0 $0x0  }
0x6b: {  	s22 =	simm.s32 @!p2 $0x2;
	s16 =	simm.s32 @!p0 $0x0;
	[sflag:s19] =	ssyncadd.s32 @!p0 $0xFFFFC000  }
0x6c: {  	[hbm4b:s15+s16] =	stream.linear.scatter @!p0 [tilespmem:s18], [sflag:$0x5], $0x4000, $0x38;
	[tilespmem:$0x10C00] =	vst v63  }
0x6d: {  	_ =	swait.ge @!p2 [sflag:s22], $0x4000  }
0x6e: {  	s19 =	simm.s32 @!p1 $0x3;
	[sflag:s22] =	ssyncset.done @!p2 $0x0  }
0x6f: {  	s16 =	sadd.s32 @!p2 $0x800, s15;
	s18 =	simm.s32 @!p2 $0x0;
	[sflag:s22] =	ssyncadd.s32 @!p2 $0xFFFFC000  }
0x70: {  	[hbm4b:s16+s18] =	stream.linear.scatter @!p2 [tilespmem:s21], [sflag:$0x6], $0x4000, $0x38;
	[tilespmem:$0x10C00] =	vst v63  }
0x71: {  	_ =	swait.ge @!p1 [sflag:s19], $0x4000  }
0x72: {  	s16 =	simm.s32 @!p1 $0x0;
	[sflag:s19] =	ssyncset.done @!p1 $0x0  }
0x73: {  	s18 =	sadd.s32 @!p1 $0x1000, s15;
	[sflag:s19] =	ssyncadd.s32 @!p1 $0xFFFFC000;
	s19 =	simm.s32 @!p3 $0x4  }
0x74: {  	[hbm4b:s18+s16] =	stream.linear.scatter @!p1 [tilespmem:s20], [sflag:$0x7], $0x4000, $0x38;
	[tilespmem:$0x10C00] =	vst v63  }
0x75: {  	_ =	swait.ge @!p3 [sflag:s19], $0x4000  }
0x76: {  	[sflag:s19] =	ssyncset.done @!p3 $0x0  }
0x77: {  	s15 =	sadd.s32 @!p3 $0x1800, s15;
	s16 =	simm.s32 @!p3 $0x0;
	[sflag:s19] =	ssyncadd.s32 @!p3 $0xFFFFC000  }
0x78: {  	[hbm4b:s15+s16] =	stream.linear.scatter @!p3 [tilespmem:s17], [sflag:$0x8], $0x4000, $0x38;
	[tilespmem:$0x10C00] =	vst v63  }
0x79: {  	_ =	swait.ge [sflag:s10], $0x4000  }
0x7a: {  	[sflag:s10] =	ssyncset.done $0x0  }
0x7b: {  	[sflag:s10] =	ssyncadd.s32 $0xFFFFC000  }
0x7c: {  	_ =	swait.ge [sflag:s11], $0x4000  }
0x7d: {  	[sflag:s11] =	ssyncset.done $0x0  }
0x7e: {  	s14 =	sadd.s32 $0x1, s14;
	[sflag:s11] =	ssyncadd.s32 $0xFFFFC000  }
0x7f: {  	p0 =	sne.s32 s14, s6;
	_ =	swait.ge [sflag:s12], $0x4000  }
.Ltmp1:
0x80: {  	[sflag:s12] =	ssyncset.done $0x0;
	(pc) =	sbr.rel @p0 .LBB2_1-.Ltmp1, $4  }
0x81: {  	[sflag:s12] =	ssyncadd.s32 $0xFFFFC000  }
0x82: {  	_ =	swait.ge [sflag:s13], $0x4000  }
0x83: {  	[sflag:s13] =	ssyncset.done $0x0  }
0x84: {  	[sflag:s13] =	ssyncadd.s32 $0xFFFFC000  }
0x85: {  	_ =	sfence.sel $0x180000  }
0x86: {  	[bflag:$0x0] =	sbarrier.arrive $0xFFFF  }
0x87: {  	p0 =	sne.s32 s0, $0x0;
	_ =	strace $0x90000047  }
0x88: {  	s0 =	sadd.s32 @!p0 $0x100000, s1;
	[bflag:$0x2] =	sbarrier.arrive $0xFFFF  }
0x89: {  	[sflag:s0] =	ssyncadd.tile.s32 @!p0 $0x1;
	_ =	shalt  }
.Lfunc_end2:
_tile_overlayer_lowered:
.L_overlay_start_2:
0x8a: {  	(tag) =	ssettag $0x2  }
0x8b: {  	s0 =	rddreg [dreg:$0x0];
	s2 =	stileid.u32  }
0x8c: {  	s1 =	rddreg [dreg:$0x1];
	p0 =	sne.s32 s2, $0x0  }
0x8d: {  	s3 =	rddreg [dreg:$0x2];
	[bflag:$0x3] =	sbarrier.arrive $0xFFFF;
	s2 =	simm.s32 @!p0 $0x1C09  }
0x8e: {  	[timem:s3], [sflag:s2] =	dma.local @!p0 [hbm:s0], s1  }
0x8f: {  	s0 =	simm.s32 @!p0 $0x9  }
0x90: {  	_ =	swait.ge @!p0 [sflag:s0], s1  }
0x91: {  	s1 =	ssub.s32 @!p0 $0x0, s1;
	[sflag:s0] =	ssyncset.done @!p0 $0x0  }
0x92: {  	[sflag:s0] =	ssyncadd.s32 @!p0 s1  }
0x93: {  	[bflag:$0x3] =	sbarrier.arrive $0xFFFF  }
0x94: {  	_ =	shalt  }

// kernel: kernel.16.cloned.1.call-start
scs
__scs_entry_jumppad:
0x0: {  	(pc) =	sbr.rel $0x88, $3  }
0x1: {  	(tag) =	ssettag $0x0;
	lr =	simm.s32 $0x1  }
0x2: {  	[smem:$0x3F9B] =	sst lr;
	_ =	strace $0xD0000000  }
0x3: {  	_ = 	snop  }
0x4: {  	_ = 	snop  }
0x5: {  	_ = 	snop  }
0x6: {  	_ = 	snop  }
0x7: {  	_ = 	snop  }
__scs_overlays_trampoline_lowered:
0x8: {  	[smem:$0x3FAA] =	sst s0  }
0x9: {  	[smem:$0x3FAB] =	sst s1  }
0xa: {  	[smem:$0x3FAC] =	sst s2  }
0xb: {  	[smem:$0x3FAD] =	sst s3  }
0xc: {  	[smem:$0x3FAE] =	sst s4  }
0xd: {  	[smem:$0x3FAF] =	sst s5  }
0xe: {  	[smem:$0x3FB0] =	sst s6  }
0xf: {  	[smem:$0x3FB1] =	sst s7  }
0x10: {  	[smem:$0x3FB2] =	sst s8  }
0x11: {  	[smem:$0x3FB3] =	sst s9;
	s0 =	simm.s32 @!p0 $0x0  }
0x12: {  	s1 =	sld [smem:$0x3F99];
	s0 =	simm.s32 @p0 $0x1  }
0x13: {  	[smem:$0x3FB4] =	sst s0;
	s0 =	simm.s32 @!p1 $0x0  }
0x14: {  	s2 =	sld [smem:$0x3F98];
	s0 =	simm.s32 @p1 $0x1  }
0x15: {  	[smem:$0x3FB5] =	sst s0;
	s0 =	simm.s32 @!p2 $0x0  }
0x16: {  	s3 =	sld [smem:$0x3FDB];
	s0 =	simm.s32 @p2 $0x1  }
0x17: {  	s4 =	simm.s32 $0x1BF5;
	[smem:$0x3FB7] =	sst s0  }
0x18: {  	s0 =	sld [smem:$0x3F9A];
	_ =	swait.ge [sflag:s4], $0x0  }
0x19: {  	s7 =	sld [smem:$0x3F9B]  }
0x1a: {  	s8 =	sadd.s32 $0xFFFFE003, lr  }
0x1b: {  	s9 =	sadd.s32 $0xFFFFFEF7, lr;
	s5 =	simm.s32 $0xFFFFFFFF;
	p2 =	slt.u32 s8, $0xFFFFF086  }
0x1c: {  	p1 =	slt.u32 s9, $0xF7A;
	s5 =	simm.s32 @!p2 $0x0  }
0x1d: {  	s5 =	simm.s32 @p1 $0x1;
	p0 =	seq.s32 s7, s2  }
0x1e: {  	s7 =	smul.u32 @!p0 $0xF7A, s2;
	p2 =	seq.s32 @!p0 s5, $0x0  }
0x1f: {  	s9 =	smul.u32 $0xF7A, s1;
	s8 =	simm.s32 @!p0 $0x1BF5;
	p2 =	por !p2, p0  }
0x20: {  	[sflag:s8] =	ssyncset.s32 @!p0 $0xFFFFF086;
	s6 =	sadd.s32 @!p0 s3, s7;
	s7 =	simm.s32 @!p0 $0x108  }
0x21: {  	s3 =	sadd.s32 s3, s9;
	s6 =	sadd.s32 @!p0 $0x88, s6;
	s7 =	simm.s32 @p2 $0x1082  }
0x22: {  	[simem:s7], [sflag:s8] =	dma.local @!p0 [hbm:s6], $0xF7A  }
0x23: {  	s9 =	sor.u32 $0xD0000000, s2;
	s6 =	simm.s32 $0x108;
	_ =	swait.ge @!p0 [sflag:s8], $0x0  }
0x24: {  	s3 =	sadd.s32 $0x88, s3;
	s6 =	simm.s32 @!p1 $0x1082;
	[sflag:s4] =	ssyncset.s32 $0xFFFFF086  }
0x25: {  	[simem:s6], [sflag:s4] =	dma.local [hbm:s3], $0xF7A  }
0x26: {  	[smem:$0x3F9B] =	sst s1;
	(tag) =	ssettag s2;
	_ =	strace s9  }
0x27: {  	s1 =	sld [smem:$0x3FAB]  }
0x28: {  	s2 =	sld [smem:$0x3FAC]  }
0x29: {  	s4 =	sld [smem:$0x3FAE]  }
0x2a: {  	p0 =	seq.s32 s5, $0x0;
	s5 =	sld [smem:$0x3FAF]  }
0x2b: {  	s6 =	sld [smem:$0x3FB0]  }
0x2c: {  	s7 =	sld [smem:$0x3FB1]  }
0x2d: {  	s3 =	simm.s32 $0x108;
	s8 =	sld [smem:$0x3FB2]  }
0x2e: {  	s3 =	simm.s32 @!p0 $0x1082;
	s9 =	sld [smem:$0x3FB3]  }
0x2f: {  	lr =	sadd.s32 s0, s3;
	s0 =	sld [smem:$0x3FAA]  }
0x30: {  	s3 =	sld [smem:$0x3FAD]  }
0x31: {  	[smem:$0x3FB6] =	sst s10  }
0x32: {  	s10 =	sld [smem:$0x3FB4];
	_ =	sdelay $0x3  }
0x33: {  	p0 =	seq.s32 s10, $0x1;
	s10 =	sld [smem:$0x3FB6];
	_ =	sdelay $0x3  }
0x34: {  	[smem:$0x3FB6] =	sst s10  }
0x35: {  	s10 =	sld [smem:$0x3FB5];
	_ =	sdelay $0x3  }
0x36: {  	p1 =	seq.s32 s10, $0x1;
	s10 =	sld [smem:$0x3FB6];
	_ =	sdelay $0x3  }
0x37: {  	[smem:$0x3FB6] =	sst s10  }
0x38: {  	s10 =	sld [smem:$0x3FB7]  }
0x39: {  	_ = 	snop;
	(pc) =	sbr.ind lr, $3  }
0x3a: {  	_ = 	snop  }
0x3b: {  	_ = 	snop  }
0x3c: {  	p2 =	seq.s32 s10, $0x1;
	s10 =	sld [smem:$0x3FB6]  }
0x3d: {  	_ =	shalt  }
0x3e: {  	_ =	shalt  }
0x3f: {  	_ =	shalt  }
0x40: {  	_ =	shalt  }
0x41: {  	_ =	shalt  }
0x42: {  	_ =	shalt  }
0x43: {  	_ =	shalt  }
0x44: {  	_ =	shalt  }
0x45: {  	_ =	shalt  }
0x46: {  	_ =	shalt  }
0x47: {  	_ =	shalt  }
0x48: {  	_ =	shalt  }
0x49: {  	_ =	shalt  }
0x4a: {  	_ =	shalt  }
0x4b: {  	_ =	shalt  }
0x4c: {  	_ =	shalt  }
0x4d: {  	_ =	shalt  }
0x4e: {  	_ =	shalt  }
0x4f: {  	_ =	shalt  }
0x50: {  	_ =	shalt  }
0x51: {  	_ =	shalt  }
0x52: {  	_ =	shalt  }
0x53: {  	_ =	shalt  }
0x54: {  	_ =	shalt  }
0x55: {  	_ =	shalt  }
0x56: {  	_ =	shalt  }
0x57: {  	_ =	shalt  }
0x58: {  	_ =	shalt  }
0x59: {  	_ =	shalt  }
0x5a: {  	_ =	shalt  }
0x5b: {  	_ =	shalt  }
0x5c: {  	_ =	shalt  }
0x5d: {  	_ =	shalt  }
0x5e: {  	_ =	shalt  }
0x5f: {  	_ =	shalt  }
0x60: {  	_ =	shalt  }
0x61: {  	_ =	shalt  }
0x62: {  	_ =	shalt  }
0x63: {  	_ =	shalt  }
0x64: {  	_ =	shalt  }
0x65: {  	_ =	shalt  }
0x66: {  	_ =	shalt  }
0x67: {  	_ =	shalt  }
0x68: {  	_ =	shalt  }
0x69: {  	_ =	shalt  }
0x6a: {  	_ =	shalt  }
0x6b: {  	_ =	shalt  }
0x6c: {  	_ =	shalt  }
0x6d: {  	_ =	shalt  }
0x6e: {  	_ =	shalt  }
0x6f: {  	_ =	shalt  }
0x70: {  	_ =	shalt  }
0x71: {  	_ =	shalt  }
0x72: {  	_ =	shalt  }
0x73: {  	_ =	shalt  }
0x74: {  	_ =	shalt  }
0x75: {  	_ =	shalt  }
0x76: {  	_ =	shalt  }
0x77: {  	_ =	shalt  }
0x78: {  	_ =	shalt  }
0x79: {  	_ =	shalt  }
0x7a: {  	_ =	shalt  }
0x7b: {  	_ =	shalt  }
0x7c: {  	_ =	shalt  }
0x7d: {  	_ =	shalt  }
0x7e: {  	_ =	shalt  }
0x7f: {  	_ =	shalt  }
0x80: {  	_ =	shalt  }
0x81: {  	_ =	shalt  }
0x82: {  	_ =	shalt  }
0x83: {  	_ =	shalt  }
0x84: {  	_ =	shalt  }
0x85: {  	_ =	shalt  }
0x86: {  	_ =	shalt  }
0x87: {  	_ =	shalt  }
.Lfunc_end0:
.L_simem_size_0:
called_computation.1_lowered:
.L_overlay_start_0:
0x88: {  	s2 =	sld [smem:$0x3FD9]  }
0x89: {  	s3 =	sld [smem:$0x3FFE];
	_ =	sdelay $0x1  }
0x8a: {  	s1 =	srdreg.scid  }
0x8b: {  	s0 =	sand.u32 $0x1, s1  }
0x8c: {  	s17 =	sshll.u32 s0, $0xA;
	s2 =	sadd.s32 s3, s2  }
0x8d: {  	s2 =	sadd.s32 s2, s17  }
0x8e: {  	[smem:$0x3FC2] =	sst s2  }
0x8f: {  	_ = 	snop  }
0x90: {  	s18 =	sld [smem:$0x3FC9];
	(tm) =	ssettm $0x1  }
0x91: {  	s19 =	sld [smem:$0x3FFB];
	_ =	sdelay $0x3  }
0x92: {  	_ =	strace s19  }
0x93: {  	s2 =	sld [smem:$0x3FFC];
	_ =	sdelay $0x3  }
0x94: {  	_ =	strace s2  }
0x95: {  	s2 =	sld [smem:$0x3FFD];
	_ =	sdelay $0x3  }
0x96: {  	_ =	strace s2  }
0x97: {  	_ =	strace $0x8FFFFFFF  }
0x98: {  	s20 =	sld [smem:$0x3FDB];
	_ =	sdelay $0x1  }
0x99: {  	s4 =	simm.s32 $_scs_section_size  }
0x9a: {  	s5 =	simm.s32 $_size__tile_overlayer_lowered;
	s6 =	simm.s32 $_tile_overlayer_lowered  }
0x9b: {  	s7 =	simm.s32 $0x1BFF;
	s21 =	sshll.u32 s6, $0x1;
	s4 =	sadd.s32 s4, s20  }
0x9c: {  	s22 =	simm.s32 $0x0;
	s5 =	sshll.u32 s5, $0x1;
	s6 =	sadd.s32 s21, s4  }
0x9d: {  	[timem:s22], [sflag:s7] =	dma.local [hbm:s6], s5  }
0x9e: {  	_ =	swait.ge [sflag:s7], s5  }
0x9f: {  	s5 =	ssub.s32 $0x0, s5;
	[sflag:s7] =	ssyncset.done $0x0  }
0xa0: {  	[sflag:s7] =	ssyncadd.s32 s5;
	_ =	sdelay $0x1  }
0xa1: {  	s23 =	simm.s32 $0x1B8B  }
0xa2: {  	_ =	swait.ge [sflag:s23], $0x1  }
0xa3: {  	[sflag:s23] =	ssyncset.done $0x0  }
0xa4: {  	[sflag:s23] =	ssyncadd.s32 $0xFFFFFFFF  }
0xa5: {  	s5 =	sld [smem:$0x0]  }
0xa6: {  	s6 =	sand.u32 $0xFFFFFFFE, s1  }
0xa7: {  	p0 =	sne.s32 s1, s6  }
0xa8: {  	s6 =	sshll.u32 @p0 s6, $0xE  }
0xa9: {  	s6 =	sadd.s32 @p0 $0x11B8D, s6;
	s7 =	sshll.u32 @p0 s5, $0x11  }
0xaa: {  	s6 =	sor.u32 @p0 s7, s6  }
0xab: {  	[sflag:s6] =	ssyncadd.remote.s32 @p0 $0x1;
	_ =	sdelay $0x1  }
0xac: {  	s6 =	simm.s32 @p0 $0x1B8D  }
0xad: {  	_ =	swait.eq @p0 [sflag:s6], $0x1  }
0xae: {  	[sflag:s6] =	ssyncadd.s32 @p0 $0xFFFFFFFF  }
0xaf: {  	s7 =	sshll.u32 @!p0 s1, $0xE  }
0xb0: {  	s7 =	sor.u32 @!p0 $0x4000, s7;
	s6 =	simm.s32 @!p0 $0x1B8D  }
0xb1: {  	s5 =	sshll.u32 @!p0 s5, $0x11;
	s7 =	sadd.s32 @!p0 $0x11B8D, s7;
	_ =	swait.eq @!p0 [sflag:s6], $0x1  }
0xb2: {  	s5 =	sor.u32 @!p0 s5, s7;
	[sflag:s6] =	ssyncadd.s32 @!p0 $0xFFFFFFFF  }
0xb3: {  	s25 =	simm.s32 $0x1B8E;
	s24 =	sld [smem:$0x3FFE];
	[sflag:s5] =	ssyncadd.remote.s32 @!p0 $0x1  }
0xb4: {  	s26 =	simm.s32 $execute0_lowered;
	[smem:$0x3FD2] =	sst s25  }
0xb5: {  	s6 =	sshll.u32 s26, $0x1;
	_ =	strace $0x80000049;
	[dreg:$0x1] =	wrdreg $0xFFFFFFFF  }
0xb6: {  	s28 =	simm.s32 $_size_execute0_lowered;
	s4 =	sadd.s32 s4, s6;
	[dreg:$0x0] =	wrdreg $0x0  }
0xb7: {  	s6 =	sshll.u32 s28, $0x1;
	[dreg:$0x2] =	wrdreg s4  }
0xb8: {  	[dreg:$0x3] =	wrdreg s6  }
0xb9: {  	[dreg:$0x4] =	wrdreg $0xC0  }
0xba: {  	_ =	task [dreg:s22], $0x5FFFF  }
0xbb: {  	[dreg:$0x1] =	wrdreg $0xFFFFFFFF  }
0xbc: {  	[dreg:$0x0] =	wrdreg $0x60  }
0xbd: {  	[dreg:$0x2] =	wrdreg s18  }
0xbe: {  	[dreg:$0x3] =	wrdreg s24  }
0xbf: {  	[dreg:$0x4] =	wrdreg $0xA  }
0xc0: {  	_ =	task.clear_ibuf [dreg:s22], $0x5FFFF;
	_ =	strace $0x90000049  }
0xc1: {  	s29 =	simm.s32 $0xA;
	_ =	strace $0x8000004B  }
0xc2: {  	_ =	swait.ge [sflag:s29], $0x1  }
0xc3: {  	[sflag:s29] =	ssyncadd.s32 $0xFFFFFFFF  }
0xc4: {  	_ =	strace $0x9000004B  }
0xc5: {  	_ =	sfence  }
0xc6: {  	s30 =	sld [smem:$0x0];
	_ =	sdelay $0x2  }
0xc7: {  	s31 =	sshll.u32 s1, $0xD;
	s1 =	sshrl.u32 s1, $0x2  }
0xc8: {  	s4 =	sand.u32 $0x4000, s31;
	s1 =	sadd.s32 s1, s30  }
0xc9: {  	s0 =	sor.u32 s4, s0;
	s1 =	sshll.u32 s1, $0x11  }
0xca: {  	s0 =	sor.u32 s1, s0  }
0xcb: {  	s0 =	sadd.s32 $0x8F2B, s0  }
0xcc: {  	[sflag:s0] =	ssyncadd.remote.s32 $0x1  }
0xcd: {  	_ =	sfence.sel $0xFFFF  }
0xce: {  	[dreg:$0x0] =	wrdreg $0xFFFFFFFF;
	(pc) =	sbr.abs _section_cstart, $3  }
0xcf: {  	[dreg:$0x1] =	wrdreg $0xFFFFFFFF  }
0xd0: {  	_ =	task.clear_ibuf [dreg:s22], $0x2FFFF;
	_ =	strace $0x9FFFFFFF  }
0xd1: {  	(tm) =	ssettm $0x7FFFFFFF  }
tec
execute0_lowered:
.L_overlay_start_1:
0x0: {  	(tag) =	ssettag $0x1  }
0x1: {  	s1 =	srdreg.scid;
	s2 =	rddreg [dreg:$0x0]  }
0x2: {  	s0 =	stileid.u32;
	s6 =	rddreg [dreg:$0x1];
	s11 =	simm.s32 $0x6  }
0x3: {  	s12 =	simm.s32 $0x7;
	s4 =	sand.u32 $0x1, s1;
	s29 =	sshll.u32 s0, $0x1  }
0x4: {  	s13 =	simm.s32 $0x8;
	s1 =	sor.u32 s4, s29;
	s4 =	ssub.s32 $0x2, s4  }
0x5: {  	s14 =	simm.s32 $0x0;
	s3 =	smul.u32 $0xF, s1;
	s9 =	sshrl.u32 s4, $0x1  }
0x6: {  	p0 =	slt.u32 s0, $0xA;
	s1 =	sshll.u32 s1, $0x4;
	s30 =	ssub.s32 s4, s9  }
0x7: {  	s4 =	simm.s32 $0x10;
	s9 =	simm.s32 $0x9;
	s5 =	sadd.s32 $0x14, s3  }
0x8: {  	s3 =	simm.s32 $0x0;
	s5 =	smov.u32 @p0 s1;
	s1 =	rddreg [dreg:$0x2]  }
0x9: {  	s4 =	simm.s32 @!p0 $0xF;
	[smem:$0x7FF] =	sst s3;
	s7 =	sadd.s32 $0x1F4, s5  }
0xa: {  	_ =	strace $0x8000004A;
	s5 =	sshll.u32 s5, $0xB;
	s8 =	sshll.u32 s7, $0x4  }
0xb: {  	s10 =	sadd.s32 s5, s6;
	s31 =	sand.u32 $0x7, s7;
	s8 =	sand.u32 $0x1FFFFF80, s8  }
0xc: {  	s7 =	sadd.s32 $0x106200, s10;
	s10 =	simm.s32 $0x5;
	s8 =	sadd.s32 s8, s6  }
0xd: {  	s6 =	smax.u32 s30, $0x1;
	s5 =	sadd.s32 $0x2400, s8;
	s8 =	sshll.u32 s31, $0x7  }
.LBB2_1:
0xe: {  	[tilespmem:s3], [sflag:$0x9] =	stream.linear.gather [hbm4b:s5+s3], $0xC00, $0x38;
	[tilespmem:$0x10C00] =	vst v63  }
0xf: {  	p0 =	sle.u32 s4, $0x0  }
0x10: {  	_ =	swait.ge [sflag:s9], $0xC00;
	p1 =	por @!p0 $0x1, $0x1  }
0x11: {  	[sflag:s9] =	ssyncset.done $0x0;
	p1 =	por p1, p0  }
0x12: {  	p2 =	sle.u32 s4, $0x1;
	[sflag:s9] =	ssyncadd.s32 $0xFFFFF400;
	s15 =	simm.s32 @!p1 $0x5  }
0x13: {  	p3 =	por @!p2 $0x1, $0x1;
	_ =	swait.ge @!p1 [sflag:s15], $0x4000  }
0x14: {  	s16 =	simm.s32 @!p0 $0xC00;
	p4 =	por p3, p2;
	[sflag:s15] =	ssyncset.done @!p1 $0x0  }
0x15: {  	s17 =	simm.s32 @!p0 $0x80;
	[sflag:s15] =	ssyncadd.s32 @!p1 $0xFFFFC000;
	s15 =	simm.s32 @!p4 $0x6  }
0x16: {  	[tilespmem:s16], [sflag:$0x1] =	stream.indirect.gather @!p0 [hbm4b:s2+s17], $0x80, s8, s17, $0xb8;
	[tilespmem:$0x10C00] =	vst v63  }
0x17: {  	s18 =	simm.s32 @!p2 $0x4C00;
	p3 =	sle.u32 s4, $0x2;
	_ =	swait.ge @!p4 [sflag:s15], $0x4000  }
0x18: {  	p1 =	por @!p3 $0x1, $0x1;
	s17 =	simm.s32 @!p2 $0x80;
	[sflag:s15] =	ssyncset.done @!p4 $0x0  }
0x19: {  	[sflag:s15] =	ssyncadd.s32 @!p4 $0xFFFFC000;
	s15 =	sadd.s32 @!p2 $0x80, s8;
	p4 =	por p1, p3  }
0x1a: {  	[tilespmem:s18], [sflag:$0x2] =	stream.indirect.gather @!p2 [hbm4b:s2+s17], $0x80, s15, s17, $0xb8;
	[tilespmem:$0x10C00] =	vst v63  }
0x1b: {  	p1 =	sle.u32 s4, $0x3;
	s15 =	simm.s32 @!p4 $0x7  }
0x1c: {  	s19 =	simm.s32 @!p3 $0x8C00;
	p5 =	por @!p1 $0x1, $0x1;
	_ =	swait.ge @!p4 [sflag:s15], $0x4000  }
0x1d: {  	s17 =	sadd.s32 @!p3 $0x100, s8;
	p5 =	por p5, p1;
	[sflag:s15] =	ssyncset.done @!p4 $0x0  }
0x1e: {  	s21 =	simm.s32 @!p5 $0x8;
	[sflag:s15] =	ssyncadd.s32 @!p4 $0xFFFFC000;
	s15 =	simm.s32 @!p3 $0x80  }
0x1f: {  	[tilespmem:s19], [sflag:$0x3] =	stream.indirect.gather @!p3 [hbm4b:s2+s15], $0x80, s17, s15, $0xb8;
	[tilespmem:$0x10C00] =	vst v63  }
0x20: {  	_ =	swait.ge @!p5 [sflag:s21], $0x4000  }
0x21: {  	s20 =	simm.s32 @!p1 $0xCC00;
	s22 =	simm.s32 @!p1 $0x80;
	[sflag:s21] =	ssyncset.done @!p5 $0x0  }
0x22: {  	s15 =	simm.s32 @!p0 $0x1;
	s17 =	sadd.s32 @!p1 $0x180, s8;
	[sflag:s21] =	ssyncadd.s32 @!p5 $0xFFFFC000  }
0x23: {  	[tilespmem:s20], [sflag:$0x4] =	stream.indirect.gather @!p1 [hbm4b:s2+s22], $0x80, s17, s22, $0xb8;
	[tilespmem:$0x10C00] =	vst v63  }
0x24: {  	_ =	swait.ge @!p0 [sflag:s15], $0x4000  }
0x25: {  	[sflag:s15] =	ssyncset.done @!p0 $0x0  }
0x26: {  	s21 =	simm.s32 @!p2 $0x2;
	s17 =	simm.s32 @!p0 $0x0;
	[sflag:s15] =	ssyncadd.s32 @!p0 $0xFFFFC000  }
0x27: {  	[hbm4b:s7+s17] =	stream.linear.scatter @!p0 [tilespmem:s16], [sflag:$0x5], $0x4000, $0x38;
	[tilespmem:$0x10C00] =	vst v63  }
0x28: {  	s23 =	simm.s32 @!p1 $0x4;
	_ =	swait.ge @!p2 [sflag:s21], $0x4000  }
0x29: {  	s22 =	simm.s32 @!p1 $0x0;
	s15 =	sadd.s32 @!p2 $0x800, s7;
	[sflag:s21] =	ssyncset.done @!p2 $0x0  }
0x2a: {  	s16 =	simm.s32 @!p2 $0x0;
	[sflag:s21] =	ssyncadd.s32 @!p2 $0xFFFFC000;
	s21 =	simm.s32 @!p3 $0x3  }
0x2b: {  	[hbm4b:s15+s16] =	stream.linear.scatter @!p2 [tilespmem:s18], [sflag:$0x6], $0x4000, $0x38;
	[tilespmem:$0x10C00] =	vst v63  }
0x2c: {  	s17 =	simm.s32 $0x7;
	p0 =	sle.u32 s4, $0x4;
	_ =	swait.ge @!p3 [sflag:s21], $0x4000  }
0x2d: {  	s18 =	simm.s32 $0xB;
	s15 =	simm.s32 @!p3 $0x0;
	[sflag:s21] =	ssyncset.done @!p3 $0x0  }
0x2e: {  	s16 =	sadd.s32 @!p3 $0x1000, s7;
	p2 =	por @!p0 $0x0, $0x0;
	[sflag:s21] =	ssyncadd.s32 @!p3 $0xFFFFC000  }
0x2f: {  	[hbm4b:s16+s15] =	stream.linear.scatter @!p3 [tilespmem:s19], [sflag:$0x7], $0x4000, $0x38;
	[tilespmem:$0x10C00] =	vst v63  }
0x30: {  	s15 =	sadd.s32 $0x2000, s7;
	s16 =	sadd.s32 $0x200, s8;
	s19 =	smov.u32 s7  }
.LBB2_2:
0x31: {  	p3 =	por p2, p0;
	_ =	swait.ge @!p1 [sflag:s23], $0x4000  }
0x32: {  	s24 =	sadd.s32 @!p1 $0x1800, s19;
	s21 =	smov.u32 s18;
	s19 =	smov.u32 s15  }
0x33: {  	s26 =	sadd.s32 $0xFFFFFFFE, s17;
	s25 =	simm.s32 @!p3 $0x5;
	[sflag:s23] =	ssyncset.done @!p1 $0x0  }
0x34: {  	s18 =	sadd.s32 $0x4, s18;
	p2 =	sge.u32 s26, s4;
	[sflag:s23] =	ssyncadd.s32 @!p1 $0xFFFFC000  }
0x35: {  	[hbm4b:s24+s22] =	stream.linear.scatter @!p1 [tilespmem:s20], [sflag:$0x8], $0x4000, $0x38;
	[tilespmem:$0x10C00] =	vst v63  }
0x36: {  	s22 =	simm.s32 @!p0 $0xC00;
	p1 =	seq.s32 @!p2 s17, $0x3;
	_ =	swait.ge @!p3 [sflag:s25], $0x4000  }
0x37: {  	s20 =	simm.s32 @!p0 $0x80;
	p1 =	por p1, p2;
	[sflag:s25] =	ssyncset.done @!p3 $0x0  }
0x38: {  	s24 =	sadd.s32 $0xFFFFFFFF, s17;
	s23 =	simm.s32 @!p1 $0x6;
	[sflag:s25] =	ssyncadd.s32 @!p3 $0xFFFFC000  }
0x39: {  	[tilespmem:s22], [sflag:$0x1] =	stream.indirect.gather @!p0 [hbm4b:s2+s20], $0x80, s16, s20, $0xb8;
	[tilespmem:$0x10C00] =	vst v63  }
0x3a: {  	p3 =	sge.u32 s24, s4;
	s20 =	simm.s32 @!p2 $0x80;
	_ =	swait.ge @!p1 [sflag:s23], $0x4000  }
0x3b: {  	s24 =	simm.s32 @!p2 $0x4C00;
	p4 =	seq.s32 @!p3 s17, $0x3;
	[sflag:s23] =	ssyncset.done @!p1 $0x0  }
0x3c: {  	p6 =	por p4, p3;
	[sflag:s23] =	ssyncadd.s32 @!p1 $0xFFFFC000;
	s23 =	sadd.s32 @!p2 $0x80, s16  }
0x3d: {  	[tilespmem:s24], [sflag:$0x2] =	stream.indirect.gather @!p2 [hbm4b:s2+s20], $0x80, s23, s20, $0xb8;
	[tilespmem:$0x10C00] =	vst v63  }
0x3e: {  	p4 =	sne.s32 s18, $0x13;
	p1 =	sge.u32 s17, s4;
	s20 =	simm.s32 @!p6 $0x7  }
0x3f: {  	s25 =	simm.s32 @!p3 $0x8C00;
	p5 =	seq.s32 @!p1 s17, $0x3;
	_ =	swait.ge @!p6 [sflag:s20], $0x4000  }
0x40: {  	s17 =	sadd.s32 @!p3 $0x100, s16;
	p5 =	por p5, p1;
	[sflag:s20] =	ssyncset.done @!p6 $0x0  }
0x41: {  	s23 =	simm.s32 @!p5 $0x8;
	[sflag:s20] =	ssyncadd.s32 @!p6 $0xFFFFC000;
	s20 =	simm.s32 @!p3 $0x80  }
0x42: {  	[tilespmem:s25], [sflag:$0x3] =	stream.indirect.gather @!p3 [hbm4b:s2+s20], $0x80, s17, s20, $0xb8;
	[tilespmem:$0x10C00] =	vst v63  }
0x43: {  	s26 =	simm.s32 @!p0 $0x1;
	s20 =	simm.s32 @!p1 $0xCC00;
	_ =	swait.ge @!p5 [sflag:s23], $0x4000  }
0x44: {  	s28 =	sadd.s32 @!p1 $0x180, s16;
	s29 =	simm.s32 @!p1 $0x80;
	[sflag:s23] =	ssyncset.done @!p5 $0x0  }
0x45: {  	s17 =	smov.u32 s21;
	[sflag:s23] =	ssyncadd.s32 @!p5 $0xFFFFC000  }
0x46: {  	[tilespmem:s20], [sflag:$0x4] =	stream.indirect.gather @!p1 [hbm4b:s2+s29], $0x80, s28, s29, $0xb8;
	[tilespmem:$0x10C00] =	vst v63  }
0x47: {  	s21 =	simm.s32 @!p0 $0x0;
	_ =	swait.ge @!p0 [sflag:s26], $0x4000  }
0x48: {  	s23 =	simm.s32 @!p2 $0x2;
	[sflag:s26] =	ssyncset.done @!p0 $0x0  }
0x49: {  	[sflag:s26] =	ssyncadd.s32 @!p0 $0xFFFFC000  }
0x4a: {  	[hbm4b:s15+s21] =	stream.linear.scatter @!p0 [tilespmem:s22], [sflag:$0x5], $0x4000, $0x38;
	[tilespmem:$0x10C00] =	vst v63  }
0x4b: {  	s16 =	sadd.s32 $0x200, s16;
	s15 =	sadd.s32 $0x2000, s15;
	_ =	swait.ge @!p2 [sflag:s23], $0x4000  }
0x4c: {  	s26 =	simm.s32 @!p2 $0x0;
	s21 =	sadd.s32 @!p2 $0x800, s19;
	[sflag:s23] =	ssyncset.done @!p2 $0x0  }
0x4d: {  	s22 =	simm.s32 @!p1 $0x0;
	[sflag:s23] =	ssyncadd.s32 @!p2 $0xFFFFC000;
	s23 =	simm.s32 @!p3 $0x3  }
0x4e: {  	[hbm4b:s21+s26] =	stream.linear.scatter @!p2 [tilespmem:s24], [sflag:$0x6], $0x4000, $0x38;
	[tilespmem:$0x10C00] =	vst v63  }
.Ltmp0:
0x4f: {  	_ = 	snop;
	(pc) =	sbr.rel @p4 .LBB2_2-.Ltmp0, $4  }
0x50: {  	s21 =	sadd.s32 $0xFFFFFFFD, s17;
	s24 =	simm.s32 @!p3 $0x0;
	_ =	swait.ge @!p3 [sflag:s23], $0x4000  }
0x51: {  	p0 =	sge.u32 s21, s4;
	s21 =	sadd.s32 @!p3 $0x1000, s19;
	[sflag:s23] =	ssyncset.done @!p3 $0x0  }
0x52: {  	p2 =	seq.s32 @!p0 s17, $0x3;
	[sflag:s23] =	ssyncadd.s32 @!p3 $0xFFFFC000;
	s23 =	simm.s32 @!p1 $0x4  }
0x53: {  	[hbm4b:s21+s24] =	stream.linear.scatter @!p3 [tilespmem:s25], [sflag:$0x7], $0x4000, $0x38;
	[tilespmem:$0x10C00] =	vst v63  }
0x54: {  	p3 =	por p2, p0;
	_ =	swait.ge @!p1 [sflag:s23], $0x4000  }
0x55: {  	s18 =	sadd.s32 @!p1 $0x1800, s19;
	s30 =	sadd.s32 $0xFFFFFFFE, s17;
	[sflag:s23] =	ssyncset.done @!p1 $0x0  }
0x56: {  	s21 =	simm.s32 @!p3 $0x5;
	p2 =	sge.u32 s30, s4;
	[sflag:s23] =	ssyncadd.s32 @!p1 $0xFFFFC000  }
0x57: {  	[hbm4b:s18+s22] =	stream.linear.scatter @!p1 [tilespmem:s20], [sflag:$0x8], $0x4000, $0x38;
	[tilespmem:$0x10C00] =	vst v63  }
0x58: {  	s19 =	simm.s32 @!p0 $0x80;
	p1 =	seq.s32 @!p2 s17, $0x3;
	_ =	swait.ge @!p3 [sflag:s21], $0x4000  }
0x59: {  	s31 =	sadd.s32 $0xFFFFFFFF, s17;
	p4 =	por p1, p2;
	[sflag:s21] =	ssyncset.done @!p3 $0x0  }
0x5a: {  	s18 =	simm.s32 @!p0 $0xC00;
	s20 =	simm.s32 @!p4 $0x6;
	[sflag:s21] =	ssyncadd.s32 @!p3 $0xFFFFC000  }
0x5b: {  	[tilespmem:s18], [sflag:$0x1] =	stream.indirect.gather @!p0 [hbm4b:s2+s19], $0x80, s16, s19, $0xb8;
	[tilespmem:$0x10C00] =	vst v63  }
0x5c: {  	p1 =	sge.u32 s31, s4;
	s21 =	simm.s32 @!p2 $0x4C00;
	_ =	swait.ge @!p4 [sflag:s20], $0x4000  }
0x5d: {  	p3 =	seq.s32 @!p1 s17, $0x3;
	s19 =	simm.s32 @!p2 $0x80;
	[sflag:s20] =	ssyncset.done @!p4 $0x0  }
0x5e: {  	[sflag:s20] =	ssyncadd.s32 @!p4 $0xFFFFC000;
	s20 =	sadd.s32 @!p2 $0x80, s16;
	p4 =	por p3, p1  }
0x5f: {  	[tilespmem:s21], [sflag:$0x2] =	stream.indirect.gather @!p2 [hbm4b:s2+s19], $0x80, s20, s19, $0xb8;
	[tilespmem:$0x10C00] =	vst v63  }
0x60: {  	p3 =	sge.u32 s17, s4;
	s19 =	simm.s32 @!p4 $0x7  }
0x61: {  	s20 =	simm.s32 @!p1 $0x8C00;
	p5 =	seq.s32 @!p3 s17, $0x3;
	_ =	swait.ge @!p4 [sflag:s19], $0x4000  }
0x62: {  	s17 =	sadd.s32 @!p1 $0x100, s16;
	p5 =	por p5, p3;
	[sflag:s19] =	ssyncset.done @!p4 $0x0  }
0x63: {  	s22 =	simm.s32 @!p5 $0x8;
	[sflag:s19] =	ssyncadd.s32 @!p4 $0xFFFFC000;
	s19 =	simm.s32 @!p1 $0x80  }
0x64: {  	[tilespmem:s20], [sflag:$0x3] =	stream.indirect.gather @!p1 [hbm4b:s2+s19], $0x80, s17, s19, $0xb8;
	[tilespmem:$0x10C00] =	vst v63  }
0x65: {  	_ =	swait.ge @!p5 [sflag:s22], $0x4000  }
0x66: {  	s16 =	sadd.s32 @!p3 $0x180, s16;
	s23 =	simm.s32 @!p3 $0x80;
	[sflag:s22] =	ssyncset.done @!p5 $0x0  }
0x67: {  	s17 =	simm.s32 @!p3 $0xCC00;
	s19 =	simm.s32 @!p0 $0x1;
	[sflag:s22] =	ssyncadd.s32 @!p5 $0xFFFFC000  }
0x68: {  	[tilespmem:s17], [sflag:$0x4] =	stream.indirect.gather @!p3 [hbm4b:s2+s23], $0x80, s16, s23, $0xb8;
	[tilespmem:$0x10C00] =	vst v63  }
0x69: {  	_ =	swait.ge @!p0 [sflag:s19], $0x4000  }
0x6a: {  	[sflag:s19] =	ssyncset.done @!p0 $0x0  }
0x6b: {  	s22 =	simm.s32 @!p2 $0x2;
	s16 =	simm.s32 @!p0 $0x0;
	[sflag:s19] =	ssyncadd.s32 @!p0 $0xFFFFC000  }
0x6c: {  	[hbm4b:s15+s16] =	stream.linear.scatter @!p0 [tilespmem:s18], [sflag:$0x5], $0x4000, $0x38;
	[tilespmem:$0x10C00] =	vst v63  }
0x6d: {  	_ =	swait.ge @!p2 [sflag:s22], $0x4000  }
0x6e: {  	s19 =	simm.s32 @!p1 $0x3;
	[sflag:s22] =	ssyncset.done @!p2 $0x0  }
0x6f: {  	s16 =	sadd.s32 @!p2 $0x800, s15;
	s18 =	simm.s32 @!p2 $0x0;
	[sflag:s22] =	ssyncadd.s32 @!p2 $0xFFFFC000  }
0x70: {  	[hbm4b:s16+s18] =	stream.linear.scatter @!p2 [tilespmem:s21], [sflag:$0x6], $0x4000, $0x38;
	[tilespmem:$0x10C00] =	vst v63  }
0x71: {  	_ =	swait.ge @!p1 [sflag:s19], $0x4000  }
0x72: {  	s16 =	simm.s32 @!p1 $0x0;
	[sflag:s19] =	ssyncset.done @!p1 $0x0  }
0x73: {  	s18 =	sadd.s32 @!p1 $0x1000, s15;
	[sflag:s19] =	ssyncadd.s32 @!p1 $0xFFFFC000;
	s19 =	simm.s32 @!p3 $0x4  }
0x74: {  	[hbm4b:s18+s16] =	stream.linear.scatter @!p1 [tilespmem:s20], [sflag:$0x7], $0x4000, $0x38;
	[tilespmem:$0x10C00] =	vst v63  }
0x75: {  	_ =	swait.ge @!p3 [sflag:s19], $0x4000  }
0x76: {  	[sflag:s19] =	ssyncset.done @!p3 $0x0  }
0x77: {  	s15 =	sadd.s32 @!p3 $0x1800, s15;
	s16 =	simm.s32 @!p3 $0x0;
	[sflag:s19] =	ssyncadd.s32 @!p3 $0xFFFFC000  }
0x78: {  	[hbm4b:s15+s16] =	stream.linear.scatter @!p3 [tilespmem:s17], [sflag:$0x8], $0x4000, $0x38;
	[tilespmem:$0x10C00] =	vst v63  }
0x79: {  	_ =	swait.ge [sflag:s10], $0x4000  }
0x7a: {  	[sflag:s10] =	ssyncset.done $0x0  }
0x7b: {  	[sflag:s10] =	ssyncadd.s32 $0xFFFFC000  }
0x7c: {  	_ =	swait.ge [sflag:s11], $0x4000  }
0x7d: {  	[sflag:s11] =	ssyncset.done $0x0  }
0x7e: {  	s14 =	sadd.s32 $0x1, s14;
	[sflag:s11] =	ssyncadd.s32 $0xFFFFC000  }
0x7f: {  	p0 =	sne.s32 s14, s6;
	_ =	swait.ge [sflag:s12], $0x4000  }
.Ltmp1:
0x80: {  	[sflag:s12] =	ssyncset.done $0x0;
	(pc) =	sbr.rel @p0 .LBB2_1-.Ltmp1, $4  }
0x81: {  	[sflag:s12] =	ssyncadd.s32 $0xFFFFC000  }
0x82: {  	_ =	swait.ge [sflag:s13], $0x4000  }
0x83: {  	[sflag:s13] =	ssyncset.done $0x0  }
0x84: {  	[sflag:s13] =	ssyncadd.s32 $0xFFFFC000  }
0x85: {  	_ =	sfence.sel $0x180000  }
0x86: {  	[bflag:$0x0] =	sbarrier.arrive $0xFFFF  }
0x87: {  	p0 =	sne.s32 s0, $0x0;
	_ =	strace $0x9000004A  }
0x88: {  	s0 =	sadd.s32 @!p0 $0x100000, s1;
	[bflag:$0x2] =	sbarrier.arrive $0xFFFF  }
0x89: {  	[sflag:s0] =	ssyncadd.tile.s32 @!p0 $0x1;
	_ =	shalt  }
.Lfunc_end2:
_tile_overlayer_lowered:
.L_overlay_start_2:
0x8a: {  	(tag) =	ssettag $0x2  }
0x8b: {  	s0 =	rddreg [dreg:$0x0];
	s2 =	stileid.u32  }
0x8c: {  	s1 =	rddreg [dreg:$0x1];
	p0 =	sne.s32 s2, $0x0  }
0x8d: {  	s3 =	rddreg [dreg:$0x2];
	[bflag:$0x3] =	sbarrier.arrive $0xFFFF;
	s2 =	simm.s32 @!p0 $0x1C09  }
0x8e: {  	[timem:s3], [sflag:s2] =	dma.local @!p0 [hbm:s0], s1  }
0x8f: {  	s0 =	simm.s32 @!p0 $0x9  }
0x90: {  	_ =	swait.ge @!p0 [sflag:s0], s1  }
0x91: {  	s1 =	ssub.s32 @!p0 $0x0, s1;
	[sflag:s0] =	ssyncset.done @!p0 $0x0  }
0x92: {  	[sflag:s0] =	ssyncadd.s32 @!p0 s1  }
0x93: {  	[bflag:$0x3] =	sbarrier.arrive $0xFFFF  }
0x94: {  	_ =	shalt  }

// kernel: kernel.19.cloned.1.call-start
scs
__scs_entry_jumppad:
0x0: {  	(pc) =	sbr.rel $0x88, $3  }
0x1: {  	(tag) =	ssettag $0x0;
	lr =	simm.s32 $0x1  }
0x2: {  	[smem:$0x3F9B] =	sst lr;
	_ =	strace $0xD0000000  }
0x3: {  	_ = 	snop  }
0x4: {  	_ = 	snop  }
0x5: {  	_ = 	snop  }
0x6: {  	_ = 	snop  }
0x7: {  	_ = 	snop  }
__scs_overlays_trampoline_lowered:
0x8: {  	[smem:$0x3FAA] =	sst s0  }
0x9: {  	[smem:$0x3FAB] =	sst s1  }
0xa: {  	[smem:$0x3FAC] =	sst s2  }
0xb: {  	[smem:$0x3FAD] =	sst s3  }
0xc: {  	[smem:$0x3FAE] =	sst s4  }
0xd: {  	[smem:$0x3FAF] =	sst s5  }
0xe: {  	[smem:$0x3FB0] =	sst s6  }
0xf: {  	[smem:$0x3FB1] =	sst s7  }
0x10: {  	[smem:$0x3FB2] =	sst s8  }
0x11: {  	[smem:$0x3FB3] =	sst s9;
	s0 =	simm.s32 @!p0 $0x0  }
0x12: {  	s1 =	sld [smem:$0x3F99];
	s0 =	simm.s32 @p0 $0x1  }
0x13: {  	[smem:$0x3FB4] =	sst s0;
	s0 =	simm.s32 @!p1 $0x0  }
0x14: {  	s2 =	sld [smem:$0x3F98];
	s0 =	simm.s32 @p1 $0x1  }
0x15: {  	[smem:$0x3FB5] =	sst s0;
	s0 =	simm.s32 @!p2 $0x0  }
0x16: {  	s3 =	sld [smem:$0x3FDB];
	s0 =	simm.s32 @p2 $0x1  }
0x17: {  	s4 =	simm.s32 $0x1BF5;
	[smem:$0x3FB7] =	sst s0  }
0x18: {  	s0 =	sld [smem:$0x3F9A];
	_ =	swait.ge [sflag:s4], $0x0  }
0x19: {  	s7 =	sld [smem:$0x3F9B]  }
0x1a: {  	s8 =	sadd.s32 $0xFFFFE003, lr  }
0x1b: {  	s9 =	sadd.s32 $0xFFFFFEF7, lr;
	s5 =	simm.s32 $0xFFFFFFFF;
	p2 =	slt.u32 s8, $0xFFFFF086  }
0x1c: {  	p1 =	slt.u32 s9, $0xF7A;
	s5 =	simm.s32 @!p2 $0x0  }
0x1d: {  	s5 =	simm.s32 @p1 $0x1;
	p0 =	seq.s32 s7, s2  }
0x1e: {  	s7 =	smul.u32 @!p0 $0xF7A, s2;
	p2 =	seq.s32 @!p0 s5, $0x0  }
0x1f: {  	s9 =	smul.u32 $0xF7A, s1;
	s8 =	simm.s32 @!p0 $0x1BF5;
	p2 =	por !p2, p0  }
0x20: {  	[sflag:s8] =	ssyncset.s32 @!p0 $0xFFFFF086;
	s6 =	sadd.s32 @!p0 s3, s7;
	s7 =	simm.s32 @!p0 $0x108  }
0x21: {  	s3 =	sadd.s32 s3, s9;
	s6 =	sadd.s32 @!p0 $0x88, s6;
	s7 =	simm.s32 @p2 $0x1082  }
0x22: {  	[simem:s7], [sflag:s8] =	dma.local @!p0 [hbm:s6], $0xF7A  }
0x23: {  	s9 =	sor.u32 $0xD0000000, s2;
	s6 =	simm.s32 $0x108;
	_ =	swait.ge @!p0 [sflag:s8], $0x0  }
0x24: {  	s3 =	sadd.s32 $0x88, s3;
	s6 =	simm.s32 @!p1 $0x1082;
	[sflag:s4] =	ssyncset.s32 $0xFFFFF086  }
0x25: {  	[simem:s6], [sflag:s4] =	dma.local [hbm:s3], $0xF7A  }
0x26: {  	[smem:$0x3F9B] =	sst s1;
	(tag) =	ssettag s2;
	_ =	strace s9  }
0x27: {  	s1 =	sld [smem:$0x3FAB]  }
0x28: {  	s2 =	sld [smem:$0x3FAC]  }
0x29: {  	s4 =	sld [smem:$0x3FAE]  }
0x2a: {  	p0 =	seq.s32 s5, $0x0;
	s5 =	sld [smem:$0x3FAF]  }
0x2b: {  	s6 =	sld [smem:$0x3FB0]  }
0x2c: {  	s7 =	sld [smem:$0x3FB1]  }
0x2d: {  	s3 =	simm.s32 $0x108;
	s8 =	sld [smem:$0x3FB2]  }
0x2e: {  	s3 =	simm.s32 @!p0 $0x1082;
	s9 =	sld [smem:$0x3FB3]  }
0x2f: {  	lr =	sadd.s32 s0, s3;
	s0 =	sld [smem:$0x3FAA]  }
0x30: {  	s3 =	sld [smem:$0x3FAD]  }
0x31: {  	[smem:$0x3FB6] =	sst s10  }
0x32: {  	s10 =	sld [smem:$0x3FB4];
	_ =	sdelay $0x3  }
0x33: {  	p0 =	seq.s32 s10, $0x1;
	s10 =	sld [smem:$0x3FB6];
	_ =	sdelay $0x3  }
0x34: {  	[smem:$0x3FB6] =	sst s10  }
0x35: {  	s10 =	sld [smem:$0x3FB5];
	_ =	sdelay $0x3  }
0x36: {  	p1 =	seq.s32 s10, $0x1;
	s10 =	sld [smem:$0x3FB6];
	_ =	sdelay $0x3  }
0x37: {  	[smem:$0x3FB6] =	sst s10  }
0x38: {  	s10 =	sld [smem:$0x3FB7]  }
0x39: {  	_ = 	snop;
	(pc) =	sbr.ind lr, $3  }
0x3a: {  	_ = 	snop  }
0x3b: {  	_ = 	snop  }
0x3c: {  	p2 =	seq.s32 s10, $0x1;
	s10 =	sld [smem:$0x3FB6]  }
0x3d: {  	_ =	shalt  }
0x3e: {  	_ =	shalt  }
0x3f: {  	_ =	shalt  }
0x40: {  	_ =	shalt  }
0x41: {  	_ =	shalt  }
0x42: {  	_ =	shalt  }
0x43: {  	_ =	shalt  }
0x44: {  	_ =	shalt  }
0x45: {  	_ =	shalt  }
0x46: {  	_ =	shalt  }
0x47: {  	_ =	shalt  }
0x48: {  	_ =	shalt  }
0x49: {  	_ =	shalt  }
0x4a: {  	_ =	shalt  }
0x4b: {  	_ =	shalt  }
0x4c: {  	_ =	shalt  }
0x4d: {  	_ =	shalt  }
0x4e: {  	_ =	shalt  }
0x4f: {  	_ =	shalt  }
0x50: {  	_ =	shalt  }
0x51: {  	_ =	shalt  }
0x52: {  	_ =	shalt  }
0x53: {  	_ =	shalt  }
0x54: {  	_ =	shalt  }
0x55: {  	_ =	shalt  }
0x56: {  	_ =	shalt  }
0x57: {  	_ =	shalt  }
0x58: {  	_ =	shalt  }
0x59: {  	_ =	shalt  }
0x5a: {  	_ =	shalt  }
0x5b: {  	_ =	shalt  }
0x5c: {  	_ =	shalt  }
0x5d: {  	_ =	shalt  }
0x5e: {  	_ =	shalt  }
0x5f: {  	_ =	shalt  }
0x60: {  	_ =	shalt  }
0x61: {  	_ =	shalt  }
0x62: {  	_ =	shalt  }
0x63: {  	_ =	shalt  }
0x64: {  	_ =	shalt  }
0x65: {  	_ =	shalt  }
0x66: {  	_ =	shalt  }
0x67: {  	_ =	shalt  }
0x68: {  	_ =	shalt  }
0x69: {  	_ =	shalt  }
0x6a: {  	_ =	shalt  }
0x6b: {  	_ =	shalt  }
0x6c: {  	_ =	shalt  }
0x6d: {  	_ =	shalt  }
0x6e: {  	_ =	shalt  }
0x6f: {  	_ =	shalt  }
0x70: {  	_ =	shalt  }
0x71: {  	_ =	shalt  }
0x72: {  	_ =	shalt  }
0x73: {  	_ =	shalt  }
0x74: {  	_ =	shalt  }
0x75: {  	_ =	shalt  }
0x76: {  	_ =	shalt  }
0x77: {  	_ =	shalt  }
0x78: {  	_ =	shalt  }
0x79: {  	_ =	shalt  }
0x7a: {  	_ =	shalt  }
0x7b: {  	_ =	shalt  }
0x7c: {  	_ =	shalt  }
0x7d: {  	_ =	shalt  }
0x7e: {  	_ =	shalt  }
0x7f: {  	_ =	shalt  }
0x80: {  	_ =	shalt  }
0x81: {  	_ =	shalt  }
0x82: {  	_ =	shalt  }
0x83: {  	_ =	shalt  }
0x84: {  	_ =	shalt  }
0x85: {  	_ =	shalt  }
0x86: {  	_ =	shalt  }
0x87: {  	_ =	shalt  }
.Lfunc_end0:
.L_simem_size_0:
called_computation.2_lowered:
.L_overlay_start_0:
0x88: {  	s2 =	sld [smem:$0x3FD9]  }
0x89: {  	s3 =	sld [smem:$0x3FFE];
	_ =	sdelay $0x1  }
0x8a: {  	s1 =	srdreg.scid  }
0x8b: {  	s0 =	sand.u32 $0x1, s1  }
0x8c: {  	s17 =	sshll.u32 s0, $0xA;
	s2 =	sadd.s32 s3, s2  }
0x8d: {  	s2 =	sadd.s32 s2, s17  }
0x8e: {  	[smem:$0x3FC2] =	sst s2  }
0x8f: {  	_ = 	snop  }
0x90: {  	s18 =	sld [smem:$0x3FC9];
	(tm) =	ssettm $0x1  }
0x91: {  	s19 =	sld [smem:$0x3FFB];
	_ =	sdelay $0x3  }
0x92: {  	_ =	strace s19  }
0x93: {  	s2 =	sld [smem:$0x3FFC];
	_ =	sdelay $0x3  }
0x94: {  	_ =	strace s2  }
0x95: {  	s2 =	sld [smem:$0x3FFD];
	_ =	sdelay $0x3  }
0x96: {  	_ =	strace s2  }
0x97: {  	_ =	strace $0x8FFFFFFF  }
0x98: {  	s20 =	sld [smem:$0x3FDB];
	_ =	sdelay $0x1  }
0x99: {  	s4 =	simm.s32 $_scs_section_size  }
0x9a: {  	s5 =	simm.s32 $_size__tile_overlayer_lowered;
	s6 =	simm.s32 $_tile_overlayer_lowered  }
0x9b: {  	s7 =	simm.s32 $0x1BFF;
	s21 =	sshll.u32 s6, $0x1;
	s4 =	sadd.s32 s4, s20  }
0x9c: {  	s22 =	simm.s32 $0x0;
	s5 =	sshll.u32 s5, $0x1;
	s6 =	sadd.s32 s21, s4  }
0x9d: {  	[timem:s22], [sflag:s7] =	dma.local [hbm:s6], s5  }
0x9e: {  	_ =	swait.ge [sflag:s7], s5  }
0x9f: {  	s5 =	ssub.s32 $0x0, s5;
	[sflag:s7] =	ssyncset.done $0x0  }
0xa0: {  	[sflag:s7] =	ssyncadd.s32 s5;
	_ =	sdelay $0x1  }
0xa1: {  	s23 =	simm.s32 $0x1B8B  }
0xa2: {  	_ =	swait.ge [sflag:s23], $0x1  }
0xa3: {  	[sflag:s23] =	ssyncset.done $0x0  }
0xa4: {  	[sflag:s23] =	ssyncadd.s32 $0xFFFFFFFF  }
0xa5: {  	s5 =	sld [smem:$0x0]  }
0xa6: {  	s6 =	sand.u32 $0xFFFFFFFE, s1  }
0xa7: {  	p0 =	sne.s32 s1, s6  }
0xa8: {  	s6 =	sshll.u32 @p0 s6, $0xE  }
0xa9: {  	s6 =	sadd.s32 @p0 $0x11B8D, s6;
	s7 =	sshll.u32 @p0 s5, $0x11  }
0xaa: {  	s6 =	sor.u32 @p0 s7, s6  }
0xab: {  	[sflag:s6] =	ssyncadd.remote.s32 @p0 $0x1;
	_ =	sdelay $0x1  }
0xac: {  	s6 =	simm.s32 @p0 $0x1B8D  }
0xad: {  	_ =	swait.eq @p0 [sflag:s6], $0x1  }
0xae: {  	[sflag:s6] =	ssyncadd.s32 @p0 $0xFFFFFFFF  }
0xaf: {  	s7 =	sshll.u32 @!p0 s1, $0xE  }
0xb0: {  	s7 =	sor.u32 @!p0 $0x4000, s7;
	s6 =	simm.s32 @!p0 $0x1B8D  }
0xb1: {  	s5 =	sshll.u32 @!p0 s5, $0x11;
	s7 =	sadd.s32 @!p0 $0x11B8D, s7;
	_ =	swait.eq @!p0 [sflag:s6], $0x1  }
0xb2: {  	s5 =	sor.u32 @!p0 s5, s7;
	[sflag:s6] =	ssyncadd.s32 @!p0 $0xFFFFFFFF  }
0xb3: {  	s25 =	simm.s32 $0x1B8E;
	s24 =	sld [smem:$0x3FFE];
	[sflag:s5] =	ssyncadd.remote.s32 @!p0 $0x1  }
0xb4: {  	s26 =	simm.s32 $execute0_lowered;
	[smem:$0x3FD2] =	sst s25  }
0xb5: {  	s6 =	sshll.u32 s26, $0x1;
	_ =	strace $0x8000004C;
	[dreg:$0x1] =	wrdreg $0xFFFFFFFF  }
0xb6: {  	s28 =	simm.s32 $_size_execute0_lowered;
	s4 =	sadd.s32 s4, s6;
	[dreg:$0x0] =	wrdreg $0x0  }
0xb7: {  	s6 =	sshll.u32 s28, $0x1;
	[dreg:$0x2] =	wrdreg s4  }
0xb8: {  	[dreg:$0x3] =	wrdreg s6  }
0xb9: {  	[dreg:$0x4] =	wrdreg $0xC0  }
0xba: {  	_ =	task [dreg:s22], $0x5FFFF  }
0xbb: {  	[dreg:$0x1] =	wrdreg $0xFFFFFFFF  }
0xbc: {  	[dreg:$0x0] =	wrdreg $0x60  }
0xbd: {  	[dreg:$0x2] =	wrdreg s18  }
0xbe: {  	[dreg:$0x3] =	wrdreg s24  }
0xbf: {  	[dreg:$0x4] =	wrdreg $0xB  }
0xc0: {  	_ =	task.clear_ibuf [dreg:s22], $0x5FFFF;
	_ =	strace $0x9000004C  }
0xc1: {  	s29 =	simm.s32 $0xB;
	_ =	strace $0x8000004E  }
0xc2: {  	_ =	swait.ge [sflag:s29], $0x1  }
0xc3: {  	[sflag:s29] =	ssyncadd.s32 $0xFFFFFFFF  }
0xc4: {  	_ =	strace $0x9000004E  }
0xc5: {  	_ =	sfence  }
0xc6: {  	s30 =	sld [smem:$0x0];
	_ =	sdelay $0x2  }
0xc7: {  	s31 =	sshll.u32 s1, $0xD;
	s1 =	sshrl.u32 s1, $0x2  }
0xc8: {  	s4 =	sand.u32 $0x4000, s31;
	s1 =	sadd.s32 s1, s30  }
0xc9: {  	s0 =	sor.u32 s4, s0;
	s1 =	sshll.u32 s1, $0x11  }
0xca: {  	s0 =	sor.u32 s1, s0  }
0xcb: {  	s0 =	sadd.s32 $0x8F2B, s0  }
0xcc: {  	[sflag:s0] =	ssyncadd.remote.s32 $0x1  }
0xcd: {  	_ =	sfence.sel $0xFFFF  }
0xce: {  	[dreg:$0x0] =	wrdreg $0xFFFFFFFF;
	(pc) =	sbr.abs _section_cstart, $3  }
0xcf: {  	[dreg:$0x1] =	wrdreg $0xFFFFFFFF  }
0xd0: {  	_ =	task.clear_ibuf [dreg:s22], $0x2FFFF;
	_ =	strace $0x9FFFFFFF  }
0xd1: {  	(tm) =	ssettm $0x7FFFFFFF  }
tec
execute0_lowered:
.L_overlay_start_1:
0x0: {  	(tag) =	ssettag $0x1  }
0x1: {  	s1 =	srdreg.scid;
	s2 =	rddreg [dreg:$0x0]  }
0x2: {  	s0 =	stileid.u32;
	s6 =	rddreg [dreg:$0x1];
	s10 =	simm.s32 $0x5  }
0x3: {  	s11 =	simm.s32 $0x6;
	s4 =	sand.u32 $0x1, s1;
	s29 =	sshll.u32 s0, $0x1  }
0x4: {  	s12 =	simm.s32 $0x7;
	s13 =	simm.s32 $0x8;
	s1 =	sor.u32 s4, s29  }
0x5: {  	s14 =	simm.s32 $0x0;
	s4 =	ssub.s32 $0x2, s4;
	s3 =	smul.u32 $0xF, s1  }
0x6: {  	p0 =	slt.u32 s0, $0xA;
	s1 =	sshll.u32 s1, $0x4;
	s9 =	sshrl.u32 s4, $0x1  }
0x7: {  	s30 =	ssub.s32 s4, s9;
	s4 =	simm.s32 $0x10;
	s5 =	sadd.s32 $0x14, s3  }
0x8: {  	s9 =	simm.s32 $0x9;
	s3 =	simm.s32 $0x0;
	s5 =	smov.u32 @p0 s1  }
0x9: {  	s4 =	simm.s32 @!p0 $0xF;
	[smem:$0x7FF] =	sst s3;
	s7 =	sshll.u32 s5, $0x4  }
0xa: {  	s1 =	rddreg [dreg:$0x2];
	_ =	strace $0x8000004D;
	s7 =	sadd.s32 $0x3E80, s7  }
0xb: {  	s8 =	sshll.u32 s5, $0xB;
	s31 =	sand.u32 $0x7, s5;
	s7 =	sand.u32 $0x1FFFFF80, s7  }
0xc: {  	s8 =	sadd.s32 s8, s6;
	s7 =	sadd.s32 s7, s6;
	s6 =	smax.u32 s30, $0x1  }
0xd: {  	s5 =	sadd.s32 $0x2400, s7;
	s7 =	sadd.s32 $0x200200, s8;
	s8 =	sshll.u32 s31, $0x7  }
.LBB2_1:
0xe: {  	[tilespmem:s3], [sflag:$0x9] =	stream.linear.gather [hbm4b:s5+s3], $0xC00, $0x38;
	[tilespmem:$0x10C00] =	vst v63  }
0xf: {  	p0 =	sle.u32 s4, $0x0  }
0x10: {  	_ =	swait.ge [sflag:s9], $0xC00;
	p1 =	por @!p0 $0x1, $0x1  }
0x11: {  	[sflag:s9] =	ssyncset.done $0x0;
	p1 =	por p1, p0  }
0x12: {  	p2 =	sle.u32 s4, $0x1;
	[sflag:s9] =	ssyncadd.s32 $0xFFFFF400;
	s15 =	simm.s32 @!p1 $0x5  }
0x13: {  	p3 =	por @!p2 $0x1, $0x1;
	_ =	swait.ge @!p1 [sflag:s15], $0x4000  }
0x14: {  	s16 =	simm.s32 @!p0 $0xC00;
	p4 =	por p3, p2;
	[sflag:s15] =	ssyncset.done @!p1 $0x0  }
0x15: {  	s17 =	simm.s32 @!p0 $0x80;
	[sflag:s15] =	ssyncadd.s32 @!p1 $0xFFFFC000;
	s15 =	simm.s32 @!p4 $0x6  }
0x16: {  	[tilespmem:s16], [sflag:$0x1] =	stream.indirect.gather @!p0 [hbm4b:s2+s17], $0x80, s8, s17, $0xb8;
	[tilespmem:$0x10C00] =	vst v63  }
0x17: {  	s18 =	simm.s32 @!p2 $0x4C00;
	p3 =	sle.u32 s4, $0x2;
	_ =	swait.ge @!p4 [sflag:s15], $0x4000  }
0x18: {  	p1 =	por @!p3 $0x1, $0x1;
	s17 =	simm.s32 @!p2 $0x80;
	[sflag:s15] =	ssyncset.done @!p4 $0x0  }
0x19: {  	[sflag:s15] =	ssyncadd.s32 @!p4 $0xFFFFC000;
	s15 =	sadd.s32 @!p2 $0x80, s8;
	p4 =	por p1, p3  }
0x1a: {  	[tilespmem:s18], [sflag:$0x2] =	stream.indirect.gather @!p2 [hbm4b:s2+s17], $0x80, s15, s17, $0xb8;
	[tilespmem:$0x10C00] =	vst v63  }
0x1b: {  	p1 =	sle.u32 s4, $0x3;
	s15 =	simm.s32 @!p4 $0x7  }
0x1c: {  	s19 =	simm.s32 @!p3 $0x8C00;
	p5 =	por @!p1 $0x1, $0x1;
	_ =	swait.ge @!p4 [sflag:s15], $0x4000  }
0x1d: {  	s17 =	sadd.s32 @!p3 $0x100, s8;
	p5 =	por p5, p1;
	[sflag:s15] =	ssyncset.done @!p4 $0x0  }
0x1e: {  	s21 =	simm.s32 @!p5 $0x8;
	[sflag:s15] =	ssyncadd.s32 @!p4 $0xFFFFC000;
	s15 =	simm.s32 @!p3 $0x80  }
0x1f: {  	[tilespmem:s19], [sflag:$0x3] =	stream.indirect.gather @!p3 [hbm4b:s2+s15], $0x80, s17, s15, $0xb8;
	[tilespmem:$0x10C00] =	vst v63  }
0x20: {  	_ =	swait.ge @!p5 [sflag:s21], $0x4000  }
0x21: {  	s20 =	simm.s32 @!p1 $0xCC00;
	s22 =	simm.s32 @!p1 $0x80;
	[sflag:s21] =	ssyncset.done @!p5 $0x0  }
0x22: {  	s15 =	simm.s32 @!p0 $0x1;
	s17 =	sadd.s32 @!p1 $0x180, s8;
	[sflag:s21] =	ssyncadd.s32 @!p5 $0xFFFFC000  }
0x23: {  	[tilespmem:s20], [sflag:$0x4] =	stream.indirect.gather @!p1 [hbm4b:s2+s22], $0x80, s17, s22, $0xb8;
	[tilespmem:$0x10C00] =	vst v63  }
0x24: {  	_ =	swait.ge @!p0 [sflag:s15], $0x4000  }
0x25: {  	[sflag:s15] =	ssyncset.done @!p0 $0x0  }
0x26: {  	s21 =	simm.s32 @!p2 $0x2;
	s17 =	simm.s32 @!p0 $0x0;
	[sflag:s15] =	ssyncadd.s32 @!p0 $0xFFFFC000  }
0x27: {  	[hbm4b:s7+s17] =	stream.linear.scatter @!p0 [tilespmem:s16], [sflag:$0x5], $0x4000, $0x38;
	[tilespmem:$0x10C00] =	vst v63  }
0x28: {  	s23 =	simm.s32 @!p1 $0x4;
	_ =	swait.ge @!p2 [sflag:s21], $0x4000  }
0x29: {  	s22 =	simm.s32 @!p1 $0x0;
	s15 =	sadd.s32 @!p2 $0x800, s7;
	[sflag:s21] =	ssyncset.done @!p2 $0x0  }
0x2a: {  	s16 =	simm.s32 @!p2 $0x0;
	[sflag:s21] =	ssyncadd.s32 @!p2 $0xFFFFC000;
	s21 =	simm.s32 @!p3 $0x3  }
0x2b: {  	[hbm4b:s15+s16] =	stream.linear.scatter @!p2 [tilespmem:s18], [sflag:$0x6], $0x4000, $0x38;
	[tilespmem:$0x10C00] =	vst v63  }
0x2c: {  	s17 =	simm.s32 $0x7;
	p0 =	sle.u32 s4, $0x4;
	_ =	swait.ge @!p3 [sflag:s21], $0x4000  }
0x2d: {  	s18 =	simm.s32 $0xB;
	s15 =	simm.s32 @!p3 $0x0;
	[sflag:s21] =	ssyncset.done @!p3 $0x0  }
0x2e: {  	s16 =	sadd.s32 @!p3 $0x1000, s7;
	p2 =	por @!p0 $0x0, $0x0;
	[sflag:s21] =	ssyncadd.s32 @!p3 $0xFFFFC000  }
0x2f: {  	[hbm4b:s16+s15] =	stream.linear.scatter @!p3 [tilespmem:s19], [sflag:$0x7], $0x4000, $0x38;
	[tilespmem:$0x10C00] =	vst v63  }
0x30: {  	s15 =	sadd.s32 $0x2000, s7;
	s16 =	sadd.s32 $0x200, s8;
	s19 =	smov.u32 s7  }
.LBB2_2:
0x31: {  	p3 =	por p2, p0;
	_ =	swait.ge @!p1 [sflag:s23], $0x4000  }
0x32: {  	s24 =	sadd.s32 @!p1 $0x1800, s19;
	s21 =	smov.u32 s18;
	s19 =	smov.u32 s15  }
0x33: {  	s26 =	sadd.s32 $0xFFFFFFFE, s17;
	s25 =	simm.s32 @!p3 $0x5;
	[sflag:s23] =	ssyncset.done @!p1 $0x0  }
0x34: {  	s18 =	sadd.s32 $0x4, s18;
	p2 =	sge.u32 s26, s4;
	[sflag:s23] =	ssyncadd.s32 @!p1 $0xFFFFC000  }
0x35: {  	[hbm4b:s24+s22] =	stream.linear.scatter @!p1 [tilespmem:s20], [sflag:$0x8], $0x4000, $0x38;
	[tilespmem:$0x10C00] =	vst v63  }
0x36: {  	s22 =	simm.s32 @!p0 $0xC00;
	p1 =	seq.s32 @!p2 s17, $0x3;
	_ =	swait.ge @!p3 [sflag:s25], $0x4000  }
0x37: {  	s20 =	simm.s32 @!p0 $0x80;
	p1 =	por p1, p2;
	[sflag:s25] =	ssyncset.done @!p3 $0x0  }
0x38: {  	s24 =	sadd.s32 $0xFFFFFFFF, s17;
	s23 =	simm.s32 @!p1 $0x6;
	[sflag:s25] =	ssyncadd.s32 @!p3 $0xFFFFC000  }
0x39: {  	[tilespmem:s22], [sflag:$0x1] =	stream.indirect.gather @!p0 [hbm4b:s2+s20], $0x80, s16, s20, $0xb8;
	[tilespmem:$0x10C00] =	vst v63  }
0x3a: {  	p3 =	sge.u32 s24, s4;
	s20 =	simm.s32 @!p2 $0x80;
	_ =	swait.ge @!p1 [sflag:s23], $0x4000  }
0x3b: {  	s24 =	simm.s32 @!p2 $0x4C00;
	p4 =	seq.s32 @!p3 s17, $0x3;
	[sflag:s23] =	ssyncset.done @!p1 $0x0  }
0x3c: {  	p6 =	por p4, p3;
	[sflag:s23] =	ssyncadd.s32 @!p1 $0xFFFFC000;
	s23 =	sadd.s32 @!p2 $0x80, s16  }
0x3d: {  	[tilespmem:s24], [sflag:$0x2] =	stream.indirect.gather @!p2 [hbm4b:s2+s20], $0x80, s23, s20, $0xb8;
	[tilespmem:$0x10C00] =	vst v63  }
0x3e: {  	p4 =	sne.s32 s18, $0x13;
	p1 =	sge.u32 s17, s4;
	s20 =	simm.s32 @!p6 $0x7  }
0x3f: {  	s25 =	simm.s32 @!p3 $0x8C00;
	p5 =	seq.s32 @!p1 s17, $0x3;
	_ =	swait.ge @!p6 [sflag:s20], $0x4000  }
0x40: {  	s17 =	sadd.s32 @!p3 $0x100, s16;
	p5 =	por p5, p1;
	[sflag:s20] =	ssyncset.done @!p6 $0x0  }
0x41: {  	s23 =	simm.s32 @!p5 $0x8;
	[sflag:s20] =	ssyncadd.s32 @!p6 $0xFFFFC000;
	s20 =	simm.s32 @!p3 $0x80  }
0x42: {  	[tilespmem:s25], [sflag:$0x3] =	stream.indirect.gather @!p3 [hbm4b:s2+s20], $0x80, s17, s20, $0xb8;
	[tilespmem:$0x10C00] =	vst v63  }
0x43: {  	s26 =	simm.s32 @!p0 $0x1;
	s20 =	simm.s32 @!p1 $0xCC00;
	_ =	swait.ge @!p5 [sflag:s23], $0x4000  }
0x44: {  	s28 =	sadd.s32 @!p1 $0x180, s16;
	s29 =	simm.s32 @!p1 $0x80;
	[sflag:s23] =	ssyncset.done @!p5 $0x0  }
0x45: {  	s17 =	smov.u32 s21;
	[sflag:s23] =	ssyncadd.s32 @!p5 $0xFFFFC000  }
0x46: {  	[tilespmem:s20], [sflag:$0x4] =	stream.indirect.gather @!p1 [hbm4b:s2+s29], $0x80, s28, s29, $0xb8;
	[tilespmem:$0x10C00] =	vst v63  }
0x47: {  	s21 =	simm.s32 @!p0 $0x0;
	_ =	swait.ge @!p0 [sflag:s26], $0x4000  }
0x48: {  	s23 =	simm.s32 @!p2 $0x2;
	[sflag:s26] =	ssyncset.done @!p0 $0x0  }
0x49: {  	[sflag:s26] =	ssyncadd.s32 @!p0 $0xFFFFC000  }
0x4a: {  	[hbm4b:s15+s21] =	stream.linear.scatter @!p0 [tilespmem:s22], [sflag:$0x5], $0x4000, $0x38;
	[tilespmem:$0x10C00] =	vst v63  }
0x4b: {  	s16 =	sadd.s32 $0x200, s16;
	s15 =	sadd.s32 $0x2000, s15;
	_ =	swait.ge @!p2 [sflag:s23], $0x4000  }
0x4c: {  	s26 =	simm.s32 @!p2 $0x0;
	s21 =	sadd.s32 @!p2 $0x800, s19;
	[sflag:s23] =	ssyncset.done @!p2 $0x0  }
0x4d: {  	s22 =	simm.s32 @!p1 $0x0;
	[sflag:s23] =	ssyncadd.s32 @!p2 $0xFFFFC000;
	s23 =	simm.s32 @!p3 $0x3  }
0x4e: {  	[hbm4b:s21+s26] =	stream.linear.scatter @!p2 [tilespmem:s24], [sflag:$0x6], $0x4000, $0x38;
	[tilespmem:$0x10C00] =	vst v63  }
.Ltmp0:
0x4f: {  	_ = 	snop;
	(pc) =	sbr.rel @p4 .LBB2_2-.Ltmp0, $4  }
0x50: {  	s21 =	sadd.s32 $0xFFFFFFFD, s17;
	s24 =	simm.s32 @!p3 $0x0;
	_ =	swait.ge @!p3 [sflag:s23], $0x4000  }
0x51: {  	p0 =	sge.u32 s21, s4;
	s21 =	sadd.s32 @!p3 $0x1000, s19;
	[sflag:s23] =	ssyncset.done @!p3 $0x0  }
0x52: {  	p2 =	seq.s32 @!p0 s17, $0x3;
	[sflag:s23] =	ssyncadd.s32 @!p3 $0xFFFFC000;
	s23 =	simm.s32 @!p1 $0x4  }
0x53: {  	[hbm4b:s21+s24] =	stream.linear.scatter @!p3 [tilespmem:s25], [sflag:$0x7], $0x4000, $0x38;
	[tilespmem:$0x10C00] =	vst v63  }
0x54: {  	p3 =	por p2, p0;
	_ =	swait.ge @!p1 [sflag:s23], $0x4000  }
0x55: {  	s18 =	sadd.s32 @!p1 $0x1800, s19;
	s30 =	sadd.s32 $0xFFFFFFFE, s17;
	[sflag:s23] =	ssyncset.done @!p1 $0x0  }
0x56: {  	s21 =	simm.s32 @!p3 $0x5;
	p2 =	sge.u32 s30, s4;
	[sflag:s23] =	ssyncadd.s32 @!p1 $0xFFFFC000  }
0x57: {  	[hbm4b:s18+s22] =	stream.linear.scatter @!p1 [tilespmem:s20], [sflag:$0x8], $0x4000, $0x38;
	[tilespmem:$0x10C00] =	vst v63  }
0x58: {  	s19 =	simm.s32 @!p0 $0x80;
	p1 =	seq.s32 @!p2 s17, $0x3;
	_ =	swait.ge @!p3 [sflag:s21], $0x4000  }
0x59: {  	s31 =	sadd.s32 $0xFFFFFFFF, s17;
	p4 =	por p1, p2;
	[sflag:s21] =	ssyncset.done @!p3 $0x0  }
0x5a: {  	s18 =	simm.s32 @!p0 $0xC00;
	s20 =	simm.s32 @!p4 $0x6;
	[sflag:s21] =	ssyncadd.s32 @!p3 $0xFFFFC000  }
0x5b: {  	[tilespmem:s18], [sflag:$0x1] =	stream.indirect.gather @!p0 [hbm4b:s2+s19], $0x80, s16, s19, $0xb8;
	[tilespmem:$0x10C00] =	vst v63  }
0x5c: {  	p1 =	sge.u32 s31, s4;
	s21 =	simm.s32 @!p2 $0x4C00;
	_ =	swait.ge @!p4 [sflag:s20], $0x4000  }
0x5d: {  	p3 =	seq.s32 @!p1 s17, $0x3;
	s19 =	simm.s32 @!p2 $0x80;
	[sflag:s20] =	ssyncset.done @!p4 $0x0  }
0x5e: {  	[sflag:s20] =	ssyncadd.s32 @!p4 $0xFFFFC000;
	s20 =	sadd.s32 @!p2 $0x80, s16;
	p4 =	por p3, p1  }
0x5f: {  	[tilespmem:s21], [sflag:$0x2] =	stream.indirect.gather @!p2 [hbm4b:s2+s19], $0x80, s20, s19, $0xb8;
	[tilespmem:$0x10C00] =	vst v63  }
0x60: {  	p3 =	sge.u32 s17, s4;
	s19 =	simm.s32 @!p4 $0x7  }
0x61: {  	s20 =	simm.s32 @!p1 $0x8C00;
	p5 =	seq.s32 @!p3 s17, $0x3;
	_ =	swait.ge @!p4 [sflag:s19], $0x4000  }
0x62: {  	s17 =	sadd.s32 @!p1 $0x100, s16;
	p5 =	por p5, p3;
	[sflag:s19] =	ssyncset.done @!p4 $0x0  }
0x63: {  	s22 =	simm.s32 @!p5 $0x8;
	[sflag:s19] =	ssyncadd.s32 @!p4 $0xFFFFC000;
	s19 =	simm.s32 @!p1 $0x80  }
0x64: {  	[tilespmem:s20], [sflag:$0x3] =	stream.indirect.gather @!p1 [hbm4b:s2+s19], $0x80, s17, s19, $0xb8;
	[tilespmem:$0x10C00] =	vst v63  }
0x65: {  	_ =	swait.ge @!p5 [sflag:s22], $0x4000  }
0x66: {  	s16 =	sadd.s32 @!p3 $0x180, s16;
	s23 =	simm.s32 @!p3 $0x80;
	[sflag:s22] =	ssyncset.done @!p5 $0x0  }
0x67: {  	s17 =	simm.s32 @!p3 $0xCC00;
	s19 =	simm.s32 @!p0 $0x1;
	[sflag:s22] =	ssyncadd.s32 @!p5 $0xFFFFC000  }
0x68: {  	[tilespmem:s17], [sflag:$0x4] =	stream.indirect.gather @!p3 [hbm4b:s2+s23], $0x80, s16, s23, $0xb8;
	[tilespmem:$0x10C00] =	vst v63  }
0x69: {  	_ =	swait.ge @!p0 [sflag:s19], $0x4000  }
0x6a: {  	[sflag:s19] =	ssyncset.done @!p0 $0x0  }
0x6b: {  	s22 =	simm.s32 @!p2 $0x2;
	s16 =	simm.s32 @!p0 $0x0;
	[sflag:s19] =	ssyncadd.s32 @!p0 $0xFFFFC000  }
0x6c: {  	[hbm4b:s15+s16] =	stream.linear.scatter @!p0 [tilespmem:s18], [sflag:$0x5], $0x4000, $0x38;
	[tilespmem:$0x10C00] =	vst v63  }
0x6d: {  	_ =	swait.ge @!p2 [sflag:s22], $0x4000  }
0x6e: {  	s19 =	simm.s32 @!p1 $0x3;
	[sflag:s22] =	ssyncset.done @!p2 $0x0  }
0x6f: {  	s16 =	sadd.s32 @!p2 $0x800, s15;
	s18 =	simm.s32 @!p2 $0x0;
	[sflag:s22] =	ssyncadd.s32 @!p2 $0xFFFFC000  }
0x70: {  	[hbm4b:s16+s18] =	stream.linear.scatter @!p2 [tilespmem:s21], [sflag:$0x6], $0x4000, $0x38;
	[tilespmem:$0x10C00] =	vst v63  }
0x71: {  	_ =	swait.ge @!p1 [sflag:s19], $0x4000  }
0x72: {  	s16 =	simm.s32 @!p1 $0x0;
	[sflag:s19] =	ssyncset.done @!p1 $0x0  }
0x73: {  	s18 =	sadd.s32 @!p1 $0x1000, s15;
	[sflag:s19] =	ssyncadd.s32 @!p1 $0xFFFFC000;
	s19 =	simm.s32 @!p3 $0x4  }
0x74: {  	[hbm4b:s18+s16] =	stream.linear.scatter @!p1 [tilespmem:s20], [sflag:$0x7], $0x4000, $0x38;
	[tilespmem:$0x10C00] =	vst v63  }
0x75: {  	_ =	swait.ge @!p3 [sflag:s19], $0x4000  }
0x76: {  	[sflag:s19] =	ssyncset.done @!p3 $0x0  }
0x77: {  	s15 =	sadd.s32 @!p3 $0x1800, s15;
	s16 =	simm.s32 @!p3 $0x0;
	[sflag:s19] =	ssyncadd.s32 @!p3 $0xFFFFC000  }
0x78: {  	[hbm4b:s15+s16] =	stream.linear.scatter @!p3 [tilespmem:s17], [sflag:$0x8], $0x4000, $0x38;
	[tilespmem:$0x10C00] =	vst v63  }
0x79: {  	_ =	swait.ge [sflag:s10], $0x4000  }
0x7a: {  	[sflag:s10] =	ssyncset.done $0x0  }
0x7b: {  	[sflag:s10] =	ssyncadd.s32 $0xFFFFC000  }
0x7c: {  	_ =	swait.ge [sflag:s11], $0x4000  }
0x7d: {  	[sflag:s11] =	ssyncset.done $0x0  }
0x7e: {  	s14 =	sadd.s32 $0x1, s14;
	[sflag:s11] =	ssyncadd.s32 $0xFFFFC000  }
0x7f: {  	p0 =	sne.s32 s14, s6;
	_ =	swait.ge [sflag:s12], $0x4000  }
.Ltmp1:
0x80: {  	[sflag:s12] =	ssyncset.done $0x0;
	(pc) =	sbr.rel @p0 .LBB2_1-.Ltmp1, $4  }
0x81: {  	[sflag:s12] =	ssyncadd.s32 $0xFFFFC000  }
0x82: {  	_ =	swait.ge [sflag:s13], $0x4000  }
0x83: {  	[sflag:s13] =	ssyncset.done $0x0  }
0x84: {  	[sflag:s13] =	ssyncadd.s32 $0xFFFFC000  }
0x85: {  	_ =	sfence.sel $0x180000  }
0x86: {  	[bflag:$0x0] =	sbarrier.arrive $0xFFFF  }
0x87: {  	p0 =	sne.s32 s0, $0x0;
	_ =	strace $0x9000004D  }
0x88: {  	s0 =	sadd.s32 @!p0 $0x100000, s1;
	[bflag:$0x2] =	sbarrier.arrive $0xFFFF  }
0x89: {  	[sflag:s0] =	ssyncadd.tile.s32 @!p0 $0x1;
	_ =	shalt  }
.Lfunc_end2:
_tile_overlayer_lowered:
.L_overlay_start_2:
0x8a: {  	(tag) =	ssettag $0x2  }
0x8b: {  	s0 =	rddreg [dreg:$0x0];
	s2 =	stileid.u32  }
0x8c: {  	s1 =	rddreg [dreg:$0x1];
	p0 =	sne.s32 s2, $0x0  }
0x8d: {  	s3 =	rddreg [dreg:$0x2];
	[bflag:$0x3] =	sbarrier.arrive $0xFFFF;
	s2 =	simm.s32 @!p0 $0x1C09  }
0x8e: {  	[timem:s3], [sflag:s2] =	dma.local @!p0 [hbm:s0], s1  }
0x8f: {  	s0 =	simm.s32 @!p0 $0x9  }
0x90: {  	_ =	swait.ge @!p0 [sflag:s0], s1  }
0x91: {  	s1 =	ssub.s32 @!p0 $0x0, s1;
	[sflag:s0] =	ssyncset.done @!p0 $0x0  }
0x92: {  	[sflag:s0] =	ssyncadd.s32 @!p0 s1  }
0x93: {  	[bflag:$0x3] =	sbarrier.arrive $0xFFFF  }
0x94: {  	_ =	shalt  }

// kernel: kernel.22.cloned.1.call-start
scs
__scs_entry_jumppad:
0x0: {  	(pc) =	sbr.rel $0x88, $3  }
0x1: {  	(tag) =	ssettag $0x0;
	lr =	simm.s32 $0x1  }
0x2: {  	[smem:$0x3F9B] =	sst lr;
	_ =	strace $0xD0000000  }
0x3: {  	_ = 	snop  }
0x4: {  	_ = 	snop  }
0x5: {  	_ = 	snop  }
0x6: {  	_ = 	snop  }
0x7: {  	_ = 	snop  }
__scs_overlays_trampoline_lowered:
0x8: {  	[smem:$0x3FAA] =	sst s0  }
0x9: {  	[smem:$0x3FAB] =	sst s1  }
0xa: {  	[smem:$0x3FAC] =	sst s2  }
0xb: {  	[smem:$0x3FAD] =	sst s3  }
0xc: {  	[smem:$0x3FAE] =	sst s4  }
0xd: {  	[smem:$0x3FAF] =	sst s5  }
0xe: {  	[smem:$0x3FB0] =	sst s6  }
0xf: {  	[smem:$0x3FB1] =	sst s7  }
0x10: {  	[smem:$0x3FB2] =	sst s8  }
0x11: {  	[smem:$0x3FB3] =	sst s9;
	s0 =	simm.s32 @!p0 $0x0  }
0x12: {  	s1 =	sld [smem:$0x3F99];
	s0 =	simm.s32 @p0 $0x1  }
0x13: {  	[smem:$0x3FB4] =	sst s0;
	s0 =	simm.s32 @!p1 $0x0  }
0x14: {  	s2 =	sld [smem:$0x3F98];
	s0 =	simm.s32 @p1 $0x1  }
0x15: {  	[smem:$0x3FB5] =	sst s0;
	s0 =	simm.s32 @!p2 $0x0  }
0x16: {  	s3 =	sld [smem:$0x3FDB];
	s0 =	simm.s32 @p2 $0x1  }
0x17: {  	s4 =	simm.s32 $0x1BF5;
	[smem:$0x3FB7] =	sst s0  }
0x18: {  	s0 =	sld [smem:$0x3F9A];
	_ =	swait.ge [sflag:s4], $0x0  }
0x19: {  	s7 =	sld [smem:$0x3F9B]  }
0x1a: {  	s8 =	sadd.s32 $0xFFFFE003, lr  }
0x1b: {  	s9 =	sadd.s32 $0xFFFFFEF7, lr;
	s5 =	simm.s32 $0xFFFFFFFF;
	p2 =	slt.u32 s8, $0xFFFFF086  }
0x1c: {  	p1 =	slt.u32 s9, $0xF7A;
	s5 =	simm.s32 @!p2 $0x0  }
0x1d: {  	s5 =	simm.s32 @p1 $0x1;
	p0 =	seq.s32 s7, s2  }
0x1e: {  	s7 =	smul.u32 @!p0 $0xF7A, s2;
	p2 =	seq.s32 @!p0 s5, $0x0  }
0x1f: {  	s9 =	smul.u32 $0xF7A, s1;
	s8 =	simm.s32 @!p0 $0x1BF5;
	p2 =	por !p2, p0  }
0x20: {  	[sflag:s8] =	ssyncset.s32 @!p0 $0xFFFFF086;
	s6 =	sadd.s32 @!p0 s3, s7;
	s7 =	simm.s32 @!p0 $0x108  }
0x21: {  	s3 =	sadd.s32 s3, s9;
	s6 =	sadd.s32 @!p0 $0x88, s6;
	s7 =	simm.s32 @p2 $0x1082  }
0x22: {  	[simem:s7], [sflag:s8] =	dma.local @!p0 [hbm:s6], $0xF7A  }
0x23: {  	s9 =	sor.u32 $0xD0000000, s2;
	s6 =	simm.s32 $0x108;
	_ =	swait.ge @!p0 [sflag:s8], $0x0  }
0x24: {  	s3 =	sadd.s32 $0x88, s3;
	s6 =	simm.s32 @!p1 $0x1082;
	[sflag:s4] =	ssyncset.s32 $0xFFFFF086  }
0x25: {  	[simem:s6], [sflag:s4] =	dma.local [hbm:s3], $0xF7A  }
0x26: {  	[smem:$0x3F9B] =	sst s1;
	(tag) =	ssettag s2;
	_ =	strace s9  }
0x27: {  	s1 =	sld [smem:$0x3FAB]  }
0x28: {  	s2 =	sld [smem:$0x3FAC]  }
0x29: {  	s4 =	sld [smem:$0x3FAE]  }
0x2a: {  	p0 =	seq.s32 s5, $0x0;
	s5 =	sld [smem:$0x3FAF]  }
0x2b: {  	s6 =	sld [smem:$0x3FB0]  }
0x2c: {  	s7 =	sld [smem:$0x3FB1]  }
0x2d: {  	s3 =	simm.s32 $0x108;
	s8 =	sld [smem:$0x3FB2]  }
0x2e: {  	s3 =	simm.s32 @!p0 $0x1082;
	s9 =	sld [smem:$0x3FB3]  }
0x2f: {  	lr =	sadd.s32 s0, s3;
	s0 =	sld [smem:$0x3FAA]  }
0x30: {  	s3 =	sld [smem:$0x3FAD]  }
0x31: {  	[smem:$0x3FB6] =	sst s10  }
0x32: {  	s10 =	sld [smem:$0x3FB4];
	_ =	sdelay $0x3  }
0x33: {  	p0 =	seq.s32 s10, $0x1;
	s10 =	sld [smem:$0x3FB6];
	_ =	sdelay $0x3  }
0x34: {  	[smem:$0x3FB6] =	sst s10  }
0x35: {  	s10 =	sld [smem:$0x3FB5];
	_ =	sdelay $0x3  }
0x36: {  	p1 =	seq.s32 s10, $0x1;
	s10 =	sld [smem:$0x3FB6];
	_ =	sdelay $0x3  }
0x37: {  	[smem:$0x3FB6] =	sst s10  }
0x38: {  	s10 =	sld [smem:$0x3FB7]  }
0x39: {  	_ = 	snop;
	(pc) =	sbr.ind lr, $3  }
0x3a: {  	_ = 	snop  }
0x3b: {  	_ = 	snop  }
0x3c: {  	p2 =	seq.s32 s10, $0x1;
	s10 =	sld [smem:$0x3FB6]  }
0x3d: {  	_ =	shalt  }
0x3e: {  	_ =	shalt  }
0x3f: {  	_ =	shalt  }
0x40: {  	_ =	shalt  }
0x41: {  	_ =	shalt  }
0x42: {  	_ =	shalt  }
0x43: {  	_ =	shalt  }
0x44: {  	_ =	shalt  }
0x45: {  	_ =	shalt  }
0x46: {  	_ =	shalt  }
0x47: {  	_ =	shalt  }
0x48: {  	_ =	shalt  }
0x49: {  	_ =	shalt  }
0x4a: {  	_ =	shalt  }
0x4b: {  	_ =	shalt  }
0x4c: {  	_ =	shalt  }
0x4d: {  	_ =	shalt  }
0x4e: {  	_ =	shalt  }
0x4f: {  	_ =	shalt  }
0x50: {  	_ =	shalt  }
0x51: {  	_ =	shalt  }
0x52: {  	_ =	shalt  }
0x53: {  	_ =	shalt  }
0x54: {  	_ =	shalt  }
0x55: {  	_ =	shalt  }
0x56: {  	_ =	shalt  }
0x57: {  	_ =	shalt  }
0x58: {  	_ =	shalt  }
0x59: {  	_ =	shalt  }
0x5a: {  	_ =	shalt  }
0x5b: {  	_ =	shalt  }
0x5c: {  	_ =	shalt  }
0x5d: {  	_ =	shalt  }
0x5e: {  	_ =	shalt  }
0x5f: {  	_ =	shalt  }
0x60: {  	_ =	shalt  }
0x61: {  	_ =	shalt  }
0x62: {  	_ =	shalt  }
0x63: {  	_ =	shalt  }
0x64: {  	_ =	shalt  }
0x65: {  	_ =	shalt  }
0x66: {  	_ =	shalt  }
0x67: {  	_ =	shalt  }
0x68: {  	_ =	shalt  }
0x69: {  	_ =	shalt  }
0x6a: {  	_ =	shalt  }
0x6b: {  	_ =	shalt  }
0x6c: {  	_ =	shalt  }
0x6d: {  	_ =	shalt  }
0x6e: {  	_ =	shalt  }
0x6f: {  	_ =	shalt  }
0x70: {  	_ =	shalt  }
0x71: {  	_ =	shalt  }
0x72: {  	_ =	shalt  }
0x73: {  	_ =	shalt  }
0x74: {  	_ =	shalt  }
0x75: {  	_ =	shalt  }
0x76: {  	_ =	shalt  }
0x77: {  	_ =	shalt  }
0x78: {  	_ =	shalt  }
0x79: {  	_ =	shalt  }
0x7a: {  	_ =	shalt  }
0x7b: {  	_ =	shalt  }
0x7c: {  	_ =	shalt  }
0x7d: {  	_ =	shalt  }
0x7e: {  	_ =	shalt  }
0x7f: {  	_ =	shalt  }
0x80: {  	_ =	shalt  }
0x81: {  	_ =	shalt  }
0x82: {  	_ =	shalt  }
0x83: {  	_ =	shalt  }
0x84: {  	_ =	shalt  }
0x85: {  	_ =	shalt  }
0x86: {  	_ =	shalt  }
0x87: {  	_ =	shalt  }
.Lfunc_end0:
.L_simem_size_0:
called_computation.3_lowered:
.L_overlay_start_0:
0x88: {  	s2 =	sld [smem:$0x3FD9]  }
0x89: {  	s3 =	sld [smem:$0x3FFE];
	_ =	sdelay $0x1  }
0x8a: {  	s1 =	srdreg.scid  }
0x8b: {  	s0 =	sand.u32 $0x1, s1  }
0x8c: {  	s17 =	sshll.u32 s0, $0xA;
	s2 =	sadd.s32 s3, s2  }
0x8d: {  	s2 =	sadd.s32 s2, s17  }
0x8e: {  	[smem:$0x3FC2] =	sst s2  }
0x8f: {  	_ = 	snop  }
0x90: {  	s18 =	sld [smem:$0x3FC9];
	(tm) =	ssettm $0x1  }
0x91: {  	s19 =	sld [smem:$0x3FFB];
	_ =	sdelay $0x3  }
0x92: {  	_ =	strace s19  }
0x93: {  	s2 =	sld [smem:$0x3FFC];
	_ =	sdelay $0x3  }
0x94: {  	_ =	strace s2  }
0x95: {  	s2 =	sld [smem:$0x3FFD];
	_ =	sdelay $0x3  }
0x96: {  	_ =	strace s2  }
0x97: {  	_ =	strace $0x8FFFFFFF  }
0x98: {  	s20 =	sld [smem:$0x3FDB];
	_ =	sdelay $0x1  }
0x99: {  	s4 =	simm.s32 $_scs_section_size  }
0x9a: {  	s5 =	simm.s32 $_size__tile_overlayer_lowered;
	s6 =	simm.s32 $_tile_overlayer_lowered  }
0x9b: {  	s7 =	simm.s32 $0x1BFF;
	s21 =	sshll.u32 s6, $0x1;
	s4 =	sadd.s32 s4, s20  }
0x9c: {  	s22 =	simm.s32 $0x0;
	s5 =	sshll.u32 s5, $0x1;
	s6 =	sadd.s32 s21, s4  }
0x9d: {  	[timem:s22], [sflag:s7] =	dma.local [hbm:s6], s5  }
0x9e: {  	_ =	swait.ge [sflag:s7], s5  }
0x9f: {  	s5 =	ssub.s32 $0x0, s5;
	[sflag:s7] =	ssyncset.done $0x0  }
0xa0: {  	[sflag:s7] =	ssyncadd.s32 s5;
	_ =	sdelay $0x1  }
0xa1: {  	s23 =	simm.s32 $0x1B8B  }
0xa2: {  	_ =	swait.ge [sflag:s23], $0x1  }
0xa3: {  	[sflag:s23] =	ssyncset.done $0x0  }
0xa4: {  	[sflag:s23] =	ssyncadd.s32 $0xFFFFFFFF  }
0xa5: {  	s5 =	sld [smem:$0x0]  }
0xa6: {  	s6 =	sand.u32 $0xFFFFFFFE, s1  }
0xa7: {  	p0 =	sne.s32 s1, s6  }
0xa8: {  	s6 =	sshll.u32 @p0 s6, $0xE  }
0xa9: {  	s6 =	sadd.s32 @p0 $0x11B8D, s6;
	s7 =	sshll.u32 @p0 s5, $0x11  }
0xaa: {  	s6 =	sor.u32 @p0 s7, s6  }
0xab: {  	[sflag:s6] =	ssyncadd.remote.s32 @p0 $0x1;
	_ =	sdelay $0x1  }
0xac: {  	s6 =	simm.s32 @p0 $0x1B8D  }
0xad: {  	_ =	swait.eq @p0 [sflag:s6], $0x1  }
0xae: {  	[sflag:s6] =	ssyncadd.s32 @p0 $0xFFFFFFFF  }
0xaf: {  	s7 =	sshll.u32 @!p0 s1, $0xE  }
0xb0: {  	s7 =	sor.u32 @!p0 $0x4000, s7;
	s6 =	simm.s32 @!p0 $0x1B8D  }
0xb1: {  	s5 =	sshll.u32 @!p0 s5, $0x11;
	s7 =	sadd.s32 @!p0 $0x11B8D, s7;
	_ =	swait.eq @!p0 [sflag:s6], $0x1  }
0xb2: {  	s5 =	sor.u32 @!p0 s5, s7;
	[sflag:s6] =	ssyncadd.s32 @!p0 $0xFFFFFFFF  }
0xb3: {  	s25 =	simm.s32 $0x1B8E;
	s24 =	sld [smem:$0x3FFE];
	[sflag:s5] =	ssyncadd.remote.s32 @!p0 $0x1  }
0xb4: {  	s26 =	simm.s32 $execute0_lowered;
	[smem:$0x3FD2] =	sst s25  }
0xb5: {  	s6 =	sshll.u32 s26, $0x1;
	_ =	strace $0x8000004F;
	[dreg:$0x1] =	wrdreg $0xFFFFFFFF  }
0xb6: {  	s28 =	simm.s32 $_size_execute0_lowered;
	s4 =	sadd.s32 s4, s6;
	[dreg:$0x0] =	wrdreg $0x0  }
0xb7: {  	s6 =	sshll.u32 s28, $0x1;
	[dreg:$0x2] =	wrdreg s4  }
0xb8: {  	[dreg:$0x3] =	wrdreg s6  }
0xb9: {  	[dreg:$0x4] =	wrdreg $0xC0  }
0xba: {  	_ =	task [dreg:s22], $0x5FFFF  }
0xbb: {  	[dreg:$0x1] =	wrdreg $0xFFFFFFFF  }
0xbc: {  	[dreg:$0x0] =	wrdreg $0x60  }
0xbd: {  	[dreg:$0x2] =	wrdreg s18  }
0xbe: {  	[dreg:$0x3] =	wrdreg s24  }
0xbf: {  	[dreg:$0x4] =	wrdreg $0xC  }
0xc0: {  	_ =	task.clear_ibuf [dreg:s22], $0x5FFFF;
	_ =	strace $0x9000004F  }
0xc1: {  	s29 =	simm.s32 $0xC;
	_ =	strace $0x80000051  }
0xc2: {  	_ =	swait.ge [sflag:s29], $0x1  }
0xc3: {  	[sflag:s29] =	ssyncadd.s32 $0xFFFFFFFF  }
0xc4: {  	_ =	strace $0x90000051  }
0xc5: {  	_ =	sfence  }
0xc6: {  	s30 =	sld [smem:$0x0];
	_ =	sdelay $0x2  }
0xc7: {  	s31 =	sshll.u32 s1, $0xD;
	s1 =	sshrl.u32 s1, $0x2  }
0xc8: {  	s4 =	sand.u32 $0x4000, s31;
	s1 =	sadd.s32 s1, s30  }
0xc9: {  	s0 =	sor.u32 s4, s0;
	s1 =	sshll.u32 s1, $0x11  }
0xca: {  	s0 =	sor.u32 s1, s0  }
0xcb: {  	s0 =	sadd.s32 $0x8F2B, s0  }
0xcc: {  	[sflag:s0] =	ssyncadd.remote.s32 $0x1  }
0xcd: {  	_ =	sfence.sel $0xFFFF  }
0xce: {  	[dreg:$0x0] =	wrdreg $0xFFFFFFFF;
	(pc) =	sbr.abs _section_cstart, $3  }
0xcf: {  	[dreg:$0x1] =	wrdreg $0xFFFFFFFF  }
0xd0: {  	_ =	task.clear_ibuf [dreg:s22], $0x2FFFF;
	_ =	strace $0x9FFFFFFF  }
0xd1: {  	(tm) =	ssettm $0x7FFFFFFF  }
tec
execute0_lowered:
.L_overlay_start_1:
0x0: {  	(tag) =	ssettag $0x1  }
0x1: {  	s1 =	srdreg.scid;
	s2 =	rddreg [dreg:$0x0]  }
0x2: {  	s0 =	stileid.u32;
	s6 =	rddreg [dreg:$0x1];
	s11 =	simm.s32 $0x6  }
0x3: {  	s12 =	simm.s32 $0x7;
	s4 =	sand.u32 $0x1, s1;
	s29 =	sshll.u32 s0, $0x1  }
0x4: {  	s13 =	simm.s32 $0x8;
	s1 =	sor.u32 s4, s29;
	s4 =	ssub.s32 $0x2, s4  }
0x5: {  	s14 =	simm.s32 $0x0;
	s3 =	smul.u32 $0xF, s1;
	s9 =	sshrl.u32 s4, $0x1  }
0x6: {  	p0 =	slt.u32 s0, $0xA;
	s1 =	sshll.u32 s1, $0x4;
	s30 =	ssub.s32 s4, s9  }
0x7: {  	s4 =	simm.s32 $0x10;
	s9 =	simm.s32 $0x9;
	s5 =	sadd.s32 $0x14, s3  }
0x8: {  	s3 =	simm.s32 $0x0;
	s5 =	smov.u32 @p0 s1;
	s1 =	rddreg [dreg:$0x2]  }
0x9: {  	s4 =	simm.s32 @!p0 $0xF;
	[smem:$0x7FF] =	sst s3;
	s7 =	sadd.s32 $0x5DC, s5  }
0xa: {  	_ =	strace $0x80000050;
	s5 =	sshll.u32 s5, $0xB;
	s8 =	sshll.u32 s7, $0x4  }
0xb: {  	s10 =	sadd.s32 s5, s6;
	s31 =	sand.u32 $0x7, s7;
	s8 =	sand.u32 $0x1FFFFF80, s8  }
0xc: {  	s7 =	sadd.s32 $0x2FA200, s10;
	s10 =	simm.s32 $0x5;
	s8 =	sadd.s32 s8, s6  }
0xd: {  	s6 =	smax.u32 s30, $0x1;
	s5 =	sadd.s32 $0x2400, s8;
	s8 =	sshll.u32 s31, $0x7  }
.LBB2_1:
0xe: {  	[tilespmem:s3], [sflag:$0x9] =	stream.linear.gather [hbm4b:s5+s3], $0xC00, $0x38;
	[tilespmem:$0x10C00] =	vst v63  }
0xf: {  	p0 =	sle.u32 s4, $0x0  }
0x10: {  	_ =	swait.ge [sflag:s9], $0xC00;
	p1 =	por @!p0 $0x1, $0x1  }
0x11: {  	[sflag:s9] =	ssyncset.done $0x0;
	p1 =	por p1, p0  }
0x12: {  	p2 =	sle.u32 s4, $0x1;
	[sflag:s9] =	ssyncadd.s32 $0xFFFFF400;
	s15 =	simm.s32 @!p1 $0x5  }
0x13: {  	p3 =	por @!p2 $0x1, $0x1;
	_ =	swait.ge @!p1 [sflag:s15], $0x4000  }
0x14: {  	s16 =	simm.s32 @!p0 $0xC00;
	p4 =	por p3, p2;
	[sflag:s15] =	ssyncset.done @!p1 $0x0  }
0x15: {  	s17 =	simm.s32 @!p0 $0x80;
	[sflag:s15] =	ssyncadd.s32 @!p1 $0xFFFFC000;
	s15 =	simm.s32 @!p4 $0x6  }
0x16: {  	[tilespmem:s16], [sflag:$0x1] =	stream.indirect.gather @!p0 [hbm4b:s2+s17], $0x80, s8, s17, $0xb8;
	[tilespmem:$0x10C00] =	vst v63  }
0x17: {  	s18 =	simm.s32 @!p2 $0x4C00;
	p3 =	sle.u32 s4, $0x2;
	_ =	swait.ge @!p4 [sflag:s15], $0x4000  }
0x18: {  	p1 =	por @!p3 $0x1, $0x1;
	s17 =	simm.s32 @!p2 $0x80;
	[sflag:s15] =	ssyncset.done @!p4 $0x0  }
0x19: {  	[sflag:s15] =	ssyncadd.s32 @!p4 $0xFFFFC000;
	s15 =	sadd.s32 @!p2 $0x80, s8;
	p4 =	por p1, p3  }
0x1a: {  	[tilespmem:s18], [sflag:$0x2] =	stream.indirect.gather @!p2 [hbm4b:s2+s17], $0x80, s15, s17, $0xb8;
	[tilespmem:$0x10C00] =	vst v63  }
0x1b: {  	p1 =	sle.u32 s4, $0x3;
	s15 =	simm.s32 @!p4 $0x7  }
0x1c: {  	s19 =	simm.s32 @!p3 $0x8C00;
	p5 =	por @!p1 $0x1, $0x1;
	_ =	swait.ge @!p4 [sflag:s15], $0x4000  }
0x1d: {  	s17 =	sadd.s32 @!p3 $0x100, s8;
	p5 =	por p5, p1;
	[sflag:s15] =	ssyncset.done @!p4 $0x0  }
0x1e: {  	s21 =	simm.s32 @!p5 $0x8;
	[sflag:s15] =	ssyncadd.s32 @!p4 $0xFFFFC000;
	s15 =	simm.s32 @!p3 $0x80  }
0x1f: {  	[tilespmem:s19], [sflag:$0x3] =	stream.indirect.gather @!p3 [hbm4b:s2+s15], $0x80, s17, s15, $0xb8;
	[tilespmem:$0x10C00] =	vst v63  }
0x20: {  	_ =	swait.ge @!p5 [sflag:s21], $0x4000  }
0x21: {  	s20 =	simm.s32 @!p1 $0xCC00;
	s22 =	simm.s32 @!p1 $0x80;
	[sflag:s21] =	ssyncset.done @!p5 $0x0  }
0x22: {  	s15 =	simm.s32 @!p0 $0x1;
	s17 =	sadd.s32 @!p1 $0x180, s8;
	[sflag:s21] =	ssyncadd.s32 @!p5 $0xFFFFC000  }
0x23: {  	[tilespmem:s20], [sflag:$0x4] =	stream.indirect.gather @!p1 [hbm4b:s2+s22], $0x80, s17, s22, $0xb8;
	[tilespmem:$0x10C00] =	vst v63  }
0x24: {  	_ =	swait.ge @!p0 [sflag:s15], $0x4000  }
0x25: {  	[sflag:s15] =	ssyncset.done @!p0 $0x0  }
0x26: {  	s21 =	simm.s32 @!p2 $0x2;
	s17 =	simm.s32 @!p0 $0x0;
	[sflag:s15] =	ssyncadd.s32 @!p0 $0xFFFFC000  }
0x27: {  	[hbm4b:s7+s17] =	stream.linear.scatter @!p0 [tilespmem:s16], [sflag:$0x5], $0x4000, $0x38;
	[tilespmem:$0x10C00] =	vst v63  }
0x28: {  	s23 =	simm.s32 @!p1 $0x4;
	_ =	swait.ge @!p2 [sflag:s21], $0x4000  }
0x29: {  	s22 =	simm.s32 @!p1 $0x0;
	s15 =	sadd.s32 @!p2 $0x800, s7;
	[sflag:s21] =	ssyncset.done @!p2 $0x0  }
0x2a: {  	s16 =	simm.s32 @!p2 $0x0;
	[sflag:s21] =	ssyncadd.s32 @!p2 $0xFFFFC000;
	s21 =	simm.s32 @!p3 $0x3  }
0x2b: {  	[hbm4b:s15+s16] =	stream.linear.scatter @!p2 [tilespmem:s18], [sflag:$0x6], $0x4000, $0x38;
	[tilespmem:$0x10C00] =	vst v63  }
0x2c: {  	s17 =	simm.s32 $0x7;
	p0 =	sle.u32 s4, $0x4;
	_ =	swait.ge @!p3 [sflag:s21], $0x4000  }
0x2d: {  	s18 =	simm.s32 $0xB;
	s15 =	simm.s32 @!p3 $0x0;
	[sflag:s21] =	ssyncset.done @!p3 $0x0  }
0x2e: {  	s16 =	sadd.s32 @!p3 $0x1000, s7;
	p2 =	por @!p0 $0x0, $0x0;
	[sflag:s21] =	ssyncadd.s32 @!p3 $0xFFFFC000  }
0x2f: {  	[hbm4b:s16+s15] =	stream.linear.scatter @!p3 [tilespmem:s19], [sflag:$0x7], $0x4000, $0x38;
	[tilespmem:$0x10C00] =	vst v63  }
0x30: {  	s15 =	sadd.s32 $0x2000, s7;
	s16 =	sadd.s32 $0x200, s8;
	s19 =	smov.u32 s7  }
.LBB2_2:
0x31: {  	p3 =	por p2, p0;
	_ =	swait.ge @!p1 [sflag:s23], $0x4000  }
0x32: {  	s24 =	sadd.s32 @!p1 $0x1800, s19;
	s21 =	smov.u32 s18;
	s19 =	smov.u32 s15  }
0x33: {  	s26 =	sadd.s32 $0xFFFFFFFE, s17;
	s25 =	simm.s32 @!p3 $0x5;
	[sflag:s23] =	ssyncset.done @!p1 $0x0  }
0x34: {  	s18 =	sadd.s32 $0x4, s18;
	p2 =	sge.u32 s26, s4;
	[sflag:s23] =	ssyncadd.s32 @!p1 $0xFFFFC000  }
0x35: {  	[hbm4b:s24+s22] =	stream.linear.scatter @!p1 [tilespmem:s20], [sflag:$0x8], $0x4000, $0x38;
	[tilespmem:$0x10C00] =	vst v63  }
0x36: {  	s22 =	simm.s32 @!p0 $0xC00;
	p1 =	seq.s32 @!p2 s17, $0x3;
	_ =	swait.ge @!p3 [sflag:s25], $0x4000  }
0x37: {  	s20 =	simm.s32 @!p0 $0x80;
	p1 =	por p1, p2;
	[sflag:s25] =	ssyncset.done @!p3 $0x0  }
0x38: {  	s24 =	sadd.s32 $0xFFFFFFFF, s17;
	s23 =	simm.s32 @!p1 $0x6;
	[sflag:s25] =	ssyncadd.s32 @!p3 $0xFFFFC000  }
0x39: {  	[tilespmem:s22], [sflag:$0x1] =	stream.indirect.gather @!p0 [hbm4b:s2+s20], $0x80, s16, s20, $0xb8;
	[tilespmem:$0x10C00] =	vst v63  }
0x3a: {  	p3 =	sge.u32 s24, s4;
	s20 =	simm.s32 @!p2 $0x80;
	_ =	swait.ge @!p1 [sflag:s23], $0x4000  }
0x3b: {  	s24 =	simm.s32 @!p2 $0x4C00;
	p4 =	seq.s32 @!p3 s17, $0x3;
	[sflag:s23] =	ssyncset.done @!p1 $0x0  }
0x3c: {  	p6 =	por p4, p3;
	[sflag:s23] =	ssyncadd.s32 @!p1 $0xFFFFC000;
	s23 =	sadd.s32 @!p2 $0x80, s16  }
0x3d: {  	[tilespmem:s24], [sflag:$0x2] =	stream.indirect.gather @!p2 [hbm4b:s2+s20], $0x80, s23, s20, $0xb8;
	[tilespmem:$0x10C00] =	vst v63  }
0x3e: {  	p4 =	sne.s32 s18, $0x13;
	p1 =	sge.u32 s17, s4;
	s20 =	simm.s32 @!p6 $0x7  }
0x3f: {  	s25 =	simm.s32 @!p3 $0x8C00;
	p5 =	seq.s32 @!p1 s17, $0x3;
	_ =	swait.ge @!p6 [sflag:s20], $0x4000  }
0x40: {  	s17 =	sadd.s32 @!p3 $0x100, s16;
	p5 =	por p5, p1;
	[sflag:s20] =	ssyncset.done @!p6 $0x0  }
0x41: {  	s23 =	simm.s32 @!p5 $0x8;
	[sflag:s20] =	ssyncadd.s32 @!p6 $0xFFFFC000;
	s20 =	simm.s32 @!p3 $0x80  }
0x42: {  	[tilespmem:s25], [sflag:$0x3] =	stream.indirect.gather @!p3 [hbm4b:s2+s20], $0x80, s17, s20, $0xb8;
	[tilespmem:$0x10C00] =	vst v63  }
0x43: {  	s26 =	simm.s32 @!p0 $0x1;
	s20 =	simm.s32 @!p1 $0xCC00;
	_ =	swait.ge @!p5 [sflag:s23], $0x4000  }
0x44: {  	s28 =	sadd.s32 @!p1 $0x180, s16;
	s29 =	simm.s32 @!p1 $0x80;
	[sflag:s23] =	ssyncset.done @!p5 $0x0  }
0x45: {  	s17 =	smov.u32 s21;
	[sflag:s23] =	ssyncadd.s32 @!p5 $0xFFFFC000  }
0x46: {  	[tilespmem:s20], [sflag:$0x4] =	stream.indirect.gather @!p1 [hbm4b:s2+s29], $0x80, s28, s29, $0xb8;
	[tilespmem:$0x10C00] =	vst v63  }
0x47: {  	s21 =	simm.s32 @!p0 $0x0;
	_ =	swait.ge @!p0 [sflag:s26], $0x4000  }
0x48: {  	s23 =	simm.s32 @!p2 $0x2;
	[sflag:s26] =	ssyncset.done @!p0 $0x0  }
0x49: {  	[sflag:s26] =	ssyncadd.s32 @!p0 $0xFFFFC000  }
0x4a: {  	[hbm4b:s15+s21] =	stream.linear.scatter @!p0 [tilespmem:s22], [sflag:$0x5], $0x4000, $0x38;
	[tilespmem:$0x10C00] =	vst v63  }
0x4b: {  	s16 =	sadd.s32 $0x200, s16;
	s15 =	sadd.s32 $0x2000, s15;
	_ =	swait.ge @!p2 [sflag:s23], $0x4000  }
0x4c: {  	s26 =	simm.s32 @!p2 $0x0;
	s21 =	sadd.s32 @!p2 $0x800, s19;
	[sflag:s23] =	ssyncset.done @!p2 $0x0  }
0x4d: {  	s22 =	simm.s32 @!p1 $0x0;
	[sflag:s23] =	ssyncadd.s32 @!p2 $0xFFFFC000;
	s23 =	simm.s32 @!p3 $0x3  }
0x4e: {  	[hbm4b:s21+s26] =	stream.linear.scatter @!p2 [tilespmem:s24], [sflag:$0x6], $0x4000, $0x38;
	[tilespmem:$0x10C00] =	vst v63  }
.Ltmp0:
0x4f: {  	_ = 	snop;
	(pc) =	sbr.rel @p4 .LBB2_2-.Ltmp0, $4  }
0x50: {  	s21 =	sadd.s32 $0xFFFFFFFD, s17;
	s24 =	simm.s32 @!p3 $0x0;
	_ =	swait.ge @!p3 [sflag:s23], $0x4000  }
0x51: {  	p0 =	sge.u32 s21, s4;
	s21 =	sadd.s32 @!p3 $0x1000, s19;
	[sflag:s23] =	ssyncset.done @!p3 $0x0  }
0x52: {  	p2 =	seq.s32 @!p0 s17, $0x3;
	[sflag:s23] =	ssyncadd.s32 @!p3 $0xFFFFC000;
	s23 =	simm.s32 @!p1 $0x4  }
0x53: {  	[hbm4b:s21+s24] =	stream.linear.scatter @!p3 [tilespmem:s25], [sflag:$0x7], $0x4000, $0x38;
	[tilespmem:$0x10C00] =	vst v63  }
0x54: {  	p3 =	por p2, p0;
	_ =	swait.ge @!p1 [sflag:s23], $0x4000  }
0x55: {  	s18 =	sadd.s32 @!p1 $0x1800, s19;
	s30 =	sadd.s32 $0xFFFFFFFE, s17;
	[sflag:s23] =	ssyncset.done @!p1 $0x0  }
0x56: {  	s21 =	simm.s32 @!p3 $0x5;
	p2 =	sge.u32 s30, s4;
	[sflag:s23] =	ssyncadd.s32 @!p1 $0xFFFFC000  }
0x57: {  	[hbm4b:s18+s22] =	stream.linear.scatter @!p1 [tilespmem:s20], [sflag:$0x8], $0x4000, $0x38;
	[tilespmem:$0x10C00] =	vst v63  }
0x58: {  	s19 =	simm.s32 @!p0 $0x80;
	p1 =	seq.s32 @!p2 s17, $0x3;
	_ =	swait.ge @!p3 [sflag:s21], $0x4000  }
0x59: {  	s31 =	sadd.s32 $0xFFFFFFFF, s17;
	p4 =	por p1, p2;
	[sflag:s21] =	ssyncset.done @!p3 $0x0  }
0x5a: {  	s18 =	simm.s32 @!p0 $0xC00;
	s20 =	simm.s32 @!p4 $0x6;
	[sflag:s21] =	ssyncadd.s32 @!p3 $0xFFFFC000  }
0x5b: {  	[tilespmem:s18], [sflag:$0x1] =	stream.indirect.gather @!p0 [hbm4b:s2+s19], $0x80, s16, s19, $0xb8;
	[tilespmem:$0x10C00] =	vst v63  }
0x5c: {  	p1 =	sge.u32 s31, s4;
	s21 =	simm.s32 @!p2 $0x4C00;
	_ =	swait.ge @!p4 [sflag:s20], $0x4000  }
0x5d: {  	p3 =	seq.s32 @!p1 s17, $0x3;
	s19 =	simm.s32 @!p2 $0x80;
	[sflag:s20] =	ssyncset.done @!p4 $0x0  }
0x5e: {  	[sflag:s20] =	ssyncadd.s32 @!p4 $0xFFFFC000;
	s20 =	sadd.s32 @!p2 $0x80, s16;
	p4 =	por p3, p1  }
0x5f: {  	[tilespmem:s21], [sflag:$0x2] =	stream.indirect.gather @!p2 [hbm4b:s2+s19], $0x80, s20, s19, $0xb8;
	[tilespmem:$0x10C00] =	vst v63  }
0x60: {  	p3 =	sge.u32 s17, s4;
	s19 =	simm.s32 @!p4 $0x7  }
0x61: {  	s20 =	simm.s32 @!p1 $0x8C00;
	p5 =	seq.s32 @!p3 s17, $0x3;
	_ =	swait.ge @!p4 [sflag:s19], $0x4000  }
0x62: {  	s17 =	sadd.s32 @!p1 $0x100, s16;
	p5 =	por p5, p3;
	[sflag:s19] =	ssyncset.done @!p4 $0x0  }
0x63: {  	s22 =	simm.s32 @!p5 $0x8;
	[sflag:s19] =	ssyncadd.s32 @!p4 $0xFFFFC000;
	s19 =	simm.s32 @!p1 $0x80  }
0x64: {  	[tilespmem:s20], [sflag:$0x3] =	stream.indirect.gather @!p1 [hbm4b:s2+s19], $0x80, s17, s19, $0xb8;
	[tilespmem:$0x10C00] =	vst v63  }
0x65: {  	_ =	swait.ge @!p5 [sflag:s22], $0x4000  }
0x66: {  	s16 =	sadd.s32 @!p3 $0x180, s16;
	s23 =	simm.s32 @!p3 $0x80;
	[sflag:s22] =	ssyncset.done @!p5 $0x0  }
0x67: {  	s17 =	simm.s32 @!p3 $0xCC00;
	s19 =	simm.s32 @!p0 $0x1;
	[sflag:s22] =	ssyncadd.s32 @!p5 $0xFFFFC000  }
0x68: {  	[tilespmem:s17], [sflag:$0x4] =	stream.indirect.gather @!p3 [hbm4b:s2+s23], $0x80, s16, s23, $0xb8;
	[tilespmem:$0x10C00] =	vst v63  }
0x69: {  	_ =	swait.ge @!p0 [sflag:s19], $0x4000  }
0x6a: {  	[sflag:s19] =	ssyncset.done @!p0 $0x0  }
0x6b: {  	s22 =	simm.s32 @!p2 $0x2;
	s16 =	simm.s32 @!p0 $0x0;
	[sflag:s19] =	ssyncadd.s32 @!p0 $0xFFFFC000  }
0x6c: {  	[hbm4b:s15+s16] =	stream.linear.scatter @!p0 [tilespmem:s18], [sflag:$0x5], $0x4000, $0x38;
	[tilespmem:$0x10C00] =	vst v63  }
0x6d: {  	_ =	swait.ge @!p2 [sflag:s22], $0x4000  }
0x6e: {  	s19 =	simm.s32 @!p1 $0x3;
	[sflag:s22] =	ssyncset.done @!p2 $0x0  }
0x6f: {  	s16 =	sadd.s32 @!p2 $0x800, s15;
	s18 =	simm.s32 @!p2 $0x0;
	[sflag:s22] =	ssyncadd.s32 @!p2 $0xFFFFC000  }
0x70: {  	[hbm4b:s16+s18] =	stream.linear.scatter @!p2 [tilespmem:s21], [sflag:$0x6], $0x4000, $0x38;
	[tilespmem:$0x10C00] =	vst v63  }
0x71: {  	_ =	swait.ge @!p1 [sflag:s19], $0x4000  }
0x72: {  	s16 =	simm.s32 @!p1 $0x0;
	[sflag:s19] =	ssyncset.done @!p1 $0x0  }
0x73: {  	s18 =	sadd.s32 @!p1 $0x1000, s15;
	[sflag:s19] =	ssyncadd.s32 @!p1 $0xFFFFC000;
	s19 =	simm.s32 @!p3 $0x4  }
0x74: {  	[hbm4b:s18+s16] =	stream.linear.scatter @!p1 [tilespmem:s20], [sflag:$0x7], $0x4000, $0x38;
	[tilespmem:$0x10C00] =	vst v63  }
0x75: {  	_ =	swait.ge @!p3 [sflag:s19], $0x4000  }
0x76: {  	[sflag:s19] =	ssyncset.done @!p3 $0x0  }
0x77: {  	s15 =	sadd.s32 @!p3 $0x1800, s15;
	s16 =	simm.s32 @!p3 $0x0;
	[sflag:s19] =	ssyncadd.s32 @!p3 $0xFFFFC000  }
0x78: {  	[hbm4b:s15+s16] =	stream.linear.scatter @!p3 [tilespmem:s17], [sflag:$0x8], $0x4000, $0x38;
	[tilespmem:$0x10C00] =	vst v63  }
0x79: {  	_ =	swait.ge [sflag:s10], $0x4000  }
0x7a: {  	[sflag:s10] =	ssyncset.done $0x0  }
0x7b: {  	[sflag:s10] =	ssyncadd.s32 $0xFFFFC000  }
0x7c: {  	_ =	swait.ge [sflag:s11], $0x4000  }
0x7d: {  	[sflag:s11] =	ssyncset.done $0x0  }
0x7e: {  	s14 =	sadd.s32 $0x1, s14;
	[sflag:s11] =	ssyncadd.s32 $0xFFFFC000  }
0x7f: {  	p0 =	sne.s32 s14, s6;
	_ =	swait.ge [sflag:s12], $0x4000  }
.Ltmp1:
0x80: {  	[sflag:s12] =	ssyncset.done $0x0;
	(pc) =	sbr.rel @p0 .LBB2_1-.Ltmp1, $4  }
0x81: {  	[sflag:s12] =	ssyncadd.s32 $0xFFFFC000  }
0x82: {  	_ =	swait.ge [sflag:s13], $0x4000  }
0x83: {  	[sflag:s13] =	ssyncset.done $0x0  }
0x84: {  	[sflag:s13] =	ssyncadd.s32 $0xFFFFC000  }
0x85: {  	_ =	sfence.sel $0x180000  }
0x86: {  	[bflag:$0x0] =	sbarrier.arrive $0xFFFF  }
0x87: {  	p0 =	sne.s32 s0, $0x0;
	_ =	strace $0x90000050  }
0x88: {  	s0 =	sadd.s32 @!p0 $0x100000, s1;
	[bflag:$0x2] =	sbarrier.arrive $0xFFFF  }
0x89: {  	[sflag:s0] =	ssyncadd.tile.s32 @!p0 $0x1;
	_ =	shalt  }
.Lfunc_end2:
_tile_overlayer_lowered:
.L_overlay_start_2:
0x8a: {  	(tag) =	ssettag $0x2  }
0x8b: {  	s0 =	rddreg [dreg:$0x0];
	s2 =	stileid.u32  }
0x8c: {  	s1 =	rddreg [dreg:$0x1];
	p0 =	sne.s32 s2, $0x0  }
0x8d: {  	s3 =	rddreg [dreg:$0x2];
	[bflag:$0x3] =	sbarrier.arrive $0xFFFF;
	s2 =	simm.s32 @!p0 $0x1C09  }
0x8e: {  	[timem:s3], [sflag:s2] =	dma.local @!p0 [hbm:s0], s1  }
0x8f: {  	s0 =	simm.s32 @!p0 $0x9  }
0x90: {  	_ =	swait.ge @!p0 [sflag:s0], s1  }
0x91: {  	s1 =	ssub.s32 @!p0 $0x0, s1;
	[sflag:s0] =	ssyncset.done @!p0 $0x0  }
0x92: {  	[sflag:s0] =	ssyncadd.s32 @!p0 s1  }
0x93: {  	[bflag:$0x3] =	sbarrier.arrive $0xFFFF  }
0x94: {  	_ =	shalt  }

// kernel: kernel.25.cloned.1.call-start
scs
__scs_entry_jumppad:
0x0: {  	(pc) =	sbr.rel $0x88, $3  }
0x1: {  	(tag) =	ssettag $0x0;
	lr =	simm.s32 $0x1  }
0x2: {  	[smem:$0x3F9B] =	sst lr;
	_ =	strace $0xD0000000  }
0x3: {  	_ = 	snop  }
0x4: {  	_ = 	snop  }
0x5: {  	_ = 	snop  }
0x6: {  	_ = 	snop  }
0x7: {  	_ = 	snop  }
__scs_overlays_trampoline_lowered:
0x8: {  	[smem:$0x3FAA] =	sst s0  }
0x9: {  	[smem:$0x3FAB] =	sst s1  }
0xa: {  	[smem:$0x3FAC] =	sst s2  }
0xb: {  	[smem:$0x3FAD] =	sst s3  }
0xc: {  	[smem:$0x3FAE] =	sst s4  }
0xd: {  	[smem:$0x3FAF] =	sst s5  }
0xe: {  	[smem:$0x3FB0] =	sst s6  }
0xf: {  	[smem:$0x3FB1] =	sst s7  }
0x10: {  	[smem:$0x3FB2] =	sst s8  }
0x11: {  	[smem:$0x3FB3] =	sst s9;
	s0 =	simm.s32 @!p0 $0x0  }
0x12: {  	s1 =	sld [smem:$0x3F99];
	s0 =	simm.s32 @p0 $0x1  }
0x13: {  	[smem:$0x3FB4] =	sst s0;
	s0 =	simm.s32 @!p1 $0x0  }
0x14: {  	s2 =	sld [smem:$0x3F98];
	s0 =	simm.s32 @p1 $0x1  }
0x15: {  	[smem:$0x3FB5] =	sst s0;
	s0 =	simm.s32 @!p2 $0x0  }
0x16: {  	s3 =	sld [smem:$0x3FDB];
	s0 =	simm.s32 @p2 $0x1  }
0x17: {  	s4 =	simm.s32 $0x1BF5;
	[smem:$0x3FB7] =	sst s0  }
0x18: {  	s0 =	sld [smem:$0x3F9A];
	_ =	swait.ge [sflag:s4], $0x0  }
0x19: {  	s7 =	sld [smem:$0x3F9B]  }
0x1a: {  	s8 =	sadd.s32 $0xFFFFE003, lr  }
0x1b: {  	s9 =	sadd.s32 $0xFFFFFEF7, lr;
	s5 =	simm.s32 $0xFFFFFFFF;
	p2 =	slt.u32 s8, $0xFFFFF086  }
0x1c: {  	p1 =	slt.u32 s9, $0xF7A;
	s5 =	simm.s32 @!p2 $0x0  }
0x1d: {  	s5 =	simm.s32 @p1 $0x1;
	p0 =	seq.s32 s7, s2  }
0x1e: {  	s7 =	smul.u32 @!p0 $0xF7A, s2;
	p2 =	seq.s32 @!p0 s5, $0x0  }
0x1f: {  	s9 =	smul.u32 $0xF7A, s1;
	s8 =	simm.s32 @!p0 $0x1BF5;
	p2 =	por !p2, p0  }
0x20: {  	[sflag:s8] =	ssyncset.s32 @!p0 $0xFFFFF086;
	s6 =	sadd.s32 @!p0 s3, s7;
	s7 =	simm.s32 @!p0 $0x108  }
0x21: {  	s3 =	sadd.s32 s3, s9;
	s6 =	sadd.s32 @!p0 $0x88, s6;
	s7 =	simm.s32 @p2 $0x1082  }
0x22: {  	[simem:s7], [sflag:s8] =	dma.local @!p0 [hbm:s6], $0xF7A  }
0x23: {  	s9 =	sor.u32 $0xD0000000, s2;
	s6 =	simm.s32 $0x108;
	_ =	swait.ge @!p0 [sflag:s8], $0x0  }
0x24: {  	s3 =	sadd.s32 $0x88, s3;
	s6 =	simm.s32 @!p1 $0x1082;
	[sflag:s4] =	ssyncset.s32 $0xFFFFF086  }
0x25: {  	[simem:s6], [sflag:s4] =	dma.local [hbm:s3], $0xF7A  }
0x26: {  	[smem:$0x3F9B] =	sst s1;
	(tag) =	ssettag s2;
	_ =	strace s9  }
0x27: {  	s1 =	sld [smem:$0x3FAB]  }
0x28: {  	s2 =	sld [smem:$0x3FAC]  }
0x29: {  	s4 =	sld [smem:$0x3FAE]  }
0x2a: {  	p0 =	seq.s32 s5, $0x0;
	s5 =	sld [smem:$0x3FAF]  }
0x2b: {  	s6 =	sld [smem:$0x3FB0]  }
0x2c: {  	s7 =	sld [smem:$0x3FB1]  }
0x2d: {  	s3 =	simm.s32 $0x108;
	s8 =	sld [smem:$0x3FB2]  }
0x2e: {  	s3 =	simm.s32 @!p0 $0x1082;
	s9 =	sld [smem:$0x3FB3]  }
0x2f: {  	lr =	sadd.s32 s0, s3;
	s0 =	sld [smem:$0x3FAA]  }
0x30: {  	s3 =	sld [smem:$0x3FAD]  }
0x31: {  	[smem:$0x3FB6] =	sst s10  }
0x32: {  	s10 =	sld [smem:$0x3FB4];
	_ =	sdelay $0x3  }
0x33: {  	p0 =	seq.s32 s10, $0x1;
	s10 =	sld [smem:$0x3FB6];
	_ =	sdelay $0x3  }
0x34: {  	[smem:$0x3FB6] =	sst s10  }
0x35: {  	s10 =	sld [smem:$0x3FB5];
	_ =	sdelay $0x3  }
0x36: {  	p1 =	seq.s32 s10, $0x1;
	s10 =	sld [smem:$0x3FB6];
	_ =	sdelay $0x3  }
0x37: {  	[smem:$0x3FB6] =	sst s10  }
0x38: {  	s10 =	sld [smem:$0x3FB7]  }
0x39: {  	_ = 	snop;
	(pc) =	sbr.ind lr, $3  }
0x3a: {  	_ = 	snop  }
0x3b: {  	_ = 	snop  }
0x3c: {  	p2 =	seq.s32 s10, $0x1;
	s10 =	sld [smem:$0x3FB6]  }
0x3d: {  	_ =	shalt  }
0x3e: {  	_ =	shalt  }
0x3f: {  	_ =	shalt  }
0x40: {  	_ =	shalt  }
0x41: {  	_ =	shalt  }
0x42: {  	_ =	shalt  }
0x43: {  	_ =	shalt  }
0x44: {  	_ =	shalt  }
0x45: {  	_ =	shalt  }
0x46: {  	_ =	shalt  }
0x47: {  	_ =	shalt  }
0x48: {  	_ =	shalt  }
0x49: {  	_ =	shalt  }
0x4a: {  	_ =	shalt  }
0x4b: {  	_ =	shalt  }
0x4c: {  	_ =	shalt  }
0x4d: {  	_ =	shalt  }
0x4e: {  	_ =	shalt  }
0x4f: {  	_ =	shalt  }
0x50: {  	_ =	shalt  }
0x51: {  	_ =	shalt  }
0x52: {  	_ =	shalt  }
0x53: {  	_ =	shalt  }
0x54: {  	_ =	shalt  }
0x55: {  	_ =	shalt  }
0x56: {  	_ =	shalt  }
0x57: {  	_ =	shalt  }
0x58: {  	_ =	shalt  }
0x59: {  	_ =	shalt  }
0x5a: {  	_ =	shalt  }
0x5b: {  	_ =	shalt  }
0x5c: {  	_ =	shalt  }
0x5d: {  	_ =	shalt  }
0x5e: {  	_ =	shalt  }
0x5f: {  	_ =	shalt  }
0x60: {  	_ =	shalt  }
0x61: {  	_ =	shalt  }
0x62: {  	_ =	shalt  }
0x63: {  	_ =	shalt  }
0x64: {  	_ =	shalt  }
0x65: {  	_ =	shalt  }
0x66: {  	_ =	shalt  }
0x67: {  	_ =	shalt  }
0x68: {  	_ =	shalt  }
0x69: {  	_ =	shalt  }
0x6a: {  	_ =	shalt  }
0x6b: {  	_ =	shalt  }
0x6c: {  	_ =	shalt  }
0x6d: {  	_ =	shalt  }
0x6e: {  	_ =	shalt  }
0x6f: {  	_ =	shalt  }
0x70: {  	_ =	shalt  }
0x71: {  	_ =	shalt  }
0x72: {  	_ =	shalt  }
0x73: {  	_ =	shalt  }
0x74: {  	_ =	shalt  }
0x75: {  	_ =	shalt  }
0x76: {  	_ =	shalt  }
0x77: {  	_ =	shalt  }
0x78: {  	_ =	shalt  }
0x79: {  	_ =	shalt  }
0x7a: {  	_ =	shalt  }
0x7b: {  	_ =	shalt  }
0x7c: {  	_ =	shalt  }
0x7d: {  	_ =	shalt  }
0x7e: {  	_ =	shalt  }
0x7f: {  	_ =	shalt  }
0x80: {  	_ =	shalt  }
0x81: {  	_ =	shalt  }
0x82: {  	_ =	shalt  }
0x83: {  	_ =	shalt  }
0x84: {  	_ =	shalt  }
0x85: {  	_ =	shalt  }
0x86: {  	_ =	shalt  }
0x87: {  	_ =	shalt  }
.Lfunc_end0:
.L_simem_size_0:
called_computation.4_lowered:
.L_overlay_start_0:
0x88: {  	s2 =	sld [smem:$0x3FD9]  }
0x89: {  	s3 =	sld [smem:$0x3FFE];
	_ =	sdelay $0x1  }
0x8a: {  	s1 =	srdreg.scid  }
0x8b: {  	s0 =	sand.u32 $0x1, s1  }
0x8c: {  	s17 =	sshll.u32 s0, $0xA;
	s2 =	sadd.s32 s3, s2  }
0x8d: {  	s2 =	sadd.s32 s2, s17  }
0x8e: {  	[smem:$0x3FC2] =	sst s2  }
0x8f: {  	_ = 	snop  }
0x90: {  	s18 =	sld [smem:$0x3FC9];
	(tm) =	ssettm $0x1  }
0x91: {  	s19 =	sld [smem:$0x3FFB];
	_ =	sdelay $0x3  }
0x92: {  	_ =	strace s19  }
0x93: {  	s2 =	sld [smem:$0x3FFC];
	_ =	sdelay $0x3  }
0x94: {  	_ =	strace s2  }
0x95: {  	s2 =	sld [smem:$0x3FFD];
	_ =	sdelay $0x3  }
0x96: {  	_ =	strace s2  }
0x97: {  	_ =	strace $0x8FFFFFFF  }
0x98: {  	s20 =	sld [smem:$0x3FDB];
	_ =	sdelay $0x1  }
0x99: {  	s4 =	simm.s32 $_scs_section_size  }
0x9a: {  	s5 =	simm.s32 $_size__tile_overlayer_lowered;
	s6 =	simm.s32 $_tile_overlayer_lowered  }
0x9b: {  	s7 =	simm.s32 $0x1BFF;
	s21 =	sshll.u32 s6, $0x1;
	s4 =	sadd.s32 s4, s20  }
0x9c: {  	s22 =	simm.s32 $0x0;
	s5 =	sshll.u32 s5, $0x1;
	s6 =	sadd.s32 s21, s4  }
0x9d: {  	[timem:s22], [sflag:s7] =	dma.local [hbm:s6], s5  }
0x9e: {  	_ =	swait.ge [sflag:s7], s5  }
0x9f: {  	s5 =	ssub.s32 $0x0, s5;
	[sflag:s7] =	ssyncset.done $0x0  }
0xa0: {  	[sflag:s7] =	ssyncadd.s32 s5;
	_ =	sdelay $0x1  }
0xa1: {  	s23 =	simm.s32 $0x1B8B  }
0xa2: {  	_ =	swait.ge [sflag:s23], $0x1  }
0xa3: {  	[sflag:s23] =	ssyncset.done $0x0  }
0xa4: {  	[sflag:s23] =	ssyncadd.s32 $0xFFFFFFFF  }
0xa5: {  	s5 =	sld [smem:$0x0]  }
0xa6: {  	s6 =	sand.u32 $0xFFFFFFFE, s1  }
0xa7: {  	p0 =	sne.s32 s1, s6  }
0xa8: {  	s6 =	sshll.u32 @p0 s6, $0xE  }
0xa9: {  	s6 =	sadd.s32 @p0 $0x11B8D, s6;
	s7 =	sshll.u32 @p0 s5, $0x11  }
0xaa: {  	s6 =	sor.u32 @p0 s7, s6  }
0xab: {  	[sflag:s6] =	ssyncadd.remote.s32 @p0 $0x1;
	_ =	sdelay $0x1  }
0xac: {  	s6 =	simm.s32 @p0 $0x1B8D  }
0xad: {  	_ =	swait.eq @p0 [sflag:s6], $0x1  }
0xae: {  	[sflag:s6] =	ssyncadd.s32 @p0 $0xFFFFFFFF  }
0xaf: {  	s7 =	sshll.u32 @!p0 s1, $0xE  }
0xb0: {  	s7 =	sor.u32 @!p0 $0x4000, s7;
	s6 =	simm.s32 @!p0 $0x1B8D  }
0xb1: {  	s5 =	sshll.u32 @!p0 s5, $0x11;
	s7 =	sadd.s32 @!p0 $0x11B8D, s7;
	_ =	swait.eq @!p0 [sflag:s6], $0x1  }
0xb2: {  	s5 =	sor.u32 @!p0 s5, s7;
	[sflag:s6] =	ssyncadd.s32 @!p0 $0xFFFFFFFF  }
0xb3: {  	s25 =	simm.s32 $0x1B8E;
	s24 =	sld [smem:$0x3FFE];
	[sflag:s5] =	ssyncadd.remote.s32 @!p0 $0x1  }
0xb4: {  	s26 =	simm.s32 $execute0_lowered;
	[smem:$0x3FD2] =	sst s25  }
0xb5: {  	s6 =	sshll.u32 s26, $0x1;
	_ =	strace $0x80000052;
	[dreg:$0x1] =	wrdreg $0xFFFFFFFF  }
0xb6: {  	s28 =	simm.s32 $_size_execute0_lowered;
	s4 =	sadd.s32 s4, s6;
	[dreg:$0x0] =	wrdreg $0x0  }
0xb7: {  	s6 =	sshll.u32 s28, $0x1;
	[dreg:$0x2] =	wrdreg s4  }
0xb8: {  	[dreg:$0x3] =	wrdreg s6  }
0xb9: {  	[dreg:$0x4] =	wrdreg $0xC0  }
0xba: {  	_ =	task [dreg:s22], $0x5FFFF  }
0xbb: {  	[dreg:$0x1] =	wrdreg $0xFFFFFFFF  }
0xbc: {  	[dreg:$0x0] =	wrdreg $0x60  }
0xbd: {  	[dreg:$0x2] =	wrdreg s18  }
0xbe: {  	[dreg:$0x3] =	wrdreg s24  }
0xbf: {  	[dreg:$0x4] =	wrdreg $0xD  }
0xc0: {  	_ =	task.clear_ibuf [dreg:s22], $0x5FFFF;
	_ =	strace $0x90000052  }
0xc1: {  	s29 =	simm.s32 $0xD;
	_ =	strace $0x80000054  }
0xc2: {  	_ =	swait.ge [sflag:s29], $0x1  }
0xc3: {  	[sflag:s29] =	ssyncadd.s32 $0xFFFFFFFF  }
0xc4: {  	_ =	strace $0x90000054  }
0xc5: {  	_ =	sfence  }
0xc6: {  	s30 =	sld [smem:$0x0];
	_ =	sdelay $0x2  }
0xc7: {  	s31 =	sshll.u32 s1, $0xD;
	s1 =	sshrl.u32 s1, $0x2  }
0xc8: {  	s4 =	sand.u32 $0x4000, s31;
	s1 =	sadd.s32 s1, s30  }
0xc9: {  	s0 =	sor.u32 s4, s0;
	s1 =	sshll.u32 s1, $0x11  }
0xca: {  	s0 =	sor.u32 s1, s0  }
0xcb: {  	s0 =	sadd.s32 $0x8F2B, s0  }
0xcc: {  	[sflag:s0] =	ssyncadd.remote.s32 $0x1  }
0xcd: {  	_ =	sfence.sel $0xFFFF  }
0xce: {  	[dreg:$0x0] =	wrdreg $0xFFFFFFFF;
	(pc) =	sbr.abs _section_cstart, $3  }
0xcf: {  	[dreg:$0x1] =	wrdreg $0xFFFFFFFF  }
0xd0: {  	_ =	task.clear_ibuf [dreg:s22], $0x2FFFF;
	_ =	strace $0x9FFFFFFF  }
0xd1: {  	(tm) =	ssettm $0x7FFFFFFF  }
tec
execute0_lowered:
.L_overlay_start_1:
0x0: {  	(tag) =	ssettag $0x1  }
0x1: {  	s1 =	srdreg.scid;
	s2 =	rddreg [dreg:$0x0]  }
0x2: {  	s0 =	stileid.u32;
	s6 =	rddreg [dreg:$0x1];
	s10 =	simm.s32 $0x5  }
0x3: {  	s11 =	simm.s32 $0x6;
	s4 =	sand.u32 $0x1, s1;
	s29 =	sshll.u32 s0, $0x1  }
0x4: {  	s12 =	simm.s32 $0x7;
	s13 =	simm.s32 $0x8;
	s1 =	sor.u32 s4, s29  }
0x5: {  	s14 =	simm.s32 $0x0;
	s4 =	ssub.s32 $0x2, s4;
	s3 =	smul.u32 $0xF, s1  }
0x6: {  	p0 =	slt.u32 s0, $0xA;
	s1 =	sshll.u32 s1, $0x4;
	s9 =	sshrl.u32 s4, $0x1  }
0x7: {  	s30 =	ssub.s32 s4, s9;
	s4 =	simm.s32 $0x10;
	s5 =	sadd.s32 $0x14, s3  }
0x8: {  	s9 =	simm.s32 $0x9;
	s3 =	simm.s32 $0x0;
	s5 =	smov.u32 @p0 s1  }
0x9: {  	s4 =	simm.s32 @!p0 $0xF;
	[smem:$0x7FF] =	sst s3;
	s7 =	sshll.u32 s5, $0x4  }
0xa: {  	s1 =	rddreg [dreg:$0x2];
	_ =	strace $0x80000053;
	s7 =	sadd.s32 $0x7D00, s7  }
0xb: {  	s8 =	sshll.u32 s5, $0xB;
	s31 =	sand.u32 $0x7, s5;
	s7 =	sand.u32 $0x1FFFFF80, s7  }
0xc: {  	s8 =	sadd.s32 s8, s6;
	s7 =	sadd.s32 s7, s6;
	s6 =	smax.u32 s30, $0x1  }
0xd: {  	s5 =	sadd.s32 $0x2400, s7;
	s7 =	sadd.s32 $0x3F4200, s8;
	s8 =	sshll.u32 s31, $0x7  }
.LBB2_1:
0xe: {  	[tilespmem:s3], [sflag:$0x9] =	stream.linear.gather [hbm4b:s5+s3], $0xC00, $0x38;
	[tilespmem:$0x10C00] =	vst v63  }
0xf: {  	p0 =	sle.u32 s4, $0x0  }
0x10: {  	_ =	swait.ge [sflag:s9], $0xC00;
	p1 =	por @!p0 $0x1, $0x1  }
0x11: {  	[sflag:s9] =	ssyncset.done $0x0;
	p1 =	por p1, p0  }
0x12: {  	p2 =	sle.u32 s4, $0x1;
	[sflag:s9] =	ssyncadd.s32 $0xFFFFF400;
	s15 =	simm.s32 @!p1 $0x5  }
0x13: {  	p3 =	por @!p2 $0x1, $0x1;
	_ =	swait.ge @!p1 [sflag:s15], $0x4000  }
0x14: {  	s16 =	simm.s32 @!p0 $0xC00;
	p4 =	por p3, p2;
	[sflag:s15] =	ssyncset.done @!p1 $0x0  }
0x15: {  	s17 =	simm.s32 @!p0 $0x80;
	[sflag:s15] =	ssyncadd.s32 @!p1 $0xFFFFC000;
	s15 =	simm.s32 @!p4 $0x6  }
0x16: {  	[tilespmem:s16], [sflag:$0x1] =	stream.indirect.gather @!p0 [hbm4b:s2+s17], $0x80, s8, s17, $0xb8;
	[tilespmem:$0x10C00] =	vst v63  }
0x17: {  	s18 =	simm.s32 @!p2 $0x4C00;
	p3 =	sle.u32 s4, $0x2;
	_ =	swait.ge @!p4 [sflag:s15], $0x4000  }
0x18: {  	p1 =	por @!p3 $0x1, $0x1;
	s17 =	simm.s32 @!p2 $0x80;
	[sflag:s15] =	ssyncset.done @!p4 $0x0  }
0x19: {  	[sflag:s15] =	ssyncadd.s32 @!p4 $0xFFFFC000;
	s15 =	sadd.s32 @!p2 $0x80, s8;
	p4 =	por p1, p3  }
0x1a: {  	[tilespmem:s18], [sflag:$0x2] =	stream.indirect.gather @!p2 [hbm4b:s2+s17], $0x80, s15, s17, $0xb8;
	[tilespmem:$0x10C00] =	vst v63  }
0x1b: {  	p1 =	sle.u32 s4, $0x3;
	s15 =	simm.s32 @!p4 $0x7  }
0x1c: {  	s19 =	simm.s32 @!p3 $0x8C00;
	p5 =	por @!p1 $0x1, $0x1;
	_ =	swait.ge @!p4 [sflag:s15], $0x4000  }
0x1d: {  	s17 =	sadd.s32 @!p3 $0x100, s8;
	p5 =	por p5, p1;
	[sflag:s15] =	ssyncset.done @!p4 $0x0  }
0x1e: {  	s21 =	simm.s32 @!p5 $0x8;
	[sflag:s15] =	ssyncadd.s32 @!p4 $0xFFFFC000;
	s15 =	simm.s32 @!p3 $0x80  }
0x1f: {  	[tilespmem:s19], [sflag:$0x3] =	stream.indirect.gather @!p3 [hbm4b:s2+s15], $0x80, s17, s15, $0xb8;
	[tilespmem:$0x10C00] =	vst v63  }
0x20: {  	_ =	swait.ge @!p5 [sflag:s21], $0x4000  }
0x21: {  	s20 =	simm.s32 @!p1 $0xCC00;
	s22 =	simm.s32 @!p1 $0x80;
	[sflag:s21] =	ssyncset.done @!p5 $0x0  }
0x22: {  	s15 =	simm.s32 @!p0 $0x1;
	s17 =	sadd.s32 @!p1 $0x180, s8;
	[sflag:s21] =	ssyncadd.s32 @!p5 $0xFFFFC000  }
0x23: {  	[tilespmem:s20], [sflag:$0x4] =	stream.indirect.gather @!p1 [hbm4b:s2+s22], $0x80, s17, s22, $0xb8;
	[tilespmem:$0x10C00] =	vst v63  }
0x24: {  	_ =	swait.ge @!p0 [sflag:s15], $0x4000  }
0x25: {  	[sflag:s15] =	ssyncset.done @!p0 $0x0  }
0x26: {  	s21 =	simm.s32 @!p2 $0x2;
	s17 =	simm.s32 @!p0 $0x0;
	[sflag:s15] =	ssyncadd.s32 @!p0 $0xFFFFC000  }
0x27: {  	[hbm4b:s7+s17] =	stream.linear.scatter @!p0 [tilespmem:s16], [sflag:$0x5], $0x4000, $0x38;
	[tilespmem:$0x10C00] =	vst v63  }
0x28: {  	s23 =	simm.s32 @!p1 $0x4;
	_ =	swait.ge @!p2 [sflag:s21], $0x4000  }
0x29: {  	s22 =	simm.s32 @!p1 $0x0;
	s15 =	sadd.s32 @!p2 $0x800, s7;
	[sflag:s21] =	ssyncset.done @!p2 $0x0  }
0x2a: {  	s16 =	simm.s32 @!p2 $0x0;
	[sflag:s21] =	ssyncadd.s32 @!p2 $0xFFFFC000;
	s21 =	simm.s32 @!p3 $0x3  }
0x2b: {  	[hbm4b:s15+s16] =	stream.linear.scatter @!p2 [tilespmem:s18], [sflag:$0x6], $0x4000, $0x38;
	[tilespmem:$0x10C00] =	vst v63  }
0x2c: {  	s17 =	simm.s32 $0x7;
	p0 =	sle.u32 s4, $0x4;
	_ =	swait.ge @!p3 [sflag:s21], $0x4000  }
0x2d: {  	s18 =	simm.s32 $0xB;
	s15 =	simm.s32 @!p3 $0x0;
	[sflag:s21] =	ssyncset.done @!p3 $0x0  }
0x2e: {  	s16 =	sadd.s32 @!p3 $0x1000, s7;
	p2 =	por @!p0 $0x0, $0x0;
	[sflag:s21] =	ssyncadd.s32 @!p3 $0xFFFFC000  }
0x2f: {  	[hbm4b:s16+s15] =	stream.linear.scatter @!p3 [tilespmem:s19], [sflag:$0x7], $0x4000, $0x38;
	[tilespmem:$0x10C00] =	vst v63  }
0x30: {  	s15 =	sadd.s32 $0x2000, s7;
	s16 =	sadd.s32 $0x200, s8;
	s19 =	smov.u32 s7  }
.LBB2_2:
0x31: {  	p3 =	por p2, p0;
	_ =	swait.ge @!p1 [sflag:s23], $0x4000  }
0x32: {  	s24 =	sadd.s32 @!p1 $0x1800, s19;
	s21 =	smov.u32 s18;
	s19 =	smov.u32 s15  }
0x33: {  	s26 =	sadd.s32 $0xFFFFFFFE, s17;
	s25 =	simm.s32 @!p3 $0x5;
	[sflag:s23] =	ssyncset.done @!p1 $0x0  }
0x34: {  	s18 =	sadd.s32 $0x4, s18;
	p2 =	sge.u32 s26, s4;
	[sflag:s23] =	ssyncadd.s32 @!p1 $0xFFFFC000  }
0x35: {  	[hbm4b:s24+s22] =	stream.linear.scatter @!p1 [tilespmem:s20], [sflag:$0x8], $0x4000, $0x38;
	[tilespmem:$0x10C00] =	vst v63  }
0x36: {  	s22 =	simm.s32 @!p0 $0xC00;
	p1 =	seq.s32 @!p2 s17, $0x3;
	_ =	swait.ge @!p3 [sflag:s25], $0x4000  }
0x37: {  	s20 =	simm.s32 @!p0 $0x80;
	p1 =	por p1, p2;
	[sflag:s25] =	ssyncset.done @!p3 $0x0  }
0x38: {  	s24 =	sadd.s32 $0xFFFFFFFF, s17;
	s23 =	simm.s32 @!p1 $0x6;
	[sflag:s25] =	ssyncadd.s32 @!p3 $0xFFFFC000  }
0x39: {  	[tilespmem:s22], [sflag:$0x1] =	stream.indirect.gather @!p0 [hbm4b:s2+s20], $0x80, s16, s20, $0xb8;
	[tilespmem:$0x10C00] =	vst v63  }
0x3a: {  	p3 =	sge.u32 s24, s4;
	s20 =	simm.s32 @!p2 $0x80;
	_ =	swait.ge @!p1 [sflag:s23], $0x4000  }
0x3b: {  	s24 =	simm.s32 @!p2 $0x4C00;
	p4 =	seq.s32 @!p3 s17, $0x3;
	[sflag:s23] =	ssyncset.done @!p1 $0x0  }
0x3c: {  	p6 =	por p4, p3;
	[sflag:s23] =	ssyncadd.s32 @!p1 $0xFFFFC000;
	s23 =	sadd.s32 @!p2 $0x80, s16  }
0x3d: {  	[tilespmem:s24], [sflag:$0x2] =	stream.indirect.gather @!p2 [hbm4b:s2+s20], $0x80, s23, s20, $0xb8;
	[tilespmem:$0x10C00] =	vst v63  }
0x3e: {  	p4 =	sne.s32 s18, $0x13;
	p1 =	sge.u32 s17, s4;
	s20 =	simm.s32 @!p6 $0x7  }
0x3f: {  	s25 =	simm.s32 @!p3 $0x8C00;
	p5 =	seq.s32 @!p1 s17, $0x3;
	_ =	swait.ge @!p6 [sflag:s20], $0x4000  }
0x40: {  	s17 =	sadd.s32 @!p3 $0x100, s16;
	p5 =	por p5, p1;
	[sflag:s20] =	ssyncset.done @!p6 $0x0  }
0x41: {  	s23 =	simm.s32 @!p5 $0x8;
	[sflag:s20] =	ssyncadd.s32 @!p6 $0xFFFFC000;
	s20 =	simm.s32 @!p3 $0x80  }
0x42: {  	[tilespmem:s25], [sflag:$0x3] =	stream.indirect.gather @!p3 [hbm4b:s2+s20], $0x80, s17, s20, $0xb8;
	[tilespmem:$0x10C00] =	vst v63  }
0x43: {  	s26 =	simm.s32 @!p0 $0x1;
	s20 =	simm.s32 @!p1 $0xCC00;
	_ =	swait.ge @!p5 [sflag:s23], $0x4000  }
0x44: {  	s28 =	sadd.s32 @!p1 $0x180, s16;
	s29 =	simm.s32 @!p1 $0x80;
	[sflag:s23] =	ssyncset.done @!p5 $0x0  }
0x45: {  	s17 =	smov.u32 s21;
	[sflag:s23] =	ssyncadd.s32 @!p5 $0xFFFFC000  }
0x46: {  	[tilespmem:s20], [sflag:$0x4] =	stream.indirect.gather @!p1 [hbm4b:s2+s29], $0x80, s28, s29, $0xb8;
	[tilespmem:$0x10C00] =	vst v63  }
0x47: {  	s21 =	simm.s32 @!p0 $0x0;
	_ =	swait.ge @!p0 [sflag:s26], $0x4000  }
0x48: {  	s23 =	simm.s32 @!p2 $0x2;
	[sflag:s26] =	ssyncset.done @!p0 $0x0  }
0x49: {  	[sflag:s26] =	ssyncadd.s32 @!p0 $0xFFFFC000  }
0x4a: {  	[hbm4b:s15+s21] =	stream.linear.scatter @!p0 [tilespmem:s22], [sflag:$0x5], $0x4000, $0x38;
	[tilespmem:$0x10C00] =	vst v63  }
0x4b: {  	s16 =	sadd.s32 $0x200, s16;
	s15 =	sadd.s32 $0x2000, s15;
	_ =	swait.ge @!p2 [sflag:s23], $0x4000  }
0x4c: {  	s26 =	simm.s32 @!p2 $0x0;
	s21 =	sadd.s32 @!p2 $0x800, s19;
	[sflag:s23] =	ssyncset.done @!p2 $0x0  }
0x4d: {  	s22 =	simm.s32 @!p1 $0x0;
	[sflag:s23] =	ssyncadd.s32 @!p2 $0xFFFFC000;
	s23 =	simm.s32 @!p3 $0x3  }
0x4e: {  	[hbm4b:s21+s26] =	stream.linear.scatter @!p2 [tilespmem:s24], [sflag:$0x6], $0x4000, $0x38;
	[tilespmem:$0x10C00] =	vst v63  }
.Ltmp0:
0x4f: {  	_ = 	snop;
	(pc) =	sbr.rel @p4 .LBB2_2-.Ltmp0, $4  }
0x50: {  	s21 =	sadd.s32 $0xFFFFFFFD, s17;
	s24 =	simm.s32 @!p3 $0x0;
	_ =	swait.ge @!p3 [sflag:s23], $0x4000  }
0x51: {  	p0 =	sge.u32 s21, s4;
	s21 =	sadd.s32 @!p3 $0x1000, s19;
	[sflag:s23] =	ssyncset.done @!p3 $0x0  }
0x52: {  	p2 =	seq.s32 @!p0 s17, $0x3;
	[sflag:s23] =	ssyncadd.s32 @!p3 $0xFFFFC000;
	s23 =	simm.s32 @!p1 $0x4  }
0x53: {  	[hbm4b:s21+s24] =	stream.linear.scatter @!p3 [tilespmem:s25], [sflag:$0x7], $0x4000, $0x38;
	[tilespmem:$0x10C00] =	vst v63  }
0x54: {  	p3 =	por p2, p0;
	_ =	swait.ge @!p1 [sflag:s23], $0x4000  }
0x55: {  	s18 =	sadd.s32 @!p1 $0x1800, s19;
	s30 =	sadd.s32 $0xFFFFFFFE, s17;
	[sflag:s23] =	ssyncset.done @!p1 $0x0  }
0x56: {  	s21 =	simm.s32 @!p3 $0x5;
	p2 =	sge.u32 s30, s4;
	[sflag:s23] =	ssyncadd.s32 @!p1 $0xFFFFC000  }
0x57: {  	[hbm4b:s18+s22] =	stream.linear.scatter @!p1 [tilespmem:s20], [sflag:$0x8], $0x4000, $0x38;
	[tilespmem:$0x10C00] =	vst v63  }
0x58: {  	s19 =	simm.s32 @!p0 $0x80;
	p1 =	seq.s32 @!p2 s17, $0x3;
	_ =	swait.ge @!p3 [sflag:s21], $0x4000  }
0x59: {  	s31 =	sadd.s32 $0xFFFFFFFF, s17;
	p4 =	por p1, p2;
	[sflag:s21] =	ssyncset.done @!p3 $0x0  }
0x5a: {  	s18 =	simm.s32 @!p0 $0xC00;
	s20 =	simm.s32 @!p4 $0x6;
	[sflag:s21] =	ssyncadd.s32 @!p3 $0xFFFFC000  }
0x5b: {  	[tilespmem:s18], [sflag:$0x1] =	stream.indirect.gather @!p0 [hbm4b:s2+s19], $0x80, s16, s19, $0xb8;
	[tilespmem:$0x10C00] =	vst v63  }
0x5c: {  	p1 =	sge.u32 s31, s4;
	s21 =	simm.s32 @!p2 $0x4C00;
	_ =	swait.ge @!p4 [sflag:s20], $0x4000  }
0x5d: {  	p3 =	seq.s32 @!p1 s17, $0x3;
	s19 =	simm.s32 @!p2 $0x80;
	[sflag:s20] =	ssyncset.done @!p4 $0x0  }
0x5e: {  	[sflag:s20] =	ssyncadd.s32 @!p4 $0xFFFFC000;
	s20 =	sadd.s32 @!p2 $0x80, s16;
	p4 =	por p3, p1  }
0x5f: {  	[tilespmem:s21], [sflag:$0x2] =	stream.indirect.gather @!p2 [hbm4b:s2+s19], $0x80, s20, s19, $0xb8;
	[tilespmem:$0x10C00] =	vst v63  }
0x60: {  	p3 =	sge.u32 s17, s4;
	s19 =	simm.s32 @!p4 $0x7  }
0x61: {  	s20 =	simm.s32 @!p1 $0x8C00;
	p5 =	seq.s32 @!p3 s17, $0x3;
	_ =	swait.ge @!p4 [sflag:s19], $0x4000  }
0x62: {  	s17 =	sadd.s32 @!p1 $0x100, s16;
	p5 =	por p5, p3;
	[sflag:s19] =	ssyncset.done @!p4 $0x0  }
0x63: {  	s22 =	simm.s32 @!p5 $0x8;
	[sflag:s19] =	ssyncadd.s32 @!p4 $0xFFFFC000;
	s19 =	simm.s32 @!p1 $0x80  }
0x64: {  	[tilespmem:s20], [sflag:$0x3] =	stream.indirect.gather @!p1 [hbm4b:s2+s19], $0x80, s17, s19, $0xb8;
	[tilespmem:$0x10C00] =	vst v63  }
0x65: {  	_ =	swait.ge @!p5 [sflag:s22], $0x4000  }
0x66: {  	s16 =	sadd.s32 @!p3 $0x180, s16;
	s23 =	simm.s32 @!p3 $0x80;
	[sflag:s22] =	ssyncset.done @!p5 $0x0  }
0x67: {  	s17 =	simm.s32 @!p3 $0xCC00;
	s19 =	simm.s32 @!p0 $0x1;
	[sflag:s22] =	ssyncadd.s32 @!p5 $0xFFFFC000  }
0x68: {  	[tilespmem:s17], [sflag:$0x4] =	stream.indirect.gather @!p3 [hbm4b:s2+s23], $0x80, s16, s23, $0xb8;
	[tilespmem:$0x10C00] =	vst v63  }
0x69: {  	_ =	swait.ge @!p0 [sflag:s19], $0x4000  }
0x6a: {  	[sflag:s19] =	ssyncset.done @!p0 $0x0  }
0x6b: {  	s22 =	simm.s32 @!p2 $0x2;
	s16 =	simm.s32 @!p0 $0x0;
	[sflag:s19] =	ssyncadd.s32 @!p0 $0xFFFFC000  }
0x6c: {  	[hbm4b:s15+s16] =	stream.linear.scatter @!p0 [tilespmem:s18], [sflag:$0x5], $0x4000, $0x38;
	[tilespmem:$0x10C00] =	vst v63  }
0x6d: {  	_ =	swait.ge @!p2 [sflag:s22], $0x4000  }
0x6e: {  	s19 =	simm.s32 @!p1 $0x3;
	[sflag:s22] =	ssyncset.done @!p2 $0x0  }
0x6f: {  	s16 =	sadd.s32 @!p2 $0x800, s15;
	s18 =	simm.s32 @!p2 $0x0;
	[sflag:s22] =	ssyncadd.s32 @!p2 $0xFFFFC000  }
0x70: {  	[hbm4b:s16+s18] =	stream.linear.scatter @!p2 [tilespmem:s21], [sflag:$0x6], $0x4000, $0x38;
	[tilespmem:$0x10C00] =	vst v63  }
0x71: {  	_ =	swait.ge @!p1 [sflag:s19], $0x4000  }
0x72: {  	s16 =	simm.s32 @!p1 $0x0;
	[sflag:s19] =	ssyncset.done @!p1 $0x0  }
0x73: {  	s18 =	sadd.s32 @!p1 $0x1000, s15;
	[sflag:s19] =	ssyncadd.s32 @!p1 $0xFFFFC000;
	s19 =	simm.s32 @!p3 $0x4  }
0x74: {  	[hbm4b:s18+s16] =	stream.linear.scatter @!p1 [tilespmem:s20], [sflag:$0x7], $0x4000, $0x38;
	[tilespmem:$0x10C00] =	vst v63  }
0x75: {  	_ =	swait.ge @!p3 [sflag:s19], $0x4000  }
0x76: {  	[sflag:s19] =	ssyncset.done @!p3 $0x0  }
0x77: {  	s15 =	sadd.s32 @!p3 $0x1800, s15;
	s16 =	simm.s32 @!p3 $0x0;
	[sflag:s19] =	ssyncadd.s32 @!p3 $0xFFFFC000  }
0x78: {  	[hbm4b:s15+s16] =	stream.linear.scatter @!p3 [tilespmem:s17], [sflag:$0x8], $0x4000, $0x38;
	[tilespmem:$0x10C00] =	vst v63  }
0x79: {  	_ =	swait.ge [sflag:s10], $0x4000  }
0x7a: {  	[sflag:s10] =	ssyncset.done $0x0  }
0x7b: {  	[sflag:s10] =	ssyncadd.s32 $0xFFFFC000  }
0x7c: {  	_ =	swait.ge [sflag:s11], $0x4000  }
0x7d: {  	[sflag:s11] =	ssyncset.done $0x0  }
0x7e: {  	s14 =	sadd.s32 $0x1, s14;
	[sflag:s11] =	ssyncadd.s32 $0xFFFFC000  }
0x7f: {  	p0 =	sne.s32 s14, s6;
	_ =	swait.ge [sflag:s12], $0x4000  }
.Ltmp1:
0x80: {  	[sflag:s12] =	ssyncset.done $0x0;
	(pc) =	sbr.rel @p0 .LBB2_1-.Ltmp1, $4  }
0x81: {  	[sflag:s12] =	ssyncadd.s32 $0xFFFFC000  }
0x82: {  	_ =	swait.ge [sflag:s13], $0x4000  }
0x83: {  	[sflag:s13] =	ssyncset.done $0x0  }
0x84: {  	[sflag:s13] =	ssyncadd.s32 $0xFFFFC000  }
0x85: {  	_ =	sfence.sel $0x180000  }
0x86: {  	[bflag:$0x0] =	sbarrier.arrive $0xFFFF  }
0x87: {  	p0 =	sne.s32 s0, $0x0;
	_ =	strace $0x90000053  }
0x88: {  	s0 =	sadd.s32 @!p0 $0x100000, s1;
	[bflag:$0x2] =	sbarrier.arrive $0xFFFF  }
0x89: {  	[sflag:s0] =	ssyncadd.tile.s32 @!p0 $0x1;
	_ =	shalt  }
.Lfunc_end2:
_tile_overlayer_lowered:
.L_overlay_start_2:
0x8a: {  	(tag) =	ssettag $0x2  }
0x8b: {  	s0 =	rddreg [dreg:$0x0];
	s2 =	stileid.u32  }
0x8c: {  	s1 =	rddreg [dreg:$0x1];
	p0 =	sne.s32 s2, $0x0  }
0x8d: {  	s3 =	rddreg [dreg:$0x2];
	[bflag:$0x3] =	sbarrier.arrive $0xFFFF;
	s2 =	simm.s32 @!p0 $0x1C09  }
0x8e: {  	[timem:s3], [sflag:s2] =	dma.local @!p0 [hbm:s0], s1  }
0x8f: {  	s0 =	simm.s32 @!p0 $0x9  }
0x90: {  	_ =	swait.ge @!p0 [sflag:s0], s1  }
0x91: {  	s1 =	ssub.s32 @!p0 $0x0, s1;
	[sflag:s0] =	ssyncset.done @!p0 $0x0  }
0x92: {  	[sflag:s0] =	ssyncadd.s32 @!p0 s1  }
0x93: {  	[bflag:$0x3] =	sbarrier.arrive $0xFFFF  }
0x94: {  	_ =	shalt  }

</sc_bundles>
